<compile_context>
chip_gen: v7x
topology: tpu7x:2x2x1
jax: 0.10.2.dev20260603
libtpu: 0.0.44.dev20260713+nightly
codegen_flags: <defaults>
</compile_context>

<pallas_src>
import functools

import jax
import jax.numpy as jnp
from jax import lax
from jax.experimental import pallas as pl
from jax.experimental.pallas import tpu as pltpu
from jax.experimental.pallas import tpu_sc as plsc

N = 10000
E = 160000
CH = 128
HCH = 128
NC, NS = 2, 16
F = 128
B = 4096

EPAD = 163840
EROWS = EPAD // CH
NCHUNK = EROWS // NS
HROWS = EPAD // HCH
HCHUNK = HROWS // (NC * NS)
NA = N + 16

_sc_mesh = lambda: plsc.VectorSubcoreMesh(core_axis_name="c", subcore_axis_name="s")

SLAB = 640
SLAB_LAST = N - 15 * SLAB


def _hist_body(dst_hbm, out_hbm, dstb, onesv, zbuf, acc):
    c = lax.axis_index("c")
    s = lax.axis_index("s")

    @pl.when(s == 0)
    def _():
        def zb(i, _):
            zbuf[pl.ds(i * 16, 16)] = jnp.zeros((16,), jnp.float32)
            return 0
        lax.fori_loop(0, NA // 16, zb, 0)
        pltpu.sync_copy(zbuf, acc)

    def ob(i, _):
        onesv[pl.ds(i * 16, 16)] = jnp.ones((16,), jnp.float32)
        return 0
    lax.fori_loop(0, HCH // 16, ob, 0)

    w = s * NC + c
    pltpu.sync_copy(dst_hbm.at[pl.ds(w * HCHUNK, HCHUNK)], dstb)
    plsc.subcore_barrier()

    def body(k, _):
        pltpu.sync_copy(onesv, acc.at[dstb.at[k]], add=True)
        return 0
    lax.fori_loop(0, HCHUNK, body, 0)

    plsc.subcore_barrier()

    @pl.when(s == 0)
    def _():
        pltpu.sync_copy(acc, out_hbm.at[c])


def _sc_hist(dst2):
    return pl.kernel(
        _hist_body,
        out_type=jax.ShapeDtypeStruct((NC, NA), jnp.float32),
        mesh=_sc_mesh(),
        scratch_types=[
            pltpu.VMEM((HCHUNK, HCH), jnp.int32),
            pltpu.VMEM((HCH,), jnp.float32),
            pltpu.VMEM((NA,), jnp.float32),
            pltpu.VMEM_SHARED((NA,), jnp.float32),
        ],
    )(dst2)


HB = NCHUNK // 2


def _edge_body(with_gather, xl_hbm, xr_hbm, src_hbm, dst_hbm, *rest):
    if with_gather:
        (nid_hbm, dp_hbm, el_hbm, er_hbm, dn_hbm,
         srcb, dstb, rows0, rows1, asem, acc) = rest
    else:
        (al_hbm, ar_hbm, srcb, dstb, rows0, rows1, asem, acc) = rest
    c = lax.axis_index("c")
    s = lax.axis_index("s")
    rows = (rows0, rows1)

    def init_from(x_hbm):
        @pl.when(s < NS - 1)
        def _():
            pltpu.sync_copy(x_hbm.at[pl.ds(s * SLAB, SLAB)],
                            acc.at[pl.ds(s * SLAB, SLAB)])
        @pl.when(s == NS - 1)
        def _():
            pltpu.sync_copy(x_hbm.at[pl.ds(15 * SLAB, SLAB_LAST)],
                            acc.at[pl.ds(15 * SLAB, SLAB_LAST)])

    def edge_loop(x_hbm):
        for h in range(2):
            pltpu.sync_copy(src_hbm.at[pl.ds(s * NCHUNK + h * HB, HB)], srcb)
            pltpu.sync_copy(dst_hbm.at[pl.ds(s * NCHUNK + h * HB, HB)], dstb)

            def body(t, _):
                for b in range(2):
                    k = 2 * t + b
                    @pl.when(k >= 2)
                    def _():
                        pltpu.make_async_copy(rows[b], acc.at[dstb.at[0]],
                                              asem.at[b]).wait()
                    pltpu.sync_copy(x_hbm.at[srcb.at[k]], rows[b])
                    pltpu.async_copy(rows[b], acc.at[dstb.at[k]], asem.at[b],
                                     add=True)
                return 0
            lax.fori_loop(0, HB // 2, body, 0)
            for b in range(2):
                pltpu.make_async_copy(rows[b], acc.at[dstb.at[0]],
                                      asem.at[b]).wait()

    @pl.when(c == 0)
    def _():
        init_from(xl_hbm)
    @pl.when(c == 1)
    def _():
        init_from(xr_hbm)
    plsc.subcore_barrier()
    @pl.when(c == 0)
    def _():
        edge_loop(xl_hbm)
    @pl.when(c == 1)
    def _():
        edge_loop(xr_hbm)
    plsc.subcore_barrier()

    if not with_gather:
        def writeout(out_hbm):
            @pl.when(s < NS - 1)
            def _():
                pltpu.sync_copy(acc.at[pl.ds(s * SLAB, SLAB)],
                                out_hbm.at[pl.ds(s * SLAB, SLAB)])
            @pl.when(s == NS - 1)
            def _():
                pltpu.sync_copy(acc.at[pl.ds(15 * SLAB, SLAB_LAST)],
                                out_hbm.at[pl.ds(15 * SLAB, SLAB_LAST)])
        @pl.when(c == 0)
        def _():
            writeout(al_hbm)
        @pl.when(c == 1)
        def _():
            writeout(ar_hbm)
    else:
        def emb_out(out_hbm):
            for t in range(B // CH // NS):
                j = s * (B // CH // NS) + t
                pltpu.sync_copy(nid_hbm.at[j], srcb.at[0])
                pltpu.sync_copy(acc.at[srcb.at[0]], rows0)
                pltpu.sync_copy(rows0, out_hbm.at[pl.ds(j * CH, CH)])
                @pl.when(c == 0)
                def _():
                    pltpu.sync_copy(dp_hbm.at[srcb.at[0]], rows1)
                    pltpu.sync_copy(rows1, dn_hbm.at[pl.ds(j * CH, CH)])
        @pl.when(c == 0)
        def _():
            emb_out(el_hbm)
        @pl.when(c == 1)
        def _():
            emb_out(er_hbm)


def _sc_edge(xl, xr, src2, dst2):
    return pl.kernel(
        functools.partial(_edge_body, False),
        out_type=(jax.ShapeDtypeStruct((N, F), jnp.float32),
                  jax.ShapeDtypeStruct((N, F), jnp.float32)),
        mesh=_sc_mesh(),
        scratch_types=[
            pltpu.VMEM((HB, CH), jnp.int32),
            pltpu.VMEM((HB, CH), jnp.int32),
            pltpu.VMEM((CH, F), jnp.float32),
            pltpu.VMEM((CH, F), jnp.float32),
            pltpu.SemaphoreType.DMA((2,)),
            pltpu.VMEM_SHARED((NA, F), jnp.float32),
        ],
    )(xl, xr, src2, dst2)


def _sc_edge_gather(xl, xr, src2, dst2, nid2, dispad):
    return pl.kernel(
        functools.partial(_edge_body, True),
        out_type=(jax.ShapeDtypeStruct((B, F), jnp.float32),
                  jax.ShapeDtypeStruct((B, F), jnp.float32),
                  jax.ShapeDtypeStruct((B, F), jnp.float32)),
        mesh=_sc_mesh(),
        scratch_types=[
            pltpu.VMEM((HB, CH), jnp.int32),
            pltpu.VMEM((HB, CH), jnp.int32),
            pltpu.VMEM((CH, F), jnp.float32),
            pltpu.VMEM((CH, F), jnp.float32),
            pltpu.SemaphoreType.DMA((2,)),
            pltpu.VMEM_SHARED((NA, F), jnp.float32),
        ],
    )(xl, xr, src2, dst2, nid2, dispad)



def _prep_a_body(h_ref, d_ref):
    deg = 1.0 + h_ref[0] + h_ref[1]
    d_ref[...] = lax.rsqrt(deg)


def _tc_prep_a(hist):
    return pl.pallas_call(
        _prep_a_body,
        out_shape=jax.ShapeDtypeStruct((625, 16), jnp.float32),
    )(hist.reshape(NC, 625, 16))


RB = 2000


def _scale_split_body(x_ref, d_ref, xl_ref, xr_ref, dp_ref):
    dis = d_ref[...]
    xt = x_ref[...] * dis
    xl_ref[...] = xt[:, :F]
    xr_ref[...] = xt[:, F:]
    dp_ref[...] = jnp.broadcast_to(dis, (RB, F))


def _tc_scale_split(x, dis1):
    return pl.pallas_call(
        _scale_split_body,
        grid=(N // RB,),
        in_specs=[
            pl.BlockSpec((RB, 2 * F), lambda i: (i, 0)),
            pl.BlockSpec((RB, 1), lambda i: (i, 0)),
        ],
        out_specs=[
            pl.BlockSpec((RB, F), lambda i: (i, 0)),
            pl.BlockSpec((RB, F), lambda i: (i, 0)),
            pl.BlockSpec((RB, F), lambda i: (i, 0)),
        ],
        out_shape=[
            jax.ShapeDtypeStruct((N, F), jnp.float32),
            jax.ShapeDtypeStruct((N, F), jnp.float32),
            jax.ShapeDtypeStruct((N, F), jnp.float32),
        ],
    )(x, dis1)


def _mid_body(al_ref, ar_ref, d_ref, w1a_ref, w1b_ref, b1_ref, w2_ref,
              pl_ref, pr_ref):
    dis = d_ref[...]
    h = (jnp.dot(al_ref[...], w1a_ref[...], preferred_element_type=jnp.float32)
         + jnp.dot(ar_ref[...], w1b_ref[...], preferred_element_type=jnp.float32))
    h = jnp.maximum(dis * h + b1_ref[...], 0.0)
    p = jnp.dot(h, w2_ref[...], preferred_element_type=jnp.float32)
    pl_ref[...] = dis * p[:, :F]
    pr_ref[...] = dis * p[:, F:]


def _tc_mid(al, ar, dis1, w1a, w1b, b1, w2):
    return pl.pallas_call(
        _mid_body,
        grid=(N // RB,),
        in_specs=[
            pl.BlockSpec((RB, F), lambda i: (i, 0)),
            pl.BlockSpec((RB, F), lambda i: (i, 0)),
            pl.BlockSpec((RB, 1), lambda i: (i, 0)),
            pl.BlockSpec((F, 512), lambda i: (0, 0)),
            pl.BlockSpec((F, 512), lambda i: (0, 0)),
            pl.BlockSpec((1, 512), lambda i: (0, 0)),
            pl.BlockSpec((512, 2 * F), lambda i: (0, 0)),
        ],
        out_specs=[
            pl.BlockSpec((RB, F), lambda i: (i, 0)),
            pl.BlockSpec((RB, F), lambda i: (i, 0)),
        ],
        out_shape=[
            jax.ShapeDtypeStruct((N, F), jnp.float32),
            jax.ShapeDtypeStruct((N, F), jnp.float32),
        ],
    )(al, ar, dis1, w1a, w1b, b1, w2)


BB = 1024


def _mlp_body(el_ref, er_ref, dn_ref, tx_ref, b2_ref, wa_ref, wb_ref, wc_ref,
              bf1_ref, wf2_ref, bf2_ref, y_ref):
    dn = dn_ref[...][:, :1]
    e0 = dn * el_ref[...] + b2_ref[...][:, :F]
    e1 = dn * er_ref[...] + b2_ref[...][:, F:]
    h = (jnp.dot(e0, wa_ref[...], preferred_element_type=jnp.float32)
         + jnp.dot(e1, wb_ref[...], preferred_element_type=jnp.float32)
         + jnp.dot(tx_ref[...], wc_ref[...], preferred_element_type=jnp.float32))
    h = jnp.maximum(h + bf1_ref[...], 0.0)
    y_ref[...] = jnp.dot(h, wf2_ref[...], preferred_element_type=jnp.float32) + bf2_ref[...]


def _tc_mlp(el, er, disn, tx, b2, wa, wb, wc, bf1, wf2, bf2):
    return pl.pallas_call(
        _mlp_body,
        grid=(B // BB,),
        in_specs=[
            pl.BlockSpec((BB, F), lambda i: (i, 0)),
            pl.BlockSpec((BB, F), lambda i: (i, 0)),
            pl.BlockSpec((BB, F), lambda i: (i, 0)),
            pl.BlockSpec((BB, 64), lambda i: (i, 0)),
            pl.BlockSpec((1, 2 * F), lambda i: (0, 0)),
            pl.BlockSpec((F, 512), lambda i: (0, 0)),
            pl.BlockSpec((F, 512), lambda i: (0, 0)),
            pl.BlockSpec((64, 512), lambda i: (0, 0)),
            pl.BlockSpec((1, 512), lambda i: (0, 0)),
            pl.BlockSpec((512, 1), lambda i: (0, 0)),
            pl.BlockSpec((1, 1), lambda i: (0, 0)),
        ],
        out_specs=pl.BlockSpec((BB, 1), lambda i: (i, 0)),
        out_shape=jax.ShapeDtypeStruct((B, 1), jnp.float32),
    )(el, er, disn, tx, b2, wa, wb, wc, bf1, wf2, bf2)


def kernel(neighbor_features, transaction_features, edge_index, neighbor_id,
           W1, b1, W2, b2, Wf1, bf1, Wf2, bf2):
    padn = EPAD - E
    srcp = jnp.concatenate([edge_index[0], jnp.zeros((padn,), jnp.int32)])
    dstp = jnp.concatenate(
        [edge_index[1], N + (jnp.arange(padn, dtype=jnp.int32) % 16)])
    src2 = srcp.reshape(EROWS, CH)
    dst2 = dstp.reshape(EROWS, CH)
    dsth = dstp.reshape(HROWS, HCH)
    nid2 = neighbor_id.reshape(B // CH, CH)

    hist = _sc_hist(dsth)[:, :N]
    d625 = _tc_prep_a(hist)
    dis1 = d625.reshape(N, 1)
    xl, xr, dispad = _tc_scale_split(neighbor_features, dis1)
    al, ar = _sc_edge(xl, xr, src2, dst2)
    pl_, pr_ = _tc_mid(al, ar, dis1, W1[:F], W1[F:], b1.reshape(1, 512), W2)
    el, er, disn = _sc_edge_gather(pl_, pr_, src2, dst2, nid2, dispad)
    y = _tc_mlp(el, er, disn, transaction_features, b2.reshape(1, 2 * F),
                Wf1[:F], Wf1[F:2 * F], Wf1[2 * F:], bf1.reshape(1, 512),
                Wf2, bf2.reshape(1, 1))
    return y

# --- scband reference (transcript-rebuilt; emitter-appended) ---
"""Pipeline reference for scband-embedding-model-90486370992788 (READ-ONLY COPY).

The authoritative reference and input builder live on the scoring server;
editing this copy changes nothing except your own understanding.
"""

import jax, jax.numpy as jnp
import numpy as np

N_NODES = 10000
N_EDGES = 160000
IN_CH = 256
GNN_HID = 512
OUT_CH = 256
NN_HID = 512
TX_DIM = 64
BATCH = 4096


def glorot(key, shape):
    fan_in, fan_out = shape[0], shape[1]
    limit = float(np.sqrt(6.0 / (fan_in + fan_out)))
    return jax.random.uniform(key, shape, jnp.float32, -limit, limit)


def setup_inputs(seed: int = 0) -> dict:
    key = jax.random.key(seed)
    ks = jax.random.split(key, 12)
    neighbor_features = jax.random.normal(ks[0], (N_NODES, IN_CH), jnp.float32)
    transaction_features = jax.random.normal(ks[1], (BATCH, TX_DIM), jnp.float32)
    edge_index = jax.random.randint(ks[2], (2, N_EDGES), 0, N_NODES, jnp.int64 if jax.config.read('jax_enable_x64') else jnp.int32).astype(jnp.int32)
    neighbor_id = jax.random.randint(ks[3], (BATCH,), 0, N_NODES).astype(jnp.int32)
    W1 = glorot(ks[4], (IN_CH, GNN_HID))
    b1 = jnp.zeros((GNN_HID,), jnp.float32)
    W2 = glorot(ks[5], (GNN_HID, OUT_CH))
    b2 = jnp.zeros((OUT_CH,), jnp.float32)
    Wf1 = glorot(ks[6], (OUT_CH + TX_DIM, NN_HID))
    bf1 = jnp.zeros((NN_HID,), jnp.float32)
    Wf2 = glorot(ks[7], (NN_HID, 1))
    bf2 = jnp.zeros((1,), jnp.float32)
    return {
        'neighbor_features': neighbor_features,
        'transaction_features': transaction_features,
        'edge_index': edge_index,
        'neighbor_id': neighbor_id,
        'W1': W1, 'b1': b1, 'W2': W2, 'b2': b2,
        'Wf1': Wf1, 'bf1': bf1, 'Wf2': Wf2, 'bf2': bf2,
    }


def gcn_conv(x, src, dst, W, b, num_nodes):
    # PyG GCNConv: add self-loops, symmetric deg^{-1/2} normalization, linear, scatter-add
    loop = jnp.arange(num_nodes, dtype=src.dtype)
    s = jnp.concatenate([src, loop])
    d = jnp.concatenate([dst, loop])
    deg = jnp.zeros((num_nodes,), jnp.float32).at[d].add(1.0)
    deg_inv_sqrt = jnp.where(deg > 0, deg ** -0.5, 0.0)
    norm = deg_inv_sqrt[s] * deg_inv_sqrt[d]
    h = x @ W
    msg = h[s] * norm[:, None]
    out = jnp.zeros((num_nodes, W.shape[1]), jnp.float32).at[d].add(msg)
    return out + b


def reference(neighbor_features, transaction_features, edge_index, neighbor_id,
              W1, b1, W2, b2, Wf1, bf1, Wf2, bf2):
    src, dst = edge_index[0], edge_index[1]
    n = neighbor_features.shape[0]
    x = gcn_conv(neighbor_features, src, dst, W1, b1, n)
    x = jax.nn.relu(x)
    x = gcn_conv(x, src, dst, W2, b2, n)
    emb = x[neighbor_id]
    h = jnp.concatenate([emb, transaction_features], axis=1)
    h = jax.nn.relu(h @ Wf1 + bf1)
    y = h @ Wf2 + bf2
    return y

if __name__ == "__main__":
    import jax
    _d = setup_inputs()
    print(jax.jit(kernel)(*tuple(_d.values())))

</pallas_src>

<mosaic_0001>
#map = affine_map<(d0, d1) -> (0, 0)>
module attributes {stable_mosaic.version = 14 : i64} {
  func.func @_hist_body(%arg0: i32, %arg1: i32, %arg2: memref<1280x128xi32, #tpu.memory_space<hbm>>, %arg3: memref<2x10016xf32, #tpu.memory_space<hbm>>, %arg4: memref<40x128xi32, #tpu.memory_space<vmem>>, %arg5: memref<128xf32, #tpu.memory_space<vmem>>, %arg6: memref<10016xf32, #tpu.memory_space<vmem>>, %arg7: memref<10016xf32, #tpu.memory_space<vmem_shared>>) attributes {dimension_semantics = [#tpu.dimension_semantics<core_parallel>, #tpu.dimension_semantics<subcore_parallel>], iteration_bounds = array<i64: 2, 16>, scalar_prefetch = 0 : i64, scratch_operands = 4 : i64, tpu.core_type = #tpu.core_type<sc_vector_subcore>, window_params = [{transform_indices = #map}, {transform_indices = #map}]} {
    %eq3A = arith.constant 0 : i32
    %eq3A_0 = arith.cmpi eq, %arg1, %eq3A : i32
    %convert_element_type3A = arith.extui %eq3A_0 : i1 to i32
    %cond3A = arith.constant 0 : i32
    %cond3A_1 = arith.cmpi ne, %convert_element_type3A, %cond3A : i32
    scf.if %cond3A_1 {
      %scan3A_24 = arith.constant 0 : i32
      %scan3A_25 = arith.constant 0 : i32
      %scan3A_26 = arith.constant 626 : i32
      %scan3A_27 = arith.addi %scan3A_25, %scan3A_26 : i32
      %scan3A_28 = arith.constant 1 : i32
      %scan3A_29 = scf.for %scan3A_31 = %scan3A_25 to %scan3A_27 step %scan3A_28 iter_args(%scan3A_32 = %scan3A_24) -> (i32)  : i32 {
        %broadcast_in_dim3A = arith.constant 0.000000e+00 : f32
        %broadcast_in_dim3A_33 = vector.broadcast %broadcast_in_dim3A : f32 to vector<16xf32>
        %mul3A_34 = arith.constant 16 : i32
        %mul3A_35 = arith.muli %scan3A_31, %mul3A_34 : i32
        %swap3A = arith.index_cast %mul3A_35 : i32 to index
        %swap3A_36 = tpu.vector_load %arg6[%swap3A] {strides = array<i32>} : memref<10016xf32, #tpu.memory_space<vmem>>, vector<16xf32>,
        %swap3A_37 = vector.shape_cast %swap3A_36 : vector<16xf32> to vector<16xf32>
        %swap3A_38 = vector.shape_cast %broadcast_in_dim3A_33 : vector<16xf32> to vector<16xf32>
        tpu.vector_store %arg6[%swap3A], %swap3A_38 {strides = array<i32>} : memref<10016xf32, #tpu.memory_space<vmem>>, vector<16xf32>,
        %scan3A_39 = arith.constant 0 : i32
        scf.yield %scan3A_39 : i32
      }
      %scan3A_30 = arith.constant 626 : i32
      "tpu.region"() ({
        %run_scoped3A = tpu.sem_alloc : memref<!tpu.dma_semaphore, #tpu.memory_space<semaphore_mem>>
        tpu.enqueue_dma source(%arg6 : memref<10016xf32, #tpu.memory_space<vmem>>) target(%arg7 : memref<10016xf32, #tpu.memory_space<vmem_shared>>) target_semaphore(%run_scoped3A : memref<!tpu.dma_semaphore, #tpu.memory_space<semaphore_mem>>)
        tpu.wait_dma2 semaphore(%run_scoped3A : memref<!tpu.dma_semaphore, #tpu.memory_space<semaphore_mem>>) src(%arg6 : memref<10016xf32, #tpu.memory_space<vmem>>) dst(%arg7 : memref<10016xf32, #tpu.memory_space<vmem_shared>>)
        tpu.yield
      }) : () -> ()
    } else {
    }
    %scan3A = arith.constant 0 : i32
    %scan3A_2 = arith.constant 0 : i32
    %scan3A_3 = arith.constant 8 : i32
    %scan3A_4 = arith.addi %scan3A_2, %scan3A_3 : i32
    %scan3A_5 = arith.constant 1 : i32
    %scan3A_6 = scf.for %scan3A_24 = %scan3A_2 to %scan3A_4 step %scan3A_5 iter_args(%scan3A_25 = %scan3A) -> (i32)  : i32 {
      %broadcast_in_dim3A = arith.constant 1.000000e+00 : f32
      %broadcast_in_dim3A_26 = vector.broadcast %broadcast_in_dim3A : f32 to vector<16xf32>
      %mul3A_27 = arith.constant 16 : i32
      %mul3A_28 = arith.muli %scan3A_24, %mul3A_27 : i32
      %swap3A = arith.index_cast %mul3A_28 : i32 to index
      %swap3A_29 = tpu.vector_load %arg5[%swap3A] {strides = array<i32>} : memref<128xf32, #tpu.memory_space<vmem>>, vector<16xf32>,
      %swap3A_30 = vector.shape_cast %swap3A_29 : vector<16xf32> to vector<16xf32>
      %swap3A_31 = vector.shape_cast %broadcast_in_dim3A_26 : vector<16xf32> to vector<16xf32>
      tpu.vector_store %arg5[%swap3A], %swap3A_31 {strides = array<i32>} : memref<128xf32, #tpu.memory_space<vmem>>, vector<16xf32>,
      %scan3A_32 = arith.constant 0 : i32
      scf.yield %scan3A_32 : i32
    }
    %scan3A_7 = arith.constant 8 : i32
    %mul3A = arith.constant 2 : i32
    %mul3A_8 = arith.muli %arg1, %mul3A : i32
    %add3A = arith.addi %mul3A_8, %arg0 : i32
    %mul3A_9 = arith.constant 40 : i32
    %mul3A_10 = arith.muli %add3A, %mul3A_9 : i32
    "tpu.region"() ({
      %run_scoped3A = tpu.sem_alloc : memref<!tpu.dma_semaphore, #tpu.memory_space<semaphore_mem>>
      %dma_start3A = arith.constant 0 : i32
      %dma_start3A_24 = tpu.memref_slice %arg2[%mul3A_10, %dma_start3A] : memref<1280x128xi32, #tpu.memory_space<hbm>> -> memref<40x128xi32, #tpu.memory_space<hbm>>
      %dma_start3A_25 = arith.constant 0 : i32
      %dma_start3A_26 = tpu.memref_slice %arg2[%mul3A_10, %dma_start3A_25] : memref<1280x128xi32, #tpu.memory_space<hbm>> -> memref<40x128xi32, #tpu.memory_space<hbm>>
      tpu.enqueue_dma source(%dma_start3A_26 : memref<40x128xi32, #tpu.memory_space<hbm>>) target(%arg4 : memref<40x128xi32, #tpu.memory_space<vmem>>) target_semaphore(%run_scoped3A : memref<!tpu.dma_semaphore, #tpu.memory_space<semaphore_mem>>)
      %dma_wait3A = arith.constant 0 : i32
      %dma_wait3A_27 = tpu.memref_slice %arg2[%mul3A_10, %dma_wait3A] : memref<1280x128xi32, #tpu.memory_space<hbm>> -> memref<40x128xi32, #tpu.memory_space<hbm>>
      %dma_wait3A_28 = arith.constant 0 : i32
      %dma_wait3A_29 = tpu.memref_slice %arg2[%mul3A_10, %dma_wait3A_28] : memref<1280x128xi32, #tpu.memory_space<hbm>> -> memref<40x128xi32, #tpu.memory_space<hbm>>
      tpu.wait_dma2 semaphore(%run_scoped3A : memref<!tpu.dma_semaphore, #tpu.memory_space<semaphore_mem>>) src(%dma_wait3A_29 : memref<40x128xi32, #tpu.memory_space<hbm>>) dst(%arg4 : memref<40x128xi32, #tpu.memory_space<vmem>>)
      tpu.yield
    }) : () -> ()
    %barrier3A = arith.constant 0 : index
    tpu.barrier barrier_id(%barrier3A)
    %scan3A_11 = arith.constant 0 : i32
    %scan3A_12 = arith.constant 0 : i32
    %scan3A_13 = arith.constant 40 : i32
    %scan3A_14 = arith.addi %scan3A_12, %scan3A_13 : i32
    %scan3A_15 = arith.constant 1 : i32
    %scan3A_16 = scf.for %scan3A_24 = %scan3A_12 to %scan3A_14 step %scan3A_15 iter_args(%scan3A_25 = %scan3A_11) -> (i32)  : i32 {
      "tpu.region"() ({
        %run_scoped3A = tpu.sem_alloc : memref<!tpu.dma_semaphore, #tpu.memory_space<semaphore_mem>>
        %dma_start3A = arith.constant 0 : i32
        %dma_start3A_27 = tpu.memref_slice %arg4[%scan3A_24, %dma_start3A] : memref<40x128xi32, #tpu.memory_space<vmem>> -> memref<1x128xi32, #tpu.memory_space<vmem>>
        %dma_start3A_28 = tpu.memref_squeeze %dma_start3A_27 : memref<1x128xi32, #tpu.memory_space<vmem>> -> memref<128xi32, #tpu.memory_space<vmem>>
        %dma_start3A_29 = arith.constant 0 : i32
        %dma_start3A_30 = tpu.memref_slice %arg7[%dma_start3A_29] : memref<10016xf32, #tpu.memory_space<vmem_shared>> -> memref<10016xf32, #tpu.memory_space<vmem_shared>>
        tpu.enqueue_indirect_dma source(%arg5 : memref<128xf32, #tpu.memory_space<vmem>>) target(%dma_start3A_30 : memref<10016xf32, #tpu.memory_space<vmem_shared>>) offsets(%dma_start3A_28 : memref<128xi32, #tpu.memory_space<vmem>>) semaphore(%run_scoped3A : memref<!tpu.dma_semaphore, #tpu.memory_space<semaphore_mem>>) {add = true}
        %dma_wait3A = arith.constant 0 : i32
        %dma_wait3A_31 = tpu.memref_slice %arg4[%scan3A_24, %dma_wait3A] : memref<40x128xi32, #tpu.memory_space<vmem>> -> memref<1x128xi32, #tpu.memory_space<vmem>>
        %dma_wait3A_32 = tpu.memref_squeeze %dma_wait3A_31 : memref<1x128xi32, #tpu.memory_space<vmem>> -> memref<128xi32, #tpu.memory_space<vmem>>
        %dma_wait3A_33 = arith.constant 0 : i32
        %dma_wait3A_34 = tpu.memref_slice %arg7[%dma_wait3A_33] : memref<10016xf32, #tpu.memory_space<vmem_shared>> -> memref<10016xf32, #tpu.memory_space<vmem_shared>>
        tpu.wait_indirect_dma semaphore(%run_scoped3A : memref<!tpu.dma_semaphore, #tpu.memory_space<semaphore_mem>>) src(%arg5 : memref<128xf32, #tpu.memory_space<vmem>>) dst(%dma_wait3A_34 : memref<10016xf32, #tpu.memory_space<vmem_shared>>)
        tpu.yield
      }) : () -> ()
      %scan3A_26 = arith.constant 0 : i32
      scf.yield %scan3A_26 : i32
    }
    %scan3A_17 = arith.constant 40 : i32
    %barrier3A_18 = arith.constant 0 : index
    tpu.barrier barrier_id(%barrier3A_18)
    %eq3A_19 = arith.constant 0 : i32
    %eq3A_20 = arith.cmpi eq, %arg1, %eq3A_19 : i32
    %convert_element_type3A_21 = arith.extui %eq3A_20 : i1 to i32
    %cond3A_22 = arith.constant 0 : i32
    %cond3A_23 = arith.cmpi ne, %convert_element_type3A_21, %cond3A_22 : i32
    scf.if %cond3A_23 {
      "tpu.region"() ({
        %run_scoped3A = tpu.sem_alloc : memref<!tpu.dma_semaphore, #tpu.memory_space<semaphore_mem>>
        %dma_start3A = arith.constant 0 : i32
        %dma_start3A_24 = tpu.memref_slice %arg3[%arg0, %dma_start3A] : memref<2x10016xf32, #tpu.memory_space<hbm>> -> memref<1x10016xf32, #tpu.memory_space<hbm>>
        %dma_start3A_25 = tpu.memref_squeeze %dma_start3A_24 : memref<1x10016xf32, #tpu.memory_space<hbm>> -> memref<10016xf32, #tpu.memory_space<hbm>>
        tpu.enqueue_dma source(%arg7 : memref<10016xf32, #tpu.memory_space<vmem_shared>>) target(%dma_start3A_25 : memref<10016xf32, #tpu.memory_space<hbm>>) target_semaphore(%run_scoped3A : memref<!tpu.dma_semaphore, #tpu.memory_space<semaphore_mem>>)
        %dma_wait3A = arith.constant 0 : i32
        %dma_wait3A_26 = tpu.memref_slice %arg3[%arg0, %dma_wait3A] : memref<2x10016xf32, #tpu.memory_space<hbm>> -> memref<1x10016xf32, #tpu.memory_space<hbm>>
        %dma_wait3A_27 = tpu.memref_squeeze %dma_wait3A_26 : memref<1x10016xf32, #tpu.memory_space<hbm>> -> memref<10016xf32, #tpu.memory_space<hbm>>
        tpu.wait_dma2 semaphore(%run_scoped3A : memref<!tpu.dma_semaphore, #tpu.memory_space<semaphore_mem>>) src(%arg7 : memref<10016xf32, #tpu.memory_space<vmem_shared>>) dst(%dma_wait3A_27 : memref<10016xf32, #tpu.memory_space<hbm>>)
        tpu.yield
      }) : () -> ()
    } else {
    }
    return
  }
}

#map = affine_map<(d0, d1) -> (0, 0)>
module attributes {stable_mosaic.version = 14 : i64} {
  func.func @_edge_body(%arg0: i32, %arg1: i32, %arg2: memref<10000x128xf32, #tpu.memory_space<hbm>>, %arg3: memref<10000x128xf32, #tpu.memory_space<hbm>>, %arg4: memref<1280x128xi32, #tpu.memory_space<hbm>>, %arg5: memref<1280x128xi32, #tpu.memory_space<hbm>>, %arg6: memref<10000x128xf32, #tpu.memory_space<hbm>>, %arg7: memref<10000x128xf32, #tpu.memory_space<hbm>>, %arg8: memref<40x128xi32, #tpu.memory_space<vmem>>, %arg9: memref<40x128xi32, #tpu.memory_space<vmem>>, %arg10: memref<128x128xf32, #tpu.memory_space<vmem>>, %arg11: memref<128x128xf32, #tpu.memory_space<vmem>>, %arg12: memref<2x!tpu.dma_semaphore, #tpu.memory_space<semaphore_mem>>, %arg13: memref<10016x128xf32, #tpu.memory_space<vmem_shared>>) attributes {dimension_semantics = [#tpu.dimension_semantics<core_parallel>, #tpu.dimension_semantics<subcore_parallel>], iteration_bounds = array<i64: 2, 16>, scalar_prefetch = 0 : i64, scratch_operands = 6 : i64, tpu.core_type = #tpu.core_type<sc_vector_subcore>, window_params = [{transform_indices = #map}, {transform_indices = #map}, {transform_indices = #map}, {transform_indices = #map}, {transform_indices = #map}, {transform_indices = #map}]} {
    %eq3A = arith.constant 0 : i32
    %eq3A_0 = arith.cmpi eq, %arg0, %eq3A : i32
    %convert_element_type3A = arith.extui %eq3A_0 : i1 to i32
    %cond3A = arith.constant 0 : i32
    %cond3A_1 = arith.cmpi ne, %convert_element_type3A, %cond3A : i32
    scf.if %cond3A_1 {
      %lt3A = arith.constant 15 : i32
      %lt3A_28 = arith.cmpi slt, %arg1, %lt3A : i32
      %convert_element_type3A_29 = arith.extui %lt3A_28 : i1 to i32
      %cond3A_30 = arith.constant 0 : i32
      %cond3A_31 = arith.cmpi ne, %convert_element_type3A_29, %cond3A_30 : i32
      scf.if %cond3A_31 {
        %mul3A = arith.constant 640 : i32
        %mul3A_37 = arith.muli %arg1, %mul3A : i32
        %mul3A_38 = arith.constant 640 : i32
        %mul3A_39 = arith.muli %arg1, %mul3A_38 : i32
        "tpu.region"() ({
          %run_scoped3A = tpu.sem_alloc : memref<!tpu.dma_semaphore, #tpu.memory_space<semaphore_mem>>
          %dma_start3A = arith.constant 0 : i32
          %dma_start3A_40 = tpu.memref_slice %arg13[%mul3A_39, %dma_start3A] : memref<10016x128xf32, #tpu.memory_space<vmem_shared>> -> memref<640x128xf32, #tpu.memory_space<vmem_shared>>
          %dma_start3A_41 = arith.constant 0 : i32
          %dma_start3A_42 = tpu.memref_slice %arg2[%mul3A_37, %dma_start3A_41] : memref<10000x128xf32, #tpu.memory_space<hbm>> -> memref<640x128xf32, #tpu.memory_space<hbm>>
          tpu.enqueue_dma source(%dma_start3A_42 : memref<640x128xf32, #tpu.memory_space<hbm>>) target(%dma_start3A_40 : memref<640x128xf32, #tpu.memory_space<vmem_shared>>) target_semaphore(%run_scoped3A : memref<!tpu.dma_semaphore, #tpu.memory_space<semaphore_mem>>)
          %dma_wait3A = arith.constant 0 : i32
          %dma_wait3A_43 = tpu.memref_slice %arg13[%mul3A_39, %dma_wait3A] : memref<10016x128xf32, #tpu.memory_space<vmem_shared>> -> memref<640x128xf32, #tpu.memory_space<vmem_shared>>
          %dma_wait3A_44 = arith.constant 0 : i32
          %dma_wait3A_45 = tpu.memref_slice %arg2[%mul3A_37, %dma_wait3A_44] : memref<10000x128xf32, #tpu.memory_space<hbm>> -> memref<640x128xf32, #tpu.memory_space<hbm>>
          tpu.wait_dma2 semaphore(%run_scoped3A : memref<!tpu.dma_semaphore, #tpu.memory_space<semaphore_mem>>) src(%dma_wait3A_45 : memref<640x128xf32, #tpu.memory_space<hbm>>) dst(%dma_wait3A_43 : memref<640x128xf32, #tpu.memory_space<vmem_shared>>)
          tpu.yield
        }) : () -> ()
      } else {
      }
      %eq3A_32 = arith.constant 15 : i32
      %eq3A_33 = arith.cmpi eq, %arg1, %eq3A_32 : i32
      %convert_element_type3A_34 = arith.extui %eq3A_33 : i1 to i32
      %cond3A_35 = arith.constant 0 : i32
      %cond3A_36 = arith.cmpi ne, %convert_element_type3A_34, %cond3A_35 : i32
      scf.if %cond3A_36 {
        "tpu.region"() ({
          %run_scoped3A = tpu.sem_alloc : memref<!tpu.dma_semaphore, #tpu.memory_space<semaphore_mem>>
          %dma_start3A = arith.constant 9600 : i32
          %dma_start3A_37 = arith.constant 0 : i32
          %dma_start3A_38 = tpu.memref_slice %arg13[%dma_start3A, %dma_start3A_37] : memref<10016x128xf32, #tpu.memory_space<vmem_shared>> -> memref<400x128xf32, #tpu.memory_space<vmem_shared>>
          %dma_start3A_39 = arith.constant 9600 : i32
          %dma_start3A_40 = arith.constant 0 : i32
          %dma_start3A_41 = tpu.memref_slice %arg2[%dma_start3A_39, %dma_start3A_40] : memref<10000x128xf32, #tpu.memory_space<hbm>> -> memref<400x128xf32, #tpu.memory_space<hbm>>
          tpu.enqueue_dma source(%dma_start3A_41 : memref<400x128xf32, #tpu.memory_space<hbm>>) target(%dma_start3A_38 : memref<400x128xf32, #tpu.memory_space<vmem_shared>>) target_semaphore(%run_scoped3A : memref<!tpu.dma_semaphore, #tpu.memory_space<semaphore_mem>>)
          %dma_wait3A = arith.constant 9600 : i32
          %dma_wait3A_42 = arith.constant 0 : i32
          %dma_wait3A_43 = tpu.memref_slice %arg13[%dma_wait3A, %dma_wait3A_42] : memref<10016x128xf32, #tpu.memory_space<vmem_shared>> -> memref<400x128xf32, #tpu.memory_space<vmem_shared>>
          %dma_wait3A_44 = arith.constant 9600 : i32
          %dma_wait3A_45 = arith.constant 0 : i32
          %dma_wait3A_46 = tpu.memref_slice %arg2[%dma_wait3A_44, %dma_wait3A_45] : memref<10000x128xf32, #tpu.memory_space<hbm>> -> memref<400x128xf32, #tpu.memory_space<hbm>>
          tpu.wait_dma2 semaphore(%run_scoped3A : memref<!tpu.dma_semaphore, #tpu.memory_space<semaphore_mem>>) src(%dma_wait3A_46 : memref<400x128xf32, #tpu.memory_space<hbm>>) dst(%dma_wait3A_43 : memref<400x128xf32, #tpu.memory_space<vmem_shared>>)
          tpu.yield
        }) : () -> ()
      } else {
      }
    } else {
    }
    %eq3A_2 = arith.constant 1 : i32
    %eq3A_3 = arith.cmpi eq, %arg0, %eq3A_2 : i32
    %convert_element_type3A_4 = arith.extui %eq3A_3 : i1 to i32
    %cond3A_5 = arith.constant 0 : i32
    %cond3A_6 = arith.cmpi ne, %convert_element_type3A_4, %cond3A_5 : i32
    scf.if %cond3A_6 {
      %lt3A = arith.constant 15 : i32
      %lt3A_28 = arith.cmpi slt, %arg1, %lt3A : i32
      %convert_element_type3A_29 = arith.extui %lt3A_28 : i1 to i32
      %cond3A_30 = arith.constant 0 : i32
      %cond3A_31 = arith.cmpi ne, %convert_element_type3A_29, %cond3A_30 : i32
      scf.if %cond3A_31 {
        %mul3A = arith.constant 640 : i32
        %mul3A_37 = arith.muli %arg1, %mul3A : i32
        %mul3A_38 = arith.constant 640 : i32
        %mul3A_39 = arith.muli %arg1, %mul3A_38 : i32
        "tpu.region"() ({
          %run_scoped3A = tpu.sem_alloc : memref<!tpu.dma_semaphore, #tpu.memory_space<semaphore_mem>>
          %dma_start3A = arith.constant 0 : i32
          %dma_start3A_40 = tpu.memref_slice %arg13[%mul3A_39, %dma_start3A] : memref<10016x128xf32, #tpu.memory_space<vmem_shared>> -> memref<640x128xf32, #tpu.memory_space<vmem_shared>>
          %dma_start3A_41 = arith.constant 0 : i32
          %dma_start3A_42 = tpu.memref_slice %arg3[%mul3A_37, %dma_start3A_41] : memref<10000x128xf32, #tpu.memory_space<hbm>> -> memref<640x128xf32, #tpu.memory_space<hbm>>
          tpu.enqueue_dma source(%dma_start3A_42 : memref<640x128xf32, #tpu.memory_space<hbm>>) target(%dma_start3A_40 : memref<640x128xf32, #tpu.memory_space<vmem_shared>>) target_semaphore(%run_scoped3A : memref<!tpu.dma_semaphore, #tpu.memory_space<semaphore_mem>>)
          %dma_wait3A = arith.constant 0 : i32
          %dma_wait3A_43 = tpu.memref_slice %arg13[%mul3A_39, %dma_wait3A] : memref<10016x128xf32, #tpu.memory_space<vmem_shared>> -> memref<640x128xf32, #tpu.memory_space<vmem_shared>>
          %dma_wait3A_44 = arith.constant 0 : i32
          %dma_wait3A_45 = tpu.memref_slice %arg3[%mul3A_37, %dma_wait3A_44] : memref<10000x128xf32, #tpu.memory_space<hbm>> -> memref<640x128xf32, #tpu.memory_space<hbm>>
          tpu.wait_dma2 semaphore(%run_scoped3A : memref<!tpu.dma_semaphore, #tpu.memory_space<semaphore_mem>>) src(%dma_wait3A_45 : memref<640x128xf32, #tpu.memory_space<hbm>>) dst(%dma_wait3A_43 : memref<640x128xf32, #tpu.memory_space<vmem_shared>>)
          tpu.yield
        }) : () -> ()
      } else {
      }
      %eq3A_32 = arith.constant 15 : i32
      %eq3A_33 = arith.cmpi eq, %arg1, %eq3A_32 : i32
      %convert_element_type3A_34 = arith.extui %eq3A_33 : i1 to i32
      %cond3A_35 = arith.constant 0 : i32
      %cond3A_36 = arith.cmpi ne, %convert_element_type3A_34, %cond3A_35 : i32
      scf.if %cond3A_36 {
        "tpu.region"() ({
          %run_scoped3A = tpu.sem_alloc : memref<!tpu.dma_semaphore, #tpu.memory_space<semaphore_mem>>
          %dma_start3A = arith.constant 9600 : i32
          %dma_start3A_37 = arith.constant 0 : i32
          %dma_start3A_38 = tpu.memref_slice %arg13[%dma_start3A, %dma_start3A_37] : memref<10016x128xf32, #tpu.memory_space<vmem_shared>> -> memref<400x128xf32, #tpu.memory_space<vmem_shared>>
          %dma_start3A_39 = arith.constant 9600 : i32
          %dma_start3A_40 = arith.constant 0 : i32
          %dma_start3A_41 = tpu.memref_slice %arg3[%dma_start3A_39, %dma_start3A_40] : memref<10000x128xf32, #tpu.memory_space<hbm>> -> memref<400x128xf32, #tpu.memory_space<hbm>>
          tpu.enqueue_dma source(%dma_start3A_41 : memref<400x128xf32, #tpu.memory_space<hbm>>) target(%dma_start3A_38 : memref<400x128xf32, #tpu.memory_space<vmem_shared>>) target_semaphore(%run_scoped3A : memref<!tpu.dma_semaphore, #tpu.memory_space<semaphore_mem>>)
          %dma_wait3A = arith.constant 9600 : i32
          %dma_wait3A_42 = arith.constant 0 : i32
          %dma_wait3A_43 = tpu.memref_slice %arg13[%dma_wait3A, %dma_wait3A_42] : memref<10016x128xf32, #tpu.memory_space<vmem_shared>> -> memref<400x128xf32, #tpu.memory_space<vmem_shared>>
          %dma_wait3A_44 = arith.constant 9600 : i32
          %dma_wait3A_45 = arith.constant 0 : i32
          %dma_wait3A_46 = tpu.memref_slice %arg3[%dma_wait3A_44, %dma_wait3A_45] : memref<10000x128xf32, #tpu.memory_space<hbm>> -> memref<400x128xf32, #tpu.memory_space<hbm>>
          tpu.wait_dma2 semaphore(%run_scoped3A : memref<!tpu.dma_semaphore, #tpu.memory_space<semaphore_mem>>) src(%dma_wait3A_46 : memref<400x128xf32, #tpu.memory_space<hbm>>) dst(%dma_wait3A_43 : memref<400x128xf32, #tpu.memory_space<vmem_shared>>)
          tpu.yield
        }) : () -> ()
      } else {
      }
    } else {
    }
    %barrier3A = arith.constant 0 : index
    tpu.barrier barrier_id(%barrier3A)
    %eq3A_7 = arith.constant 0 : i32
    %eq3A_8 = arith.cmpi eq, %arg0, %eq3A_7 : i32
    %convert_element_type3A_9 = arith.extui %eq3A_8 : i1 to i32
    %cond3A_10 = arith.constant 0 : i32
    %cond3A_11 = arith.cmpi ne, %convert_element_type3A_9, %cond3A_10 : i32
    scf.if %cond3A_11 {
      %mul3A = arith.constant 80 : i32
      %mul3A_28 = arith.muli %arg1, %mul3A : i32
      %add3A = arith.constant 0 : i32
      %add3A_29 = arith.addi %mul3A_28, %add3A : i32
      "tpu.region"() ({
        %run_scoped3A = tpu.sem_alloc : memref<!tpu.dma_semaphore, #tpu.memory_space<semaphore_mem>>
        %dma_start3A = arith.constant 0 : i32
        %dma_start3A_94 = tpu.memref_slice %arg4[%add3A_29, %dma_start3A] : memref<1280x128xi32, #tpu.memory_space<hbm>> -> memref<40x128xi32, #tpu.memory_space<hbm>>
        %dma_start3A_95 = arith.constant 0 : i32
        %dma_start3A_96 = tpu.memref_slice %arg4[%add3A_29, %dma_start3A_95] : memref<1280x128xi32, #tpu.memory_space<hbm>> -> memref<40x128xi32, #tpu.memory_space<hbm>>
        tpu.enqueue_dma source(%dma_start3A_96 : memref<40x128xi32, #tpu.memory_space<hbm>>) target(%arg8 : memref<40x128xi32, #tpu.memory_space<vmem>>) target_semaphore(%run_scoped3A : memref<!tpu.dma_semaphore, #tpu.memory_space<semaphore_mem>>)
        %dma_wait3A_97 = arith.constant 0 : i32
        %dma_wait3A_98 = tpu.memref_slice %arg4[%add3A_29, %dma_wait3A_97] : memref<1280x128xi32, #tpu.memory_space<hbm>> -> memref<40x128xi32, #tpu.memory_space<hbm>>
        %dma_wait3A_99 = arith.constant 0 : i32
        %dma_wait3A_100 = tpu.memref_slice %arg4[%add3A_29, %dma_wait3A_99] : memref<1280x128xi32, #tpu.memory_space<hbm>> -> memref<40x128xi32, #tpu.memory_space<hbm>>
        tpu.wait_dma2 semaphore(%run_scoped3A : memref<!tpu.dma_semaphore, #tpu.memory_space<semaphore_mem>>) src(%dma_wait3A_100 : memref<40x128xi32, #tpu.memory_space<hbm>>) dst(%arg8 : memref<40x128xi32, #tpu.memory_space<vmem>>)
        tpu.yield
      }) : () -> ()
      %mul3A_30 = arith.constant 80 : i32
      %mul3A_31 = arith.muli %arg1, %mul3A_30 : i32
      %add3A_32 = arith.constant 0 : i32
      %add3A_33 = arith.addi %mul3A_31, %add3A_32 : i32
      "tpu.region"() ({
        %run_scoped3A = tpu.sem_alloc : memref<!tpu.dma_semaphore, #tpu.memory_space<semaphore_mem>>
        %dma_start3A = arith.constant 0 : i32
        %dma_start3A_94 = tpu.memref_slice %arg5[%add3A_33, %dma_start3A] : memref<1280x128xi32, #tpu.memory_space<hbm>> -> memref<40x128xi32, #tpu.memory_space<hbm>>
        %dma_start3A_95 = arith.constant 0 : i32
        %dma_start3A_96 = tpu.memref_slice %arg5[%add3A_33, %dma_start3A_95] : memref<1280x128xi32, #tpu.memory_space<hbm>> -> memref<40x128xi32, #tpu.memory_space<hbm>>
        tpu.enqueue_dma source(%dma_start3A_96 : memref<40x128xi32, #tpu.memory_space<hbm>>) target(%arg9 : memref<40x128xi32, #tpu.memory_space<vmem>>) target_semaphore(%run_scoped3A : memref<!tpu.dma_semaphore, #tpu.memory_space<semaphore_mem>>)
        %dma_wait3A_97 = arith.constant 0 : i32
        %dma_wait3A_98 = tpu.memref_slice %arg5[%add3A_33, %dma_wait3A_97] : memref<1280x128xi32, #tpu.memory_space<hbm>> -> memref<40x128xi32, #tpu.memory_space<hbm>>
        %dma_wait3A_99 = arith.constant 0 : i32
        %dma_wait3A_100 = tpu.memref_slice %arg5[%add3A_33, %dma_wait3A_99] : memref<1280x128xi32, #tpu.memory_space<hbm>> -> memref<40x128xi32, #tpu.memory_space<hbm>>
        tpu.wait_dma2 semaphore(%run_scoped3A : memref<!tpu.dma_semaphore, #tpu.memory_space<semaphore_mem>>) src(%dma_wait3A_100 : memref<40x128xi32, #tpu.memory_space<hbm>>) dst(%arg9 : memref<40x128xi32, #tpu.memory_space<vmem>>)
        tpu.yield
      }) : () -> ()
      %scan3A = arith.constant 0 : i32
      %scan3A_34 = arith.constant 0 : i32
      %scan3A_35 = arith.constant 20 : i32
      %scan3A_36 = arith.addi %scan3A_34, %scan3A_35 : i32
      %scan3A_37 = arith.constant 1 : i32
      %scan3A_38 = scf.for %scan3A_94 = %scan3A_34 to %scan3A_36 step %scan3A_37 iter_args(%scan3A_95 = %scan3A) -> (i32)  : i32 {
        %mul3A_96 = arith.constant 2 : i32
        %mul3A_97 = arith.muli %mul3A_96, %scan3A_94 : i32
        %add3A_98 = arith.constant 0 : i32
        %add3A_99 = arith.addi %mul3A_97, %add3A_98 : i32
        %ge3A = arith.constant 2 : i32
        %ge3A_100 = arith.cmpi sge, %add3A_99, %ge3A : i32
        %convert_element_type3A_101 = arith.extui %ge3A_100 : i1 to i32
        %cond3A_102 = arith.constant 0 : i32
        %cond3A_103 = arith.cmpi ne, %convert_element_type3A_101, %cond3A_102 : i32
        scf.if %cond3A_103 {
          %dma_wait3A_131 = arith.constant 0 : i32
          %dma_wait3A_132 = arith.constant 0 : i32
          %dma_wait3A_133 = arith.constant 0 : i32
          %dma_wait3A_134 = tpu.memref_slice %arg9[%dma_wait3A_131, %dma_wait3A_133] : memref<40x128xi32, #tpu.memory_space<vmem>> -> memref<1x128xi32, #tpu.memory_space<vmem>>
          %dma_wait3A_135 = tpu.memref_squeeze %dma_wait3A_134 : memref<1x128xi32, #tpu.memory_space<vmem>> -> memref<128xi32, #tpu.memory_space<vmem>>
          %dma_wait3A_136 = arith.constant 0 : i32
          %dma_wait3A_137 = arith.constant 0 : i32
          %dma_wait3A_138 = tpu.memref_slice %arg13[%dma_wait3A_136, %dma_wait3A_137] : memref<10016x128xf32, #tpu.memory_space<vmem_shared>> -> memref<10016x128xf32, #tpu.memory_space<vmem_shared>>
          %dma_wait3A_139 = tpu.memref_slice %arg12[%dma_wait3A_132] : memref<2x!tpu.dma_semaphore, #tpu.memory_space<semaphore_mem>> -> memref<1x!tpu.dma_semaphore, #tpu.memory_space<semaphore_mem>>
          %dma_wait3A_140 = tpu.memref_squeeze %dma_wait3A_139 : memref<1x!tpu.dma_semaphore, #tpu.memory_space<semaphore_mem>> -> memref<!tpu.dma_semaphore, #tpu.memory_space<semaphore_mem>>
          tpu.wait_indirect_dma semaphore(%dma_wait3A_140 : memref<!tpu.dma_semaphore, #tpu.memory_space<semaphore_mem>>) src(%arg10 : memref<128x128xf32, #tpu.memory_space<vmem>>) dst(%dma_wait3A_138 : memref<10016x128xf32, #tpu.memory_space<vmem_shared>>)
        } else {
        }
        "tpu.region"() ({
          %run_scoped3A = tpu.sem_alloc : memref<!tpu.dma_semaphore, #tpu.memory_space<semaphore_mem>>
          %dma_start3A_131 = arith.constant 0 : i32
          %dma_start3A_132 = tpu.memref_slice %arg8[%add3A_99, %dma_start3A_131] : memref<40x128xi32, #tpu.memory_space<vmem>> -> memref<1x128xi32, #tpu.memory_space<vmem>>
          %dma_start3A_133 = tpu.memref_squeeze %dma_start3A_132 : memref<1x128xi32, #tpu.memory_space<vmem>> -> memref<128xi32, #tpu.memory_space<vmem>>
          %dma_start3A_134 = arith.constant 0 : i32
          %dma_start3A_135 = arith.constant 0 : i32
          %dma_start3A_136 = tpu.memref_slice %arg2[%dma_start3A_134, %dma_start3A_135] : memref<10000x128xf32, #tpu.memory_space<hbm>> -> memref<10000x128xf32, #tpu.memory_space<hbm>>
          tpu.enqueue_indirect_dma source(%dma_start3A_136 : memref<10000x128xf32, #tpu.memory_space<hbm>>) target(%arg10 : memref<128x128xf32, #tpu.memory_space<vmem>>) offsets(%dma_start3A_133 : memref<128xi32, #tpu.memory_space<vmem>>) semaphore(%run_scoped3A : memref<!tpu.dma_semaphore, #tpu.memory_space<semaphore_mem>>)
          %dma_wait3A_137 = arith.constant 0 : i32
          %dma_wait3A_138 = tpu.memref_slice %arg8[%add3A_99, %dma_wait3A_137] : memref<40x128xi32, #tpu.memory_space<vmem>> -> memref<1x128xi32, #tpu.memory_space<vmem>>
          %dma_wait3A_139 = tpu.memref_squeeze %dma_wait3A_138 : memref<1x128xi32, #tpu.memory_space<vmem>> -> memref<128xi32, #tpu.memory_space<vmem>>
          %dma_wait3A_140 = arith.constant 0 : i32
          %dma_wait3A_141 = arith.constant 0 : i32
          %dma_wait3A_142 = tpu.memref_slice %arg2[%dma_wait3A_140, %dma_wait3A_141] : memref<10000x128xf32, #tpu.memory_space<hbm>> -> memref<10000x128xf32, #tpu.memory_space<hbm>>
          tpu.wait_indirect_dma semaphore(%run_scoped3A : memref<!tpu.dma_semaphore, #tpu.memory_space<semaphore_mem>>) src(%dma_wait3A_142 : memref<10000x128xf32, #tpu.memory_space<hbm>>) dst(%arg10 : memref<128x128xf32, #tpu.memory_space<vmem>>)
          tpu.yield
        }) : () -> ()
        %dma_start3A = arith.constant 0 : i32
        %dma_start3A_104 = arith.constant 0 : i32
        %dma_start3A_105 = tpu.memref_slice %arg9[%add3A_99, %dma_start3A_104] : memref<40x128xi32, #tpu.memory_space<vmem>> -> memref<1x128xi32, #tpu.memory_space<vmem>>
        %dma_start3A_106 = tpu.memref_squeeze %dma_start3A_105 : memref<1x128xi32, #tpu.memory_space<vmem>> -> memref<128xi32, #tpu.memory_space<vmem>>
        %dma_start3A_107 = arith.constant 0 : i32
        %dma_start3A_108 = arith.constant 0 : i32
        %dma_start3A_109 = tpu.memref_slice %arg13[%dma_start3A_107, %dma_start3A_108] : memref<10016x128xf32, #tpu.memory_space<vmem_shared>> -> memref<10016x128xf32, #tpu.memory_space<vmem_shared>>
        %dma_start3A_110 = tpu.memref_slice %arg12[%dma_start3A] : memref<2x!tpu.dma_semaphore, #tpu.memory_space<semaphore_mem>> -> memref<1x!tpu.dma_semaphore, #tpu.memory_space<semaphore_mem>>
        %dma_start3A_111 = tpu.memref_squeeze %dma_start3A_110 : memref<1x!tpu.dma_semaphore, #tpu.memory_space<semaphore_mem>> -> memref<!tpu.dma_semaphore, #tpu.memory_space<semaphore_mem>>
        tpu.enqueue_indirect_dma source(%arg10 : memref<128x128xf32, #tpu.memory_space<vmem>>) target(%dma_start3A_109 : memref<10016x128xf32, #tpu.memory_space<vmem_shared>>) offsets(%dma_start3A_106 : memref<128xi32, #tpu.memory_space<vmem>>) semaphore(%dma_start3A_111 : memref<!tpu.dma_semaphore, #tpu.memory_space<semaphore_mem>>) {add = true}
        %mul3A_112 = arith.constant 2 : i32
        %mul3A_113 = arith.muli %mul3A_112, %scan3A_94 : i32
        %add3A_114 = arith.constant 1 : i32
        %add3A_115 = arith.addi %mul3A_113, %add3A_114 : i32
        %ge3A_116 = arith.constant 2 : i32
        %ge3A_117 = arith.cmpi sge, %add3A_115, %ge3A_116 : i32
        %convert_element_type3A_118 = arith.extui %ge3A_117 : i1 to i32
        %cond3A_119 = arith.constant 0 : i32
        %cond3A_120 = arith.cmpi ne, %convert_element_type3A_118, %cond3A_119 : i32
        scf.if %cond3A_120 {
          %dma_wait3A_131 = arith.constant 0 : i32
          %dma_wait3A_132 = arith.constant 1 : i32
          %dma_wait3A_133 = arith.constant 0 : i32
          %dma_wait3A_134 = tpu.memref_slice %arg9[%dma_wait3A_131, %dma_wait3A_133] : memref<40x128xi32, #tpu.memory_space<vmem>> -> memref<1x128xi32, #tpu.memory_space<vmem>>
          %dma_wait3A_135 = tpu.memref_squeeze %dma_wait3A_134 : memref<1x128xi32, #tpu.memory_space<vmem>> -> memref<128xi32, #tpu.memory_space<vmem>>
          %dma_wait3A_136 = arith.constant 0 : i32
          %dma_wait3A_137 = arith.constant 0 : i32
          %dma_wait3A_138 = tpu.memref_slice %arg13[%dma_wait3A_136, %dma_wait3A_137] : memref<10016x128xf32, #tpu.memory_space<vmem_shared>> -> memref<10016x128xf32, #tpu.memory_space<vmem_shared>>
          %dma_wait3A_139 = tpu.memref_slice %arg12[%dma_wait3A_132] : memref<2x!tpu.dma_semaphore, #tpu.memory_space<semaphore_mem>> -> memref<1x!tpu.dma_semaphore, #tpu.memory_space<semaphore_mem>>
          %dma_wait3A_140 = tpu.memref_squeeze %dma_wait3A_139 : memref<1x!tpu.dma_semaphore, #tpu.memory_space<semaphore_mem>> -> memref<!tpu.dma_semaphore, #tpu.memory_space<semaphore_mem>>
          tpu.wait_indirect_dma semaphore(%dma_wait3A_140 : memref<!tpu.dma_semaphore, #tpu.memory_space<semaphore_mem>>) src(%arg11 : memref<128x128xf32, #tpu.memory_space<vmem>>) dst(%dma_wait3A_138 : memref<10016x128xf32, #tpu.memory_space<vmem_shared>>)
        } else {
        }
        "tpu.region"() ({
          %run_scoped3A = tpu.sem_alloc : memref<!tpu.dma_semaphore, #tpu.memory_space<semaphore_mem>>
          %dma_start3A_131 = arith.constant 0 : i32
          %dma_start3A_132 = tpu.memref_slice %arg8[%add3A_115, %dma_start3A_131] : memref<40x128xi32, #tpu.memory_space<vmem>> -> memref<1x128xi32, #tpu.memory_space<vmem>>
          %dma_start3A_133 = tpu.memref_squeeze %dma_start3A_132 : memref<1x128xi32, #tpu.memory_space<vmem>> -> memref<128xi32, #tpu.memory_space<vmem>>
          %dma_start3A_134 = arith.constant 0 : i32
          %dma_start3A_135 = arith.constant 0 : i32
          %dma_start3A_136 = tpu.memref_slice %arg2[%dma_start3A_134, %dma_start3A_135] : memref<10000x128xf32, #tpu.memory_space<hbm>> -> memref<10000x128xf32, #tpu.memory_space<hbm>>
          tpu.enqueue_indirect_dma source(%dma_start3A_136 : memref<10000x128xf32, #tpu.memory_space<hbm>>) target(%arg11 : memref<128x128xf32, #tpu.memory_space<vmem>>) offsets(%dma_start3A_133 : memref<128xi32, #tpu.memory_space<vmem>>) semaphore(%run_scoped3A : memref<!tpu.dma_semaphore, #tpu.memory_space<semaphore_mem>>)
          %dma_wait3A_137 = arith.constant 0 : i32
          %dma_wait3A_138 = tpu.memref_slice %arg8[%add3A_115, %dma_wait3A_137] : memref<40x128xi32, #tpu.memory_space<vmem>> -> memref<1x128xi32, #tpu.memory_space<vmem>>
          %dma_wait3A_139 = tpu.memref_squeeze %dma_wait3A_138 : memref<1x128xi32, #tpu.memory_space<vmem>> -> memref<128xi32, #tpu.memory_space<vmem>>
          %dma_wait3A_140 = arith.constant 0 : i32
          %dma_wait3A_141 = arith.constant 0 : i32
          %dma_wait3A_142 = tpu.memref_slice %arg2[%dma_wait3A_140, %dma_wait3A_141] : memref<10000x128xf32, #tpu.memory_space<hbm>> -> memref<10000x128xf32, #tpu.memory_space<hbm>>
          tpu.wait_indirect_dma semaphore(%run_scoped3A : memref<!tpu.dma_semaphore, #tpu.memory_space<semaphore_mem>>) src(%dma_wait3A_142 : memref<10000x128xf32, #tpu.memory_space<hbm>>) dst(%arg11 : memref<128x128xf32, #tpu.memory_space<vmem>>)
          tpu.yield
        }) : () -> ()
        %dma_start3A_121 = arith.constant 1 : i32
        %dma_start3A_122 = arith.constant 0 : i32
        %dma_start3A_123 = tpu.memref_slice %arg9[%add3A_115, %dma_start3A_122] : memref<40x128xi32, #tpu.memory_space<vmem>> -> memref<1x128xi32, #tpu.memory_space<vmem>>
        %dma_start3A_124 = tpu.memref_squeeze %dma_start3A_123 : memref<1x128xi32, #tpu.memory_space<vmem>> -> memref<128xi32, #tpu.memory_space<vmem>>
        %dma_start3A_125 = arith.constant 0 : i32
        %dma_start3A_126 = arith.constant 0 : i32
        %dma_start3A_127 = tpu.memref_slice %arg13[%dma_start3A_125, %dma_start3A_126] : memref<10016x128xf32, #tpu.memory_space<vmem_shared>> -> memref<10016x128xf32, #tpu.memory_space<vmem_shared>>
        %dma_start3A_128 = tpu.memref_slice %arg12[%dma_start3A_121] : memref<2x!tpu.dma_semaphore, #tpu.memory_space<semaphore_mem>> -> memref<1x!tpu.dma_semaphore, #tpu.memory_space<semaphore_mem>>
        %dma_start3A_129 = tpu.memref_squeeze %dma_start3A_128 : memref<1x!tpu.dma_semaphore, #tpu.memory_space<semaphore_mem>> -> memref<!tpu.dma_semaphore, #tpu.memory_space<semaphore_mem>>
        tpu.enqueue_indirect_dma source(%arg11 : memref<128x128xf32, #tpu.memory_space<vmem>>) target(%dma_start3A_127 : memref<10016x128xf32, #tpu.memory_space<vmem_shared>>) offsets(%dma_start3A_124 : memref<128xi32, #tpu.memory_space<vmem>>) semaphore(%dma_start3A_129 : memref<!tpu.dma_semaphore, #tpu.memory_space<semaphore_mem>>) {add = true}
        %scan3A_130 = arith.constant 0 : i32
        scf.yield %scan3A_130 : i32
      }
      %scan3A_39 = arith.constant 20 : i32
      %dma_wait3A = arith.constant 0 : i32
      %dma_wait3A_40 = arith.constant 0 : i32
      %dma_wait3A_41 = arith.constant 0 : i32
      %dma_wait3A_42 = tpu.memref_slice %arg9[%dma_wait3A, %dma_wait3A_41] : memref<40x128xi32, #tpu.memory_space<vmem>> -> memref<1x128xi32, #tpu.memory_space<vmem>>
      %dma_wait3A_43 = tpu.memref_squeeze %dma_wait3A_42 : memref<1x128xi32, #tpu.memory_space<vmem>> -> memref<128xi32, #tpu.memory_space<vmem>>
      %dma_wait3A_44 = arith.constant 0 : i32
      %dma_wait3A_45 = arith.constant 0 : i32
      %dma_wait3A_46 = tpu.memref_slice %arg13[%dma_wait3A_44, %dma_wait3A_45] : memref<10016x128xf32, #tpu.memory_space<vmem_shared>> -> memref<10016x128xf32, #tpu.memory_space<vmem_shared>>
      %dma_wait3A_47 = tpu.memref_slice %arg12[%dma_wait3A_40] : memref<2x!tpu.dma_semaphore, #tpu.memory_space<semaphore_mem>> -> memref<1x!tpu.dma_semaphore, #tpu.memory_space<semaphore_mem>>
      %dma_wait3A_48 = tpu.memref_squeeze %dma_wait3A_47 : memref<1x!tpu.dma_semaphore, #tpu.memory_space<semaphore_mem>> -> memref<!tpu.dma_semaphore, #tpu.memory_space<semaphore_mem>>
      tpu.wait_indirect_dma semaphore(%dma_wait3A_48 : memref<!tpu.dma_semaphore, #tpu.memory_space<semaphore_mem>>) src(%arg10 : memref<128x128xf32, #tpu.memory_space<vmem>>) dst(%dma_wait3A_46 : memref<10016x128xf32, #tpu.memory_space<vmem_shared>>)
      %dma_wait3A_49 = arith.constant 0 : i32
      %dma_wait3A_50 = arith.constant 1 : i32
      %dma_wait3A_51 = arith.constant 0 : i32
      %dma_wait3A_52 = tpu.memref_slice %arg9[%dma_wait3A_49, %dma_wait3A_51] : memref<40x128xi32, #tpu.memory_space<vmem>> -> memref<1x128xi32, #tpu.memory_space<vmem>>
      %dma_wait3A_53 = tpu.memref_squeeze %dma_wait3A_52 : memref<1x128xi32, #tpu.memory_space<vmem>> -> memref<128xi32, #tpu.memory_space<vmem>>
      %dma_wait3A_54 = arith.constant 0 : i32
      %dma_wait3A_55 = arith.constant 0 : i32
      %dma_wait3A_56 = tpu.memref_slice %arg13[%dma_wait3A_54, %dma_wait3A_55] : memref<10016x128xf32, #tpu.memory_space<vmem_shared>> -> memref<10016x128xf32, #tpu.memory_space<vmem_shared>>
      %dma_wait3A_57 = tpu.memref_slice %arg12[%dma_wait3A_50] : memref<2x!tpu.dma_semaphore, #tpu.memory_space<semaphore_mem>> -> memref<1x!tpu.dma_semaphore, #tpu.memory_space<semaphore_mem>>
      %dma_wait3A_58 = tpu.memref_squeeze %dma_wait3A_57 : memref<1x!tpu.dma_semaphore, #tpu.memory_space<semaphore_mem>> -> memref<!tpu.dma_semaphore, #tpu.memory_space<semaphore_mem>>
      tpu.wait_indirect_dma semaphore(%dma_wait3A_58 : memref<!tpu.dma_semaphore, #tpu.memory_space<semaphore_mem>>) src(%arg11 : memref<128x128xf32, #tpu.memory_space<vmem>>) dst(%dma_wait3A_56 : memref<10016x128xf32, #tpu.memory_space<vmem_shared>>)
      %mul3A_59 = arith.constant 80 : i32
      %mul3A_60 = arith.muli %arg1, %mul3A_59 : i32
      %add3A_61 = arith.constant 40 : i32
      %add3A_62 = arith.addi %mul3A_60, %add3A_61 : i32
      "tpu.region"() ({
        %run_scoped3A = tpu.sem_alloc : memref<!tpu.dma_semaphore, #tpu.memory_space<semaphore_mem>>
        %dma_start3A = arith.constant 0 : i32
        %dma_start3A_94 = tpu.memref_slice %arg4[%add3A_62, %dma_start3A] : memref<1280x128xi32, #tpu.memory_space<hbm>> -> memref<40x128xi32, #tpu.memory_space<hbm>>
        %dma_start3A_95 = arith.constant 0 : i32
        %dma_start3A_96 = tpu.memref_slice %arg4[%add3A_62, %dma_start3A_95] : memref<1280x128xi32, #tpu.memory_space<hbm>> -> memref<40x128xi32, #tpu.memory_space<hbm>>
        tpu.enqueue_dma source(%dma_start3A_96 : memref<40x128xi32, #tpu.memory_space<hbm>>) target(%arg8 : memref<40x128xi32, #tpu.memory_space<vmem>>) target_semaphore(%run_scoped3A : memref<!tpu.dma_semaphore, #tpu.memory_space<semaphore_mem>>)
        %dma_wait3A_97 = arith.constant 0 : i32
        %dma_wait3A_98 = tpu.memref_slice %arg4[%add3A_62, %dma_wait3A_97] : memref<1280x128xi32, #tpu.memory_space<hbm>> -> memref<40x128xi32, #tpu.memory_space<hbm>>
        %dma_wait3A_99 = arith.constant 0 : i32
        %dma_wait3A_100 = tpu.memref_slice %arg4[%add3A_62, %dma_wait3A_99] : memref<1280x128xi32, #tpu.memory_space<hbm>> -> memref<40x128xi32, #tpu.memory_space<hbm>>
        tpu.wait_dma2 semaphore(%run_scoped3A : memref<!tpu.dma_semaphore, #tpu.memory_space<semaphore_mem>>) src(%dma_wait3A_100 : memref<40x128xi32, #tpu.memory_space<hbm>>) dst(%arg8 : memref<40x128xi32, #tpu.memory_space<vmem>>)
        tpu.yield
      }) : () -> ()
      %mul3A_63 = arith.constant 80 : i32
      %mul3A_64 = arith.muli %arg1, %mul3A_63 : i32
      %add3A_65 = arith.constant 40 : i32
      %add3A_66 = arith.addi %mul3A_64, %add3A_65 : i32
      "tpu.region"() ({
        %run_scoped3A = tpu.sem_alloc : memref<!tpu.dma_semaphore, #tpu.memory_space<semaphore_mem>>
        %dma_start3A = arith.constant 0 : i32
        %dma_start3A_94 = tpu.memref_slice %arg5[%add3A_66, %dma_start3A] : memref<1280x128xi32, #tpu.memory_space<hbm>> -> memref<40x128xi32, #tpu.memory_space<hbm>>
        %dma_start3A_95 = arith.constant 0 : i32
        %dma_start3A_96 = tpu.memref_slice %arg5[%add3A_66, %dma_start3A_95] : memref<1280x128xi32, #tpu.memory_space<hbm>> -> memref<40x128xi32, #tpu.memory_space<hbm>>
        tpu.enqueue_dma source(%dma_start3A_96 : memref<40x128xi32, #tpu.memory_space<hbm>>) target(%arg9 : memref<40x128xi32, #tpu.memory_space<vmem>>) target_semaphore(%run_scoped3A : memref<!tpu.dma_semaphore, #tpu.memory_space<semaphore_mem>>)
        %dma_wait3A_97 = arith.constant 0 : i32
        %dma_wait3A_98 = tpu.memref_slice %arg5[%add3A_66, %dma_wait3A_97] : memref<1280x128xi32, #tpu.memory_space<hbm>> -> memref<40x128xi32, #tpu.memory_space<hbm>>
        %dma_wait3A_99 = arith.constant 0 : i32
        %dma_wait3A_100 = tpu.memref_slice %arg5[%add3A_66, %dma_wait3A_99] : memref<1280x128xi32, #tpu.memory_space<hbm>> -> memref<40x128xi32, #tpu.memory_space<hbm>>
        tpu.wait_dma2 semaphore(%run_scoped3A : memref<!tpu.dma_semaphore, #tpu.memory_space<semaphore_mem>>) src(%dma_wait3A_100 : memref<40x128xi32, #tpu.memory_space<hbm>>) dst(%arg9 : memref<40x128xi32, #tpu.memory_space<vmem>>)
        tpu.yield
      }) : () -> ()
      %scan3A_67 = arith.constant 0 : i32
      %scan3A_68 = arith.constant 0 : i32
      %scan3A_69 = arith.constant 20 : i32
      %scan3A_70 = arith.addi %scan3A_68, %scan3A_69 : i32
      %scan3A_71 = arith.constant 1 : i32
      %scan3A_72 = scf.for %scan3A_94 = %scan3A_68 to %scan3A_70 step %scan3A_71 iter_args(%scan3A_95 = %scan3A_67) -> (i32)  : i32 {
        %mul3A_96 = arith.constant 2 : i32
        %mul3A_97 = arith.muli %mul3A_96, %scan3A_94 : i32
        %add3A_98 = arith.constant 0 : i32
        %add3A_99 = arith.addi %mul3A_97, %add3A_98 : i32
        %ge3A = arith.constant 2 : i32
        %ge3A_100 = arith.cmpi sge, %add3A_99, %ge3A : i32
        %convert_element_type3A_101 = arith.extui %ge3A_100 : i1 to i32
        %cond3A_102 = arith.constant 0 : i32
        %cond3A_103 = arith.cmpi ne, %convert_element_type3A_101, %cond3A_102 : i32
        scf.if %cond3A_103 {
          %dma_wait3A_131 = arith.constant 0 : i32
          %dma_wait3A_132 = arith.constant 0 : i32
          %dma_wait3A_133 = arith.constant 0 : i32
          %dma_wait3A_134 = tpu.memref_slice %arg9[%dma_wait3A_131, %dma_wait3A_133] : memref<40x128xi32, #tpu.memory_space<vmem>> -> memref<1x128xi32, #tpu.memory_space<vmem>>
          %dma_wait3A_135 = tpu.memref_squeeze %dma_wait3A_134 : memref<1x128xi32, #tpu.memory_space<vmem>> -> memref<128xi32, #tpu.memory_space<vmem>>
          %dma_wait3A_136 = arith.constant 0 : i32
          %dma_wait3A_137 = arith.constant 0 : i32
          %dma_wait3A_138 = tpu.memref_slice %arg13[%dma_wait3A_136, %dma_wait3A_137] : memref<10016x128xf32, #tpu.memory_space<vmem_shared>> -> memref<10016x128xf32, #tpu.memory_space<vmem_shared>>
          %dma_wait3A_139 = tpu.memref_slice %arg12[%dma_wait3A_132] : memref<2x!tpu.dma_semaphore, #tpu.memory_space<semaphore_mem>> -> memref<1x!tpu.dma_semaphore, #tpu.memory_space<semaphore_mem>>
          %dma_wait3A_140 = tpu.memref_squeeze %dma_wait3A_139 : memref<1x!tpu.dma_semaphore, #tpu.memory_space<semaphore_mem>> -> memref<!tpu.dma_semaphore, #tpu.memory_space<semaphore_mem>>
          tpu.wait_indirect_dma semaphore(%dma_wait3A_140 : memref<!tpu.dma_semaphore, #tpu.memory_space<semaphore_mem>>) src(%arg10 : memref<128x128xf32, #tpu.memory_space<vmem>>) dst(%dma_wait3A_138 : memref<10016x128xf32, #tpu.memory_space<vmem_shared>>)
        } else {
        }
        "tpu.region"() ({
          %run_scoped3A = tpu.sem_alloc : memref<!tpu.dma_semaphore, #tpu.memory_space<semaphore_mem>>
          %dma_start3A_131 = arith.constant 0 : i32
          %dma_start3A_132 = tpu.memref_slice %arg8[%add3A_99, %dma_start3A_131] : memref<40x128xi32, #tpu.memory_space<vmem>> -> memref<1x128xi32, #tpu.memory_space<vmem>>
          %dma_start3A_133 = tpu.memref_squeeze %dma_start3A_132 : memref<1x128xi32, #tpu.memory_space<vmem>> -> memref<128xi32, #tpu.memory_space<vmem>>
          %dma_start3A_134 = arith.constant 0 : i32
          %dma_start3A_135 = arith.constant 0 : i32
          %dma_start3A_136 = tpu.memref_slice %arg2[%dma_start3A_134, %dma_start3A_135] : memref<10000x128xf32, #tpu.memory_space<hbm>> -> memref<10000x128xf32, #tpu.memory_space<hbm>>
          tpu.enqueue_indirect_dma source(%dma_start3A_136 : memref<10000x128xf32, #tpu.memory_space<hbm>>) target(%arg10 : memref<128x128xf32, #tpu.memory_space<vmem>>) offsets(%dma_start3A_133 : memref<128xi32, #tpu.memory_space<vmem>>) semaphore(%run_scoped3A : memref<!tpu.dma_semaphore, #tpu.memory_space<semaphore_mem>>)
          %dma_wait3A_137 = arith.constant 0 : i32
          %dma_wait3A_138 = tpu.memref_slice %arg8[%add3A_99, %dma_wait3A_137] : memref<40x128xi32, #tpu.memory_space<vmem>> -> memref<1x128xi32, #tpu.memory_space<vmem>>
          %dma_wait3A_139 = tpu.memref_squeeze %dma_wait3A_138 : memref<1x128xi32, #tpu.memory_space<vmem>> -> memref<128xi32, #tpu.memory_space<vmem>>
          %dma_wait3A_140 = arith.constant 0 : i32
          %dma_wait3A_141 = arith.constant 0 : i32
          %dma_wait3A_142 = tpu.memref_slice %arg2[%dma_wait3A_140, %dma_wait3A_141] : memref<10000x128xf32, #tpu.memory_space<hbm>> -> memref<10000x128xf32, #tpu.memory_space<hbm>>
          tpu.wait_indirect_dma semaphore(%run_scoped3A : memref<!tpu.dma_semaphore, #tpu.memory_space<semaphore_mem>>) src(%dma_wait3A_142 : memref<10000x128xf32, #tpu.memory_space<hbm>>) dst(%arg10 : memref<128x128xf32, #tpu.memory_space<vmem>>)
          tpu.yield
        }) : () -> ()
        %dma_start3A = arith.constant 0 : i32
        %dma_start3A_104 = arith.constant 0 : i32
        %dma_start3A_105 = tpu.memref_slice %arg9[%add3A_99, %dma_start3A_104] : memref<40x128xi32, #tpu.memory_space<vmem>> -> memref<1x128xi32, #tpu.memory_space<vmem>>
        %dma_start3A_106 = tpu.memref_squeeze %dma_start3A_105 : memref<1x128xi32, #tpu.memory_space<vmem>> -> memref<128xi32, #tpu.memory_space<vmem>>
        %dma_start3A_107 = arith.constant 0 : i32
        %dma_start3A_108 = arith.constant 0 : i32
        %dma_start3A_109 = tpu.memref_slice %arg13[%dma_start3A_107, %dma_start3A_108] : memref<10016x128xf32, #tpu.memory_space<vmem_shared>> -> memref<10016x128xf32, #tpu.memory_space<vmem_shared>>
        %dma_start3A_110 = tpu.memref_slice %arg12[%dma_start3A] : memref<2x!tpu.dma_semaphore, #tpu.memory_space<semaphore_mem>> -> memref<1x!tpu.dma_semaphore, #tpu.memory_space<semaphore_mem>>
        %dma_start3A_111 = tpu.memref_squeeze %dma_start3A_110 : memref<1x!tpu.dma_semaphore, #tpu.memory_space<semaphore_mem>> -> memref<!tpu.dma_semaphore, #tpu.memory_space<semaphore_mem>>
        tpu.enqueue_indirect_dma source(%arg10 : memref<128x128xf32, #tpu.memory_space<vmem>>) target(%dma_start3A_109 : memref<10016x128xf32, #tpu.memory_space<vmem_shared>>) offsets(%dma_start3A_106 : memref<128xi32, #tpu.memory_space<vmem>>) semaphore(%dma_start3A_111 : memref<!tpu.dma_semaphore, #tpu.memory_space<semaphore_mem>>) {add = true}
        %mul3A_112 = arith.constant 2 : i32
        %mul3A_113 = arith.muli %mul3A_112, %scan3A_94 : i32
        %add3A_114 = arith.constant 1 : i32
        %add3A_115 = arith.addi %mul3A_113, %add3A_114 : i32
        %ge3A_116 = arith.constant 2 : i32
        %ge3A_117 = arith.cmpi sge, %add3A_115, %ge3A_116 : i32
        %convert_element_type3A_118 = arith.extui %ge3A_117 : i1 to i32
        %cond3A_119 = arith.constant 0 : i32
        %cond3A_120 = arith.cmpi ne, %convert_element_type3A_118, %cond3A_119 : i32
        scf.if %cond3A_120 {
          %dma_wait3A_131 = arith.constant 0 : i32
          %dma_wait3A_132 = arith.constant 1 : i32
          %dma_wait3A_133 = arith.constant 0 : i32
          %dma_wait3A_134 = tpu.memref_slice %arg9[%dma_wait3A_131, %dma_wait3A_133] : memref<40x128xi32, #tpu.memory_space<vmem>> -> memref<1x128xi32, #tpu.memory_space<vmem>>
          %dma_wait3A_135 = tpu.memref_squeeze %dma_wait3A_134 : memref<1x128xi32, #tpu.memory_space<vmem>> -> memref<128xi32, #tpu.memory_space<vmem>>
          %dma_wait3A_136 = arith.constant 0 : i32
          %dma_wait3A_137 = arith.constant 0 : i32
          %dma_wait3A_138 = tpu.memref_slice %arg13[%dma_wait3A_136, %dma_wait3A_137] : memref<10016x128xf32, #tpu.memory_space<vmem_shared>> -> memref<10016x128xf32, #tpu.memory_space<vmem_shared>>
          %dma_wait3A_139 = tpu.memref_slice %arg12[%dma_wait3A_132] : memref<2x!tpu.dma_semaphore, #tpu.memory_space<semaphore_mem>> -> memref<1x!tpu.dma_semaphore, #tpu.memory_space<semaphore_mem>>
          %dma_wait3A_140 = tpu.memref_squeeze %dma_wait3A_139 : memref<1x!tpu.dma_semaphore, #tpu.memory_space<semaphore_mem>> -> memref<!tpu.dma_semaphore, #tpu.memory_space<semaphore_mem>>
          tpu.wait_indirect_dma semaphore(%dma_wait3A_140 : memref<!tpu.dma_semaphore, #tpu.memory_space<semaphore_mem>>) src(%arg11 : memref<128x128xf32, #tpu.memory_space<vmem>>) dst(%dma_wait3A_138 : memref<10016x128xf32, #tpu.memory_space<vmem_shared>>)
        } else {
        }
        "tpu.region"() ({
          %run_scoped3A = tpu.sem_alloc : memref<!tpu.dma_semaphore, #tpu.memory_space<semaphore_mem>>
          %dma_start3A_131 = arith.constant 0 : i32
          %dma_start3A_132 = tpu.memref_slice %arg8[%add3A_115, %dma_start3A_131] : memref<40x128xi32, #tpu.memory_space<vmem>> -> memref<1x128xi32, #tpu.memory_space<vmem>>
          %dma_start3A_133 = tpu.memref_squeeze %dma_start3A_132 : memref<1x128xi32, #tpu.memory_space<vmem>> -> memref<128xi32, #tpu.memory_space<vmem>>
          %dma_start3A_134 = arith.constant 0 : i32
          %dma_start3A_135 = arith.constant 0 : i32
          %dma_start3A_136 = tpu.memref_slice %arg2[%dma_start3A_134, %dma_start3A_135] : memref<10000x128xf32, #tpu.memory_space<hbm>> -> memref<10000x128xf32, #tpu.memory_space<hbm>>
          tpu.enqueue_indirect_dma source(%dma_start3A_136 : memref<10000x128xf32, #tpu.memory_space<hbm>>) target(%arg11 : memref<128x128xf32, #tpu.memory_space<vmem>>) offsets(%dma_start3A_133 : memref<128xi32, #tpu.memory_space<vmem>>) semaphore(%run_scoped3A : memref<!tpu.dma_semaphore, #tpu.memory_space<semaphore_mem>>)
          %dma_wait3A_137 = arith.constant 0 : i32
          %dma_wait3A_138 = tpu.memref_slice %arg8[%add3A_115, %dma_wait3A_137] : memref<40x128xi32, #tpu.memory_space<vmem>> -> memref<1x128xi32, #tpu.memory_space<vmem>>
          %dma_wait3A_139 = tpu.memref_squeeze %dma_wait3A_138 : memref<1x128xi32, #tpu.memory_space<vmem>> -> memref<128xi32, #tpu.memory_space<vmem>>
          %dma_wait3A_140 = arith.constant 0 : i32
          %dma_wait3A_141 = arith.constant 0 : i32
          %dma_wait3A_142 = tpu.memref_slice %arg2[%dma_wait3A_140, %dma_wait3A_141] : memref<10000x128xf32, #tpu.memory_space<hbm>> -> memref<10000x128xf32, #tpu.memory_space<hbm>>
          tpu.wait_indirect_dma semaphore(%run_scoped3A : memref<!tpu.dma_semaphore, #tpu.memory_space<semaphore_mem>>) src(%dma_wait3A_142 : memref<10000x128xf32, #tpu.memory_space<hbm>>) dst(%arg11 : memref<128x128xf32, #tpu.memory_space<vmem>>)
          tpu.yield
        }) : () -> ()
        %dma_start3A_121 = arith.constant 1 : i32
        %dma_start3A_122 = arith.constant 0 : i32
        %dma_start3A_123 = tpu.memref_slice %arg9[%add3A_115, %dma_start3A_122] : memref<40x128xi32, #tpu.memory_space<vmem>> -> memref<1x128xi32, #tpu.memory_space<vmem>>
        %dma_start3A_124 = tpu.memref_squeeze %dma_start3A_123 : memref<1x128xi32, #tpu.memory_space<vmem>> -> memref<128xi32, #tpu.memory_space<vmem>>
        %dma_start3A_125 = arith.constant 0 : i32
        %dma_start3A_126 = arith.constant 0 : i32
        %dma_start3A_127 = tpu.memref_slice %arg13[%dma_start3A_125, %dma_start3A_126] : memref<10016x128xf32, #tpu.memory_space<vmem_shared>> -> memref<10016x128xf32, #tpu.memory_space<vmem_shared>>
        %dma_start3A_128 = tpu.memref_slice %arg12[%dma_start3A_121] : memref<2x!tpu.dma_semaphore, #tpu.memory_space<semaphore_mem>> -> memref<1x!tpu.dma_semaphore, #tpu.memory_space<semaphore_mem>>
        %dma_start3A_129 = tpu.memref_squeeze %dma_start3A_128 : memref<1x!tpu.dma_semaphore, #tpu.memory_space<semaphore_mem>> -> memref<!tpu.dma_semaphore, #tpu.memory_space<semaphore_mem>>
        tpu.enqueue_indirect_dma source(%arg11 : memref<128x128xf32, #tpu.memory_space<vmem>>) target(%dma_start3A_127 : memref<10016x128xf32, #tpu.memory_space<vmem_shared>>) offsets(%dma_start3A_124 : memref<128xi32, #tpu.memory_space<vmem>>) semaphore(%dma_start3A_129 : memref<!tpu.dma_semaphore, #tpu.memory_space<semaphore_mem>>) {add = true}
        %scan3A_130 = arith.constant 0 : i32
        scf.yield %scan3A_130 : i32
      }
      %scan3A_73 = arith.constant 20 : i32
      %dma_wait3A_74 = arith.constant 0 : i32
      %dma_wait3A_75 = arith.constant 0 : i32
      %dma_wait3A_76 = arith.constant 0 : i32
      %dma_wait3A_77 = tpu.memref_slice %arg9[%dma_wait3A_74, %dma_wait3A_76] : memref<40x128xi32, #tpu.memory_space<vmem>> -> memref<1x128xi32, #tpu.memory_space<vmem>>
      %dma_wait3A_78 = tpu.memref_squeeze %dma_wait3A_77 : memref<1x128xi32, #tpu.memory_space<vmem>> -> memref<128xi32, #tpu.memory_space<vmem>>
      %dma_wait3A_79 = arith.constant 0 : i32
      %dma_wait3A_80 = arith.constant 0 : i32
      %dma_wait3A_81 = tpu.memref_slice %arg13[%dma_wait3A_79, %dma_wait3A_80] : memref<10016x128xf32, #tpu.memory_space<vmem_shared>> -> memref<10016x128xf32, #tpu.memory_space<vmem_shared>>
      %dma_wait3A_82 = tpu.memref_slice %arg12[%dma_wait3A_75] : memref<2x!tpu.dma_semaphore, #tpu.memory_space<semaphore_mem>> -> memref<1x!tpu.dma_semaphore, #tpu.memory_space<semaphore_mem>>
      %dma_wait3A_83 = tpu.memref_squeeze %dma_wait3A_82 : memref<1x!tpu.dma_semaphore, #tpu.memory_space<semaphore_mem>> -> memref<!tpu.dma_semaphore, #tpu.memory_space<semaphore_mem>>
      tpu.wait_indirect_dma semaphore(%dma_wait3A_83 : memref<!tpu.dma_semaphore, #tpu.memory_space<semaphore_mem>>) src(%arg10 : memref<128x128xf32, #tpu.memory_space<vmem>>) dst(%dma_wait3A_81 : memref<10016x128xf32, #tpu.memory_space<vmem_shared>>)
      %dma_wait3A_84 = arith.constant 0 : i32
      %dma_wait3A_85 = arith.constant 1 : i32
      %dma_wait3A_86 = arith.constant 0 : i32
      %dma_wait3A_87 = tpu.memref_slice %arg9[%dma_wait3A_84, %dma_wait3A_86] : memref<40x128xi32, #tpu.memory_space<vmem>> -> memref<1x128xi32, #tpu.memory_space<vmem>>
      %dma_wait3A_88 = tpu.memref_squeeze %dma_wait3A_87 : memref<1x128xi32, #tpu.memory_space<vmem>> -> memref<128xi32, #tpu.memory_space<vmem>>
      %dma_wait3A_89 = arith.constant 0 : i32
      %dma_wait3A_90 = arith.constant 0 : i32
      %dma_wait3A_91 = tpu.memref_slice %arg13[%dma_wait3A_89, %dma_wait3A_90] : memref<10016x128xf32, #tpu.memory_space<vmem_shared>> -> memref<10016x128xf32, #tpu.memory_space<vmem_shared>>
      %dma_wait3A_92 = tpu.memref_slice %arg12[%dma_wait3A_85] : memref<2x!tpu.dma_semaphore, #tpu.memory_space<semaphore_mem>> -> memref<1x!tpu.dma_semaphore, #tpu.memory_space<semaphore_mem>>
      %dma_wait3A_93 = tpu.memref_squeeze %dma_wait3A_92 : memref<1x!tpu.dma_semaphore, #tpu.memory_space<semaphore_mem>> -> memref<!tpu.dma_semaphore, #tpu.memory_space<semaphore_mem>>
      tpu.wait_indirect_dma semaphore(%dma_wait3A_93 : memref<!tpu.dma_semaphore, #tpu.memory_space<semaphore_mem>>) src(%arg11 : memref<128x128xf32, #tpu.memory_space<vmem>>) dst(%dma_wait3A_91 : memref<10016x128xf32, #tpu.memory_space<vmem_shared>>)
    } else {
    }
    %eq3A_12 = arith.constant 1 : i32
    %eq3A_13 = arith.cmpi eq, %arg0, %eq3A_12 : i32
    %convert_element_type3A_14 = arith.extui %eq3A_13 : i1 to i32
    %cond3A_15 = arith.constant 0 : i32
    %cond3A_16 = arith.cmpi ne, %convert_element_type3A_14, %cond3A_15 : i32
    scf.if %cond3A_16 {
      %mul3A = arith.constant 80 : i32
      %mul3A_28 = arith.muli %arg1, %mul3A : i32
      %add3A = arith.constant 0 : i32
      %add3A_29 = arith.addi %mul3A_28, %add3A : i32
      "tpu.region"() ({
        %run_scoped3A = tpu.sem_alloc : memref<!tpu.dma_semaphore, #tpu.memory_space<semaphore_mem>>
        %dma_start3A = arith.constant 0 : i32
        %dma_start3A_94 = tpu.memref_slice %arg4[%add3A_29, %dma_start3A] : memref<1280x128xi32, #tpu.memory_space<hbm>> -> memref<40x128xi32, #tpu.memory_space<hbm>>
        %dma_start3A_95 = arith.constant 0 : i32
        %dma_start3A_96 = tpu.memref_slice %arg4[%add3A_29, %dma_start3A_95] : memref<1280x128xi32, #tpu.memory_space<hbm>> -> memref<40x128xi32, #tpu.memory_space<hbm>>
        tpu.enqueue_dma source(%dma_start3A_96 : memref<40x128xi32, #tpu.memory_space<hbm>>) target(%arg8 : memref<40x128xi32, #tpu.memory_space<vmem>>) target_semaphore(%run_scoped3A : memref<!tpu.dma_semaphore, #tpu.memory_space<semaphore_mem>>)
        %dma_wait3A_97 = arith.constant 0 : i32
        %dma_wait3A_98 = tpu.memref_slice %arg4[%add3A_29, %dma_wait3A_97] : memref<1280x128xi32, #tpu.memory_space<hbm>> -> memref<40x128xi32, #tpu.memory_space<hbm>>
        %dma_wait3A_99 = arith.constant 0 : i32
        %dma_wait3A_100 = tpu.memref_slice %arg4[%add3A_29, %dma_wait3A_99] : memref<1280x128xi32, #tpu.memory_space<hbm>> -> memref<40x128xi32, #tpu.memory_space<hbm>>
        tpu.wait_dma2 semaphore(%run_scoped3A : memref<!tpu.dma_semaphore, #tpu.memory_space<semaphore_mem>>) src(%dma_wait3A_100 : memref<40x128xi32, #tpu.memory_space<hbm>>) dst(%arg8 : memref<40x128xi32, #tpu.memory_space<vmem>>)
        tpu.yield
      }) : () -> ()
      %mul3A_30 = arith.constant 80 : i32
      %mul3A_31 = arith.muli %arg1, %mul3A_30 : i32
      %add3A_32 = arith.constant 0 : i32
      %add3A_33 = arith.addi %mul3A_31, %add3A_32 : i32
      "tpu.region"() ({
        %run_scoped3A = tpu.sem_alloc : memref<!tpu.dma_semaphore, #tpu.memory_space<semaphore_mem>>
        %dma_start3A = arith.constant 0 : i32
        %dma_start3A_94 = tpu.memref_slice %arg5[%add3A_33, %dma_start3A] : memref<1280x128xi32, #tpu.memory_space<hbm>> -> memref<40x128xi32, #tpu.memory_space<hbm>>
        %dma_start3A_95 = arith.constant 0 : i32
        %dma_start3A_96 = tpu.memref_slice %arg5[%add3A_33, %dma_start3A_95] : memref<1280x128xi32, #tpu.memory_space<hbm>> -> memref<40x128xi32, #tpu.memory_space<hbm>>
        tpu.enqueue_dma source(%dma_start3A_96 : memref<40x128xi32, #tpu.memory_space<hbm>>) target(%arg9 : memref<40x128xi32, #tpu.memory_space<vmem>>) target_semaphore(%run_scoped3A : memref<!tpu.dma_semaphore, #tpu.memory_space<semaphore_mem>>)
        %dma_wait3A_97 = arith.constant 0 : i32
        %dma_wait3A_98 = tpu.memref_slice %arg5[%add3A_33, %dma_wait3A_97] : memref<1280x128xi32, #tpu.memory_space<hbm>> -> memref<40x128xi32, #tpu.memory_space<hbm>>
        %dma_wait3A_99 = arith.constant 0 : i32
        %dma_wait3A_100 = tpu.memref_slice %arg5[%add3A_33, %dma_wait3A_99] : memref<1280x128xi32, #tpu.memory_space<hbm>> -> memref<40x128xi32, #tpu.memory_space<hbm>>
        tpu.wait_dma2 semaphore(%run_scoped3A : memref<!tpu.dma_semaphore, #tpu.memory_space<semaphore_mem>>) src(%dma_wait3A_100 : memref<40x128xi32, #tpu.memory_space<hbm>>) dst(%arg9 : memref<40x128xi32, #tpu.memory_space<vmem>>)
        tpu.yield
      }) : () -> ()
      %scan3A = arith.constant 0 : i32
      %scan3A_34 = arith.constant 0 : i32
      %scan3A_35 = arith.constant 20 : i32
      %scan3A_36 = arith.addi %scan3A_34, %scan3A_35 : i32
      %scan3A_37 = arith.constant 1 : i32
      %scan3A_38 = scf.for %scan3A_94 = %scan3A_34 to %scan3A_36 step %scan3A_37 iter_args(%scan3A_95 = %scan3A) -> (i32)  : i32 {
        %mul3A_96 = arith.constant 2 : i32
        %mul3A_97 = arith.muli %mul3A_96, %scan3A_94 : i32
        %add3A_98 = arith.constant 0 : i32
        %add3A_99 = arith.addi %mul3A_97, %add3A_98 : i32
        %ge3A = arith.constant 2 : i32
        %ge3A_100 = arith.cmpi sge, %add3A_99, %ge3A : i32
        %convert_element_type3A_101 = arith.extui %ge3A_100 : i1 to i32
        %cond3A_102 = arith.constant 0 : i32
        %cond3A_103 = arith.cmpi ne, %convert_element_type3A_101, %cond3A_102 : i32
        scf.if %cond3A_103 {
          %dma_wait3A_131 = arith.constant 0 : i32
          %dma_wait3A_132 = arith.constant 0 : i32
          %dma_wait3A_133 = arith.constant 0 : i32
          %dma_wait3A_134 = tpu.memref_slice %arg9[%dma_wait3A_131, %dma_wait3A_133] : memref<40x128xi32, #tpu.memory_space<vmem>> -> memref<1x128xi32, #tpu.memory_space<vmem>>
          %dma_wait3A_135 = tpu.memref_squeeze %dma_wait3A_134 : memref<1x128xi32, #tpu.memory_space<vmem>> -> memref<128xi32, #tpu.memory_space<vmem>>
          %dma_wait3A_136 = arith.constant 0 : i32
          %dma_wait3A_137 = arith.constant 0 : i32
          %dma_wait3A_138 = tpu.memref_slice %arg13[%dma_wait3A_136, %dma_wait3A_137] : memref<10016x128xf32, #tpu.memory_space<vmem_shared>> -> memref<10016x128xf32, #tpu.memory_space<vmem_shared>>
          %dma_wait3A_139 = tpu.memref_slice %arg12[%dma_wait3A_132] : memref<2x!tpu.dma_semaphore, #tpu.memory_space<semaphore_mem>> -> memref<1x!tpu.dma_semaphore, #tpu.memory_space<semaphore_mem>>
          %dma_wait3A_140 = tpu.memref_squeeze %dma_wait3A_139 : memref<1x!tpu.dma_semaphore, #tpu.memory_space<semaphore_mem>> -> memref<!tpu.dma_semaphore, #tpu.memory_space<semaphore_mem>>
          tpu.wait_indirect_dma semaphore(%dma_wait3A_140 : memref<!tpu.dma_semaphore, #tpu.memory_space<semaphore_mem>>) src(%arg10 : memref<128x128xf32, #tpu.memory_space<vmem>>) dst(%dma_wait3A_138 : memref<10016x128xf32, #tpu.memory_space<vmem_shared>>)
        } else {
        }
        "tpu.region"() ({
          %run_scoped3A = tpu.sem_alloc : memref<!tpu.dma_semaphore, #tpu.memory_space<semaphore_mem>>
          %dma_start3A_131 = arith.constant 0 : i32
          %dma_start3A_132 = tpu.memref_slice %arg8[%add3A_99, %dma_start3A_131] : memref<40x128xi32, #tpu.memory_space<vmem>> -> memref<1x128xi32, #tpu.memory_space<vmem>>
          %dma_start3A_133 = tpu.memref_squeeze %dma_start3A_132 : memref<1x128xi32, #tpu.memory_space<vmem>> -> memref<128xi32, #tpu.memory_space<vmem>>
          %dma_start3A_134 = arith.constant 0 : i32
          %dma_start3A_135 = arith.constant 0 : i32
          %dma_start3A_136 = tpu.memref_slice %arg3[%dma_start3A_134, %dma_start3A_135] : memref<10000x128xf32, #tpu.memory_space<hbm>> -> memref<10000x128xf32, #tpu.memory_space<hbm>>
          tpu.enqueue_indirect_dma source(%dma_start3A_136 : memref<10000x128xf32, #tpu.memory_space<hbm>>) target(%arg10 : memref<128x128xf32, #tpu.memory_space<vmem>>) offsets(%dma_start3A_133 : memref<128xi32, #tpu.memory_space<vmem>>) semaphore(%run_scoped3A : memref<!tpu.dma_semaphore, #tpu.memory_space<semaphore_mem>>)
          %dma_wait3A_137 = arith.constant 0 : i32
          %dma_wait3A_138 = tpu.memref_slice %arg8[%add3A_99, %dma_wait3A_137] : memref<40x128xi32, #tpu.memory_space<vmem>> -> memref<1x128xi32, #tpu.memory_space<vmem>>
          %dma_wait3A_139 = tpu.memref_squeeze %dma_wait3A_138 : memref<1x128xi32, #tpu.memory_space<vmem>> -> memref<128xi32, #tpu.memory_space<vmem>>
          %dma_wait3A_140 = arith.constant 0 : i32
          %dma_wait3A_141 = arith.constant 0 : i32
          %dma_wait3A_142 = tpu.memref_slice %arg3[%dma_wait3A_140, %dma_wait3A_141] : memref<10000x128xf32, #tpu.memory_space<hbm>> -> memref<10000x128xf32, #tpu.memory_space<hbm>>
          tpu.wait_indirect_dma semaphore(%run_scoped3A : memref<!tpu.dma_semaphore, #tpu.memory_space<semaphore_mem>>) src(%dma_wait3A_142 : memref<10000x128xf32, #tpu.memory_space<hbm>>) dst(%arg10 : memref<128x128xf32, #tpu.memory_space<vmem>>)
          tpu.yield
        }) : () -> ()
        %dma_start3A = arith.constant 0 : i32
        %dma_start3A_104 = arith.constant 0 : i32
        %dma_start3A_105 = tpu.memref_slice %arg9[%add3A_99, %dma_start3A_104] : memref<40x128xi32, #tpu.memory_space<vmem>> -> memref<1x128xi32, #tpu.memory_space<vmem>>
        %dma_start3A_106 = tpu.memref_squeeze %dma_start3A_105 : memref<1x128xi32, #tpu.memory_space<vmem>> -> memref<128xi32, #tpu.memory_space<vmem>>
        %dma_start3A_107 = arith.constant 0 : i32
        %dma_start3A_108 = arith.constant 0 : i32
        %dma_start3A_109 = tpu.memref_slice %arg13[%dma_start3A_107, %dma_start3A_108] : memref<10016x128xf32, #tpu.memory_space<vmem_shared>> -> memref<10016x128xf32, #tpu.memory_space<vmem_shared>>
        %dma_start3A_110 = tpu.memref_slice %arg12[%dma_start3A] : memref<2x!tpu.dma_semaphore, #tpu.memory_space<semaphore_mem>> -> memref<1x!tpu.dma_semaphore, #tpu.memory_space<semaphore_mem>>
        %dma_start3A_111 = tpu.memref_squeeze %dma_start3A_110 : memref<1x!tpu.dma_semaphore, #tpu.memory_space<semaphore_mem>> -> memref<!tpu.dma_semaphore, #tpu.memory_space<semaphore_mem>>
        tpu.enqueue_indirect_dma source(%arg10 : memref<128x128xf32, #tpu.memory_space<vmem>>) target(%dma_start3A_109 : memref<10016x128xf32, #tpu.memory_space<vmem_shared>>) offsets(%dma_start3A_106 : memref<128xi32, #tpu.memory_space<vmem>>) semaphore(%dma_start3A_111 : memref<!tpu.dma_semaphore, #tpu.memory_space<semaphore_mem>>) {add = true}
        %mul3A_112 = arith.constant 2 : i32
        %mul3A_113 = arith.muli %mul3A_112, %scan3A_94 : i32
        %add3A_114 = arith.constant 1 : i32
        %add3A_115 = arith.addi %mul3A_113, %add3A_114 : i32
        %ge3A_116 = arith.constant 2 : i32
        %ge3A_117 = arith.cmpi sge, %add3A_115, %ge3A_116 : i32
        %convert_element_type3A_118 = arith.extui %ge3A_117 : i1 to i32
        %cond3A_119 = arith.constant 0 : i32
        %cond3A_120 = arith.cmpi ne, %convert_element_type3A_118, %cond3A_119 : i32
        scf.if %cond3A_120 {
          %dma_wait3A_131 = arith.constant 0 : i32
          %dma_wait3A_132 = arith.constant 1 : i32
          %dma_wait3A_133 = arith.constant 0 : i32
          %dma_wait3A_134 = tpu.memref_slice %arg9[%dma_wait3A_131, %dma_wait3A_133] : memref<40x128xi32, #tpu.memory_space<vmem>> -> memref<1x128xi32, #tpu.memory_space<vmem>>
          %dma_wait3A_135 = tpu.memref_squeeze %dma_wait3A_134 : memref<1x128xi32, #tpu.memory_space<vmem>> -> memref<128xi32, #tpu.memory_space<vmem>>
          %dma_wait3A_136 = arith.constant 0 : i32
          %dma_wait3A_137 = arith.constant 0 : i32
          %dma_wait3A_138 = tpu.memref_slice %arg13[%dma_wait3A_136, %dma_wait3A_137] : memref<10016x128xf32, #tpu.memory_space<vmem_shared>> -> memref<10016x128xf32, #tpu.memory_space<vmem_shared>>
          %dma_wait3A_139 = tpu.memref_slice %arg12[%dma_wait3A_132] : memref<2x!tpu.dma_semaphore, #tpu.memory_space<semaphore_mem>> -> memref<1x!tpu.dma_semaphore, #tpu.memory_space<semaphore_mem>>
          %dma_wait3A_140 = tpu.memref_squeeze %dma_wait3A_139 : memref<1x!tpu.dma_semaphore, #tpu.memory_space<semaphore_mem>> -> memref<!tpu.dma_semaphore, #tpu.memory_space<semaphore_mem>>
          tpu.wait_indirect_dma semaphore(%dma_wait3A_140 : memref<!tpu.dma_semaphore, #tpu.memory_space<semaphore_mem>>) src(%arg11 : memref<128x128xf32, #tpu.memory_space<vmem>>) dst(%dma_wait3A_138 : memref<10016x128xf32, #tpu.memory_space<vmem_shared>>)
        } else {
        }
        "tpu.region"() ({
          %run_scoped3A = tpu.sem_alloc : memref<!tpu.dma_semaphore, #tpu.memory_space<semaphore_mem>>
          %dma_start3A_131 = arith.constant 0 : i32
          %dma_start3A_132 = tpu.memref_slice %arg8[%add3A_115, %dma_start3A_131] : memref<40x128xi32, #tpu.memory_space<vmem>> -> memref<1x128xi32, #tpu.memory_space<vmem>>
          %dma_start3A_133 = tpu.memref_squeeze %dma_start3A_132 : memref<1x128xi32, #tpu.memory_space<vmem>> -> memref<128xi32, #tpu.memory_space<vmem>>
          %dma_start3A_134 = arith.constant 0 : i32
          %dma_start3A_135 = arith.constant 0 : i32
          %dma_start3A_136 = tpu.memref_slice %arg3[%dma_start3A_134, %dma_start3A_135] : memref<10000x128xf32, #tpu.memory_space<hbm>> -> memref<10000x128xf32, #tpu.memory_space<hbm>>
          tpu.enqueue_indirect_dma source(%dma_start3A_136 : memref<10000x128xf32, #tpu.memory_space<hbm>>) target(%arg11 : memref<128x128xf32, #tpu.memory_space<vmem>>) offsets(%dma_start3A_133 : memref<128xi32, #tpu.memory_space<vmem>>) semaphore(%run_scoped3A : memref<!tpu.dma_semaphore, #tpu.memory_space<semaphore_mem>>)
          %dma_wait3A_137 = arith.constant 0 : i32
          %dma_wait3A_138 = tpu.memref_slice %arg8[%add3A_115, %dma_wait3A_137] : memref<40x128xi32, #tpu.memory_space<vmem>> -> memref<1x128xi32, #tpu.memory_space<vmem>>
          %dma_wait3A_139 = tpu.memref_squeeze %dma_wait3A_138 : memref<1x128xi32, #tpu.memory_space<vmem>> -> memref<128xi32, #tpu.memory_space<vmem>>
          %dma_wait3A_140 = arith.constant 0 : i32
          %dma_wait3A_141 = arith.constant 0 : i32
          %dma_wait3A_142 = tpu.memref_slice %arg3[%dma_wait3A_140, %dma_wait3A_141] : memref<10000x128xf32, #tpu.memory_space<hbm>> -> memref<10000x128xf32, #tpu.memory_space<hbm>>
          tpu.wait_indirect_dma semaphore(%run_scoped3A : memref<!tpu.dma_semaphore, #tpu.memory_space<semaphore_mem>>) src(%dma_wait3A_142 : memref<10000x128xf32, #tpu.memory_space<hbm>>) dst(%arg11 : memref<128x128xf32, #tpu.memory_space<vmem>>)
          tpu.yield
        }) : () -> ()
        %dma_start3A_121 = arith.constant 1 : i32
        %dma_start3A_122 = arith.constant 0 : i32
        %dma_start3A_123 = tpu.memref_slice %arg9[%add3A_115, %dma_start3A_122] : memref<40x128xi32, #tpu.memory_space<vmem>> -> memref<1x128xi32, #tpu.memory_space<vmem>>
        %dma_start3A_124 = tpu.memref_squeeze %dma_start3A_123 : memref<1x128xi32, #tpu.memory_space<vmem>> -> memref<128xi32, #tpu.memory_space<vmem>>
        %dma_start3A_125 = arith.constant 0 : i32
        %dma_start3A_126 = arith.constant 0 : i32
        %dma_start3A_127 = tpu.memref_slice %arg13[%dma_start3A_125, %dma_start3A_126] : memref<10016x128xf32, #tpu.memory_space<vmem_shared>> -> memref<10016x128xf32, #tpu.memory_space<vmem_shared>>
        %dma_start3A_128 = tpu.memref_slice %arg12[%dma_start3A_121] : memref<2x!tpu.dma_semaphore, #tpu.memory_space<semaphore_mem>> -> memref<1x!tpu.dma_semaphore, #tpu.memory_space<semaphore_mem>>
        %dma_start3A_129 = tpu.memref_squeeze %dma_start3A_128 : memref<1x!tpu.dma_semaphore, #tpu.memory_space<semaphore_mem>> -> memref<!tpu.dma_semaphore, #tpu.memory_space<semaphore_mem>>
        tpu.enqueue_indirect_dma source(%arg11 : memref<128x128xf32, #tpu.memory_space<vmem>>) target(%dma_start3A_127 : memref<10016x128xf32, #tpu.memory_space<vmem_shared>>) offsets(%dma_start3A_124 : memref<128xi32, #tpu.memory_space<vmem>>) semaphore(%dma_start3A_129 : memref<!tpu.dma_semaphore, #tpu.memory_space<semaphore_mem>>) {add = true}
        %scan3A_130 = arith.constant 0 : i32
        scf.yield %scan3A_130 : i32
      }
      %scan3A_39 = arith.constant 20 : i32
      %dma_wait3A = arith.constant 0 : i32
      %dma_wait3A_40 = arith.constant 0 : i32
      %dma_wait3A_41 = arith.constant 0 : i32
      %dma_wait3A_42 = tpu.memref_slice %arg9[%dma_wait3A, %dma_wait3A_41] : memref<40x128xi32, #tpu.memory_space<vmem>> -> memref<1x128xi32, #tpu.memory_space<vmem>>
      %dma_wait3A_43 = tpu.memref_squeeze %dma_wait3A_42 : memref<1x128xi32, #tpu.memory_space<vmem>> -> memref<128xi32, #tpu.memory_space<vmem>>
      %dma_wait3A_44 = arith.constant 0 : i32
      %dma_wait3A_45 = arith.constant 0 : i32
      %dma_wait3A_46 = tpu.memref_slice %arg13[%dma_wait3A_44, %dma_wait3A_45] : memref<10016x128xf32, #tpu.memory_space<vmem_shared>> -> memref<10016x128xf32, #tpu.memory_space<vmem_shared>>
      %dma_wait3A_47 = tpu.memref_slice %arg12[%dma_wait3A_40] : memref<2x!tpu.dma_semaphore, #tpu.memory_space<semaphore_mem>> -> memref<1x!tpu.dma_semaphore, #tpu.memory_space<semaphore_mem>>
      %dma_wait3A_48 = tpu.memref_squeeze %dma_wait3A_47 : memref<1x!tpu.dma_semaphore, #tpu.memory_space<semaphore_mem>> -> memref<!tpu.dma_semaphore, #tpu.memory_space<semaphore_mem>>
      tpu.wait_indirect_dma semaphore(%dma_wait3A_48 : memref<!tpu.dma_semaphore, #tpu.memory_space<semaphore_mem>>) src(%arg10 : memref<128x128xf32, #tpu.memory_space<vmem>>) dst(%dma_wait3A_46 : memref<10016x128xf32, #tpu.memory_space<vmem_shared>>)
      %dma_wait3A_49 = arith.constant 0 : i32
      %dma_wait3A_50 = arith.constant 1 : i32
      %dma_wait3A_51 = arith.constant 0 : i32
      %dma_wait3A_52 = tpu.memref_slice %arg9[%dma_wait3A_49, %dma_wait3A_51] : memref<40x128xi32, #tpu.memory_space<vmem>> -> memref<1x128xi32, #tpu.memory_space<vmem>>
      %dma_wait3A_53 = tpu.memref_squeeze %dma_wait3A_52 : memref<1x128xi32, #tpu.memory_space<vmem>> -> memref<128xi32, #tpu.memory_space<vmem>>
      %dma_wait3A_54 = arith.constant 0 : i32
      %dma_wait3A_55 = arith.constant 0 : i32
      %dma_wait3A_56 = tpu.memref_slice %arg13[%dma_wait3A_54, %dma_wait3A_55] : memref<10016x128xf32, #tpu.memory_space<vmem_shared>> -> memref<10016x128xf32, #tpu.memory_space<vmem_shared>>
      %dma_wait3A_57 = tpu.memref_slice %arg12[%dma_wait3A_50] : memref<2x!tpu.dma_semaphore, #tpu.memory_space<semaphore_mem>> -> memref<1x!tpu.dma_semaphore, #tpu.memory_space<semaphore_mem>>
      %dma_wait3A_58 = tpu.memref_squeeze %dma_wait3A_57 : memref<1x!tpu.dma_semaphore, #tpu.memory_space<semaphore_mem>> -> memref<!tpu.dma_semaphore, #tpu.memory_space<semaphore_mem>>
      tpu.wait_indirect_dma semaphore(%dma_wait3A_58 : memref<!tpu.dma_semaphore, #tpu.memory_space<semaphore_mem>>) src(%arg11 : memref<128x128xf32, #tpu.memory_space<vmem>>) dst(%dma_wait3A_56 : memref<10016x128xf32, #tpu.memory_space<vmem_shared>>)
      %mul3A_59 = arith.constant 80 : i32
      %mul3A_60 = arith.muli %arg1, %mul3A_59 : i32
      %add3A_61 = arith.constant 40 : i32
      %add3A_62 = arith.addi %mul3A_60, %add3A_61 : i32
      "tpu.region"() ({
        %run_scoped3A = tpu.sem_alloc : memref<!tpu.dma_semaphore, #tpu.memory_space<semaphore_mem>>
        %dma_start3A = arith.constant 0 : i32
        %dma_start3A_94 = tpu.memref_slice %arg4[%add3A_62, %dma_start3A] : memref<1280x128xi32, #tpu.memory_space<hbm>> -> memref<40x128xi32, #tpu.memory_space<hbm>>
        %dma_start3A_95 = arith.constant 0 : i32
        %dma_start3A_96 = tpu.memref_slice %arg4[%add3A_62, %dma_start3A_95] : memref<1280x128xi32, #tpu.memory_space<hbm>> -> memref<40x128xi32, #tpu.memory_space<hbm>>
        tpu.enqueue_dma source(%dma_start3A_96 : memref<40x128xi32, #tpu.memory_space<hbm>>) target(%arg8 : memref<40x128xi32, #tpu.memory_space<vmem>>) target_semaphore(%run_scoped3A : memref<!tpu.dma_semaphore, #tpu.memory_space<semaphore_mem>>)
        %dma_wait3A_97 = arith.constant 0 : i32
        %dma_wait3A_98 = tpu.memref_slice %arg4[%add3A_62, %dma_wait3A_97] : memref<1280x128xi32, #tpu.memory_space<hbm>> -> memref<40x128xi32, #tpu.memory_space<hbm>>
        %dma_wait3A_99 = arith.constant 0 : i32
        %dma_wait3A_100 = tpu.memref_slice %arg4[%add3A_62, %dma_wait3A_99] : memref<1280x128xi32, #tpu.memory_space<hbm>> -> memref<40x128xi32, #tpu.memory_space<hbm>>
        tpu.wait_dma2 semaphore(%run_scoped3A : memref<!tpu.dma_semaphore, #tpu.memory_space<semaphore_mem>>) src(%dma_wait3A_100 : memref<40x128xi32, #tpu.memory_space<hbm>>) dst(%arg8 : memref<40x128xi32, #tpu.memory_space<vmem>>)
        tpu.yield
      }) : () -> ()
      %mul3A_63 = arith.constant 80 : i32
      %mul3A_64 = arith.muli %arg1, %mul3A_63 : i32
      %add3A_65 = arith.constant 40 : i32
      %add3A_66 = arith.addi %mul3A_64, %add3A_65 : i32
      "tpu.region"() ({
        %run_scoped3A = tpu.sem_alloc : memref<!tpu.dma_semaphore, #tpu.memory_space<semaphore_mem>>
        %dma_start3A = arith.constant 0 : i32
        %dma_start3A_94 = tpu.memref_slice %arg5[%add3A_66, %dma_start3A] : memref<1280x128xi32, #tpu.memory_space<hbm>> -> memref<40x128xi32, #tpu.memory_space<hbm>>
        %dma_start3A_95 = arith.constant 0 : i32
        %dma_start3A_96 = tpu.memref_slice %arg5[%add3A_66, %dma_start3A_95] : memref<1280x128xi32, #tpu.memory_space<hbm>> -> memref<40x128xi32, #tpu.memory_space<hbm>>
        tpu.enqueue_dma source(%dma_start3A_96 : memref<40x128xi32, #tpu.memory_space<hbm>>) target(%arg9 : memref<40x128xi32, #tpu.memory_space<vmem>>) target_semaphore(%run_scoped3A : memref<!tpu.dma_semaphore, #tpu.memory_space<semaphore_mem>>)
        %dma_wait3A_97 = arith.constant 0 : i32
        %dma_wait3A_98 = tpu.memref_slice %arg5[%add3A_66, %dma_wait3A_97] : memref<1280x128xi32, #tpu.memory_space<hbm>> -> memref<40x128xi32, #tpu.memory_space<hbm>>
        %dma_wait3A_99 = arith.constant 0 : i32
        %dma_wait3A_100 = tpu.memref_slice %arg5[%add3A_66, %dma_wait3A_99] : memref<1280x128xi32, #tpu.memory_space<hbm>> -> memref<40x128xi32, #tpu.memory_space<hbm>>
        tpu.wait_dma2 semaphore(%run_scoped3A : memref<!tpu.dma_semaphore, #tpu.memory_space<semaphore_mem>>) src(%dma_wait3A_100 : memref<40x128xi32, #tpu.memory_space<hbm>>) dst(%arg9 : memref<40x128xi32, #tpu.memory_space<vmem>>)
        tpu.yield
      }) : () -> ()
      %scan3A_67 = arith.constant 0 : i32
      %scan3A_68 = arith.constant 0 : i32
      %scan3A_69 = arith.constant 20 : i32
      %scan3A_70 = arith.addi %scan3A_68, %scan3A_69 : i32
      %scan3A_71 = arith.constant 1 : i32
      %scan3A_72 = scf.for %scan3A_94 = %scan3A_68 to %scan3A_70 step %scan3A_71 iter_args(%scan3A_95 = %scan3A_67) -> (i32)  : i32 {
        %mul3A_96 = arith.constant 2 : i32
        %mul3A_97 = arith.muli %mul3A_96, %scan3A_94 : i32
        %add3A_98 = arith.constant 0 : i32
        %add3A_99 = arith.addi %mul3A_97, %add3A_98 : i32
        %ge3A = arith.constant 2 : i32
        %ge3A_100 = arith.cmpi sge, %add3A_99, %ge3A : i32
        %convert_element_type3A_101 = arith.extui %ge3A_100 : i1 to i32
        %cond3A_102 = arith.constant 0 : i32
        %cond3A_103 = arith.cmpi ne, %convert_element_type3A_101, %cond3A_102 : i32
        scf.if %cond3A_103 {
          %dma_wait3A_131 = arith.constant 0 : i32
          %dma_wait3A_132 = arith.constant 0 : i32
          %dma_wait3A_133 = arith.constant 0 : i32
          %dma_wait3A_134 = tpu.memref_slice %arg9[%dma_wait3A_131, %dma_wait3A_133] : memref<40x128xi32, #tpu.memory_space<vmem>> -> memref<1x128xi32, #tpu.memory_space<vmem>>
          %dma_wait3A_135 = tpu.memref_squeeze %dma_wait3A_134 : memref<1x128xi32, #tpu.memory_space<vmem>> -> memref<128xi32, #tpu.memory_space<vmem>>
          %dma_wait3A_136 = arith.constant 0 : i32
          %dma_wait3A_137 = arith.constant 0 : i32
          %dma_wait3A_138 = tpu.memref_slice %arg13[%dma_wait3A_136, %dma_wait3A_137] : memref<10016x128xf32, #tpu.memory_space<vmem_shared>> -> memref<10016x128xf32, #tpu.memory_space<vmem_shared>>
          %dma_wait3A_139 = tpu.memref_slice %arg12[%dma_wait3A_132] : memref<2x!tpu.dma_semaphore, #tpu.memory_space<semaphore_mem>> -> memref<1x!tpu.dma_semaphore, #tpu.memory_space<semaphore_mem>>
          %dma_wait3A_140 = tpu.memref_squeeze %dma_wait3A_139 : memref<1x!tpu.dma_semaphore, #tpu.memory_space<semaphore_mem>> -> memref<!tpu.dma_semaphore, #tpu.memory_space<semaphore_mem>>
          tpu.wait_indirect_dma semaphore(%dma_wait3A_140 : memref<!tpu.dma_semaphore, #tpu.memory_space<semaphore_mem>>) src(%arg10 : memref<128x128xf32, #tpu.memory_space<vmem>>) dst(%dma_wait3A_138 : memref<10016x128xf32, #tpu.memory_space<vmem_shared>>)
        } else {
        }
        "tpu.region"() ({
          %run_scoped3A = tpu.sem_alloc : memref<!tpu.dma_semaphore, #tpu.memory_space<semaphore_mem>>
          %dma_start3A_131 = arith.constant 0 : i32
          %dma_start3A_132 = tpu.memref_slice %arg8[%add3A_99, %dma_start3A_131] : memref<40x128xi32, #tpu.memory_space<vmem>> -> memref<1x128xi32, #tpu.memory_space<vmem>>
          %dma_start3A_133 = tpu.memref_squeeze %dma_start3A_132 : memref<1x128xi32, #tpu.memory_space<vmem>> -> memref<128xi32, #tpu.memory_space<vmem>>
          %dma_start3A_134 = arith.constant 0 : i32
          %dma_start3A_135 = arith.constant 0 : i32
          %dma_start3A_136 = tpu.memref_slice %arg3[%dma_start3A_134, %dma_start3A_135] : memref<10000x128xf32, #tpu.memory_space<hbm>> -> memref<10000x128xf32, #tpu.memory_space<hbm>>
          tpu.enqueue_indirect_dma source(%dma_start3A_136 : memref<10000x128xf32, #tpu.memory_space<hbm>>) target(%arg10 : memref<128x128xf32, #tpu.memory_space<vmem>>) offsets(%dma_start3A_133 : memref<128xi32, #tpu.memory_space<vmem>>) semaphore(%run_scoped3A : memref<!tpu.dma_semaphore, #tpu.memory_space<semaphore_mem>>)
          %dma_wait3A_137 = arith.constant 0 : i32
          %dma_wait3A_138 = tpu.memref_slice %arg8[%add3A_99, %dma_wait3A_137] : memref<40x128xi32, #tpu.memory_space<vmem>> -> memref<1x128xi32, #tpu.memory_space<vmem>>
          %dma_wait3A_139 = tpu.memref_squeeze %dma_wait3A_138 : memref<1x128xi32, #tpu.memory_space<vmem>> -> memref<128xi32, #tpu.memory_space<vmem>>
          %dma_wait3A_140 = arith.constant 0 : i32
          %dma_wait3A_141 = arith.constant 0 : i32
          %dma_wait3A_142 = tpu.memref_slice %arg3[%dma_wait3A_140, %dma_wait3A_141] : memref<10000x128xf32, #tpu.memory_space<hbm>> -> memref<10000x128xf32, #tpu.memory_space<hbm>>
          tpu.wait_indirect_dma semaphore(%run_scoped3A : memref<!tpu.dma_semaphore, #tpu.memory_space<semaphore_mem>>) src(%dma_wait3A_142 : memref<10000x128xf32, #tpu.memory_space<hbm>>) dst(%arg10 : memref<128x128xf32, #tpu.memory_space<vmem>>)
          tpu.yield
        }) : () -> ()
        %dma_start3A = arith.constant 0 : i32
        %dma_start3A_104 = arith.constant 0 : i32
        %dma_start3A_105 = tpu.memref_slice %arg9[%add3A_99, %dma_start3A_104] : memref<40x128xi32, #tpu.memory_space<vmem>> -> memref<1x128xi32, #tpu.memory_space<vmem>>
        %dma_start3A_106 = tpu.memref_squeeze %dma_start3A_105 : memref<1x128xi32, #tpu.memory_space<vmem>> -> memref<128xi32, #tpu.memory_space<vmem>>
        %dma_start3A_107 = arith.constant 0 : i32
        %dma_start3A_108 = arith.constant 0 : i32
        %dma_start3A_109 = tpu.memref_slice %arg13[%dma_start3A_107, %dma_start3A_108] : memref<10016x128xf32, #tpu.memory_space<vmem_shared>> -> memref<10016x128xf32, #tpu.memory_space<vmem_shared>>
        %dma_start3A_110 = tpu.memref_slice %arg12[%dma_start3A] : memref<2x!tpu.dma_semaphore, #tpu.memory_space<semaphore_mem>> -> memref<1x!tpu.dma_semaphore, #tpu.memory_space<semaphore_mem>>
        %dma_start3A_111 = tpu.memref_squeeze %dma_start3A_110 : memref<1x!tpu.dma_semaphore, #tpu.memory_space<semaphore_mem>> -> memref<!tpu.dma_semaphore, #tpu.memory_space<semaphore_mem>>
        tpu.enqueue_indirect_dma source(%arg10 : memref<128x128xf32, #tpu.memory_space<vmem>>) target(%dma_start3A_109 : memref<10016x128xf32, #tpu.memory_space<vmem_shared>>) offsets(%dma_start3A_106 : memref<128xi32, #tpu.memory_space<vmem>>) semaphore(%dma_start3A_111 : memref<!tpu.dma_semaphore, #tpu.memory_space<semaphore_mem>>) {add = true}
        %mul3A_112 = arith.constant 2 : i32
        %mul3A_113 = arith.muli %mul3A_112, %scan3A_94 : i32
        %add3A_114 = arith.constant 1 : i32
        %add3A_115 = arith.addi %mul3A_113, %add3A_114 : i32
        %ge3A_116 = arith.constant 2 : i32
        %ge3A_117 = arith.cmpi sge, %add3A_115, %ge3A_116 : i32
        %convert_element_type3A_118 = arith.extui %ge3A_117 : i1 to i32
        %cond3A_119 = arith.constant 0 : i32
        %cond3A_120 = arith.cmpi ne, %convert_element_type3A_118, %cond3A_119 : i32
        scf.if %cond3A_120 {
          %dma_wait3A_131 = arith.constant 0 : i32
          %dma_wait3A_132 = arith.constant 1 : i32
          %dma_wait3A_133 = arith.constant 0 : i32
          %dma_wait3A_134 = tpu.memref_slice %arg9[%dma_wait3A_131, %dma_wait3A_133] : memref<40x128xi32, #tpu.memory_space<vmem>> -> memref<1x128xi32, #tpu.memory_space<vmem>>
          %dma_wait3A_135 = tpu.memref_squeeze %dma_wait3A_134 : memref<1x128xi32, #tpu.memory_space<vmem>> -> memref<128xi32, #tpu.memory_space<vmem>>
          %dma_wait3A_136 = arith.constant 0 : i32
          %dma_wait3A_137 = arith.constant 0 : i32
          %dma_wait3A_138 = tpu.memref_slice %arg13[%dma_wait3A_136, %dma_wait3A_137] : memref<10016x128xf32, #tpu.memory_space<vmem_shared>> -> memref<10016x128xf32, #tpu.memory_space<vmem_shared>>
          %dma_wait3A_139 = tpu.memref_slice %arg12[%dma_wait3A_132] : memref<2x!tpu.dma_semaphore, #tpu.memory_space<semaphore_mem>> -> memref<1x!tpu.dma_semaphore, #tpu.memory_space<semaphore_mem>>
          %dma_wait3A_140 = tpu.memref_squeeze %dma_wait3A_139 : memref<1x!tpu.dma_semaphore, #tpu.memory_space<semaphore_mem>> -> memref<!tpu.dma_semaphore, #tpu.memory_space<semaphore_mem>>
          tpu.wait_indirect_dma semaphore(%dma_wait3A_140 : memref<!tpu.dma_semaphore, #tpu.memory_space<semaphore_mem>>) src(%arg11 : memref<128x128xf32, #tpu.memory_space<vmem>>) dst(%dma_wait3A_138 : memref<10016x128xf32, #tpu.memory_space<vmem_shared>>)
        } else {
        }
        "tpu.region"() ({
          %run_scoped3A = tpu.sem_alloc : memref<!tpu.dma_semaphore, #tpu.memory_space<semaphore_mem>>
          %dma_start3A_131 = arith.constant 0 : i32
          %dma_start3A_132 = tpu.memref_slice %arg8[%add3A_115, %dma_start3A_131] : memref<40x128xi32, #tpu.memory_space<vmem>> -> memref<1x128xi32, #tpu.memory_space<vmem>>
          %dma_start3A_133 = tpu.memref_squeeze %dma_start3A_132 : memref<1x128xi32, #tpu.memory_space<vmem>> -> memref<128xi32, #tpu.memory_space<vmem>>
          %dma_start3A_134 = arith.constant 0 : i32
          %dma_start3A_135 = arith.constant 0 : i32
          %dma_start3A_136 = tpu.memref_slice %arg3[%dma_start3A_134, %dma_start3A_135] : memref<10000x128xf32, #tpu.memory_space<hbm>> -> memref<10000x128xf32, #tpu.memory_space<hbm>>
          tpu.enqueue_indirect_dma source(%dma_start3A_136 : memref<10000x128xf32, #tpu.memory_space<hbm>>) target(%arg11 : memref<128x128xf32, #tpu.memory_space<vmem>>) offsets(%dma_start3A_133 : memref<128xi32, #tpu.memory_space<vmem>>) semaphore(%run_scoped3A : memref<!tpu.dma_semaphore, #tpu.memory_space<semaphore_mem>>)
          %dma_wait3A_137 = arith.constant 0 : i32
          %dma_wait3A_138 = tpu.memref_slice %arg8[%add3A_115, %dma_wait3A_137] : memref<40x128xi32, #tpu.memory_space<vmem>> -> memref<1x128xi32, #tpu.memory_space<vmem>>
          %dma_wait3A_139 = tpu.memref_squeeze %dma_wait3A_138 : memref<1x128xi32, #tpu.memory_space<vmem>> -> memref<128xi32, #tpu.memory_space<vmem>>
          %dma_wait3A_140 = arith.constant 0 : i32
          %dma_wait3A_141 = arith.constant 0 : i32
          %dma_wait3A_142 = tpu.memref_slice %arg3[%dma_wait3A_140, %dma_wait3A_141] : memref<10000x128xf32, #tpu.memory_space<hbm>> -> memref<10000x128xf32, #tpu.memory_space<hbm>>
          tpu.wait_indirect_dma semaphore(%run_scoped3A : memref<!tpu.dma_semaphore, #tpu.memory_space<semaphore_mem>>) src(%dma_wait3A_142 : memref<10000x128xf32, #tpu.memory_space<hbm>>) dst(%arg11 : memref<128x128xf32, #tpu.memory_space<vmem>>)
          tpu.yield
        }) : () -> ()
        %dma_start3A_121 = arith.constant 1 : i32
        %dma_start3A_122 = arith.constant 0 : i32
        %dma_start3A_123 = tpu.memref_slice %arg9[%add3A_115, %dma_start3A_122] : memref<40x128xi32, #tpu.memory_space<vmem>> -> memref<1x128xi32, #tpu.memory_space<vmem>>
        %dma_start3A_124 = tpu.memref_squeeze %dma_start3A_123 : memref<1x128xi32, #tpu.memory_space<vmem>> -> memref<128xi32, #tpu.memory_space<vmem>>
        %dma_start3A_125 = arith.constant 0 : i32
        %dma_start3A_126 = arith.constant 0 : i32
        %dma_start3A_127 = tpu.memref_slice %arg13[%dma_start3A_125, %dma_start3A_126] : memref<10016x128xf32, #tpu.memory_space<vmem_shared>> -> memref<10016x128xf32, #tpu.memory_space<vmem_shared>>
        %dma_start3A_128 = tpu.memref_slice %arg12[%dma_start3A_121] : memref<2x!tpu.dma_semaphore, #tpu.memory_space<semaphore_mem>> -> memref<1x!tpu.dma_semaphore, #tpu.memory_space<semaphore_mem>>
        %dma_start3A_129 = tpu.memref_squeeze %dma_start3A_128 : memref<1x!tpu.dma_semaphore, #tpu.memory_space<semaphore_mem>> -> memref<!tpu.dma_semaphore, #tpu.memory_space<semaphore_mem>>
        tpu.enqueue_indirect_dma source(%arg11 : memref<128x128xf32, #tpu.memory_space<vmem>>) target(%dma_start3A_127 : memref<10016x128xf32, #tpu.memory_space<vmem_shared>>) offsets(%dma_start3A_124 : memref<128xi32, #tpu.memory_space<vmem>>) semaphore(%dma_start3A_129 : memref<!tpu.dma_semaphore, #tpu.memory_space<semaphore_mem>>) {add = true}
        %scan3A_130 = arith.constant 0 : i32
        scf.yield %scan3A_130 : i32
      }
      %scan3A_73 = arith.constant 20 : i32
      %dma_wait3A_74 = arith.constant 0 : i32
      %dma_wait3A_75 = arith.constant 0 : i32
      %dma_wait3A_76 = arith.constant 0 : i32
      %dma_wait3A_77 = tpu.memref_slice %arg9[%dma_wait3A_74, %dma_wait3A_76] : memref<40x128xi32, #tpu.memory_space<vmem>> -> memref<1x128xi32, #tpu.memory_space<vmem>>
      %dma_wait3A_78 = tpu.memref_squeeze %dma_wait3A_77 : memref<1x128xi32, #tpu.memory_space<vmem>> -> memref<128xi32, #tpu.memory_space<vmem>>
      %dma_wait3A_79 = arith.constant 0 : i32
      %dma_wait3A_80 = arith.constant 0 : i32
      %dma_wait3A_81 = tpu.memref_slice %arg13[%dma_wait3A_79, %dma_wait3A_80] : memref<10016x128xf32, #tpu.memory_space<vmem_shared>> -> memref<10016x128xf32, #tpu.memory_space<vmem_shared>>
      %dma_wait3A_82 = tpu.memref_slice %arg12[%dma_wait3A_75] : memref<2x!tpu.dma_semaphore, #tpu.memory_space<semaphore_mem>> -> memref<1x!tpu.dma_semaphore, #tpu.memory_space<semaphore_mem>>
      %dma_wait3A_83 = tpu.memref_squeeze %dma_wait3A_82 : memref<1x!tpu.dma_semaphore, #tpu.memory_space<semaphore_mem>> -> memref<!tpu.dma_semaphore, #tpu.memory_space<semaphore_mem>>
      tpu.wait_indirect_dma semaphore(%dma_wait3A_83 : memref<!tpu.dma_semaphore, #tpu.memory_space<semaphore_mem>>) src(%arg10 : memref<128x128xf32, #tpu.memory_space<vmem>>) dst(%dma_wait3A_81 : memref<10016x128xf32, #tpu.memory_space<vmem_shared>>)
      %dma_wait3A_84 = arith.constant 0 : i32
      %dma_wait3A_85 = arith.constant 1 : i32
      %dma_wait3A_86 = arith.constant 0 : i32
      %dma_wait3A_87 = tpu.memref_slice %arg9[%dma_wait3A_84, %dma_wait3A_86] : memref<40x128xi32, #tpu.memory_space<vmem>> -> memref<1x128xi32, #tpu.memory_space<vmem>>
      %dma_wait3A_88 = tpu.memref_squeeze %dma_wait3A_87 : memref<1x128xi32, #tpu.memory_space<vmem>> -> memref<128xi32, #tpu.memory_space<vmem>>
      %dma_wait3A_89 = arith.constant 0 : i32
      %dma_wait3A_90 = arith.constant 0 : i32
      %dma_wait3A_91 = tpu.memref_slice %arg13[%dma_wait3A_89, %dma_wait3A_90] : memref<10016x128xf32, #tpu.memory_space<vmem_shared>> -> memref<10016x128xf32, #tpu.memory_space<vmem_shared>>
      %dma_wait3A_92 = tpu.memref_slice %arg12[%dma_wait3A_85] : memref<2x!tpu.dma_semaphore, #tpu.memory_space<semaphore_mem>> -> memref<1x!tpu.dma_semaphore, #tpu.memory_space<semaphore_mem>>
      %dma_wait3A_93 = tpu.memref_squeeze %dma_wait3A_92 : memref<1x!tpu.dma_semaphore, #tpu.memory_space<semaphore_mem>> -> memref<!tpu.dma_semaphore, #tpu.memory_space<semaphore_mem>>
      tpu.wait_indirect_dma semaphore(%dma_wait3A_93 : memref<!tpu.dma_semaphore, #tpu.memory_space<semaphore_mem>>) src(%arg11 : memref<128x128xf32, #tpu.memory_space<vmem>>) dst(%dma_wait3A_91 : memref<10016x128xf32, #tpu.memory_space<vmem_shared>>)
    } else {
    }
    %barrier3A_17 = arith.constant 0 : index
    tpu.barrier barrier_id(%barrier3A_17)
    %eq3A_18 = arith.constant 0 : i32
    %eq3A_19 = arith.cmpi eq, %arg0, %eq3A_18 : i32
    %convert_element_type3A_20 = arith.extui %eq3A_19 : i1 to i32
    %cond3A_21 = arith.constant 0 : i32
    %cond3A_22 = arith.cmpi ne, %convert_element_type3A_20, %cond3A_21 : i32
    scf.if %cond3A_22 {
      %lt3A = arith.constant 15 : i32
      %lt3A_28 = arith.cmpi slt, %arg1, %lt3A : i32
      %convert_element_type3A_29 = arith.extui %lt3A_28 : i1 to i32
      %cond3A_30 = arith.constant 0 : i32
      %cond3A_31 = arith.cmpi ne, %convert_element_type3A_29, %cond3A_30 : i32
      scf.if %cond3A_31 {
        %mul3A = arith.constant 640 : i32
        %mul3A_37 = arith.muli %arg1, %mul3A : i32
        %mul3A_38 = arith.constant 640 : i32
        %mul3A_39 = arith.muli %arg1, %mul3A_38 : i32
        "tpu.region"() ({
          %run_scoped3A = tpu.sem_alloc : memref<!tpu.dma_semaphore, #tpu.memory_space<semaphore_mem>>
          %dma_start3A = arith.constant 0 : i32
          %dma_start3A_40 = tpu.memref_slice %arg6[%mul3A_39, %dma_start3A] : memref<10000x128xf32, #tpu.memory_space<hbm>> -> memref<640x128xf32, #tpu.memory_space<hbm>>
          %dma_start3A_41 = arith.constant 0 : i32
          %dma_start3A_42 = tpu.memref_slice %arg13[%mul3A_37, %dma_start3A_41] : memref<10016x128xf32, #tpu.memory_space<vmem_shared>> -> memref<640x128xf32, #tpu.memory_space<vmem_shared>>
          tpu.enqueue_dma source(%dma_start3A_42 : memref<640x128xf32, #tpu.memory_space<vmem_shared>>) target(%dma_start3A_40 : memref<640x128xf32, #tpu.memory_space<hbm>>) target_semaphore(%run_scoped3A : memref<!tpu.dma_semaphore, #tpu.memory_space<semaphore_mem>>)
          %dma_wait3A = arith.constant 0 : i32
          %dma_wait3A_43 = tpu.memref_slice %arg6[%mul3A_39, %dma_wait3A] : memref<10000x128xf32, #tpu.memory_space<hbm>> -> memref<640x128xf32, #tpu.memory_space<hbm>>
          %dma_wait3A_44 = arith.constant 0 : i32
          %dma_wait3A_45 = tpu.memref_slice %arg13[%mul3A_37, %dma_wait3A_44] : memref<10016x128xf32, #tpu.memory_space<vmem_shared>> -> memref<640x128xf32, #tpu.memory_space<vmem_shared>>
          tpu.wait_dma2 semaphore(%run_scoped3A : memref<!tpu.dma_semaphore, #tpu.memory_space<semaphore_mem>>) src(%dma_wait3A_45 : memref<640x128xf32, #tpu.memory_space<vmem_shared>>) dst(%dma_wait3A_43 : memref<640x128xf32, #tpu.memory_space<hbm>>)
          tpu.yield
        }) : () -> ()
      } else {
      }
      %eq3A_32 = arith.constant 15 : i32
      %eq3A_33 = arith.cmpi eq, %arg1, %eq3A_32 : i32
      %convert_element_type3A_34 = arith.extui %eq3A_33 : i1 to i32
      %cond3A_35 = arith.constant 0 : i32
      %cond3A_36 = arith.cmpi ne, %convert_element_type3A_34, %cond3A_35 : i32
      scf.if %cond3A_36 {
        "tpu.region"() ({
          %run_scoped3A = tpu.sem_alloc : memref<!tpu.dma_semaphore, #tpu.memory_space<semaphore_mem>>
          %dma_start3A = arith.constant 9600 : i32
          %dma_start3A_37 = arith.constant 0 : i32
          %dma_start3A_38 = tpu.memref_slice %arg6[%dma_start3A, %dma_start3A_37] : memref<10000x128xf32, #tpu.memory_space<hbm>> -> memref<400x128xf32, #tpu.memory_space<hbm>>
          %dma_start3A_39 = arith.constant 9600 : i32
          %dma_start3A_40 = arith.constant 0 : i32
          %dma_start3A_41 = tpu.memref_slice %arg13[%dma_start3A_39, %dma_start3A_40] : memref<10016x128xf32, #tpu.memory_space<vmem_shared>> -> memref<400x128xf32, #tpu.memory_space<vmem_shared>>
          tpu.enqueue_dma source(%dma_start3A_41 : memref<400x128xf32, #tpu.memory_space<vmem_shared>>) target(%dma_start3A_38 : memref<400x128xf32, #tpu.memory_space<hbm>>) target_semaphore(%run_scoped3A : memref<!tpu.dma_semaphore, #tpu.memory_space<semaphore_mem>>)
          %dma_wait3A = arith.constant 9600 : i32
          %dma_wait3A_42 = arith.constant 0 : i32
          %dma_wait3A_43 = tpu.memref_slice %arg6[%dma_wait3A, %dma_wait3A_42] : memref<10000x128xf32, #tpu.memory_space<hbm>> -> memref<400x128xf32, #tpu.memory_space<hbm>>
          %dma_wait3A_44 = arith.constant 9600 : i32
          %dma_wait3A_45 = arith.constant 0 : i32
          %dma_wait3A_46 = tpu.memref_slice %arg13[%dma_wait3A_44, %dma_wait3A_45] : memref<10016x128xf32, #tpu.memory_space<vmem_shared>> -> memref<400x128xf32, #tpu.memory_space<vmem_shared>>
          tpu.wait_dma2 semaphore(%run_scoped3A : memref<!tpu.dma_semaphore, #tpu.memory_space<semaphore_mem>>) src(%dma_wait3A_46 : memref<400x128xf32, #tpu.memory_space<vmem_shared>>) dst(%dma_wait3A_43 : memref<400x128xf32, #tpu.memory_space<hbm>>)
          tpu.yield
        }) : () -> ()
      } else {
      }
    } else {
    }
    %eq3A_23 = arith.constant 1 : i32
    %eq3A_24 = arith.cmpi eq, %arg0, %eq3A_23 : i32
    %convert_element_type3A_25 = arith.extui %eq3A_24 : i1 to i32
    %cond3A_26 = arith.constant 0 : i32
    %cond3A_27 = arith.cmpi ne, %convert_element_type3A_25, %cond3A_26 : i32
    scf.if %cond3A_27 {
      %lt3A = arith.constant 15 : i32
      %lt3A_28 = arith.cmpi slt, %arg1, %lt3A : i32
      %convert_element_type3A_29 = arith.extui %lt3A_28 : i1 to i32
      %cond3A_30 = arith.constant 0 : i32
      %cond3A_31 = arith.cmpi ne, %convert_element_type3A_29, %cond3A_30 : i32
      scf.if %cond3A_31 {
        %mul3A = arith.constant 640 : i32
        %mul3A_37 = arith.muli %arg1, %mul3A : i32
        %mul3A_38 = arith.constant 640 : i32
        %mul3A_39 = arith.muli %arg1, %mul3A_38 : i32
        "tpu.region"() ({
          %run_scoped3A = tpu.sem_alloc : memref<!tpu.dma_semaphore, #tpu.memory_space<semaphore_mem>>
          %dma_start3A = arith.constant 0 : i32
          %dma_start3A_40 = tpu.memref_slice %arg7[%mul3A_39, %dma_start3A] : memref<10000x128xf32, #tpu.memory_space<hbm>> -> memref<640x128xf32, #tpu.memory_space<hbm>>
          %dma_start3A_41 = arith.constant 0 : i32
          %dma_start3A_42 = tpu.memref_slice %arg13[%mul3A_37, %dma_start3A_41] : memref<10016x128xf32, #tpu.memory_space<vmem_shared>> -> memref<640x128xf32, #tpu.memory_space<vmem_shared>>
          tpu.enqueue_dma source(%dma_start3A_42 : memref<640x128xf32, #tpu.memory_space<vmem_shared>>) target(%dma_start3A_40 : memref<640x128xf32, #tpu.memory_space<hbm>>) target_semaphore(%run_scoped3A : memref<!tpu.dma_semaphore, #tpu.memory_space<semaphore_mem>>)
          %dma_wait3A = arith.constant 0 : i32
          %dma_wait3A_43 = tpu.memref_slice %arg7[%mul3A_39, %dma_wait3A] : memref<10000x128xf32, #tpu.memory_space<hbm>> -> memref<640x128xf32, #tpu.memory_space<hbm>>
          %dma_wait3A_44 = arith.constant 0 : i32
          %dma_wait3A_45 = tpu.memref_slice %arg13[%mul3A_37, %dma_wait3A_44] : memref<10016x128xf32, #tpu.memory_space<vmem_shared>> -> memref<640x128xf32, #tpu.memory_space<vmem_shared>>
          tpu.wait_dma2 semaphore(%run_scoped3A : memref<!tpu.dma_semaphore, #tpu.memory_space<semaphore_mem>>) src(%dma_wait3A_45 : memref<640x128xf32, #tpu.memory_space<vmem_shared>>) dst(%dma_wait3A_43 : memref<640x128xf32, #tpu.memory_space<hbm>>)
          tpu.yield
        }) : () -> ()
      } else {
      }
      %eq3A_32 = arith.constant 15 : i32
      %eq3A_33 = arith.cmpi eq, %arg1, %eq3A_32 : i32
      %convert_element_type3A_34 = arith.extui %eq3A_33 : i1 to i32
      %cond3A_35 = arith.constant 0 : i32
      %cond3A_36 = arith.cmpi ne, %convert_element_type3A_34, %cond3A_35 : i32
      scf.if %cond3A_36 {
        "tpu.region"() ({
          %run_scoped3A = tpu.sem_alloc : memref<!tpu.dma_semaphore, #tpu.memory_space<semaphore_mem>>
          %dma_start3A = arith.constant 9600 : i32
          %dma_start3A_37 = arith.constant 0 : i32
          %dma_start3A_38 = tpu.memref_slice %arg7[%dma_start3A, %dma_start3A_37] : memref<10000x128xf32, #tpu.memory_space<hbm>> -> memref<400x128xf32, #tpu.memory_space<hbm>>
          %dma_start3A_39 = arith.constant 9600 : i32
          %dma_start3A_40 = arith.constant 0 : i32
          %dma_start3A_41 = tpu.memref_slice %arg13[%dma_start3A_39, %dma_start3A_40] : memref<10016x128xf32, #tpu.memory_space<vmem_shared>> -> memref<400x128xf32, #tpu.memory_space<vmem_shared>>
          tpu.enqueue_dma source(%dma_start3A_41 : memref<400x128xf32, #tpu.memory_space<vmem_shared>>) target(%dma_start3A_38 : memref<400x128xf32, #tpu.memory_space<hbm>>) target_semaphore(%run_scoped3A : memref<!tpu.dma_semaphore, #tpu.memory_space<semaphore_mem>>)
          %dma_wait3A = arith.constant 9600 : i32
          %dma_wait3A_42 = arith.constant 0 : i32
          %dma_wait3A_43 = tpu.memref_slice %arg7[%dma_wait3A, %dma_wait3A_42] : memref<10000x128xf32, #tpu.memory_space<hbm>> -> memref<400x128xf32, #tpu.memory_space<hbm>>
          %dma_wait3A_44 = arith.constant 9600 : i32
          %dma_wait3A_45 = arith.constant 0 : i32
          %dma_wait3A_46 = tpu.memref_slice %arg13[%dma_wait3A_44, %dma_wait3A_45] : memref<10016x128xf32, #tpu.memory_space<vmem_shared>> -> memref<400x128xf32, #tpu.memory_space<vmem_shared>>
          tpu.wait_dma2 semaphore(%run_scoped3A : memref<!tpu.dma_semaphore, #tpu.memory_space<semaphore_mem>>) src(%dma_wait3A_46 : memref<400x128xf32, #tpu.memory_space<vmem_shared>>) dst(%dma_wait3A_43 : memref<400x128xf32, #tpu.memory_space<hbm>>)
          tpu.yield
        }) : () -> ()
      } else {
      }
    } else {
    }
    return
  }
}

#map = affine_map<(d0, d1) -> (0, 0)>
module attributes {stable_mosaic.version = 14 : i64} {
  func.func @_edge_body(%arg0: i32, %arg1: i32, %arg2: memref<10000x128xf32, #tpu.memory_space<hbm>>, %arg3: memref<10000x128xf32, #tpu.memory_space<hbm>>, %arg4: memref<1280x128xi32, #tpu.memory_space<hbm>>, %arg5: memref<1280x128xi32, #tpu.memory_space<hbm>>, %arg6: memref<32x128xi32, #tpu.memory_space<hbm>>, %arg7: memref<10000x128xf32, #tpu.memory_space<hbm>>, %arg8: memref<4096x128xf32, #tpu.memory_space<hbm>>, %arg9: memref<4096x128xf32, #tpu.memory_space<hbm>>, %arg10: memref<4096x128xf32, #tpu.memory_space<hbm>>, %arg11: memref<40x128xi32, #tpu.memory_space<vmem>>, %arg12: memref<40x128xi32, #tpu.memory_space<vmem>>, %arg13: memref<128x128xf32, #tpu.memory_space<vmem>>, %arg14: memref<128x128xf32, #tpu.memory_space<vmem>>, %arg15: memref<2x!tpu.dma_semaphore, #tpu.memory_space<semaphore_mem>>, %arg16: memref<10016x128xf32, #tpu.memory_space<vmem_shared>>) attributes {dimension_semantics = [#tpu.dimension_semantics<core_parallel>, #tpu.dimension_semantics<subcore_parallel>], iteration_bounds = array<i64: 2, 16>, scalar_prefetch = 0 : i64, scratch_operands = 6 : i64, tpu.core_type = #tpu.core_type<sc_vector_subcore>, window_params = [{transform_indices = #map}, {transform_indices = #map}, {transform_indices = #map}, {transform_indices = #map}, {transform_indices = #map}, {transform_indices = #map}, {transform_indices = #map}, {transform_indices = #map}, {transform_indices = #map}]} {
    %eq3A = arith.constant 0 : i32
    %eq3A_0 = arith.cmpi eq, %arg0, %eq3A : i32
    %convert_element_type3A = arith.extui %eq3A_0 : i1 to i32
    %cond3A = arith.constant 0 : i32
    %cond3A_1 = arith.cmpi ne, %convert_element_type3A, %cond3A : i32
    scf.if %cond3A_1 {
      %lt3A = arith.constant 15 : i32
      %lt3A_28 = arith.cmpi slt, %arg1, %lt3A : i32
      %convert_element_type3A_29 = arith.extui %lt3A_28 : i1 to i32
      %cond3A_30 = arith.constant 0 : i32
      %cond3A_31 = arith.cmpi ne, %convert_element_type3A_29, %cond3A_30 : i32
      scf.if %cond3A_31 {
        %mul3A = arith.constant 640 : i32
        %mul3A_37 = arith.muli %arg1, %mul3A : i32
        %mul3A_38 = arith.constant 640 : i32
        %mul3A_39 = arith.muli %arg1, %mul3A_38 : i32
        "tpu.region"() ({
          %run_scoped3A = tpu.sem_alloc : memref<!tpu.dma_semaphore, #tpu.memory_space<semaphore_mem>>
          %dma_start3A = arith.constant 0 : i32
          %dma_start3A_40 = tpu.memref_slice %arg16[%mul3A_39, %dma_start3A] : memref<10016x128xf32, #tpu.memory_space<vmem_shared>> -> memref<640x128xf32, #tpu.memory_space<vmem_shared>>
          %dma_start3A_41 = arith.constant 0 : i32
          %dma_start3A_42 = tpu.memref_slice %arg2[%mul3A_37, %dma_start3A_41] : memref<10000x128xf32, #tpu.memory_space<hbm>> -> memref<640x128xf32, #tpu.memory_space<hbm>>
          tpu.enqueue_dma source(%dma_start3A_42 : memref<640x128xf32, #tpu.memory_space<hbm>>) target(%dma_start3A_40 : memref<640x128xf32, #tpu.memory_space<vmem_shared>>) target_semaphore(%run_scoped3A : memref<!tpu.dma_semaphore, #tpu.memory_space<semaphore_mem>>)
          %dma_wait3A = arith.constant 0 : i32
          %dma_wait3A_43 = tpu.memref_slice %arg16[%mul3A_39, %dma_wait3A] : memref<10016x128xf32, #tpu.memory_space<vmem_shared>> -> memref<640x128xf32, #tpu.memory_space<vmem_shared>>
          %dma_wait3A_44 = arith.constant 0 : i32
          %dma_wait3A_45 = tpu.memref_slice %arg2[%mul3A_37, %dma_wait3A_44] : memref<10000x128xf32, #tpu.memory_space<hbm>> -> memref<640x128xf32, #tpu.memory_space<hbm>>
          tpu.wait_dma2 semaphore(%run_scoped3A : memref<!tpu.dma_semaphore, #tpu.memory_space<semaphore_mem>>) src(%dma_wait3A_45 : memref<640x128xf32, #tpu.memory_space<hbm>>) dst(%dma_wait3A_43 : memref<640x128xf32, #tpu.memory_space<vmem_shared>>)
          tpu.yield
        }) : () -> ()
      } else {
      }
      %eq3A_32 = arith.constant 15 : i32
      %eq3A_33 = arith.cmpi eq, %arg1, %eq3A_32 : i32
      %convert_element_type3A_34 = arith.extui %eq3A_33 : i1 to i32
      %cond3A_35 = arith.constant 0 : i32
      %cond3A_36 = arith.cmpi ne, %convert_element_type3A_34, %cond3A_35 : i32
      scf.if %cond3A_36 {
        "tpu.region"() ({
          %run_scoped3A = tpu.sem_alloc : memref<!tpu.dma_semaphore, #tpu.memory_space<semaphore_mem>>
          %dma_start3A = arith.constant 9600 : i32
          %dma_start3A_37 = arith.constant 0 : i32
          %dma_start3A_38 = tpu.memref_slice %arg16[%dma_start3A, %dma_start3A_37] : memref<10016x128xf32, #tpu.memory_space<vmem_shared>> -> memref<400x128xf32, #tpu.memory_space<vmem_shared>>
          %dma_start3A_39 = arith.constant 9600 : i32
          %dma_start3A_40 = arith.constant 0 : i32
          %dma_start3A_41 = tpu.memref_slice %arg2[%dma_start3A_39, %dma_start3A_40] : memref<10000x128xf32, #tpu.memory_space<hbm>> -> memref<400x128xf32, #tpu.memory_space<hbm>>
          tpu.enqueue_dma source(%dma_start3A_41 : memref<400x128xf32, #tpu.memory_space<hbm>>) target(%dma_start3A_38 : memref<400x128xf32, #tpu.memory_space<vmem_shared>>) target_semaphore(%run_scoped3A : memref<!tpu.dma_semaphore, #tpu.memory_space<semaphore_mem>>)
          %dma_wait3A = arith.constant 9600 : i32
          %dma_wait3A_42 = arith.constant 0 : i32
          %dma_wait3A_43 = tpu.memref_slice %arg16[%dma_wait3A, %dma_wait3A_42] : memref<10016x128xf32, #tpu.memory_space<vmem_shared>> -> memref<400x128xf32, #tpu.memory_space<vmem_shared>>
          %dma_wait3A_44 = arith.constant 9600 : i32
          %dma_wait3A_45 = arith.constant 0 : i32
          %dma_wait3A_46 = tpu.memref_slice %arg2[%dma_wait3A_44, %dma_wait3A_45] : memref<10000x128xf32, #tpu.memory_space<hbm>> -> memref<400x128xf32, #tpu.memory_space<hbm>>
          tpu.wait_dma2 semaphore(%run_scoped3A : memref<!tpu.dma_semaphore, #tpu.memory_space<semaphore_mem>>) src(%dma_wait3A_46 : memref<400x128xf32, #tpu.memory_space<hbm>>) dst(%dma_wait3A_43 : memref<400x128xf32, #tpu.memory_space<vmem_shared>>)
          tpu.yield
        }) : () -> ()
      } else {
      }
    } else {
    }
    %eq3A_2 = arith.constant 1 : i32
    %eq3A_3 = arith.cmpi eq, %arg0, %eq3A_2 : i32
    %convert_element_type3A_4 = arith.extui %eq3A_3 : i1 to i32
    %cond3A_5 = arith.constant 0 : i32
    %cond3A_6 = arith.cmpi ne, %convert_element_type3A_4, %cond3A_5 : i32
    scf.if %cond3A_6 {
      %lt3A = arith.constant 15 : i32
      %lt3A_28 = arith.cmpi slt, %arg1, %lt3A : i32
      %convert_element_type3A_29 = arith.extui %lt3A_28 : i1 to i32
      %cond3A_30 = arith.constant 0 : i32
      %cond3A_31 = arith.cmpi ne, %convert_element_type3A_29, %cond3A_30 : i32
      scf.if %cond3A_31 {
        %mul3A = arith.constant 640 : i32
        %mul3A_37 = arith.muli %arg1, %mul3A : i32
        %mul3A_38 = arith.constant 640 : i32
        %mul3A_39 = arith.muli %arg1, %mul3A_38 : i32
        "tpu.region"() ({
          %run_scoped3A = tpu.sem_alloc : memref<!tpu.dma_semaphore, #tpu.memory_space<semaphore_mem>>
          %dma_start3A = arith.constant 0 : i32
          %dma_start3A_40 = tpu.memref_slice %arg16[%mul3A_39, %dma_start3A] : memref<10016x128xf32, #tpu.memory_space<vmem_shared>> -> memref<640x128xf32, #tpu.memory_space<vmem_shared>>
          %dma_start3A_41 = arith.constant 0 : i32
          %dma_start3A_42 = tpu.memref_slice %arg3[%mul3A_37, %dma_start3A_41] : memref<10000x128xf32, #tpu.memory_space<hbm>> -> memref<640x128xf32, #tpu.memory_space<hbm>>
          tpu.enqueue_dma source(%dma_start3A_42 : memref<640x128xf32, #tpu.memory_space<hbm>>) target(%dma_start3A_40 : memref<640x128xf32, #tpu.memory_space<vmem_shared>>) target_semaphore(%run_scoped3A : memref<!tpu.dma_semaphore, #tpu.memory_space<semaphore_mem>>)
          %dma_wait3A = arith.constant 0 : i32
          %dma_wait3A_43 = tpu.memref_slice %arg16[%mul3A_39, %dma_wait3A] : memref<10016x128xf32, #tpu.memory_space<vmem_shared>> -> memref<640x128xf32, #tpu.memory_space<vmem_shared>>
          %dma_wait3A_44 = arith.constant 0 : i32
          %dma_wait3A_45 = tpu.memref_slice %arg3[%mul3A_37, %dma_wait3A_44] : memref<10000x128xf32, #tpu.memory_space<hbm>> -> memref<640x128xf32, #tpu.memory_space<hbm>>
          tpu.wait_dma2 semaphore(%run_scoped3A : memref<!tpu.dma_semaphore, #tpu.memory_space<semaphore_mem>>) src(%dma_wait3A_45 : memref<640x128xf32, #tpu.memory_space<hbm>>) dst(%dma_wait3A_43 : memref<640x128xf32, #tpu.memory_space<vmem_shared>>)
          tpu.yield
        }) : () -> ()
      } else {
      }
      %eq3A_32 = arith.constant 15 : i32
      %eq3A_33 = arith.cmpi eq, %arg1, %eq3A_32 : i32
      %convert_element_type3A_34 = arith.extui %eq3A_33 : i1 to i32
      %cond3A_35 = arith.constant 0 : i32
      %cond3A_36 = arith.cmpi ne, %convert_element_type3A_34, %cond3A_35 : i32
      scf.if %cond3A_36 {
        "tpu.region"() ({
          %run_scoped3A = tpu.sem_alloc : memref<!tpu.dma_semaphore, #tpu.memory_space<semaphore_mem>>
          %dma_start3A = arith.constant 9600 : i32
          %dma_start3A_37 = arith.constant 0 : i32
          %dma_start3A_38 = tpu.memref_slice %arg16[%dma_start3A, %dma_start3A_37] : memref<10016x128xf32, #tpu.memory_space<vmem_shared>> -> memref<400x128xf32, #tpu.memory_space<vmem_shared>>
          %dma_start3A_39 = arith.constant 9600 : i32
          %dma_start3A_40 = arith.constant 0 : i32
          %dma_start3A_41 = tpu.memref_slice %arg3[%dma_start3A_39, %dma_start3A_40] : memref<10000x128xf32, #tpu.memory_space<hbm>> -> memref<400x128xf32, #tpu.memory_space<hbm>>
          tpu.enqueue_dma source(%dma_start3A_41 : memref<400x128xf32, #tpu.memory_space<hbm>>) target(%dma_start3A_38 : memref<400x128xf32, #tpu.memory_space<vmem_shared>>) target_semaphore(%run_scoped3A : memref<!tpu.dma_semaphore, #tpu.memory_space<semaphore_mem>>)
          %dma_wait3A = arith.constant 9600 : i32
          %dma_wait3A_42 = arith.constant 0 : i32
          %dma_wait3A_43 = tpu.memref_slice %arg16[%dma_wait3A, %dma_wait3A_42] : memref<10016x128xf32, #tpu.memory_space<vmem_shared>> -> memref<400x128xf32, #tpu.memory_space<vmem_shared>>
          %dma_wait3A_44 = arith.constant 9600 : i32
          %dma_wait3A_45 = arith.constant 0 : i32
          %dma_wait3A_46 = tpu.memref_slice %arg3[%dma_wait3A_44, %dma_wait3A_45] : memref<10000x128xf32, #tpu.memory_space<hbm>> -> memref<400x128xf32, #tpu.memory_space<hbm>>
          tpu.wait_dma2 semaphore(%run_scoped3A : memref<!tpu.dma_semaphore, #tpu.memory_space<semaphore_mem>>) src(%dma_wait3A_46 : memref<400x128xf32, #tpu.memory_space<hbm>>) dst(%dma_wait3A_43 : memref<400x128xf32, #tpu.memory_space<vmem_shared>>)
          tpu.yield
        }) : () -> ()
      } else {
      }
    } else {
    }
    %barrier3A = arith.constant 0 : index
    tpu.barrier barrier_id(%barrier3A)
    %eq3A_7 = arith.constant 0 : i32
    %eq3A_8 = arith.cmpi eq, %arg0, %eq3A_7 : i32
    %convert_element_type3A_9 = arith.extui %eq3A_8 : i1 to i32
    %cond3A_10 = arith.constant 0 : i32
    %cond3A_11 = arith.cmpi ne, %convert_element_type3A_9, %cond3A_10 : i32
    scf.if %cond3A_11 {
      %mul3A = arith.constant 80 : i32
      %mul3A_28 = arith.muli %arg1, %mul3A : i32
      %add3A = arith.constant 0 : i32
      %add3A_29 = arith.addi %mul3A_28, %add3A : i32
      "tpu.region"() ({
        %run_scoped3A = tpu.sem_alloc : memref<!tpu.dma_semaphore, #tpu.memory_space<semaphore_mem>>
        %dma_start3A = arith.constant 0 : i32
        %dma_start3A_94 = tpu.memref_slice %arg4[%add3A_29, %dma_start3A] : memref<1280x128xi32, #tpu.memory_space<hbm>> -> memref<40x128xi32, #tpu.memory_space<hbm>>
        %dma_start3A_95 = arith.constant 0 : i32
        %dma_start3A_96 = tpu.memref_slice %arg4[%add3A_29, %dma_start3A_95] : memref<1280x128xi32, #tpu.memory_space<hbm>> -> memref<40x128xi32, #tpu.memory_space<hbm>>
        tpu.enqueue_dma source(%dma_start3A_96 : memref<40x128xi32, #tpu.memory_space<hbm>>) target(%arg11 : memref<40x128xi32, #tpu.memory_space<vmem>>) target_semaphore(%run_scoped3A : memref<!tpu.dma_semaphore, #tpu.memory_space<semaphore_mem>>)
        %dma_wait3A_97 = arith.constant 0 : i32
        %dma_wait3A_98 = tpu.memref_slice %arg4[%add3A_29, %dma_wait3A_97] : memref<1280x128xi32, #tpu.memory_space<hbm>> -> memref<40x128xi32, #tpu.memory_space<hbm>>
        %dma_wait3A_99 = arith.constant 0 : i32
        %dma_wait3A_100 = tpu.memref_slice %arg4[%add3A_29, %dma_wait3A_99] : memref<1280x128xi32, #tpu.memory_space<hbm>> -> memref<40x128xi32, #tpu.memory_space<hbm>>
        tpu.wait_dma2 semaphore(%run_scoped3A : memref<!tpu.dma_semaphore, #tpu.memory_space<semaphore_mem>>) src(%dma_wait3A_100 : memref<40x128xi32, #tpu.memory_space<hbm>>) dst(%arg11 : memref<40x128xi32, #tpu.memory_space<vmem>>)
        tpu.yield
      }) : () -> ()
      %mul3A_30 = arith.constant 80 : i32
      %mul3A_31 = arith.muli %arg1, %mul3A_30 : i32
      %add3A_32 = arith.constant 0 : i32
      %add3A_33 = arith.addi %mul3A_31, %add3A_32 : i32
      "tpu.region"() ({
        %run_scoped3A = tpu.sem_alloc : memref<!tpu.dma_semaphore, #tpu.memory_space<semaphore_mem>>
        %dma_start3A = arith.constant 0 : i32
        %dma_start3A_94 = tpu.memref_slice %arg5[%add3A_33, %dma_start3A] : memref<1280x128xi32, #tpu.memory_space<hbm>> -> memref<40x128xi32, #tpu.memory_space<hbm>>
        %dma_start3A_95 = arith.constant 0 : i32
        %dma_start3A_96 = tpu.memref_slice %arg5[%add3A_33, %dma_start3A_95] : memref<1280x128xi32, #tpu.memory_space<hbm>> -> memref<40x128xi32, #tpu.memory_space<hbm>>
        tpu.enqueue_dma source(%dma_start3A_96 : memref<40x128xi32, #tpu.memory_space<hbm>>) target(%arg12 : memref<40x128xi32, #tpu.memory_space<vmem>>) target_semaphore(%run_scoped3A : memref<!tpu.dma_semaphore, #tpu.memory_space<semaphore_mem>>)
        %dma_wait3A_97 = arith.constant 0 : i32
        %dma_wait3A_98 = tpu.memref_slice %arg5[%add3A_33, %dma_wait3A_97] : memref<1280x128xi32, #tpu.memory_space<hbm>> -> memref<40x128xi32, #tpu.memory_space<hbm>>
        %dma_wait3A_99 = arith.constant 0 : i32
        %dma_wait3A_100 = tpu.memref_slice %arg5[%add3A_33, %dma_wait3A_99] : memref<1280x128xi32, #tpu.memory_space<hbm>> -> memref<40x128xi32, #tpu.memory_space<hbm>>
        tpu.wait_dma2 semaphore(%run_scoped3A : memref<!tpu.dma_semaphore, #tpu.memory_space<semaphore_mem>>) src(%dma_wait3A_100 : memref<40x128xi32, #tpu.memory_space<hbm>>) dst(%arg12 : memref<40x128xi32, #tpu.memory_space<vmem>>)
        tpu.yield
      }) : () -> ()
      %scan3A = arith.constant 0 : i32
      %scan3A_34 = arith.constant 0 : i32
      %scan3A_35 = arith.constant 20 : i32
      %scan3A_36 = arith.addi %scan3A_34, %scan3A_35 : i32
      %scan3A_37 = arith.constant 1 : i32
      %scan3A_38 = scf.for %scan3A_94 = %scan3A_34 to %scan3A_36 step %scan3A_37 iter_args(%scan3A_95 = %scan3A) -> (i32)  : i32 {
        %mul3A_96 = arith.constant 2 : i32
        %mul3A_97 = arith.muli %mul3A_96, %scan3A_94 : i32
        %add3A_98 = arith.constant 0 : i32
        %add3A_99 = arith.addi %mul3A_97, %add3A_98 : i32
        %ge3A = arith.constant 2 : i32
        %ge3A_100 = arith.cmpi sge, %add3A_99, %ge3A : i32
        %convert_element_type3A_101 = arith.extui %ge3A_100 : i1 to i32
        %cond3A_102 = arith.constant 0 : i32
        %cond3A_103 = arith.cmpi ne, %convert_element_type3A_101, %cond3A_102 : i32
        scf.if %cond3A_103 {
          %dma_wait3A_131 = arith.constant 0 : i32
          %dma_wait3A_132 = arith.constant 0 : i32
          %dma_wait3A_133 = arith.constant 0 : i32
          %dma_wait3A_134 = tpu.memref_slice %arg12[%dma_wait3A_131, %dma_wait3A_133] : memref<40x128xi32, #tpu.memory_space<vmem>> -> memref<1x128xi32, #tpu.memory_space<vmem>>
          %dma_wait3A_135 = tpu.memref_squeeze %dma_wait3A_134 : memref<1x128xi32, #tpu.memory_space<vmem>> -> memref<128xi32, #tpu.memory_space<vmem>>
          %dma_wait3A_136 = arith.constant 0 : i32
          %dma_wait3A_137 = arith.constant 0 : i32
          %dma_wait3A_138 = tpu.memref_slice %arg16[%dma_wait3A_136, %dma_wait3A_137] : memref<10016x128xf32, #tpu.memory_space<vmem_shared>> -> memref<10016x128xf32, #tpu.memory_space<vmem_shared>>
          %dma_wait3A_139 = tpu.memref_slice %arg15[%dma_wait3A_132] : memref<2x!tpu.dma_semaphore, #tpu.memory_space<semaphore_mem>> -> memref<1x!tpu.dma_semaphore, #tpu.memory_space<semaphore_mem>>
          %dma_wait3A_140 = tpu.memref_squeeze %dma_wait3A_139 : memref<1x!tpu.dma_semaphore, #tpu.memory_space<semaphore_mem>> -> memref<!tpu.dma_semaphore, #tpu.memory_space<semaphore_mem>>
          tpu.wait_indirect_dma semaphore(%dma_wait3A_140 : memref<!tpu.dma_semaphore, #tpu.memory_space<semaphore_mem>>) src(%arg13 : memref<128x128xf32, #tpu.memory_space<vmem>>) dst(%dma_wait3A_138 : memref<10016x128xf32, #tpu.memory_space<vmem_shared>>)
        } else {
        }
        "tpu.region"() ({
          %run_scoped3A = tpu.sem_alloc : memref<!tpu.dma_semaphore, #tpu.memory_space<semaphore_mem>>
          %dma_start3A_131 = arith.constant 0 : i32
          %dma_start3A_132 = tpu.memref_slice %arg11[%add3A_99, %dma_start3A_131] : memref<40x128xi32, #tpu.memory_space<vmem>> -> memref<1x128xi32, #tpu.memory_space<vmem>>
          %dma_start3A_133 = tpu.memref_squeeze %dma_start3A_132 : memref<1x128xi32, #tpu.memory_space<vmem>> -> memref<128xi32, #tpu.memory_space<vmem>>
          %dma_start3A_134 = arith.constant 0 : i32
          %dma_start3A_135 = arith.constant 0 : i32
          %dma_start3A_136 = tpu.memref_slice %arg2[%dma_start3A_134, %dma_start3A_135] : memref<10000x128xf32, #tpu.memory_space<hbm>> -> memref<10000x128xf32, #tpu.memory_space<hbm>>
          tpu.enqueue_indirect_dma source(%dma_start3A_136 : memref<10000x128xf32, #tpu.memory_space<hbm>>) target(%arg13 : memref<128x128xf32, #tpu.memory_space<vmem>>) offsets(%dma_start3A_133 : memref<128xi32, #tpu.memory_space<vmem>>) semaphore(%run_scoped3A : memref<!tpu.dma_semaphore, #tpu.memory_space<semaphore_mem>>)
          %dma_wait3A_137 = arith.constant 0 : i32
          %dma_wait3A_138 = tpu.memref_slice %arg11[%add3A_99, %dma_wait3A_137] : memref<40x128xi32, #tpu.memory_space<vmem>> -> memref<1x128xi32, #tpu.memory_space<vmem>>
          %dma_wait3A_139 = tpu.memref_squeeze %dma_wait3A_138 : memref<1x128xi32, #tpu.memory_space<vmem>> -> memref<128xi32, #tpu.memory_space<vmem>>
          %dma_wait3A_140 = arith.constant 0 : i32
          %dma_wait3A_141 = arith.constant 0 : i32
          %dma_wait3A_142 = tpu.memref_slice %arg2[%dma_wait3A_140, %dma_wait3A_141] : memref<10000x128xf32, #tpu.memory_space<hbm>> -> memref<10000x128xf32, #tpu.memory_space<hbm>>
          tpu.wait_indirect_dma semaphore(%run_scoped3A : memref<!tpu.dma_semaphore, #tpu.memory_space<semaphore_mem>>) src(%dma_wait3A_142 : memref<10000x128xf32, #tpu.memory_space<hbm>>) dst(%arg13 : memref<128x128xf32, #tpu.memory_space<vmem>>)
          tpu.yield
        }) : () -> ()
        %dma_start3A = arith.constant 0 : i32
        %dma_start3A_104 = arith.constant 0 : i32
        %dma_start3A_105 = tpu.memref_slice %arg12[%add3A_99, %dma_start3A_104] : memref<40x128xi32, #tpu.memory_space<vmem>> -> memref<1x128xi32, #tpu.memory_space<vmem>>
        %dma_start3A_106 = tpu.memref_squeeze %dma_start3A_105 : memref<1x128xi32, #tpu.memory_space<vmem>> -> memref<128xi32, #tpu.memory_space<vmem>>
        %dma_start3A_107 = arith.constant 0 : i32
        %dma_start3A_108 = arith.constant 0 : i32
        %dma_start3A_109 = tpu.memref_slice %arg16[%dma_start3A_107, %dma_start3A_108] : memref<10016x128xf32, #tpu.memory_space<vmem_shared>> -> memref<10016x128xf32, #tpu.memory_space<vmem_shared>>
        %dma_start3A_110 = tpu.memref_slice %arg15[%dma_start3A] : memref<2x!tpu.dma_semaphore, #tpu.memory_space<semaphore_mem>> -> memref<1x!tpu.dma_semaphore, #tpu.memory_space<semaphore_mem>>
        %dma_start3A_111 = tpu.memref_squeeze %dma_start3A_110 : memref<1x!tpu.dma_semaphore, #tpu.memory_space<semaphore_mem>> -> memref<!tpu.dma_semaphore, #tpu.memory_space<semaphore_mem>>
        tpu.enqueue_indirect_dma source(%arg13 : memref<128x128xf32, #tpu.memory_space<vmem>>) target(%dma_start3A_109 : memref<10016x128xf32, #tpu.memory_space<vmem_shared>>) offsets(%dma_start3A_106 : memref<128xi32, #tpu.memory_space<vmem>>) semaphore(%dma_start3A_111 : memref<!tpu.dma_semaphore, #tpu.memory_space<semaphore_mem>>) {add = true}
        %mul3A_112 = arith.constant 2 : i32
        %mul3A_113 = arith.muli %mul3A_112, %scan3A_94 : i32
        %add3A_114 = arith.constant 1 : i32
        %add3A_115 = arith.addi %mul3A_113, %add3A_114 : i32
        %ge3A_116 = arith.constant 2 : i32
        %ge3A_117 = arith.cmpi sge, %add3A_115, %ge3A_116 : i32
        %convert_element_type3A_118 = arith.extui %ge3A_117 : i1 to i32
        %cond3A_119 = arith.constant 0 : i32
        %cond3A_120 = arith.cmpi ne, %convert_element_type3A_118, %cond3A_119 : i32
        scf.if %cond3A_120 {
          %dma_wait3A_131 = arith.constant 0 : i32
          %dma_wait3A_132 = arith.constant 1 : i32
          %dma_wait3A_133 = arith.constant 0 : i32
          %dma_wait3A_134 = tpu.memref_slice %arg12[%dma_wait3A_131, %dma_wait3A_133] : memref<40x128xi32, #tpu.memory_space<vmem>> -> memref<1x128xi32, #tpu.memory_space<vmem>>
          %dma_wait3A_135 = tpu.memref_squeeze %dma_wait3A_134 : memref<1x128xi32, #tpu.memory_space<vmem>> -> memref<128xi32, #tpu.memory_space<vmem>>
          %dma_wait3A_136 = arith.constant 0 : i32
          %dma_wait3A_137 = arith.constant 0 : i32
          %dma_wait3A_138 = tpu.memref_slice %arg16[%dma_wait3A_136, %dma_wait3A_137] : memref<10016x128xf32, #tpu.memory_space<vmem_shared>> -> memref<10016x128xf32, #tpu.memory_space<vmem_shared>>
          %dma_wait3A_139 = tpu.memref_slice %arg15[%dma_wait3A_132] : memref<2x!tpu.dma_semaphore, #tpu.memory_space<semaphore_mem>> -> memref<1x!tpu.dma_semaphore, #tpu.memory_space<semaphore_mem>>
          %dma_wait3A_140 = tpu.memref_squeeze %dma_wait3A_139 : memref<1x!tpu.dma_semaphore, #tpu.memory_space<semaphore_mem>> -> memref<!tpu.dma_semaphore, #tpu.memory_space<semaphore_mem>>
          tpu.wait_indirect_dma semaphore(%dma_wait3A_140 : memref<!tpu.dma_semaphore, #tpu.memory_space<semaphore_mem>>) src(%arg14 : memref<128x128xf32, #tpu.memory_space<vmem>>) dst(%dma_wait3A_138 : memref<10016x128xf32, #tpu.memory_space<vmem_shared>>)
        } else {
        }
        "tpu.region"() ({
          %run_scoped3A = tpu.sem_alloc : memref<!tpu.dma_semaphore, #tpu.memory_space<semaphore_mem>>
          %dma_start3A_131 = arith.constant 0 : i32
          %dma_start3A_132 = tpu.memref_slice %arg11[%add3A_115, %dma_start3A_131] : memref<40x128xi32, #tpu.memory_space<vmem>> -> memref<1x128xi32, #tpu.memory_space<vmem>>
          %dma_start3A_133 = tpu.memref_squeeze %dma_start3A_132 : memref<1x128xi32, #tpu.memory_space<vmem>> -> memref<128xi32, #tpu.memory_space<vmem>>
          %dma_start3A_134 = arith.constant 0 : i32
          %dma_start3A_135 = arith.constant 0 : i32
          %dma_start3A_136 = tpu.memref_slice %arg2[%dma_start3A_134, %dma_start3A_135] : memref<10000x128xf32, #tpu.memory_space<hbm>> -> memref<10000x128xf32, #tpu.memory_space<hbm>>
          tpu.enqueue_indirect_dma source(%dma_start3A_136 : memref<10000x128xf32, #tpu.memory_space<hbm>>) target(%arg14 : memref<128x128xf32, #tpu.memory_space<vmem>>) offsets(%dma_start3A_133 : memref<128xi32, #tpu.memory_space<vmem>>) semaphore(%run_scoped3A : memref<!tpu.dma_semaphore, #tpu.memory_space<semaphore_mem>>)
          %dma_wait3A_137 = arith.constant 0 : i32
          %dma_wait3A_138 = tpu.memref_slice %arg11[%add3A_115, %dma_wait3A_137] : memref<40x128xi32, #tpu.memory_space<vmem>> -> memref<1x128xi32, #tpu.memory_space<vmem>>
          %dma_wait3A_139 = tpu.memref_squeeze %dma_wait3A_138 : memref<1x128xi32, #tpu.memory_space<vmem>> -> memref<128xi32, #tpu.memory_space<vmem>>
          %dma_wait3A_140 = arith.constant 0 : i32
          %dma_wait3A_141 = arith.constant 0 : i32
          %dma_wait3A_142 = tpu.memref_slice %arg2[%dma_wait3A_140, %dma_wait3A_141] : memref<10000x128xf32, #tpu.memory_space<hbm>> -> memref<10000x128xf32, #tpu.memory_space<hbm>>
          tpu.wait_indirect_dma semaphore(%run_scoped3A : memref<!tpu.dma_semaphore, #tpu.memory_space<semaphore_mem>>) src(%dma_wait3A_142 : memref<10000x128xf32, #tpu.memory_space<hbm>>) dst(%arg14 : memref<128x128xf32, #tpu.memory_space<vmem>>)
          tpu.yield
        }) : () -> ()
        %dma_start3A_121 = arith.constant 1 : i32
        %dma_start3A_122 = arith.constant 0 : i32
        %dma_start3A_123 = tpu.memref_slice %arg12[%add3A_115, %dma_start3A_122] : memref<40x128xi32, #tpu.memory_space<vmem>> -> memref<1x128xi32, #tpu.memory_space<vmem>>
        %dma_start3A_124 = tpu.memref_squeeze %dma_start3A_123 : memref<1x128xi32, #tpu.memory_space<vmem>> -> memref<128xi32, #tpu.memory_space<vmem>>
        %dma_start3A_125 = arith.constant 0 : i32
        %dma_start3A_126 = arith.constant 0 : i32
        %dma_start3A_127 = tpu.memref_slice %arg16[%dma_start3A_125, %dma_start3A_126] : memref<10016x128xf32, #tpu.memory_space<vmem_shared>> -> memref<10016x128xf32, #tpu.memory_space<vmem_shared>>
        %dma_start3A_128 = tpu.memref_slice %arg15[%dma_start3A_121] : memref<2x!tpu.dma_semaphore, #tpu.memory_space<semaphore_mem>> -> memref<1x!tpu.dma_semaphore, #tpu.memory_space<semaphore_mem>>
        %dma_start3A_129 = tpu.memref_squeeze %dma_start3A_128 : memref<1x!tpu.dma_semaphore, #tpu.memory_space<semaphore_mem>> -> memref<!tpu.dma_semaphore, #tpu.memory_space<semaphore_mem>>
        tpu.enqueue_indirect_dma source(%arg14 : memref<128x128xf32, #tpu.memory_space<vmem>>) target(%dma_start3A_127 : memref<10016x128xf32, #tpu.memory_space<vmem_shared>>) offsets(%dma_start3A_124 : memref<128xi32, #tpu.memory_space<vmem>>) semaphore(%dma_start3A_129 : memref<!tpu.dma_semaphore, #tpu.memory_space<semaphore_mem>>) {add = true}
        %scan3A_130 = arith.constant 0 : i32
        scf.yield %scan3A_130 : i32
      }
      %scan3A_39 = arith.constant 20 : i32
      %dma_wait3A = arith.constant 0 : i32
      %dma_wait3A_40 = arith.constant 0 : i32
      %dma_wait3A_41 = arith.constant 0 : i32
      %dma_wait3A_42 = tpu.memref_slice %arg12[%dma_wait3A, %dma_wait3A_41] : memref<40x128xi32, #tpu.memory_space<vmem>> -> memref<1x128xi32, #tpu.memory_space<vmem>>
      %dma_wait3A_43 = tpu.memref_squeeze %dma_wait3A_42 : memref<1x128xi32, #tpu.memory_space<vmem>> -> memref<128xi32, #tpu.memory_space<vmem>>
      %dma_wait3A_44 = arith.constant 0 : i32
      %dma_wait3A_45 = arith.constant 0 : i32
      %dma_wait3A_46 = tpu.memref_slice %arg16[%dma_wait3A_44, %dma_wait3A_45] : memref<10016x128xf32, #tpu.memory_space<vmem_shared>> -> memref<10016x128xf32, #tpu.memory_space<vmem_shared>>
      %dma_wait3A_47 = tpu.memref_slice %arg15[%dma_wait3A_40] : memref<2x!tpu.dma_semaphore, #tpu.memory_space<semaphore_mem>> -> memref<1x!tpu.dma_semaphore, #tpu.memory_space<semaphore_mem>>
      %dma_wait3A_48 = tpu.memref_squeeze %dma_wait3A_47 : memref<1x!tpu.dma_semaphore, #tpu.memory_space<semaphore_mem>> -> memref<!tpu.dma_semaphore, #tpu.memory_space<semaphore_mem>>
      tpu.wait_indirect_dma semaphore(%dma_wait3A_48 : memref<!tpu.dma_semaphore, #tpu.memory_space<semaphore_mem>>) src(%arg13 : memref<128x128xf32, #tpu.memory_space<vmem>>) dst(%dma_wait3A_46 : memref<10016x128xf32, #tpu.memory_space<vmem_shared>>)
      %dma_wait3A_49 = arith.constant 0 : i32
      %dma_wait3A_50 = arith.constant 1 : i32
      %dma_wait3A_51 = arith.constant 0 : i32
      %dma_wait3A_52 = tpu.memref_slice %arg12[%dma_wait3A_49, %dma_wait3A_51] : memref<40x128xi32, #tpu.memory_space<vmem>> -> memref<1x128xi32, #tpu.memory_space<vmem>>
      %dma_wait3A_53 = tpu.memref_squeeze %dma_wait3A_52 : memref<1x128xi32, #tpu.memory_space<vmem>> -> memref<128xi32, #tpu.memory_space<vmem>>
      %dma_wait3A_54 = arith.constant 0 : i32
      %dma_wait3A_55 = arith.constant 0 : i32
      %dma_wait3A_56 = tpu.memref_slice %arg16[%dma_wait3A_54, %dma_wait3A_55] : memref<10016x128xf32, #tpu.memory_space<vmem_shared>> -> memref<10016x128xf32, #tpu.memory_space<vmem_shared>>
      %dma_wait3A_57 = tpu.memref_slice %arg15[%dma_wait3A_50] : memref<2x!tpu.dma_semaphore, #tpu.memory_space<semaphore_mem>> -> memref<1x!tpu.dma_semaphore, #tpu.memory_space<semaphore_mem>>
      %dma_wait3A_58 = tpu.memref_squeeze %dma_wait3A_57 : memref<1x!tpu.dma_semaphore, #tpu.memory_space<semaphore_mem>> -> memref<!tpu.dma_semaphore, #tpu.memory_space<semaphore_mem>>
      tpu.wait_indirect_dma semaphore(%dma_wait3A_58 : memref<!tpu.dma_semaphore, #tpu.memory_space<semaphore_mem>>) src(%arg14 : memref<128x128xf32, #tpu.memory_space<vmem>>) dst(%dma_wait3A_56 : memref<10016x128xf32, #tpu.memory_space<vmem_shared>>)
      %mul3A_59 = arith.constant 80 : i32
      %mul3A_60 = arith.muli %arg1, %mul3A_59 : i32
      %add3A_61 = arith.constant 40 : i32
      %add3A_62 = arith.addi %mul3A_60, %add3A_61 : i32
      "tpu.region"() ({
        %run_scoped3A = tpu.sem_alloc : memref<!tpu.dma_semaphore, #tpu.memory_space<semaphore_mem>>
        %dma_start3A = arith.constant 0 : i32
        %dma_start3A_94 = tpu.memref_slice %arg4[%add3A_62, %dma_start3A] : memref<1280x128xi32, #tpu.memory_space<hbm>> -> memref<40x128xi32, #tpu.memory_space<hbm>>
        %dma_start3A_95 = arith.constant 0 : i32
        %dma_start3A_96 = tpu.memref_slice %arg4[%add3A_62, %dma_start3A_95] : memref<1280x128xi32, #tpu.memory_space<hbm>> -> memref<40x128xi32, #tpu.memory_space<hbm>>
        tpu.enqueue_dma source(%dma_start3A_96 : memref<40x128xi32, #tpu.memory_space<hbm>>) target(%arg11 : memref<40x128xi32, #tpu.memory_space<vmem>>) target_semaphore(%run_scoped3A : memref<!tpu.dma_semaphore, #tpu.memory_space<semaphore_mem>>)
        %dma_wait3A_97 = arith.constant 0 : i32
        %dma_wait3A_98 = tpu.memref_slice %arg4[%add3A_62, %dma_wait3A_97] : memref<1280x128xi32, #tpu.memory_space<hbm>> -> memref<40x128xi32, #tpu.memory_space<hbm>>
        %dma_wait3A_99 = arith.constant 0 : i32
        %dma_wait3A_100 = tpu.memref_slice %arg4[%add3A_62, %dma_wait3A_99] : memref<1280x128xi32, #tpu.memory_space<hbm>> -> memref<40x128xi32, #tpu.memory_space<hbm>>
        tpu.wait_dma2 semaphore(%run_scoped3A : memref<!tpu.dma_semaphore, #tpu.memory_space<semaphore_mem>>) src(%dma_wait3A_100 : memref<40x128xi32, #tpu.memory_space<hbm>>) dst(%arg11 : memref<40x128xi32, #tpu.memory_space<vmem>>)
        tpu.yield
      }) : () -> ()
      %mul3A_63 = arith.constant 80 : i32
      %mul3A_64 = arith.muli %arg1, %mul3A_63 : i32
      %add3A_65 = arith.constant 40 : i32
      %add3A_66 = arith.addi %mul3A_64, %add3A_65 : i32
      "tpu.region"() ({
        %run_scoped3A = tpu.sem_alloc : memref<!tpu.dma_semaphore, #tpu.memory_space<semaphore_mem>>
        %dma_start3A = arith.constant 0 : i32
        %dma_start3A_94 = tpu.memref_slice %arg5[%add3A_66, %dma_start3A] : memref<1280x128xi32, #tpu.memory_space<hbm>> -> memref<40x128xi32, #tpu.memory_space<hbm>>
        %dma_start3A_95 = arith.constant 0 : i32
        %dma_start3A_96 = tpu.memref_slice %arg5[%add3A_66, %dma_start3A_95] : memref<1280x128xi32, #tpu.memory_space<hbm>> -> memref<40x128xi32, #tpu.memory_space<hbm>>
        tpu.enqueue_dma source(%dma_start3A_96 : memref<40x128xi32, #tpu.memory_space<hbm>>) target(%arg12 : memref<40x128xi32, #tpu.memory_space<vmem>>) target_semaphore(%run_scoped3A : memref<!tpu.dma_semaphore, #tpu.memory_space<semaphore_mem>>)
        %dma_wait3A_97 = arith.constant 0 : i32
        %dma_wait3A_98 = tpu.memref_slice %arg5[%add3A_66, %dma_wait3A_97] : memref<1280x128xi32, #tpu.memory_space<hbm>> -> memref<40x128xi32, #tpu.memory_space<hbm>>
        %dma_wait3A_99 = arith.constant 0 : i32
        %dma_wait3A_100 = tpu.memref_slice %arg5[%add3A_66, %dma_wait3A_99] : memref<1280x128xi32, #tpu.memory_space<hbm>> -> memref<40x128xi32, #tpu.memory_space<hbm>>
        tpu.wait_dma2 semaphore(%run_scoped3A : memref<!tpu.dma_semaphore, #tpu.memory_space<semaphore_mem>>) src(%dma_wait3A_100 : memref<40x128xi32, #tpu.memory_space<hbm>>) dst(%arg12 : memref<40x128xi32, #tpu.memory_space<vmem>>)
        tpu.yield
      }) : () -> ()
      %scan3A_67 = arith.constant 0 : i32
      %scan3A_68 = arith.constant 0 : i32
      %scan3A_69 = arith.constant 20 : i32
      %scan3A_70 = arith.addi %scan3A_68, %scan3A_69 : i32
      %scan3A_71 = arith.constant 1 : i32
      %scan3A_72 = scf.for %scan3A_94 = %scan3A_68 to %scan3A_70 step %scan3A_71 iter_args(%scan3A_95 = %scan3A_67) -> (i32)  : i32 {
        %mul3A_96 = arith.constant 2 : i32
        %mul3A_97 = arith.muli %mul3A_96, %scan3A_94 : i32
        %add3A_98 = arith.constant 0 : i32
        %add3A_99 = arith.addi %mul3A_97, %add3A_98 : i32
        %ge3A = arith.constant 2 : i32
        %ge3A_100 = arith.cmpi sge, %add3A_99, %ge3A : i32
        %convert_element_type3A_101 = arith.extui %ge3A_100 : i1 to i32
        %cond3A_102 = arith.constant 0 : i32
        %cond3A_103 = arith.cmpi ne, %convert_element_type3A_101, %cond3A_102 : i32
        scf.if %cond3A_103 {
          %dma_wait3A_131 = arith.constant 0 : i32
          %dma_wait3A_132 = arith.constant 0 : i32
          %dma_wait3A_133 = arith.constant 0 : i32
          %dma_wait3A_134 = tpu.memref_slice %arg12[%dma_wait3A_131, %dma_wait3A_133] : memref<40x128xi32, #tpu.memory_space<vmem>> -> memref<1x128xi32, #tpu.memory_space<vmem>>
          %dma_wait3A_135 = tpu.memref_squeeze %dma_wait3A_134 : memref<1x128xi32, #tpu.memory_space<vmem>> -> memref<128xi32, #tpu.memory_space<vmem>>
          %dma_wait3A_136 = arith.constant 0 : i32
          %dma_wait3A_137 = arith.constant 0 : i32
          %dma_wait3A_138 = tpu.memref_slice %arg16[%dma_wait3A_136, %dma_wait3A_137] : memref<10016x128xf32, #tpu.memory_space<vmem_shared>> -> memref<10016x128xf32, #tpu.memory_space<vmem_shared>>
          %dma_wait3A_139 = tpu.memref_slice %arg15[%dma_wait3A_132] : memref<2x!tpu.dma_semaphore, #tpu.memory_space<semaphore_mem>> -> memref<1x!tpu.dma_semaphore, #tpu.memory_space<semaphore_mem>>
          %dma_wait3A_140 = tpu.memref_squeeze %dma_wait3A_139 : memref<1x!tpu.dma_semaphore, #tpu.memory_space<semaphore_mem>> -> memref<!tpu.dma_semaphore, #tpu.memory_space<semaphore_mem>>
          tpu.wait_indirect_dma semaphore(%dma_wait3A_140 : memref<!tpu.dma_semaphore, #tpu.memory_space<semaphore_mem>>) src(%arg13 : memref<128x128xf32, #tpu.memory_space<vmem>>) dst(%dma_wait3A_138 : memref<10016x128xf32, #tpu.memory_space<vmem_shared>>)
        } else {
        }
        "tpu.region"() ({
          %run_scoped3A = tpu.sem_alloc : memref<!tpu.dma_semaphore, #tpu.memory_space<semaphore_mem>>
          %dma_start3A_131 = arith.constant 0 : i32
          %dma_start3A_132 = tpu.memref_slice %arg11[%add3A_99, %dma_start3A_131] : memref<40x128xi32, #tpu.memory_space<vmem>> -> memref<1x128xi32, #tpu.memory_space<vmem>>
          %dma_start3A_133 = tpu.memref_squeeze %dma_start3A_132 : memref<1x128xi32, #tpu.memory_space<vmem>> -> memref<128xi32, #tpu.memory_space<vmem>>
          %dma_start3A_134 = arith.constant 0 : i32
          %dma_start3A_135 = arith.constant 0 : i32
          %dma_start3A_136 = tpu.memref_slice %arg2[%dma_start3A_134, %dma_start3A_135] : memref<10000x128xf32, #tpu.memory_space<hbm>> -> memref<10000x128xf32, #tpu.memory_space<hbm>>
          tpu.enqueue_indirect_dma source(%dma_start3A_136 : memref<10000x128xf32, #tpu.memory_space<hbm>>) target(%arg13 : memref<128x128xf32, #tpu.memory_space<vmem>>) offsets(%dma_start3A_133 : memref<128xi32, #tpu.memory_space<vmem>>) semaphore(%run_scoped3A : memref<!tpu.dma_semaphore, #tpu.memory_space<semaphore_mem>>)
          %dma_wait3A_137 = arith.constant 0 : i32
          %dma_wait3A_138 = tpu.memref_slice %arg11[%add3A_99, %dma_wait3A_137] : memref<40x128xi32, #tpu.memory_space<vmem>> -> memref<1x128xi32, #tpu.memory_space<vmem>>
          %dma_wait3A_139 = tpu.memref_squeeze %dma_wait3A_138 : memref<1x128xi32, #tpu.memory_space<vmem>> -> memref<128xi32, #tpu.memory_space<vmem>>
          %dma_wait3A_140 = arith.constant 0 : i32
          %dma_wait3A_141 = arith.constant 0 : i32
          %dma_wait3A_142 = tpu.memref_slice %arg2[%dma_wait3A_140, %dma_wait3A_141] : memref<10000x128xf32, #tpu.memory_space<hbm>> -> memref<10000x128xf32, #tpu.memory_space<hbm>>
          tpu.wait_indirect_dma semaphore(%run_scoped3A : memref<!tpu.dma_semaphore, #tpu.memory_space<semaphore_mem>>) src(%dma_wait3A_142 : memref<10000x128xf32, #tpu.memory_space<hbm>>) dst(%arg13 : memref<128x128xf32, #tpu.memory_space<vmem>>)
          tpu.yield
        }) : () -> ()
        %dma_start3A = arith.constant 0 : i32
        %dma_start3A_104 = arith.constant 0 : i32
        %dma_start3A_105 = tpu.memref_slice %arg12[%add3A_99, %dma_start3A_104] : memref<40x128xi32, #tpu.memory_space<vmem>> -> memref<1x128xi32, #tpu.memory_space<vmem>>
        %dma_start3A_106 = tpu.memref_squeeze %dma_start3A_105 : memref<1x128xi32, #tpu.memory_space<vmem>> -> memref<128xi32, #tpu.memory_space<vmem>>
        %dma_start3A_107 = arith.constant 0 : i32
        %dma_start3A_108 = arith.constant 0 : i32
        %dma_start3A_109 = tpu.memref_slice %arg16[%dma_start3A_107, %dma_start3A_108] : memref<10016x128xf32, #tpu.memory_space<vmem_shared>> -> memref<10016x128xf32, #tpu.memory_space<vmem_shared>>
        %dma_start3A_110 = tpu.memref_slice %arg15[%dma_start3A] : memref<2x!tpu.dma_semaphore, #tpu.memory_space<semaphore_mem>> -> memref<1x!tpu.dma_semaphore, #tpu.memory_space<semaphore_mem>>
        %dma_start3A_111 = tpu.memref_squeeze %dma_start3A_110 : memref<1x!tpu.dma_semaphore, #tpu.memory_space<semaphore_mem>> -> memref<!tpu.dma_semaphore, #tpu.memory_space<semaphore_mem>>
        tpu.enqueue_indirect_dma source(%arg13 : memref<128x128xf32, #tpu.memory_space<vmem>>) target(%dma_start3A_109 : memref<10016x128xf32, #tpu.memory_space<vmem_shared>>) offsets(%dma_start3A_106 : memref<128xi32, #tpu.memory_space<vmem>>) semaphore(%dma_start3A_111 : memref<!tpu.dma_semaphore, #tpu.memory_space<semaphore_mem>>) {add = true}
        %mul3A_112 = arith.constant 2 : i32
        %mul3A_113 = arith.muli %mul3A_112, %scan3A_94 : i32
        %add3A_114 = arith.constant 1 : i32
        %add3A_115 = arith.addi %mul3A_113, %add3A_114 : i32
        %ge3A_116 = arith.constant 2 : i32
        %ge3A_117 = arith.cmpi sge, %add3A_115, %ge3A_116 : i32
        %convert_element_type3A_118 = arith.extui %ge3A_117 : i1 to i32
        %cond3A_119 = arith.constant 0 : i32
        %cond3A_120 = arith.cmpi ne, %convert_element_type3A_118, %cond3A_119 : i32
        scf.if %cond3A_120 {
          %dma_wait3A_131 = arith.constant 0 : i32
          %dma_wait3A_132 = arith.constant 1 : i32
          %dma_wait3A_133 = arith.constant 0 : i32
          %dma_wait3A_134 = tpu.memref_slice %arg12[%dma_wait3A_131, %dma_wait3A_133] : memref<40x128xi32, #tpu.memory_space<vmem>> -> memref<1x128xi32, #tpu.memory_space<vmem>>
          %dma_wait3A_135 = tpu.memref_squeeze %dma_wait3A_134 : memref<1x128xi32, #tpu.memory_space<vmem>> -> memref<128xi32, #tpu.memory_space<vmem>>
          %dma_wait3A_136 = arith.constant 0 : i32
          %dma_wait3A_137 = arith.constant 0 : i32
          %dma_wait3A_138 = tpu.memref_slice %arg16[%dma_wait3A_136, %dma_wait3A_137] : memref<10016x128xf32, #tpu.memory_space<vmem_shared>> -> memref<10016x128xf32, #tpu.memory_space<vmem_shared>>
          %dma_wait3A_139 = tpu.memref_slice %arg15[%dma_wait3A_132] : memref<2x!tpu.dma_semaphore, #tpu.memory_space<semaphore_mem>> -> memref<1x!tpu.dma_semaphore, #tpu.memory_space<semaphore_mem>>
          %dma_wait3A_140 = tpu.memref_squeeze %dma_wait3A_139 : memref<1x!tpu.dma_semaphore, #tpu.memory_space<semaphore_mem>> -> memref<!tpu.dma_semaphore, #tpu.memory_space<semaphore_mem>>
          tpu.wait_indirect_dma semaphore(%dma_wait3A_140 : memref<!tpu.dma_semaphore, #tpu.memory_space<semaphore_mem>>) src(%arg14 : memref<128x128xf32, #tpu.memory_space<vmem>>) dst(%dma_wait3A_138 : memref<10016x128xf32, #tpu.memory_space<vmem_shared>>)
        } else {
        }
        "tpu.region"() ({
          %run_scoped3A = tpu.sem_alloc : memref<!tpu.dma_semaphore, #tpu.memory_space<semaphore_mem>>
          %dma_start3A_131 = arith.constant 0 : i32
          %dma_start3A_132 = tpu.memref_slice %arg11[%add3A_115, %dma_start3A_131] : memref<40x128xi32, #tpu.memory_space<vmem>> -> memref<1x128xi32, #tpu.memory_space<vmem>>
          %dma_start3A_133 = tpu.memref_squeeze %dma_start3A_132 : memref<1x128xi32, #tpu.memory_space<vmem>> -> memref<128xi32, #tpu.memory_space<vmem>>
          %dma_start3A_134 = arith.constant 0 : i32
          %dma_start3A_135 = arith.constant 0 : i32
          %dma_start3A_136 = tpu.memref_slice %arg2[%dma_start3A_134, %dma_start3A_135] : memref<10000x128xf32, #tpu.memory_space<hbm>> -> memref<10000x128xf32, #tpu.memory_space<hbm>>
          tpu.enqueue_indirect_dma source(%dma_start3A_136 : memref<10000x128xf32, #tpu.memory_space<hbm>>) target(%arg14 : memref<128x128xf32, #tpu.memory_space<vmem>>) offsets(%dma_start3A_133 : memref<128xi32, #tpu.memory_space<vmem>>) semaphore(%run_scoped3A : memref<!tpu.dma_semaphore, #tpu.memory_space<semaphore_mem>>)
          %dma_wait3A_137 = arith.constant 0 : i32
          %dma_wait3A_138 = tpu.memref_slice %arg11[%add3A_115, %dma_wait3A_137] : memref<40x128xi32, #tpu.memory_space<vmem>> -> memref<1x128xi32, #tpu.memory_space<vmem>>
          %dma_wait3A_139 = tpu.memref_squeeze %dma_wait3A_138 : memref<1x128xi32, #tpu.memory_space<vmem>> -> memref<128xi32, #tpu.memory_space<vmem>>
          %dma_wait3A_140 = arith.constant 0 : i32
          %dma_wait3A_141 = arith.constant 0 : i32
          %dma_wait3A_142 = tpu.memref_slice %arg2[%dma_wait3A_140, %dma_wait3A_141] : memref<10000x128xf32, #tpu.memory_space<hbm>> -> memref<10000x128xf32, #tpu.memory_space<hbm>>
          tpu.wait_indirect_dma semaphore(%run_scoped3A : memref<!tpu.dma_semaphore, #tpu.memory_space<semaphore_mem>>) src(%dma_wait3A_142 : memref<10000x128xf32, #tpu.memory_space<hbm>>) dst(%arg14 : memref<128x128xf32, #tpu.memory_space<vmem>>)
          tpu.yield
        }) : () -> ()
        %dma_start3A_121 = arith.constant 1 : i32
        %dma_start3A_122 = arith.constant 0 : i32
        %dma_start3A_123 = tpu.memref_slice %arg12[%add3A_115, %dma_start3A_122] : memref<40x128xi32, #tpu.memory_space<vmem>> -> memref<1x128xi32, #tpu.memory_space<vmem>>
        %dma_start3A_124 = tpu.memref_squeeze %dma_start3A_123 : memref<1x128xi32, #tpu.memory_space<vmem>> -> memref<128xi32, #tpu.memory_space<vmem>>
        %dma_start3A_125 = arith.constant 0 : i32
        %dma_start3A_126 = arith.constant 0 : i32
        %dma_start3A_127 = tpu.memref_slice %arg16[%dma_start3A_125, %dma_start3A_126] : memref<10016x128xf32, #tpu.memory_space<vmem_shared>> -> memref<10016x128xf32, #tpu.memory_space<vmem_shared>>
        %dma_start3A_128 = tpu.memref_slice %arg15[%dma_start3A_121] : memref<2x!tpu.dma_semaphore, #tpu.memory_space<semaphore_mem>> -> memref<1x!tpu.dma_semaphore, #tpu.memory_space<semaphore_mem>>
        %dma_start3A_129 = tpu.memref_squeeze %dma_start3A_128 : memref<1x!tpu.dma_semaphore, #tpu.memory_space<semaphore_mem>> -> memref<!tpu.dma_semaphore, #tpu.memory_space<semaphore_mem>>
        tpu.enqueue_indirect_dma source(%arg14 : memref<128x128xf32, #tpu.memory_space<vmem>>) target(%dma_start3A_127 : memref<10016x128xf32, #tpu.memory_space<vmem_shared>>) offsets(%dma_start3A_124 : memref<128xi32, #tpu.memory_space<vmem>>) semaphore(%dma_start3A_129 : memref<!tpu.dma_semaphore, #tpu.memory_space<semaphore_mem>>) {add = true}
        %scan3A_130 = arith.constant 0 : i32
        scf.yield %scan3A_130 : i32
      }
      %scan3A_73 = arith.constant 20 : i32
      %dma_wait3A_74 = arith.constant 0 : i32
      %dma_wait3A_75 = arith.constant 0 : i32
      %dma_wait3A_76 = arith.constant 0 : i32
      %dma_wait3A_77 = tpu.memref_slice %arg12[%dma_wait3A_74, %dma_wait3A_76] : memref<40x128xi32, #tpu.memory_space<vmem>> -> memref<1x128xi32, #tpu.memory_space<vmem>>
      %dma_wait3A_78 = tpu.memref_squeeze %dma_wait3A_77 : memref<1x128xi32, #tpu.memory_space<vmem>> -> memref<128xi32, #tpu.memory_space<vmem>>
      %dma_wait3A_79 = arith.constant 0 : i32
      %dma_wait3A_80 = arith.constant 0 : i32
      %dma_wait3A_81 = tpu.memref_slice %arg16[%dma_wait3A_79, %dma_wait3A_80] : memref<10016x128xf32, #tpu.memory_space<vmem_shared>> -> memref<10016x128xf32, #tpu.memory_space<vmem_shared>>
      %dma_wait3A_82 = tpu.memref_slice %arg15[%dma_wait3A_75] : memref<2x!tpu.dma_semaphore, #tpu.memory_space<semaphore_mem>> -> memref<1x!tpu.dma_semaphore, #tpu.memory_space<semaphore_mem>>
      %dma_wait3A_83 = tpu.memref_squeeze %dma_wait3A_82 : memref<1x!tpu.dma_semaphore, #tpu.memory_space<semaphore_mem>> -> memref<!tpu.dma_semaphore, #tpu.memory_space<semaphore_mem>>
      tpu.wait_indirect_dma semaphore(%dma_wait3A_83 : memref<!tpu.dma_semaphore, #tpu.memory_space<semaphore_mem>>) src(%arg13 : memref<128x128xf32, #tpu.memory_space<vmem>>) dst(%dma_wait3A_81 : memref<10016x128xf32, #tpu.memory_space<vmem_shared>>)
      %dma_wait3A_84 = arith.constant 0 : i32
      %dma_wait3A_85 = arith.constant 1 : i32
      %dma_wait3A_86 = arith.constant 0 : i32
      %dma_wait3A_87 = tpu.memref_slice %arg12[%dma_wait3A_84, %dma_wait3A_86] : memref<40x128xi32, #tpu.memory_space<vmem>> -> memref<1x128xi32, #tpu.memory_space<vmem>>
      %dma_wait3A_88 = tpu.memref_squeeze %dma_wait3A_87 : memref<1x128xi32, #tpu.memory_space<vmem>> -> memref<128xi32, #tpu.memory_space<vmem>>
      %dma_wait3A_89 = arith.constant 0 : i32
      %dma_wait3A_90 = arith.constant 0 : i32
      %dma_wait3A_91 = tpu.memref_slice %arg16[%dma_wait3A_89, %dma_wait3A_90] : memref<10016x128xf32, #tpu.memory_space<vmem_shared>> -> memref<10016x128xf32, #tpu.memory_space<vmem_shared>>
      %dma_wait3A_92 = tpu.memref_slice %arg15[%dma_wait3A_85] : memref<2x!tpu.dma_semaphore, #tpu.memory_space<semaphore_mem>> -> memref<1x!tpu.dma_semaphore, #tpu.memory_space<semaphore_mem>>
      %dma_wait3A_93 = tpu.memref_squeeze %dma_wait3A_92 : memref<1x!tpu.dma_semaphore, #tpu.memory_space<semaphore_mem>> -> memref<!tpu.dma_semaphore, #tpu.memory_space<semaphore_mem>>
      tpu.wait_indirect_dma semaphore(%dma_wait3A_93 : memref<!tpu.dma_semaphore, #tpu.memory_space<semaphore_mem>>) src(%arg14 : memref<128x128xf32, #tpu.memory_space<vmem>>) dst(%dma_wait3A_91 : memref<10016x128xf32, #tpu.memory_space<vmem_shared>>)
    } else {
    }
    %eq3A_12 = arith.constant 1 : i32
    %eq3A_13 = arith.cmpi eq, %arg0, %eq3A_12 : i32
    %convert_element_type3A_14 = arith.extui %eq3A_13 : i1 to i32
    %cond3A_15 = arith.constant 0 : i32
    %cond3A_16 = arith.cmpi ne, %convert_element_type3A_14, %cond3A_15 : i32
    scf.if %cond3A_16 {
      %mul3A = arith.constant 80 : i32
      %mul3A_28 = arith.muli %arg1, %mul3A : i32
      %add3A = arith.constant 0 : i32
      %add3A_29 = arith.addi %mul3A_28, %add3A : i32
      "tpu.region"() ({
        %run_scoped3A = tpu.sem_alloc : memref<!tpu.dma_semaphore, #tpu.memory_space<semaphore_mem>>
        %dma_start3A = arith.constant 0 : i32
        %dma_start3A_94 = tpu.memref_slice %arg4[%add3A_29, %dma_start3A] : memref<1280x128xi32, #tpu.memory_space<hbm>> -> memref<40x128xi32, #tpu.memory_space<hbm>>
        %dma_start3A_95 = arith.constant 0 : i32
        %dma_start3A_96 = tpu.memref_slice %arg4[%add3A_29, %dma_start3A_95] : memref<1280x128xi32, #tpu.memory_space<hbm>> -> memref<40x128xi32, #tpu.memory_space<hbm>>
        tpu.enqueue_dma source(%dma_start3A_96 : memref<40x128xi32, #tpu.memory_space<hbm>>) target(%arg11 : memref<40x128xi32, #tpu.memory_space<vmem>>) target_semaphore(%run_scoped3A : memref<!tpu.dma_semaphore, #tpu.memory_space<semaphore_mem>>)
        %dma_wait3A_97 = arith.constant 0 : i32
        %dma_wait3A_98 = tpu.memref_slice %arg4[%add3A_29, %dma_wait3A_97] : memref<1280x128xi32, #tpu.memory_space<hbm>> -> memref<40x128xi32, #tpu.memory_space<hbm>>
        %dma_wait3A_99 = arith.constant 0 : i32
        %dma_wait3A_100 = tpu.memref_slice %arg4[%add3A_29, %dma_wait3A_99] : memref<1280x128xi32, #tpu.memory_space<hbm>> -> memref<40x128xi32, #tpu.memory_space<hbm>>
        tpu.wait_dma2 semaphore(%run_scoped3A : memref<!tpu.dma_semaphore, #tpu.memory_space<semaphore_mem>>) src(%dma_wait3A_100 : memref<40x128xi32, #tpu.memory_space<hbm>>) dst(%arg11 : memref<40x128xi32, #tpu.memory_space<vmem>>)
        tpu.yield
      }) : () -> ()
      %mul3A_30 = arith.constant 80 : i32
      %mul3A_31 = arith.muli %arg1, %mul3A_30 : i32
      %add3A_32 = arith.constant 0 : i32
      %add3A_33 = arith.addi %mul3A_31, %add3A_32 : i32
      "tpu.region"() ({
        %run_scoped3A = tpu.sem_alloc : memref<!tpu.dma_semaphore, #tpu.memory_space<semaphore_mem>>
        %dma_start3A = arith.constant 0 : i32
        %dma_start3A_94 = tpu.memref_slice %arg5[%add3A_33, %dma_start3A] : memref<1280x128xi32, #tpu.memory_space<hbm>> -> memref<40x128xi32, #tpu.memory_space<hbm>>
        %dma_start3A_95 = arith.constant 0 : i32
        %dma_start3A_96 = tpu.memref_slice %arg5[%add3A_33, %dma_start3A_95] : memref<1280x128xi32, #tpu.memory_space<hbm>> -> memref<40x128xi32, #tpu.memory_space<hbm>>
        tpu.enqueue_dma source(%dma_start3A_96 : memref<40x128xi32, #tpu.memory_space<hbm>>) target(%arg12 : memref<40x128xi32, #tpu.memory_space<vmem>>) target_semaphore(%run_scoped3A : memref<!tpu.dma_semaphore, #tpu.memory_space<semaphore_mem>>)
        %dma_wait3A_97 = arith.constant 0 : i32
        %dma_wait3A_98 = tpu.memref_slice %arg5[%add3A_33, %dma_wait3A_97] : memref<1280x128xi32, #tpu.memory_space<hbm>> -> memref<40x128xi32, #tpu.memory_space<hbm>>
        %dma_wait3A_99 = arith.constant 0 : i32
        %dma_wait3A_100 = tpu.memref_slice %arg5[%add3A_33, %dma_wait3A_99] : memref<1280x128xi32, #tpu.memory_space<hbm>> -> memref<40x128xi32, #tpu.memory_space<hbm>>
        tpu.wait_dma2 semaphore(%run_scoped3A : memref<!tpu.dma_semaphore, #tpu.memory_space<semaphore_mem>>) src(%dma_wait3A_100 : memref<40x128xi32, #tpu.memory_space<hbm>>) dst(%arg12 : memref<40x128xi32, #tpu.memory_space<vmem>>)
        tpu.yield
      }) : () -> ()
      %scan3A = arith.constant 0 : i32
      %scan3A_34 = arith.constant 0 : i32
      %scan3A_35 = arith.constant 20 : i32
      %scan3A_36 = arith.addi %scan3A_34, %scan3A_35 : i32
      %scan3A_37 = arith.constant 1 : i32
      %scan3A_38 = scf.for %scan3A_94 = %scan3A_34 to %scan3A_36 step %scan3A_37 iter_args(%scan3A_95 = %scan3A) -> (i32)  : i32 {
        %mul3A_96 = arith.constant 2 : i32
        %mul3A_97 = arith.muli %mul3A_96, %scan3A_94 : i32
        %add3A_98 = arith.constant 0 : i32
        %add3A_99 = arith.addi %mul3A_97, %add3A_98 : i32
        %ge3A = arith.constant 2 : i32
        %ge3A_100 = arith.cmpi sge, %add3A_99, %ge3A : i32
        %convert_element_type3A_101 = arith.extui %ge3A_100 : i1 to i32
        %cond3A_102 = arith.constant 0 : i32
        %cond3A_103 = arith.cmpi ne, %convert_element_type3A_101, %cond3A_102 : i32
        scf.if %cond3A_103 {
          %dma_wait3A_131 = arith.constant 0 : i32
          %dma_wait3A_132 = arith.constant 0 : i32
          %dma_wait3A_133 = arith.constant 0 : i32
          %dma_wait3A_134 = tpu.memref_slice %arg12[%dma_wait3A_131, %dma_wait3A_133] : memref<40x128xi32, #tpu.memory_space<vmem>> -> memref<1x128xi32, #tpu.memory_space<vmem>>
          %dma_wait3A_135 = tpu.memref_squeeze %dma_wait3A_134 : memref<1x128xi32, #tpu.memory_space<vmem>> -> memref<128xi32, #tpu.memory_space<vmem>>
          %dma_wait3A_136 = arith.constant 0 : i32
          %dma_wait3A_137 = arith.constant 0 : i32
          %dma_wait3A_138 = tpu.memref_slice %arg16[%dma_wait3A_136, %dma_wait3A_137] : memref<10016x128xf32, #tpu.memory_space<vmem_shared>> -> memref<10016x128xf32, #tpu.memory_space<vmem_shared>>
          %dma_wait3A_139 = tpu.memref_slice %arg15[%dma_wait3A_132] : memref<2x!tpu.dma_semaphore, #tpu.memory_space<semaphore_mem>> -> memref<1x!tpu.dma_semaphore, #tpu.memory_space<semaphore_mem>>
          %dma_wait3A_140 = tpu.memref_squeeze %dma_wait3A_139 : memref<1x!tpu.dma_semaphore, #tpu.memory_space<semaphore_mem>> -> memref<!tpu.dma_semaphore, #tpu.memory_space<semaphore_mem>>
          tpu.wait_indirect_dma semaphore(%dma_wait3A_140 : memref<!tpu.dma_semaphore, #tpu.memory_space<semaphore_mem>>) src(%arg13 : memref<128x128xf32, #tpu.memory_space<vmem>>) dst(%dma_wait3A_138 : memref<10016x128xf32, #tpu.memory_space<vmem_shared>>)
        } else {
        }
        "tpu.region"() ({
          %run_scoped3A = tpu.sem_alloc : memref<!tpu.dma_semaphore, #tpu.memory_space<semaphore_mem>>
          %dma_start3A_131 = arith.constant 0 : i32
          %dma_start3A_132 = tpu.memref_slice %arg11[%add3A_99, %dma_start3A_131] : memref<40x128xi32, #tpu.memory_space<vmem>> -> memref<1x128xi32, #tpu.memory_space<vmem>>
          %dma_start3A_133 = tpu.memref_squeeze %dma_start3A_132 : memref<1x128xi32, #tpu.memory_space<vmem>> -> memref<128xi32, #tpu.memory_space<vmem>>
          %dma_start3A_134 = arith.constant 0 : i32
          %dma_start3A_135 = arith.constant 0 : i32
          %dma_start3A_136 = tpu.memref_slice %arg3[%dma_start3A_134, %dma_start3A_135] : memref<10000x128xf32, #tpu.memory_space<hbm>> -> memref<10000x128xf32, #tpu.memory_space<hbm>>
          tpu.enqueue_indirect_dma source(%dma_start3A_136 : memref<10000x128xf32, #tpu.memory_space<hbm>>) target(%arg13 : memref<128x128xf32, #tpu.memory_space<vmem>>) offsets(%dma_start3A_133 : memref<128xi32, #tpu.memory_space<vmem>>) semaphore(%run_scoped3A : memref<!tpu.dma_semaphore, #tpu.memory_space<semaphore_mem>>)
          %dma_wait3A_137 = arith.constant 0 : i32
          %dma_wait3A_138 = tpu.memref_slice %arg11[%add3A_99, %dma_wait3A_137] : memref<40x128xi32, #tpu.memory_space<vmem>> -> memref<1x128xi32, #tpu.memory_space<vmem>>
          %dma_wait3A_139 = tpu.memref_squeeze %dma_wait3A_138 : memref<1x128xi32, #tpu.memory_space<vmem>> -> memref<128xi32, #tpu.memory_space<vmem>>
          %dma_wait3A_140 = arith.constant 0 : i32
          %dma_wait3A_141 = arith.constant 0 : i32
          %dma_wait3A_142 = tpu.memref_slice %arg3[%dma_wait3A_140, %dma_wait3A_141] : memref<10000x128xf32, #tpu.memory_space<hbm>> -> memref<10000x128xf32, #tpu.memory_space<hbm>>
          tpu.wait_indirect_dma semaphore(%run_scoped3A : memref<!tpu.dma_semaphore, #tpu.memory_space<semaphore_mem>>) src(%dma_wait3A_142 : memref<10000x128xf32, #tpu.memory_space<hbm>>) dst(%arg13 : memref<128x128xf32, #tpu.memory_space<vmem>>)
          tpu.yield
        }) : () -> ()
        %dma_start3A = arith.constant 0 : i32
        %dma_start3A_104 = arith.constant 0 : i32
        %dma_start3A_105 = tpu.memref_slice %arg12[%add3A_99, %dma_start3A_104] : memref<40x128xi32, #tpu.memory_space<vmem>> -> memref<1x128xi32, #tpu.memory_space<vmem>>
        %dma_start3A_106 = tpu.memref_squeeze %dma_start3A_105 : memref<1x128xi32, #tpu.memory_space<vmem>> -> memref<128xi32, #tpu.memory_space<vmem>>
        %dma_start3A_107 = arith.constant 0 : i32
        %dma_start3A_108 = arith.constant 0 : i32
        %dma_start3A_109 = tpu.memref_slice %arg16[%dma_start3A_107, %dma_start3A_108] : memref<10016x128xf32, #tpu.memory_space<vmem_shared>> -> memref<10016x128xf32, #tpu.memory_space<vmem_shared>>
        %dma_start3A_110 = tpu.memref_slice %arg15[%dma_start3A] : memref<2x!tpu.dma_semaphore, #tpu.memory_space<semaphore_mem>> -> memref<1x!tpu.dma_semaphore, #tpu.memory_space<semaphore_mem>>
        %dma_start3A_111 = tpu.memref_squeeze %dma_start3A_110 : memref<1x!tpu.dma_semaphore, #tpu.memory_space<semaphore_mem>> -> memref<!tpu.dma_semaphore, #tpu.memory_space<semaphore_mem>>
        tpu.enqueue_indirect_dma source(%arg13 : memref<128x128xf32, #tpu.memory_space<vmem>>) target(%dma_start3A_109 : memref<10016x128xf32, #tpu.memory_space<vmem_shared>>) offsets(%dma_start3A_106 : memref<128xi32, #tpu.memory_space<vmem>>) semaphore(%dma_start3A_111 : memref<!tpu.dma_semaphore, #tpu.memory_space<semaphore_mem>>) {add = true}
        %mul3A_112 = arith.constant 2 : i32
        %mul3A_113 = arith.muli %mul3A_112, %scan3A_94 : i32
        %add3A_114 = arith.constant 1 : i32
        %add3A_115 = arith.addi %mul3A_113, %add3A_114 : i32
        %ge3A_116 = arith.constant 2 : i32
        %ge3A_117 = arith.cmpi sge, %add3A_115, %ge3A_116 : i32
        %convert_element_type3A_118 = arith.extui %ge3A_117 : i1 to i32
        %cond3A_119 = arith.constant 0 : i32
        %cond3A_120 = arith.cmpi ne, %convert_element_type3A_118, %cond3A_119 : i32
        scf.if %cond3A_120 {
          %dma_wait3A_131 = arith.constant 0 : i32
          %dma_wait3A_132 = arith.constant 1 : i32
          %dma_wait3A_133 = arith.constant 0 : i32
          %dma_wait3A_134 = tpu.memref_slice %arg12[%dma_wait3A_131, %dma_wait3A_133] : memref<40x128xi32, #tpu.memory_space<vmem>> -> memref<1x128xi32, #tpu.memory_space<vmem>>
          %dma_wait3A_135 = tpu.memref_squeeze %dma_wait3A_134 : memref<1x128xi32, #tpu.memory_space<vmem>> -> memref<128xi32, #tpu.memory_space<vmem>>
          %dma_wait3A_136 = arith.constant 0 : i32
          %dma_wait3A_137 = arith.constant 0 : i32
          %dma_wait3A_138 = tpu.memref_slice %arg16[%dma_wait3A_136, %dma_wait3A_137] : memref<10016x128xf32, #tpu.memory_space<vmem_shared>> -> memref<10016x128xf32, #tpu.memory_space<vmem_shared>>
          %dma_wait3A_139 = tpu.memref_slice %arg15[%dma_wait3A_132] : memref<2x!tpu.dma_semaphore, #tpu.memory_space<semaphore_mem>> -> memref<1x!tpu.dma_semaphore, #tpu.memory_space<semaphore_mem>>
          %dma_wait3A_140 = tpu.memref_squeeze %dma_wait3A_139 : memref<1x!tpu.dma_semaphore, #tpu.memory_space<semaphore_mem>> -> memref<!tpu.dma_semaphore, #tpu.memory_space<semaphore_mem>>
          tpu.wait_indirect_dma semaphore(%dma_wait3A_140 : memref<!tpu.dma_semaphore, #tpu.memory_space<semaphore_mem>>) src(%arg14 : memref<128x128xf32, #tpu.memory_space<vmem>>) dst(%dma_wait3A_138 : memref<10016x128xf32, #tpu.memory_space<vmem_shared>>)
        } else {
        }
        "tpu.region"() ({
          %run_scoped3A = tpu.sem_alloc : memref<!tpu.dma_semaphore, #tpu.memory_space<semaphore_mem>>
          %dma_start3A_131 = arith.constant 0 : i32
          %dma_start3A_132 = tpu.memref_slice %arg11[%add3A_115, %dma_start3A_131] : memref<40x128xi32, #tpu.memory_space<vmem>> -> memref<1x128xi32, #tpu.memory_space<vmem>>
          %dma_start3A_133 = tpu.memref_squeeze %dma_start3A_132 : memref<1x128xi32, #tpu.memory_space<vmem>> -> memref<128xi32, #tpu.memory_space<vmem>>
          %dma_start3A_134 = arith.constant 0 : i32
          %dma_start3A_135 = arith.constant 0 : i32
          %dma_start3A_136 = tpu.memref_slice %arg3[%dma_start3A_134, %dma_start3A_135] : memref<10000x128xf32, #tpu.memory_space<hbm>> -> memref<10000x128xf32, #tpu.memory_space<hbm>>
          tpu.enqueue_indirect_dma source(%dma_start3A_136 : memref<10000x128xf32, #tpu.memory_space<hbm>>) target(%arg14 : memref<128x128xf32, #tpu.memory_space<vmem>>) offsets(%dma_start3A_133 : memref<128xi32, #tpu.memory_space<vmem>>) semaphore(%run_scoped3A : memref<!tpu.dma_semaphore, #tpu.memory_space<semaphore_mem>>)
          %dma_wait3A_137 = arith.constant 0 : i32
          %dma_wait3A_138 = tpu.memref_slice %arg11[%add3A_115, %dma_wait3A_137] : memref<40x128xi32, #tpu.memory_space<vmem>> -> memref<1x128xi32, #tpu.memory_space<vmem>>
          %dma_wait3A_139 = tpu.memref_squeeze %dma_wait3A_138 : memref<1x128xi32, #tpu.memory_space<vmem>> -> memref<128xi32, #tpu.memory_space<vmem>>
          %dma_wait3A_140 = arith.constant 0 : i32
          %dma_wait3A_141 = arith.constant 0 : i32
          %dma_wait3A_142 = tpu.memref_slice %arg3[%dma_wait3A_140, %dma_wait3A_141] : memref<10000x128xf32, #tpu.memory_space<hbm>> -> memref<10000x128xf32, #tpu.memory_space<hbm>>
          tpu.wait_indirect_dma semaphore(%run_scoped3A : memref<!tpu.dma_semaphore, #tpu.memory_space<semaphore_mem>>) src(%dma_wait3A_142 : memref<10000x128xf32, #tpu.memory_space<hbm>>) dst(%arg14 : memref<128x128xf32, #tpu.memory_space<vmem>>)
          tpu.yield
        }) : () -> ()
        %dma_start3A_121 = arith.constant 1 : i32
        %dma_start3A_122 = arith.constant 0 : i32
        %dma_start3A_123 = tpu.memref_slice %arg12[%add3A_115, %dma_start3A_122] : memref<40x128xi32, #tpu.memory_space<vmem>> -> memref<1x128xi32, #tpu.memory_space<vmem>>
        %dma_start3A_124 = tpu.memref_squeeze %dma_start3A_123 : memref<1x128xi32, #tpu.memory_space<vmem>> -> memref<128xi32, #tpu.memory_space<vmem>>
        %dma_start3A_125 = arith.constant 0 : i32
        %dma_start3A_126 = arith.constant 0 : i32
        %dma_start3A_127 = tpu.memref_slice %arg16[%dma_start3A_125, %dma_start3A_126] : memref<10016x128xf32, #tpu.memory_space<vmem_shared>> -> memref<10016x128xf32, #tpu.memory_space<vmem_shared>>
        %dma_start3A_128 = tpu.memref_slice %arg15[%dma_start3A_121] : memref<2x!tpu.dma_semaphore, #tpu.memory_space<semaphore_mem>> -> memref<1x!tpu.dma_semaphore, #tpu.memory_space<semaphore_mem>>
        %dma_start3A_129 = tpu.memref_squeeze %dma_start3A_128 : memref<1x!tpu.dma_semaphore, #tpu.memory_space<semaphore_mem>> -> memref<!tpu.dma_semaphore, #tpu.memory_space<semaphore_mem>>
        tpu.enqueue_indirect_dma source(%arg14 : memref<128x128xf32, #tpu.memory_space<vmem>>) target(%dma_start3A_127 : memref<10016x128xf32, #tpu.memory_space<vmem_shared>>) offsets(%dma_start3A_124 : memref<128xi32, #tpu.memory_space<vmem>>) semaphore(%dma_start3A_129 : memref<!tpu.dma_semaphore, #tpu.memory_space<semaphore_mem>>) {add = true}
        %scan3A_130 = arith.constant 0 : i32
        scf.yield %scan3A_130 : i32
      }
      %scan3A_39 = arith.constant 20 : i32
      %dma_wait3A = arith.constant 0 : i32
      %dma_wait3A_40 = arith.constant 0 : i32
      %dma_wait3A_41 = arith.constant 0 : i32
      %dma_wait3A_42 = tpu.memref_slice %arg12[%dma_wait3A, %dma_wait3A_41] : memref<40x128xi32, #tpu.memory_space<vmem>> -> memref<1x128xi32, #tpu.memory_space<vmem>>
      %dma_wait3A_43 = tpu.memref_squeeze %dma_wait3A_42 : memref<1x128xi32, #tpu.memory_space<vmem>> -> memref<128xi32, #tpu.memory_space<vmem>>
      %dma_wait3A_44 = arith.constant 0 : i32
      %dma_wait3A_45 = arith.constant 0 : i32
      %dma_wait3A_46 = tpu.memref_slice %arg16[%dma_wait3A_44, %dma_wait3A_45] : memref<10016x128xf32, #tpu.memory_space<vmem_shared>> -> memref<10016x128xf32, #tpu.memory_space<vmem_shared>>
      %dma_wait3A_47 = tpu.memref_slice %arg15[%dma_wait3A_40] : memref<2x!tpu.dma_semaphore, #tpu.memory_space<semaphore_mem>> -> memref<1x!tpu.dma_semaphore, #tpu.memory_space<semaphore_mem>>
      %dma_wait3A_48 = tpu.memref_squeeze %dma_wait3A_47 : memref<1x!tpu.dma_semaphore, #tpu.memory_space<semaphore_mem>> -> memref<!tpu.dma_semaphore, #tpu.memory_space<semaphore_mem>>
      tpu.wait_indirect_dma semaphore(%dma_wait3A_48 : memref<!tpu.dma_semaphore, #tpu.memory_space<semaphore_mem>>) src(%arg13 : memref<128x128xf32, #tpu.memory_space<vmem>>) dst(%dma_wait3A_46 : memref<10016x128xf32, #tpu.memory_space<vmem_shared>>)
      %dma_wait3A_49 = arith.constant 0 : i32
      %dma_wait3A_50 = arith.constant 1 : i32
      %dma_wait3A_51 = arith.constant 0 : i32
      %dma_wait3A_52 = tpu.memref_slice %arg12[%dma_wait3A_49, %dma_wait3A_51] : memref<40x128xi32, #tpu.memory_space<vmem>> -> memref<1x128xi32, #tpu.memory_space<vmem>>
      %dma_wait3A_53 = tpu.memref_squeeze %dma_wait3A_52 : memref<1x128xi32, #tpu.memory_space<vmem>> -> memref<128xi32, #tpu.memory_space<vmem>>
      %dma_wait3A_54 = arith.constant 0 : i32
      %dma_wait3A_55 = arith.constant 0 : i32
      %dma_wait3A_56 = tpu.memref_slice %arg16[%dma_wait3A_54, %dma_wait3A_55] : memref<10016x128xf32, #tpu.memory_space<vmem_shared>> -> memref<10016x128xf32, #tpu.memory_space<vmem_shared>>
      %dma_wait3A_57 = tpu.memref_slice %arg15[%dma_wait3A_50] : memref<2x!tpu.dma_semaphore, #tpu.memory_space<semaphore_mem>> -> memref<1x!tpu.dma_semaphore, #tpu.memory_space<semaphore_mem>>
      %dma_wait3A_58 = tpu.memref_squeeze %dma_wait3A_57 : memref<1x!tpu.dma_semaphore, #tpu.memory_space<semaphore_mem>> -> memref<!tpu.dma_semaphore, #tpu.memory_space<semaphore_mem>>
      tpu.wait_indirect_dma semaphore(%dma_wait3A_58 : memref<!tpu.dma_semaphore, #tpu.memory_space<semaphore_mem>>) src(%arg14 : memref<128x128xf32, #tpu.memory_space<vmem>>) dst(%dma_wait3A_56 : memref<10016x128xf32, #tpu.memory_space<vmem_shared>>)
      %mul3A_59 = arith.constant 80 : i32
      %mul3A_60 = arith.muli %arg1, %mul3A_59 : i32
      %add3A_61 = arith.constant 40 : i32
      %add3A_62 = arith.addi %mul3A_60, %add3A_61 : i32
      "tpu.region"() ({
        %run_scoped3A = tpu.sem_alloc : memref<!tpu.dma_semaphore, #tpu.memory_space<semaphore_mem>>
        %dma_start3A = arith.constant 0 : i32
        %dma_start3A_94 = tpu.memref_slice %arg4[%add3A_62, %dma_start3A] : memref<1280x128xi32, #tpu.memory_space<hbm>> -> memref<40x128xi32, #tpu.memory_space<hbm>>
        %dma_start3A_95 = arith.constant 0 : i32
        %dma_start3A_96 = tpu.memref_slice %arg4[%add3A_62, %dma_start3A_95] : memref<1280x128xi32, #tpu.memory_space<hbm>> -> memref<40x128xi32, #tpu.memory_space<hbm>>
        tpu.enqueue_dma source(%dma_start3A_96 : memref<40x128xi32, #tpu.memory_space<hbm>>) target(%arg11 : memref<40x128xi32, #tpu.memory_space<vmem>>) target_semaphore(%run_scoped3A : memref<!tpu.dma_semaphore, #tpu.memory_space<semaphore_mem>>)
        %dma_wait3A_97 = arith.constant 0 : i32
        %dma_wait3A_98 = tpu.memref_slice %arg4[%add3A_62, %dma_wait3A_97] : memref<1280x128xi32, #tpu.memory_space<hbm>> -> memref<40x128xi32, #tpu.memory_space<hbm>>
        %dma_wait3A_99 = arith.constant 0 : i32
        %dma_wait3A_100 = tpu.memref_slice %arg4[%add3A_62, %dma_wait3A_99] : memref<1280x128xi32, #tpu.memory_space<hbm>> -> memref<40x128xi32, #tpu.memory_space<hbm>>
        tpu.wait_dma2 semaphore(%run_scoped3A : memref<!tpu.dma_semaphore, #tpu.memory_space<semaphore_mem>>) src(%dma_wait3A_100 : memref<40x128xi32, #tpu.memory_space<hbm>>) dst(%arg11 : memref<40x128xi32, #tpu.memory_space<vmem>>)
        tpu.yield
      }) : () -> ()
      %mul3A_63 = arith.constant 80 : i32
      %mul3A_64 = arith.muli %arg1, %mul3A_63 : i32
      %add3A_65 = arith.constant 40 : i32
      %add3A_66 = arith.addi %mul3A_64, %add3A_65 : i32
      "tpu.region"() ({
        %run_scoped3A = tpu.sem_alloc : memref<!tpu.dma_semaphore, #tpu.memory_space<semaphore_mem>>
        %dma_start3A = arith.constant 0 : i32
        %dma_start3A_94 = tpu.memref_slice %arg5[%add3A_66, %dma_start3A] : memref<1280x128xi32, #tpu.memory_space<hbm>> -> memref<40x128xi32, #tpu.memory_space<hbm>>
        %dma_start3A_95 = arith.constant 0 : i32
        %dma_start3A_96 = tpu.memref_slice %arg5[%add3A_66, %dma_start3A_95] : memref<1280x128xi32, #tpu.memory_space<hbm>> -> memref<40x128xi32, #tpu.memory_space<hbm>>
        tpu.enqueue_dma source(%dma_start3A_96 : memref<40x128xi32, #tpu.memory_space<hbm>>) target(%arg12 : memref<40x128xi32, #tpu.memory_space<vmem>>) target_semaphore(%run_scoped3A : memref<!tpu.dma_semaphore, #tpu.memory_space<semaphore_mem>>)
        %dma_wait3A_97 = arith.constant 0 : i32
        %dma_wait3A_98 = tpu.memref_slice %arg5[%add3A_66, %dma_wait3A_97] : memref<1280x128xi32, #tpu.memory_space<hbm>> -> memref<40x128xi32, #tpu.memory_space<hbm>>
        %dma_wait3A_99 = arith.constant 0 : i32
        %dma_wait3A_100 = tpu.memref_slice %arg5[%add3A_66, %dma_wait3A_99] : memref<1280x128xi32, #tpu.memory_space<hbm>> -> memref<40x128xi32, #tpu.memory_space<hbm>>
        tpu.wait_dma2 semaphore(%run_scoped3A : memref<!tpu.dma_semaphore, #tpu.memory_space<semaphore_mem>>) src(%dma_wait3A_100 : memref<40x128xi32, #tpu.memory_space<hbm>>) dst(%arg12 : memref<40x128xi32, #tpu.memory_space<vmem>>)
        tpu.yield
      }) : () -> ()
      %scan3A_67 = arith.constant 0 : i32
      %scan3A_68 = arith.constant 0 : i32
      %scan3A_69 = arith.constant 20 : i32
      %scan3A_70 = arith.addi %scan3A_68, %scan3A_69 : i32
      %scan3A_71 = arith.constant 1 : i32
      %scan3A_72 = scf.for %scan3A_94 = %scan3A_68 to %scan3A_70 step %scan3A_71 iter_args(%scan3A_95 = %scan3A_67) -> (i32)  : i32 {
        %mul3A_96 = arith.constant 2 : i32
        %mul3A_97 = arith.muli %mul3A_96, %scan3A_94 : i32
        %add3A_98 = arith.constant 0 : i32
        %add3A_99 = arith.addi %mul3A_97, %add3A_98 : i32
        %ge3A = arith.constant 2 : i32
        %ge3A_100 = arith.cmpi sge, %add3A_99, %ge3A : i32
        %convert_element_type3A_101 = arith.extui %ge3A_100 : i1 to i32
        %cond3A_102 = arith.constant 0 : i32
        %cond3A_103 = arith.cmpi ne, %convert_element_type3A_101, %cond3A_102 : i32
        scf.if %cond3A_103 {
          %dma_wait3A_131 = arith.constant 0 : i32
          %dma_wait3A_132 = arith.constant 0 : i32
          %dma_wait3A_133 = arith.constant 0 : i32
          %dma_wait3A_134 = tpu.memref_slice %arg12[%dma_wait3A_131, %dma_wait3A_133] : memref<40x128xi32, #tpu.memory_space<vmem>> -> memref<1x128xi32, #tpu.memory_space<vmem>>
          %dma_wait3A_135 = tpu.memref_squeeze %dma_wait3A_134 : memref<1x128xi32, #tpu.memory_space<vmem>> -> memref<128xi32, #tpu.memory_space<vmem>>
          %dma_wait3A_136 = arith.constant 0 : i32
          %dma_wait3A_137 = arith.constant 0 : i32
          %dma_wait3A_138 = tpu.memref_slice %arg16[%dma_wait3A_136, %dma_wait3A_137] : memref<10016x128xf32, #tpu.memory_space<vmem_shared>> -> memref<10016x128xf32, #tpu.memory_space<vmem_shared>>
          %dma_wait3A_139 = tpu.memref_slice %arg15[%dma_wait3A_132] : memref<2x!tpu.dma_semaphore, #tpu.memory_space<semaphore_mem>> -> memref<1x!tpu.dma_semaphore, #tpu.memory_space<semaphore_mem>>
          %dma_wait3A_140 = tpu.memref_squeeze %dma_wait3A_139 : memref<1x!tpu.dma_semaphore, #tpu.memory_space<semaphore_mem>> -> memref<!tpu.dma_semaphore, #tpu.memory_space<semaphore_mem>>
          tpu.wait_indirect_dma semaphore(%dma_wait3A_140 : memref<!tpu.dma_semaphore, #tpu.memory_space<semaphore_mem>>) src(%arg13 : memref<128x128xf32, #tpu.memory_space<vmem>>) dst(%dma_wait3A_138 : memref<10016x128xf32, #tpu.memory_space<vmem_shared>>)
        } else {
        }
        "tpu.region"() ({
          %run_scoped3A = tpu.sem_alloc : memref<!tpu.dma_semaphore, #tpu.memory_space<semaphore_mem>>
          %dma_start3A_131 = arith.constant 0 : i32
          %dma_start3A_132 = tpu.memref_slice %arg11[%add3A_99, %dma_start3A_131] : memref<40x128xi32, #tpu.memory_space<vmem>> -> memref<1x128xi32, #tpu.memory_space<vmem>>
          %dma_start3A_133 = tpu.memref_squeeze %dma_start3A_132 : memref<1x128xi32, #tpu.memory_space<vmem>> -> memref<128xi32, #tpu.memory_space<vmem>>
          %dma_start3A_134 = arith.constant 0 : i32
          %dma_start3A_135 = arith.constant 0 : i32
          %dma_start3A_136 = tpu.memref_slice %arg3[%dma_start3A_134, %dma_start3A_135] : memref<10000x128xf32, #tpu.memory_space<hbm>> -> memref<10000x128xf32, #tpu.memory_space<hbm>>
          tpu.enqueue_indirect_dma source(%dma_start3A_136 : memref<10000x128xf32, #tpu.memory_space<hbm>>) target(%arg13 : memref<128x128xf32, #tpu.memory_space<vmem>>) offsets(%dma_start3A_133 : memref<128xi32, #tpu.memory_space<vmem>>) semaphore(%run_scoped3A : memref<!tpu.dma_semaphore, #tpu.memory_space<semaphore_mem>>)
          %dma_wait3A_137 = arith.constant 0 : i32
          %dma_wait3A_138 = tpu.memref_slice %arg11[%add3A_99, %dma_wait3A_137] : memref<40x128xi32, #tpu.memory_space<vmem>> -> memref<1x128xi32, #tpu.memory_space<vmem>>
          %dma_wait3A_139 = tpu.memref_squeeze %dma_wait3A_138 : memref<1x128xi32, #tpu.memory_space<vmem>> -> memref<128xi32, #tpu.memory_space<vmem>>
          %dma_wait3A_140 = arith.constant 0 : i32
          %dma_wait3A_141 = arith.constant 0 : i32
          %dma_wait3A_142 = tpu.memref_slice %arg3[%dma_wait3A_140, %dma_wait3A_141] : memref<10000x128xf32, #tpu.memory_space<hbm>> -> memref<10000x128xf32, #tpu.memory_space<hbm>>
          tpu.wait_indirect_dma semaphore(%run_scoped3A : memref<!tpu.dma_semaphore, #tpu.memory_space<semaphore_mem>>) src(%dma_wait3A_142 : memref<10000x128xf32, #tpu.memory_space<hbm>>) dst(%arg13 : memref<128x128xf32, #tpu.memory_space<vmem>>)
          tpu.yield
        }) : () -> ()
        %dma_start3A = arith.constant 0 : i32
        %dma_start3A_104 = arith.constant 0 : i32
        %dma_start3A_105 = tpu.memref_slice %arg12[%add3A_99, %dma_start3A_104] : memref<40x128xi32, #tpu.memory_space<vmem>> -> memref<1x128xi32, #tpu.memory_space<vmem>>
        %dma_start3A_106 = tpu.memref_squeeze %dma_start3A_105 : memref<1x128xi32, #tpu.memory_space<vmem>> -> memref<128xi32, #tpu.memory_space<vmem>>
        %dma_start3A_107 = arith.constant 0 : i32
        %dma_start3A_108 = arith.constant 0 : i32
        %dma_start3A_109 = tpu.memref_slice %arg16[%dma_start3A_107, %dma_start3A_108] : memref<10016x128xf32, #tpu.memory_space<vmem_shared>> -> memref<10016x128xf32, #tpu.memory_space<vmem_shared>>
        %dma_start3A_110 = tpu.memref_slice %arg15[%dma_start3A] : memref<2x!tpu.dma_semaphore, #tpu.memory_space<semaphore_mem>> -> memref<1x!tpu.dma_semaphore, #tpu.memory_space<semaphore_mem>>
        %dma_start3A_111 = tpu.memref_squeeze %dma_start3A_110 : memref<1x!tpu.dma_semaphore, #tpu.memory_space<semaphore_mem>> -> memref<!tpu.dma_semaphore, #tpu.memory_space<semaphore_mem>>
        tpu.enqueue_indirect_dma source(%arg13 : memref<128x128xf32, #tpu.memory_space<vmem>>) target(%dma_start3A_109 : memref<10016x128xf32, #tpu.memory_space<vmem_shared>>) offsets(%dma_start3A_106 : memref<128xi32, #tpu.memory_space<vmem>>) semaphore(%dma_start3A_111 : memref<!tpu.dma_semaphore, #tpu.memory_space<semaphore_mem>>) {add = true}
        %mul3A_112 = arith.constant 2 : i32
        %mul3A_113 = arith.muli %mul3A_112, %scan3A_94 : i32
        %add3A_114 = arith.constant 1 : i32
        %add3A_115 = arith.addi %mul3A_113, %add3A_114 : i32
        %ge3A_116 = arith.constant 2 : i32
        %ge3A_117 = arith.cmpi sge, %add3A_115, %ge3A_116 : i32
        %convert_element_type3A_118 = arith.extui %ge3A_117 : i1 to i32
        %cond3A_119 = arith.constant 0 : i32
        %cond3A_120 = arith.cmpi ne, %convert_element_type3A_118, %cond3A_119 : i32
        scf.if %cond3A_120 {
          %dma_wait3A_131 = arith.constant 0 : i32
          %dma_wait3A_132 = arith.constant 1 : i32
          %dma_wait3A_133 = arith.constant 0 : i32
          %dma_wait3A_134 = tpu.memref_slice %arg12[%dma_wait3A_131, %dma_wait3A_133] : memref<40x128xi32, #tpu.memory_space<vmem>> -> memref<1x128xi32, #tpu.memory_space<vmem>>
          %dma_wait3A_135 = tpu.memref_squeeze %dma_wait3A_134 : memref<1x128xi32, #tpu.memory_space<vmem>> -> memref<128xi32, #tpu.memory_space<vmem>>
          %dma_wait3A_136 = arith.constant 0 : i32
          %dma_wait3A_137 = arith.constant 0 : i32
          %dma_wait3A_138 = tpu.memref_slice %arg16[%dma_wait3A_136, %dma_wait3A_137] : memref<10016x128xf32, #tpu.memory_space<vmem_shared>> -> memref<10016x128xf32, #tpu.memory_space<vmem_shared>>
          %dma_wait3A_139 = tpu.memref_slice %arg15[%dma_wait3A_132] : memref<2x!tpu.dma_semaphore, #tpu.memory_space<semaphore_mem>> -> memref<1x!tpu.dma_semaphore, #tpu.memory_space<semaphore_mem>>
          %dma_wait3A_140 = tpu.memref_squeeze %dma_wait3A_139 : memref<1x!tpu.dma_semaphore, #tpu.memory_space<semaphore_mem>> -> memref<!tpu.dma_semaphore, #tpu.memory_space<semaphore_mem>>
          tpu.wait_indirect_dma semaphore(%dma_wait3A_140 : memref<!tpu.dma_semaphore, #tpu.memory_space<semaphore_mem>>) src(%arg14 : memref<128x128xf32, #tpu.memory_space<vmem>>) dst(%dma_wait3A_138 : memref<10016x128xf32, #tpu.memory_space<vmem_shared>>)
        } else {
        }
        "tpu.region"() ({
          %run_scoped3A = tpu.sem_alloc : memref<!tpu.dma_semaphore, #tpu.memory_space<semaphore_mem>>
          %dma_start3A_131 = arith.constant 0 : i32
          %dma_start3A_132 = tpu.memref_slice %arg11[%add3A_115, %dma_start3A_131] : memref<40x128xi32, #tpu.memory_space<vmem>> -> memref<1x128xi32, #tpu.memory_space<vmem>>
          %dma_start3A_133 = tpu.memref_squeeze %dma_start3A_132 : memref<1x128xi32, #tpu.memory_space<vmem>> -> memref<128xi32, #tpu.memory_space<vmem>>
          %dma_start3A_134 = arith.constant 0 : i32
          %dma_start3A_135 = arith.constant 0 : i32
          %dma_start3A_136 = tpu.memref_slice %arg3[%dma_start3A_134, %dma_start3A_135] : memref<10000x128xf32, #tpu.memory_space<hbm>> -> memref<10000x128xf32, #tpu.memory_space<hbm>>
          tpu.enqueue_indirect_dma source(%dma_start3A_136 : memref<10000x128xf32, #tpu.memory_space<hbm>>) target(%arg14 : memref<128x128xf32, #tpu.memory_space<vmem>>) offsets(%dma_start3A_133 : memref<128xi32, #tpu.memory_space<vmem>>) semaphore(%run_scoped3A : memref<!tpu.dma_semaphore, #tpu.memory_space<semaphore_mem>>)
          %dma_wait3A_137 = arith.constant 0 : i32
          %dma_wait3A_138 = tpu.memref_slice %arg11[%add3A_115, %dma_wait3A_137] : memref<40x128xi32, #tpu.memory_space<vmem>> -> memref<1x128xi32, #tpu.memory_space<vmem>>
          %dma_wait3A_139 = tpu.memref_squeeze %dma_wait3A_138 : memref<1x128xi32, #tpu.memory_space<vmem>> -> memref<128xi32, #tpu.memory_space<vmem>>
          %dma_wait3A_140 = arith.constant 0 : i32
          %dma_wait3A_141 = arith.constant 0 : i32
          %dma_wait3A_142 = tpu.memref_slice %arg3[%dma_wait3A_140, %dma_wait3A_141] : memref<10000x128xf32, #tpu.memory_space<hbm>> -> memref<10000x128xf32, #tpu.memory_space<hbm>>
          tpu.wait_indirect_dma semaphore(%run_scoped3A : memref<!tpu.dma_semaphore, #tpu.memory_space<semaphore_mem>>) src(%dma_wait3A_142 : memref<10000x128xf32, #tpu.memory_space<hbm>>) dst(%arg14 : memref<128x128xf32, #tpu.memory_space<vmem>>)
          tpu.yield
        }) : () -> ()
        %dma_start3A_121 = arith.constant 1 : i32
        %dma_start3A_122 = arith.constant 0 : i32
        %dma_start3A_123 = tpu.memref_slice %arg12[%add3A_115, %dma_start3A_122] : memref<40x128xi32, #tpu.memory_space<vmem>> -> memref<1x128xi32, #tpu.memory_space<vmem>>
        %dma_start3A_124 = tpu.memref_squeeze %dma_start3A_123 : memref<1x128xi32, #tpu.memory_space<vmem>> -> memref<128xi32, #tpu.memory_space<vmem>>
        %dma_start3A_125 = arith.constant 0 : i32
        %dma_start3A_126 = arith.constant 0 : i32
        %dma_start3A_127 = tpu.memref_slice %arg16[%dma_start3A_125, %dma_start3A_126] : memref<10016x128xf32, #tpu.memory_space<vmem_shared>> -> memref<10016x128xf32, #tpu.memory_space<vmem_shared>>
        %dma_start3A_128 = tpu.memref_slice %arg15[%dma_start3A_121] : memref<2x!tpu.dma_semaphore, #tpu.memory_space<semaphore_mem>> -> memref<1x!tpu.dma_semaphore, #tpu.memory_space<semaphore_mem>>
        %dma_start3A_129 = tpu.memref_squeeze %dma_start3A_128 : memref<1x!tpu.dma_semaphore, #tpu.memory_space<semaphore_mem>> -> memref<!tpu.dma_semaphore, #tpu.memory_space<semaphore_mem>>
        tpu.enqueue_indirect_dma source(%arg14 : memref<128x128xf32, #tpu.memory_space<vmem>>) target(%dma_start3A_127 : memref<10016x128xf32, #tpu.memory_space<vmem_shared>>) offsets(%dma_start3A_124 : memref<128xi32, #tpu.memory_space<vmem>>) semaphore(%dma_start3A_129 : memref<!tpu.dma_semaphore, #tpu.memory_space<semaphore_mem>>) {add = true}
        %scan3A_130 = arith.constant 0 : i32
        scf.yield %scan3A_130 : i32
      }
      %scan3A_73 = arith.constant 20 : i32
      %dma_wait3A_74 = arith.constant 0 : i32
      %dma_wait3A_75 = arith.constant 0 : i32
      %dma_wait3A_76 = arith.constant 0 : i32
      %dma_wait3A_77 = tpu.memref_slice %arg12[%dma_wait3A_74, %dma_wait3A_76] : memref<40x128xi32, #tpu.memory_space<vmem>> -> memref<1x128xi32, #tpu.memory_space<vmem>>
      %dma_wait3A_78 = tpu.memref_squeeze %dma_wait3A_77 : memref<1x128xi32, #tpu.memory_space<vmem>> -> memref<128xi32, #tpu.memory_space<vmem>>
      %dma_wait3A_79 = arith.constant 0 : i32
      %dma_wait3A_80 = arith.constant 0 : i32
      %dma_wait3A_81 = tpu.memref_slice %arg16[%dma_wait3A_79, %dma_wait3A_80] : memref<10016x128xf32, #tpu.memory_space<vmem_shared>> -> memref<10016x128xf32, #tpu.memory_space<vmem_shared>>
      %dma_wait3A_82 = tpu.memref_slice %arg15[%dma_wait3A_75] : memref<2x!tpu.dma_semaphore, #tpu.memory_space<semaphore_mem>> -> memref<1x!tpu.dma_semaphore, #tpu.memory_space<semaphore_mem>>
      %dma_wait3A_83 = tpu.memref_squeeze %dma_wait3A_82 : memref<1x!tpu.dma_semaphore, #tpu.memory_space<semaphore_mem>> -> memref<!tpu.dma_semaphore, #tpu.memory_space<semaphore_mem>>
      tpu.wait_indirect_dma semaphore(%dma_wait3A_83 : memref<!tpu.dma_semaphore, #tpu.memory_space<semaphore_mem>>) src(%arg13 : memref<128x128xf32, #tpu.memory_space<vmem>>) dst(%dma_wait3A_81 : memref<10016x128xf32, #tpu.memory_space<vmem_shared>>)
      %dma_wait3A_84 = arith.constant 0 : i32
      %dma_wait3A_85 = arith.constant 1 : i32
      %dma_wait3A_86 = arith.constant 0 : i32
      %dma_wait3A_87 = tpu.memref_slice %arg12[%dma_wait3A_84, %dma_wait3A_86] : memref<40x128xi32, #tpu.memory_space<vmem>> -> memref<1x128xi32, #tpu.memory_space<vmem>>
      %dma_wait3A_88 = tpu.memref_squeeze %dma_wait3A_87 : memref<1x128xi32, #tpu.memory_space<vmem>> -> memref<128xi32, #tpu.memory_space<vmem>>
      %dma_wait3A_89 = arith.constant 0 : i32
      %dma_wait3A_90 = arith.constant 0 : i32
      %dma_wait3A_91 = tpu.memref_slice %arg16[%dma_wait3A_89, %dma_wait3A_90] : memref<10016x128xf32, #tpu.memory_space<vmem_shared>> -> memref<10016x128xf32, #tpu.memory_space<vmem_shared>>
      %dma_wait3A_92 = tpu.memref_slice %arg15[%dma_wait3A_85] : memref<2x!tpu.dma_semaphore, #tpu.memory_space<semaphore_mem>> -> memref<1x!tpu.dma_semaphore, #tpu.memory_space<semaphore_mem>>
      %dma_wait3A_93 = tpu.memref_squeeze %dma_wait3A_92 : memref<1x!tpu.dma_semaphore, #tpu.memory_space<semaphore_mem>> -> memref<!tpu.dma_semaphore, #tpu.memory_space<semaphore_mem>>
      tpu.wait_indirect_dma semaphore(%dma_wait3A_93 : memref<!tpu.dma_semaphore, #tpu.memory_space<semaphore_mem>>) src(%arg14 : memref<128x128xf32, #tpu.memory_space<vmem>>) dst(%dma_wait3A_91 : memref<10016x128xf32, #tpu.memory_space<vmem_shared>>)
    } else {
    }
    %barrier3A_17 = arith.constant 0 : index
    tpu.barrier barrier_id(%barrier3A_17)
    %eq3A_18 = arith.constant 0 : i32
    %eq3A_19 = arith.cmpi eq, %arg0, %eq3A_18 : i32
    %convert_element_type3A_20 = arith.extui %eq3A_19 : i1 to i32
    %cond3A_21 = arith.constant 0 : i32
    %cond3A_22 = arith.cmpi ne, %convert_element_type3A_20, %cond3A_21 : i32
    scf.if %cond3A_22 {
      %mul3A = arith.constant 2 : i32
      %mul3A_28 = arith.muli %arg1, %mul3A : i32
      %add3A = arith.constant 0 : i32
      %add3A_29 = arith.addi %mul3A_28, %add3A : i32
      %run_scoped3A = arith.constant 0 : i32
      "tpu.region"() ({
        %run_scoped3A_51 = tpu.sem_alloc : memref<!tpu.dma_semaphore, #tpu.memory_space<semaphore_mem>>
        %dma_start3A = arith.constant 0 : i32
        %dma_start3A_52 = tpu.memref_slice %arg11[%run_scoped3A, %dma_start3A] : memref<40x128xi32, #tpu.memory_space<vmem>> -> memref<1x128xi32, #tpu.memory_space<vmem>>
        %dma_start3A_53 = tpu.memref_squeeze %dma_start3A_52 : memref<1x128xi32, #tpu.memory_space<vmem>> -> memref<128xi32, #tpu.memory_space<vmem>>
        %dma_start3A_54 = arith.constant 0 : i32
        %dma_start3A_55 = tpu.memref_slice %arg6[%add3A_29, %dma_start3A_54] : memref<32x128xi32, #tpu.memory_space<hbm>> -> memref<1x128xi32, #tpu.memory_space<hbm>>
        %dma_start3A_56 = tpu.memref_squeeze %dma_start3A_55 : memref<1x128xi32, #tpu.memory_space<hbm>> -> memref<128xi32, #tpu.memory_space<hbm>>
        %dma_start3A_57 = arith.constant 0 : i32
        %dma_start3A_58 = tpu.memref_slice %arg11[%run_scoped3A, %dma_start3A_57] : memref<40x128xi32, #tpu.memory_space<vmem>> -> memref<1x128xi32, #tpu.memory_space<vmem>>
        %dma_start3A_59 = tpu.memref_squeeze %dma_start3A_58 : memref<1x128xi32, #tpu.memory_space<vmem>> -> memref<128xi32, #tpu.memory_space<vmem>>
        %dma_start3A_60 = arith.constant 0 : i32
        %dma_start3A_61 = tpu.memref_slice %arg6[%add3A_29, %dma_start3A_60] : memref<32x128xi32, #tpu.memory_space<hbm>> -> memref<1x128xi32, #tpu.memory_space<hbm>>
        %dma_start3A_62 = tpu.memref_squeeze %dma_start3A_61 : memref<1x128xi32, #tpu.memory_space<hbm>> -> memref<128xi32, #tpu.memory_space<hbm>>
        tpu.enqueue_dma source(%dma_start3A_62 : memref<128xi32, #tpu.memory_space<hbm>>) target(%dma_start3A_59 : memref<128xi32, #tpu.memory_space<vmem>>) target_semaphore(%run_scoped3A_51 : memref<!tpu.dma_semaphore, #tpu.memory_space<semaphore_mem>>)
        %dma_wait3A = arith.constant 0 : i32
        %dma_wait3A_63 = tpu.memref_slice %arg11[%run_scoped3A, %dma_wait3A] : memref<40x128xi32, #tpu.memory_space<vmem>> -> memref<1x128xi32, #tpu.memory_space<vmem>>
        %dma_wait3A_64 = tpu.memref_squeeze %dma_wait3A_63 : memref<1x128xi32, #tpu.memory_space<vmem>> -> memref<128xi32, #tpu.memory_space<vmem>>
        %dma_wait3A_65 = arith.constant 0 : i32
        %dma_wait3A_66 = tpu.memref_slice %arg6[%add3A_29, %dma_wait3A_65] : memref<32x128xi32, #tpu.memory_space<hbm>> -> memref<1x128xi32, #tpu.memory_space<hbm>>
        %dma_wait3A_67 = tpu.memref_squeeze %dma_wait3A_66 : memref<1x128xi32, #tpu.memory_space<hbm>> -> memref<128xi32, #tpu.memory_space<hbm>>
        %dma_wait3A_68 = arith.constant 0 : i32
        %dma_wait3A_69 = tpu.memref_slice %arg11[%run_scoped3A, %dma_wait3A_68] : memref<40x128xi32, #tpu.memory_space<vmem>> -> memref<1x128xi32, #tpu.memory_space<vmem>>
        %dma_wait3A_70 = tpu.memref_squeeze %dma_wait3A_69 : memref<1x128xi32, #tpu.memory_space<vmem>> -> memref<128xi32, #tpu.memory_space<vmem>>
        %dma_wait3A_71 = arith.constant 0 : i32
        %dma_wait3A_72 = tpu.memref_slice %arg6[%add3A_29, %dma_wait3A_71] : memref<32x128xi32, #tpu.memory_space<hbm>> -> memref<1x128xi32, #tpu.memory_space<hbm>>
        %dma_wait3A_73 = tpu.memref_squeeze %dma_wait3A_72 : memref<1x128xi32, #tpu.memory_space<hbm>> -> memref<128xi32, #tpu.memory_space<hbm>>
        tpu.wait_dma2 semaphore(%run_scoped3A_51 : memref<!tpu.dma_semaphore, #tpu.memory_space<semaphore_mem>>) src(%dma_wait3A_73 : memref<128xi32, #tpu.memory_space<hbm>>) dst(%dma_wait3A_70 : memref<128xi32, #tpu.memory_space<vmem>>)
        tpu.yield
      }) : () -> ()
      %run_scoped3A_30 = arith.constant 0 : i32
      "tpu.region"() ({
        %run_scoped3A_51 = tpu.sem_alloc : memref<!tpu.dma_semaphore, #tpu.memory_space<semaphore_mem>>
        %dma_start3A = arith.constant 0 : i32
        %dma_start3A_52 = tpu.memref_slice %arg11[%run_scoped3A_30, %dma_start3A] : memref<40x128xi32, #tpu.memory_space<vmem>> -> memref<1x128xi32, #tpu.memory_space<vmem>>
        %dma_start3A_53 = tpu.memref_squeeze %dma_start3A_52 : memref<1x128xi32, #tpu.memory_space<vmem>> -> memref<128xi32, #tpu.memory_space<vmem>>
        %dma_start3A_54 = arith.constant 0 : i32
        %dma_start3A_55 = arith.constant 0 : i32
        %dma_start3A_56 = tpu.memref_slice %arg16[%dma_start3A_54, %dma_start3A_55] : memref<10016x128xf32, #tpu.memory_space<vmem_shared>> -> memref<10016x128xf32, #tpu.memory_space<vmem_shared>>
        tpu.enqueue_indirect_dma source(%dma_start3A_56 : memref<10016x128xf32, #tpu.memory_space<vmem_shared>>) target(%arg13 : memref<128x128xf32, #tpu.memory_space<vmem>>) offsets(%dma_start3A_53 : memref<128xi32, #tpu.memory_space<vmem>>) semaphore(%run_scoped3A_51 : memref<!tpu.dma_semaphore, #tpu.memory_space<semaphore_mem>>)
        %dma_wait3A = arith.constant 0 : i32
        %dma_wait3A_57 = tpu.memref_slice %arg11[%run_scoped3A_30, %dma_wait3A] : memref<40x128xi32, #tpu.memory_space<vmem>> -> memref<1x128xi32, #tpu.memory_space<vmem>>
        %dma_wait3A_58 = tpu.memref_squeeze %dma_wait3A_57 : memref<1x128xi32, #tpu.memory_space<vmem>> -> memref<128xi32, #tpu.memory_space<vmem>>
        %dma_wait3A_59 = arith.constant 0 : i32
        %dma_wait3A_60 = arith.constant 0 : i32
        %dma_wait3A_61 = tpu.memref_slice %arg16[%dma_wait3A_59, %dma_wait3A_60] : memref<10016x128xf32, #tpu.memory_space<vmem_shared>> -> memref<10016x128xf32, #tpu.memory_space<vmem_shared>>
        tpu.wait_indirect_dma semaphore(%run_scoped3A_51 : memref<!tpu.dma_semaphore, #tpu.memory_space<semaphore_mem>>) src(%dma_wait3A_61 : memref<10016x128xf32, #tpu.memory_space<vmem_shared>>) dst(%arg13 : memref<128x128xf32, #tpu.memory_space<vmem>>)
        tpu.yield
      }) : () -> ()
      %mul3A_31 = arith.constant 128 : i32
      %mul3A_32 = arith.muli %add3A_29, %mul3A_31 : i32
      "tpu.region"() ({
        %run_scoped3A_51 = tpu.sem_alloc : memref<!tpu.dma_semaphore, #tpu.memory_space<semaphore_mem>>
        %dma_start3A = arith.constant 0 : i32
        %dma_start3A_52 = tpu.memref_slice %arg8[%mul3A_32, %dma_start3A] : memref<4096x128xf32, #tpu.memory_space<hbm>> -> memref<128x128xf32, #tpu.memory_space<hbm>>
        %dma_start3A_53 = arith.constant 0 : i32
        %dma_start3A_54 = tpu.memref_slice %arg8[%mul3A_32, %dma_start3A_53] : memref<4096x128xf32, #tpu.memory_space<hbm>> -> memref<128x128xf32, #tpu.memory_space<hbm>>
        tpu.enqueue_dma source(%arg13 : memref<128x128xf32, #tpu.memory_space<vmem>>) target(%dma_start3A_54 : memref<128x128xf32, #tpu.memory_space<hbm>>) target_semaphore(%run_scoped3A_51 : memref<!tpu.dma_semaphore, #tpu.memory_space<semaphore_mem>>)
        %dma_wait3A = arith.constant 0 : i32
        %dma_wait3A_55 = tpu.memref_slice %arg8[%mul3A_32, %dma_wait3A] : memref<4096x128xf32, #tpu.memory_space<hbm>> -> memref<128x128xf32, #tpu.memory_space<hbm>>
        %dma_wait3A_56 = arith.constant 0 : i32
        %dma_wait3A_57 = tpu.memref_slice %arg8[%mul3A_32, %dma_wait3A_56] : memref<4096x128xf32, #tpu.memory_space<hbm>> -> memref<128x128xf32, #tpu.memory_space<hbm>>
        tpu.wait_dma2 semaphore(%run_scoped3A_51 : memref<!tpu.dma_semaphore, #tpu.memory_space<semaphore_mem>>) src(%arg13 : memref<128x128xf32, #tpu.memory_space<vmem>>) dst(%dma_wait3A_57 : memref<128x128xf32, #tpu.memory_space<hbm>>)
        tpu.yield
      }) : () -> ()
      %eq3A_33 = arith.constant 0 : i32
      %eq3A_34 = arith.cmpi eq, %arg0, %eq3A_33 : i32
      %convert_element_type3A_35 = arith.extui %eq3A_34 : i1 to i32
      %cond3A_36 = arith.constant 0 : i32
      %cond3A_37 = arith.cmpi ne, %convert_element_type3A_35, %cond3A_36 : i32
      scf.if %cond3A_37 {
        %run_scoped3A_51 = arith.constant 0 : i32
        "tpu.region"() ({
          %run_scoped3A_54 = tpu.sem_alloc : memref<!tpu.dma_semaphore, #tpu.memory_space<semaphore_mem>>
          %dma_start3A = arith.constant 0 : i32
          %dma_start3A_55 = tpu.memref_slice %arg11[%run_scoped3A_51, %dma_start3A] : memref<40x128xi32, #tpu.memory_space<vmem>> -> memref<1x128xi32, #tpu.memory_space<vmem>>
          %dma_start3A_56 = tpu.memref_squeeze %dma_start3A_55 : memref<1x128xi32, #tpu.memory_space<vmem>> -> memref<128xi32, #tpu.memory_space<vmem>>
          %dma_start3A_57 = arith.constant 0 : i32
          %dma_start3A_58 = arith.constant 0 : i32
          %dma_start3A_59 = tpu.memref_slice %arg7[%dma_start3A_57, %dma_start3A_58] : memref<10000x128xf32, #tpu.memory_space<hbm>> -> memref<10000x128xf32, #tpu.memory_space<hbm>>
          tpu.enqueue_indirect_dma source(%dma_start3A_59 : memref<10000x128xf32, #tpu.memory_space<hbm>>) target(%arg14 : memref<128x128xf32, #tpu.memory_space<vmem>>) offsets(%dma_start3A_56 : memref<128xi32, #tpu.memory_space<vmem>>) semaphore(%run_scoped3A_54 : memref<!tpu.dma_semaphore, #tpu.memory_space<semaphore_mem>>)
          %dma_wait3A = arith.constant 0 : i32
          %dma_wait3A_60 = tpu.memref_slice %arg11[%run_scoped3A_51, %dma_wait3A] : memref<40x128xi32, #tpu.memory_space<vmem>> -> memref<1x128xi32, #tpu.memory_space<vmem>>
          %dma_wait3A_61 = tpu.memref_squeeze %dma_wait3A_60 : memref<1x128xi32, #tpu.memory_space<vmem>> -> memref<128xi32, #tpu.memory_space<vmem>>
          %dma_wait3A_62 = arith.constant 0 : i32
          %dma_wait3A_63 = arith.constant 0 : i32
          %dma_wait3A_64 = tpu.memref_slice %arg7[%dma_wait3A_62, %dma_wait3A_63] : memref<10000x128xf32, #tpu.memory_space<hbm>> -> memref<10000x128xf32, #tpu.memory_space<hbm>>
          tpu.wait_indirect_dma semaphore(%run_scoped3A_54 : memref<!tpu.dma_semaphore, #tpu.memory_space<semaphore_mem>>) src(%dma_wait3A_64 : memref<10000x128xf32, #tpu.memory_space<hbm>>) dst(%arg14 : memref<128x128xf32, #tpu.memory_space<vmem>>)
          tpu.yield
        }) : () -> ()
        %mul3A_52 = arith.constant 128 : i32
        %mul3A_53 = arith.muli %add3A_29, %mul3A_52 : i32
        "tpu.region"() ({
          %run_scoped3A_54 = tpu.sem_alloc : memref<!tpu.dma_semaphore, #tpu.memory_space<semaphore_mem>>
          %dma_start3A = arith.constant 0 : i32
          %dma_start3A_55 = tpu.memref_slice %arg10[%mul3A_53, %dma_start3A] : memref<4096x128xf32, #tpu.memory_space<hbm>> -> memref<128x128xf32, #tpu.memory_space<hbm>>
          %dma_start3A_56 = arith.constant 0 : i32
          %dma_start3A_57 = tpu.memref_slice %arg10[%mul3A_53, %dma_start3A_56] : memref<4096x128xf32, #tpu.memory_space<hbm>> -> memref<128x128xf32, #tpu.memory_space<hbm>>
          tpu.enqueue_dma source(%arg14 : memref<128x128xf32, #tpu.memory_space<vmem>>) target(%dma_start3A_57 : memref<128x128xf32, #tpu.memory_space<hbm>>) target_semaphore(%run_scoped3A_54 : memref<!tpu.dma_semaphore, #tpu.memory_space<semaphore_mem>>)
          %dma_wait3A = arith.constant 0 : i32
          %dma_wait3A_58 = tpu.memref_slice %arg10[%mul3A_53, %dma_wait3A] : memref<4096x128xf32, #tpu.memory_space<hbm>> -> memref<128x128xf32, #tpu.memory_space<hbm>>
          %dma_wait3A_59 = arith.constant 0 : i32
          %dma_wait3A_60 = tpu.memref_slice %arg10[%mul3A_53, %dma_wait3A_59] : memref<4096x128xf32, #tpu.memory_space<hbm>> -> memref<128x128xf32, #tpu.memory_space<hbm>>
          tpu.wait_dma2 semaphore(%run_scoped3A_54 : memref<!tpu.dma_semaphore, #tpu.memory_space<semaphore_mem>>) src(%arg14 : memref<128x128xf32, #tpu.memory_space<vmem>>) dst(%dma_wait3A_60 : memref<128x128xf32, #tpu.memory_space<hbm>>)
          tpu.yield
        }) : () -> ()
      } else {
      }
      %mul3A_38 = arith.constant 2 : i32
      %mul3A_39 = arith.muli %arg1, %mul3A_38 : i32
      %add3A_40 = arith.constant 1 : i32
      %add3A_41 = arith.addi %mul3A_39, %add3A_40 : i32
      %run_scoped3A_42 = arith.constant 0 : i32
      "tpu.region"() ({
        %run_scoped3A_51 = tpu.sem_alloc : memref<!tpu.dma_semaphore, #tpu.memory_space<semaphore_mem>>
        %dma_start3A = arith.constant 0 : i32
        %dma_start3A_52 = tpu.memref_slice %arg11[%run_scoped3A_42, %dma_start3A] : memref<40x128xi32, #tpu.memory_space<vmem>> -> memref<1x128xi32, #tpu.memory_space<vmem>>
        %dma_start3A_53 = tpu.memref_squeeze %dma_start3A_52 : memref<1x128xi32, #tpu.memory_space<vmem>> -> memref<128xi32, #tpu.memory_space<vmem>>
        %dma_start3A_54 = arith.constant 0 : i32
        %dma_start3A_55 = tpu.memref_slice %arg6[%add3A_41, %dma_start3A_54] : memref<32x128xi32, #tpu.memory_space<hbm>> -> memref<1x128xi32, #tpu.memory_space<hbm>>
        %dma_start3A_56 = tpu.memref_squeeze %dma_start3A_55 : memref<1x128xi32, #tpu.memory_space<hbm>> -> memref<128xi32, #tpu.memory_space<hbm>>
        %dma_start3A_57 = arith.constant 0 : i32
        %dma_start3A_58 = tpu.memref_slice %arg11[%run_scoped3A_42, %dma_start3A_57] : memref<40x128xi32, #tpu.memory_space<vmem>> -> memref<1x128xi32, #tpu.memory_space<vmem>>
        %dma_start3A_59 = tpu.memref_squeeze %dma_start3A_58 : memref<1x128xi32, #tpu.memory_space<vmem>> -> memref<128xi32, #tpu.memory_space<vmem>>
        %dma_start3A_60 = arith.constant 0 : i32
        %dma_start3A_61 = tpu.memref_slice %arg6[%add3A_41, %dma_start3A_60] : memref<32x128xi32, #tpu.memory_space<hbm>> -> memref<1x128xi32, #tpu.memory_space<hbm>>
        %dma_start3A_62 = tpu.memref_squeeze %dma_start3A_61 : memref<1x128xi32, #tpu.memory_space<hbm>> -> memref<128xi32, #tpu.memory_space<hbm>>
        tpu.enqueue_dma source(%dma_start3A_62 : memref<128xi32, #tpu.memory_space<hbm>>) target(%dma_start3A_59 : memref<128xi32, #tpu.memory_space<vmem>>) target_semaphore(%run_scoped3A_51 : memref<!tpu.dma_semaphore, #tpu.memory_space<semaphore_mem>>)
        %dma_wait3A = arith.constant 0 : i32
        %dma_wait3A_63 = tpu.memref_slice %arg11[%run_scoped3A_42, %dma_wait3A] : memref<40x128xi32, #tpu.memory_space<vmem>> -> memref<1x128xi32, #tpu.memory_space<vmem>>
        %dma_wait3A_64 = tpu.memref_squeeze %dma_wait3A_63 : memref<1x128xi32, #tpu.memory_space<vmem>> -> memref<128xi32, #tpu.memory_space<vmem>>
        %dma_wait3A_65 = arith.constant 0 : i32
        %dma_wait3A_66 = tpu.memref_slice %arg6[%add3A_41, %dma_wait3A_65] : memref<32x128xi32, #tpu.memory_space<hbm>> -> memref<1x128xi32, #tpu.memory_space<hbm>>
        %dma_wait3A_67 = tpu.memref_squeeze %dma_wait3A_66 : memref<1x128xi32, #tpu.memory_space<hbm>> -> memref<128xi32, #tpu.memory_space<hbm>>
        %dma_wait3A_68 = arith.constant 0 : i32
        %dma_wait3A_69 = tpu.memref_slice %arg11[%run_scoped3A_42, %dma_wait3A_68] : memref<40x128xi32, #tpu.memory_space<vmem>> -> memref<1x128xi32, #tpu.memory_space<vmem>>
        %dma_wait3A_70 = tpu.memref_squeeze %dma_wait3A_69 : memref<1x128xi32, #tpu.memory_space<vmem>> -> memref<128xi32, #tpu.memory_space<vmem>>
        %dma_wait3A_71 = arith.constant 0 : i32
        %dma_wait3A_72 = tpu.memref_slice %arg6[%add3A_41, %dma_wait3A_71] : memref<32x128xi32, #tpu.memory_space<hbm>> -> memref<1x128xi32, #tpu.memory_space<hbm>>
        %dma_wait3A_73 = tpu.memref_squeeze %dma_wait3A_72 : memref<1x128xi32, #tpu.memory_space<hbm>> -> memref<128xi32, #tpu.memory_space<hbm>>
        tpu.wait_dma2 semaphore(%run_scoped3A_51 : memref<!tpu.dma_semaphore, #tpu.memory_space<semaphore_mem>>) src(%dma_wait3A_73 : memref<128xi32, #tpu.memory_space<hbm>>) dst(%dma_wait3A_70 : memref<128xi32, #tpu.memory_space<vmem>>)
        tpu.yield
      }) : () -> ()
      %run_scoped3A_43 = arith.constant 0 : i32
      "tpu.region"() ({
        %run_scoped3A_51 = tpu.sem_alloc : memref<!tpu.dma_semaphore, #tpu.memory_space<semaphore_mem>>
        %dma_start3A = arith.constant 0 : i32
        %dma_start3A_52 = tpu.memref_slice %arg11[%run_scoped3A_43, %dma_start3A] : memref<40x128xi32, #tpu.memory_space<vmem>> -> memref<1x128xi32, #tpu.memory_space<vmem>>
        %dma_start3A_53 = tpu.memref_squeeze %dma_start3A_52 : memref<1x128xi32, #tpu.memory_space<vmem>> -> memref<128xi32, #tpu.memory_space<vmem>>
        %dma_start3A_54 = arith.constant 0 : i32
        %dma_start3A_55 = arith.constant 0 : i32
        %dma_start3A_56 = tpu.memref_slice %arg16[%dma_start3A_54, %dma_start3A_55] : memref<10016x128xf32, #tpu.memory_space<vmem_shared>> -> memref<10016x128xf32, #tpu.memory_space<vmem_shared>>
        tpu.enqueue_indirect_dma source(%dma_start3A_56 : memref<10016x128xf32, #tpu.memory_space<vmem_shared>>) target(%arg13 : memref<128x128xf32, #tpu.memory_space<vmem>>) offsets(%dma_start3A_53 : memref<128xi32, #tpu.memory_space<vmem>>) semaphore(%run_scoped3A_51 : memref<!tpu.dma_semaphore, #tpu.memory_space<semaphore_mem>>)
        %dma_wait3A = arith.constant 0 : i32
        %dma_wait3A_57 = tpu.memref_slice %arg11[%run_scoped3A_43, %dma_wait3A] : memref<40x128xi32, #tpu.memory_space<vmem>> -> memref<1x128xi32, #tpu.memory_space<vmem>>
        %dma_wait3A_58 = tpu.memref_squeeze %dma_wait3A_57 : memref<1x128xi32, #tpu.memory_space<vmem>> -> memref<128xi32, #tpu.memory_space<vmem>>
        %dma_wait3A_59 = arith.constant 0 : i32
        %dma_wait3A_60 = arith.constant 0 : i32
        %dma_wait3A_61 = tpu.memref_slice %arg16[%dma_wait3A_59, %dma_wait3A_60] : memref<10016x128xf32, #tpu.memory_space<vmem_shared>> -> memref<10016x128xf32, #tpu.memory_space<vmem_shared>>
        tpu.wait_indirect_dma semaphore(%run_scoped3A_51 : memref<!tpu.dma_semaphore, #tpu.memory_space<semaphore_mem>>) src(%dma_wait3A_61 : memref<10016x128xf32, #tpu.memory_space<vmem_shared>>) dst(%arg13 : memref<128x128xf32, #tpu.memory_space<vmem>>)
        tpu.yield
      }) : () -> ()
      %mul3A_44 = arith.constant 128 : i32
      %mul3A_45 = arith.muli %add3A_41, %mul3A_44 : i32
      "tpu.region"() ({
        %run_scoped3A_51 = tpu.sem_alloc : memref<!tpu.dma_semaphore, #tpu.memory_space<semaphore_mem>>
        %dma_start3A = arith.constant 0 : i32
        %dma_start3A_52 = tpu.memref_slice %arg8[%mul3A_45, %dma_start3A] : memref<4096x128xf32, #tpu.memory_space<hbm>> -> memref<128x128xf32, #tpu.memory_space<hbm>>
        %dma_start3A_53 = arith.constant 0 : i32
        %dma_start3A_54 = tpu.memref_slice %arg8[%mul3A_45, %dma_start3A_53] : memref<4096x128xf32, #tpu.memory_space<hbm>> -> memref<128x128xf32, #tpu.memory_space<hbm>>
        tpu.enqueue_dma source(%arg13 : memref<128x128xf32, #tpu.memory_space<vmem>>) target(%dma_start3A_54 : memref<128x128xf32, #tpu.memory_space<hbm>>) target_semaphore(%run_scoped3A_51 : memref<!tpu.dma_semaphore, #tpu.memory_space<semaphore_mem>>)
        %dma_wait3A = arith.constant 0 : i32
        %dma_wait3A_55 = tpu.memref_slice %arg8[%mul3A_45, %dma_wait3A] : memref<4096x128xf32, #tpu.memory_space<hbm>> -> memref<128x128xf32, #tpu.memory_space<hbm>>
        %dma_wait3A_56 = arith.constant 0 : i32
        %dma_wait3A_57 = tpu.memref_slice %arg8[%mul3A_45, %dma_wait3A_56] : memref<4096x128xf32, #tpu.memory_space<hbm>> -> memref<128x128xf32, #tpu.memory_space<hbm>>
        tpu.wait_dma2 semaphore(%run_scoped3A_51 : memref<!tpu.dma_semaphore, #tpu.memory_space<semaphore_mem>>) src(%arg13 : memref<128x128xf32, #tpu.memory_space<vmem>>) dst(%dma_wait3A_57 : memref<128x128xf32, #tpu.memory_space<hbm>>)
        tpu.yield
      }) : () -> ()
      %eq3A_46 = arith.constant 0 : i32
      %eq3A_47 = arith.cmpi eq, %arg0, %eq3A_46 : i32
      %convert_element_type3A_48 = arith.extui %eq3A_47 : i1 to i32
      %cond3A_49 = arith.constant 0 : i32
      %cond3A_50 = arith.cmpi ne, %convert_element_type3A_48, %cond3A_49 : i32
      scf.if %cond3A_50 {
        %run_scoped3A_51 = arith.constant 0 : i32
        "tpu.region"() ({
          %run_scoped3A_54 = tpu.sem_alloc : memref<!tpu.dma_semaphore, #tpu.memory_space<semaphore_mem>>
          %dma_start3A = arith.constant 0 : i32
          %dma_start3A_55 = tpu.memref_slice %arg11[%run_scoped3A_51, %dma_start3A] : memref<40x128xi32, #tpu.memory_space<vmem>> -> memref<1x128xi32, #tpu.memory_space<vmem>>
          %dma_start3A_56 = tpu.memref_squeeze %dma_start3A_55 : memref<1x128xi32, #tpu.memory_space<vmem>> -> memref<128xi32, #tpu.memory_space<vmem>>
          %dma_start3A_57 = arith.constant 0 : i32
          %dma_start3A_58 = arith.constant 0 : i32
          %dma_start3A_59 = tpu.memref_slice %arg7[%dma_start3A_57, %dma_start3A_58] : memref<10000x128xf32, #tpu.memory_space<hbm>> -> memref<10000x128xf32, #tpu.memory_space<hbm>>
          tpu.enqueue_indirect_dma source(%dma_start3A_59 : memref<10000x128xf32, #tpu.memory_space<hbm>>) target(%arg14 : memref<128x128xf32, #tpu.memory_space<vmem>>) offsets(%dma_start3A_56 : memref<128xi32, #tpu.memory_space<vmem>>) semaphore(%run_scoped3A_54 : memref<!tpu.dma_semaphore, #tpu.memory_space<semaphore_mem>>)
          %dma_wait3A = arith.constant 0 : i32
          %dma_wait3A_60 = tpu.memref_slice %arg11[%run_scoped3A_51, %dma_wait3A] : memref<40x128xi32, #tpu.memory_space<vmem>> -> memref<1x128xi32, #tpu.memory_space<vmem>>
          %dma_wait3A_61 = tpu.memref_squeeze %dma_wait3A_60 : memref<1x128xi32, #tpu.memory_space<vmem>> -> memref<128xi32, #tpu.memory_space<vmem>>
          %dma_wait3A_62 = arith.constant 0 : i32
          %dma_wait3A_63 = arith.constant 0 : i32
          %dma_wait3A_64 = tpu.memref_slice %arg7[%dma_wait3A_62, %dma_wait3A_63] : memref<10000x128xf32, #tpu.memory_space<hbm>> -> memref<10000x128xf32, #tpu.memory_space<hbm>>
          tpu.wait_indirect_dma semaphore(%run_scoped3A_54 : memref<!tpu.dma_semaphore, #tpu.memory_space<semaphore_mem>>) src(%dma_wait3A_64 : memref<10000x128xf32, #tpu.memory_space<hbm>>) dst(%arg14 : memref<128x128xf32, #tpu.memory_space<vmem>>)
          tpu.yield
        }) : () -> ()
        %mul3A_52 = arith.constant 128 : i32
        %mul3A_53 = arith.muli %add3A_41, %mul3A_52 : i32
        "tpu.region"() ({
          %run_scoped3A_54 = tpu.sem_alloc : memref<!tpu.dma_semaphore, #tpu.memory_space<semaphore_mem>>
          %dma_start3A = arith.constant 0 : i32
          %dma_start3A_55 = tpu.memref_slice %arg10[%mul3A_53, %dma_start3A] : memref<4096x128xf32, #tpu.memory_space<hbm>> -> memref<128x128xf32, #tpu.memory_space<hbm>>
          %dma_start3A_56 = arith.constant 0 : i32
          %dma_start3A_57 = tpu.memref_slice %arg10[%mul3A_53, %dma_start3A_56] : memref<4096x128xf32, #tpu.memory_space<hbm>> -> memref<128x128xf32, #tpu.memory_space<hbm>>
          tpu.enqueue_dma source(%arg14 : memref<128x128xf32, #tpu.memory_space<vmem>>) target(%dma_start3A_57 : memref<128x128xf32, #tpu.memory_space<hbm>>) target_semaphore(%run_scoped3A_54 : memref<!tpu.dma_semaphore, #tpu.memory_space<semaphore_mem>>)
          %dma_wait3A = arith.constant 0 : i32
          %dma_wait3A_58 = tpu.memref_slice %arg10[%mul3A_53, %dma_wait3A] : memref<4096x128xf32, #tpu.memory_space<hbm>> -> memref<128x128xf32, #tpu.memory_space<hbm>>
          %dma_wait3A_59 = arith.constant 0 : i32
          %dma_wait3A_60 = tpu.memref_slice %arg10[%mul3A_53, %dma_wait3A_59] : memref<4096x128xf32, #tpu.memory_space<hbm>> -> memref<128x128xf32, #tpu.memory_space<hbm>>
          tpu.wait_dma2 semaphore(%run_scoped3A_54 : memref<!tpu.dma_semaphore, #tpu.memory_space<semaphore_mem>>) src(%arg14 : memref<128x128xf32, #tpu.memory_space<vmem>>) dst(%dma_wait3A_60 : memref<128x128xf32, #tpu.memory_space<hbm>>)
          tpu.yield
        }) : () -> ()
      } else {
      }
    } else {
    }
    %eq3A_23 = arith.constant 1 : i32
    %eq3A_24 = arith.cmpi eq, %arg0, %eq3A_23 : i32
    %convert_element_type3A_25 = arith.extui %eq3A_24 : i1 to i32
    %cond3A_26 = arith.constant 0 : i32
    %cond3A_27 = arith.cmpi ne, %convert_element_type3A_25, %cond3A_26 : i32
    scf.if %cond3A_27 {
      %mul3A = arith.constant 2 : i32
      %mul3A_28 = arith.muli %arg1, %mul3A : i32
      %add3A = arith.constant 0 : i32
      %add3A_29 = arith.addi %mul3A_28, %add3A : i32
      %run_scoped3A = arith.constant 0 : i32
      "tpu.region"() ({
        %run_scoped3A_51 = tpu.sem_alloc : memref<!tpu.dma_semaphore, #tpu.memory_space<semaphore_mem>>
        %dma_start3A = arith.constant 0 : i32
        %dma_start3A_52 = tpu.memref_slice %arg11[%run_scoped3A, %dma_start3A] : memref<40x128xi32, #tpu.memory_space<vmem>> -> memref<1x128xi32, #tpu.memory_space<vmem>>
        %dma_start3A_53 = tpu.memref_squeeze %dma_start3A_52 : memref<1x128xi32, #tpu.memory_space<vmem>> -> memref<128xi32, #tpu.memory_space<vmem>>
        %dma_start3A_54 = arith.constant 0 : i32
        %dma_start3A_55 = tpu.memref_slice %arg6[%add3A_29, %dma_start3A_54] : memref<32x128xi32, #tpu.memory_space<hbm>> -> memref<1x128xi32, #tpu.memory_space<hbm>>
        %dma_start3A_56 = tpu.memref_squeeze %dma_start3A_55 : memref<1x128xi32, #tpu.memory_space<hbm>> -> memref<128xi32, #tpu.memory_space<hbm>>
        %dma_start3A_57 = arith.constant 0 : i32
        %dma_start3A_58 = tpu.memref_slice %arg11[%run_scoped3A, %dma_start3A_57] : memref<40x128xi32, #tpu.memory_space<vmem>> -> memref<1x128xi32, #tpu.memory_space<vmem>>
        %dma_start3A_59 = tpu.memref_squeeze %dma_start3A_58 : memref<1x128xi32, #tpu.memory_space<vmem>> -> memref<128xi32, #tpu.memory_space<vmem>>
        %dma_start3A_60 = arith.constant 0 : i32
        %dma_start3A_61 = tpu.memref_slice %arg6[%add3A_29, %dma_start3A_60] : memref<32x128xi32, #tpu.memory_space<hbm>> -> memref<1x128xi32, #tpu.memory_space<hbm>>
        %dma_start3A_62 = tpu.memref_squeeze %dma_start3A_61 : memref<1x128xi32, #tpu.memory_space<hbm>> -> memref<128xi32, #tpu.memory_space<hbm>>
        tpu.enqueue_dma source(%dma_start3A_62 : memref<128xi32, #tpu.memory_space<hbm>>) target(%dma_start3A_59 : memref<128xi32, #tpu.memory_space<vmem>>) target_semaphore(%run_scoped3A_51 : memref<!tpu.dma_semaphore, #tpu.memory_space<semaphore_mem>>)
        %dma_wait3A = arith.constant 0 : i32
        %dma_wait3A_63 = tpu.memref_slice %arg11[%run_scoped3A, %dma_wait3A] : memref<40x128xi32, #tpu.memory_space<vmem>> -> memref<1x128xi32, #tpu.memory_space<vmem>>
        %dma_wait3A_64 = tpu.memref_squeeze %dma_wait3A_63 : memref<1x128xi32, #tpu.memory_space<vmem>> -> memref<128xi32, #tpu.memory_space<vmem>>
        %dma_wait3A_65 = arith.constant 0 : i32
        %dma_wait3A_66 = tpu.memref_slice %arg6[%add3A_29, %dma_wait3A_65] : memref<32x128xi32, #tpu.memory_space<hbm>> -> memref<1x128xi32, #tpu.memory_space<hbm>>
        %dma_wait3A_67 = tpu.memref_squeeze %dma_wait3A_66 : memref<1x128xi32, #tpu.memory_space<hbm>> -> memref<128xi32, #tpu.memory_space<hbm>>
        %dma_wait3A_68 = arith.constant 0 : i32
        %dma_wait3A_69 = tpu.memref_slice %arg11[%run_scoped3A, %dma_wait3A_68] : memref<40x128xi32, #tpu.memory_space<vmem>> -> memref<1x128xi32, #tpu.memory_space<vmem>>
        %dma_wait3A_70 = tpu.memref_squeeze %dma_wait3A_69 : memref<1x128xi32, #tpu.memory_space<vmem>> -> memref<128xi32, #tpu.memory_space<vmem>>
        %dma_wait3A_71 = arith.constant 0 : i32
        %dma_wait3A_72 = tpu.memref_slice %arg6[%add3A_29, %dma_wait3A_71] : memref<32x128xi32, #tpu.memory_space<hbm>> -> memref<1x128xi32, #tpu.memory_space<hbm>>
        %dma_wait3A_73 = tpu.memref_squeeze %dma_wait3A_72 : memref<1x128xi32, #tpu.memory_space<hbm>> -> memref<128xi32, #tpu.memory_space<hbm>>
        tpu.wait_dma2 semaphore(%run_scoped3A_51 : memref<!tpu.dma_semaphore, #tpu.memory_space<semaphore_mem>>) src(%dma_wait3A_73 : memref<128xi32, #tpu.memory_space<hbm>>) dst(%dma_wait3A_70 : memref<128xi32, #tpu.memory_space<vmem>>)
        tpu.yield
      }) : () -> ()
      %run_scoped3A_30 = arith.constant 0 : i32
      "tpu.region"() ({
        %run_scoped3A_51 = tpu.sem_alloc : memref<!tpu.dma_semaphore, #tpu.memory_space<semaphore_mem>>
        %dma_start3A = arith.constant 0 : i32
        %dma_start3A_52 = tpu.memref_slice %arg11[%run_scoped3A_30, %dma_start3A] : memref<40x128xi32, #tpu.memory_space<vmem>> -> memref<1x128xi32, #tpu.memory_space<vmem>>
        %dma_start3A_53 = tpu.memref_squeeze %dma_start3A_52 : memref<1x128xi32, #tpu.memory_space<vmem>> -> memref<128xi32, #tpu.memory_space<vmem>>
        %dma_start3A_54 = arith.constant 0 : i32
        %dma_start3A_55 = arith.constant 0 : i32
        %dma_start3A_56 = tpu.memref_slice %arg16[%dma_start3A_54, %dma_start3A_55] : memref<10016x128xf32, #tpu.memory_space<vmem_shared>> -> memref<10016x128xf32, #tpu.memory_space<vmem_shared>>
        tpu.enqueue_indirect_dma source(%dma_start3A_56 : memref<10016x128xf32, #tpu.memory_space<vmem_shared>>) target(%arg13 : memref<128x128xf32, #tpu.memory_space<vmem>>) offsets(%dma_start3A_53 : memref<128xi32, #tpu.memory_space<vmem>>) semaphore(%run_scoped3A_51 : memref<!tpu.dma_semaphore, #tpu.memory_space<semaphore_mem>>)
        %dma_wait3A = arith.constant 0 : i32
        %dma_wait3A_57 = tpu.memref_slice %arg11[%run_scoped3A_30, %dma_wait3A] : memref<40x128xi32, #tpu.memory_space<vmem>> -> memref<1x128xi32, #tpu.memory_space<vmem>>
        %dma_wait3A_58 = tpu.memref_squeeze %dma_wait3A_57 : memref<1x128xi32, #tpu.memory_space<vmem>> -> memref<128xi32, #tpu.memory_space<vmem>>
        %dma_wait3A_59 = arith.constant 0 : i32
        %dma_wait3A_60 = arith.constant 0 : i32
        %dma_wait3A_61 = tpu.memref_slice %arg16[%dma_wait3A_59, %dma_wait3A_60] : memref<10016x128xf32, #tpu.memory_space<vmem_shared>> -> memref<10016x128xf32, #tpu.memory_space<vmem_shared>>
        tpu.wait_indirect_dma semaphore(%run_scoped3A_51 : memref<!tpu.dma_semaphore, #tpu.memory_space<semaphore_mem>>) src(%dma_wait3A_61 : memref<10016x128xf32, #tpu.memory_space<vmem_shared>>) dst(%arg13 : memref<128x128xf32, #tpu.memory_space<vmem>>)
        tpu.yield
      }) : () -> ()
      %mul3A_31 = arith.constant 128 : i32
      %mul3A_32 = arith.muli %add3A_29, %mul3A_31 : i32
      "tpu.region"() ({
        %run_scoped3A_51 = tpu.sem_alloc : memref<!tpu.dma_semaphore, #tpu.memory_space<semaphore_mem>>
        %dma_start3A = arith.constant 0 : i32
        %dma_start3A_52 = tpu.memref_slice %arg9[%mul3A_32, %dma_start3A] : memref<4096x128xf32, #tpu.memory_space<hbm>> -> memref<128x128xf32, #tpu.memory_space<hbm>>
        %dma_start3A_53 = arith.constant 0 : i32
        %dma_start3A_54 = tpu.memref_slice %arg9[%mul3A_32, %dma_start3A_53] : memref<4096x128xf32, #tpu.memory_space<hbm>> -> memref<128x128xf32, #tpu.memory_space<hbm>>
        tpu.enqueue_dma source(%arg13 : memref<128x128xf32, #tpu.memory_space<vmem>>) target(%dma_start3A_54 : memref<128x128xf32, #tpu.memory_space<hbm>>) target_semaphore(%run_scoped3A_51 : memref<!tpu.dma_semaphore, #tpu.memory_space<semaphore_mem>>)
        %dma_wait3A = arith.constant 0 : i32
        %dma_wait3A_55 = tpu.memref_slice %arg9[%mul3A_32, %dma_wait3A] : memref<4096x128xf32, #tpu.memory_space<hbm>> -> memref<128x128xf32, #tpu.memory_space<hbm>>
        %dma_wait3A_56 = arith.constant 0 : i32
        %dma_wait3A_57 = tpu.memref_slice %arg9[%mul3A_32, %dma_wait3A_56] : memref<4096x128xf32, #tpu.memory_space<hbm>> -> memref<128x128xf32, #tpu.memory_space<hbm>>
        tpu.wait_dma2 semaphore(%run_scoped3A_51 : memref<!tpu.dma_semaphore, #tpu.memory_space<semaphore_mem>>) src(%arg13 : memref<128x128xf32, #tpu.memory_space<vmem>>) dst(%dma_wait3A_57 : memref<128x128xf32, #tpu.memory_space<hbm>>)
        tpu.yield
      }) : () -> ()
      %eq3A_33 = arith.constant 0 : i32
      %eq3A_34 = arith.cmpi eq, %arg0, %eq3A_33 : i32
      %convert_element_type3A_35 = arith.extui %eq3A_34 : i1 to i32
      %cond3A_36 = arith.constant 0 : i32
      %cond3A_37 = arith.cmpi ne, %convert_element_type3A_35, %cond3A_36 : i32
      scf.if %cond3A_37 {
        %run_scoped3A_51 = arith.constant 0 : i32
        "tpu.region"() ({
          %run_scoped3A_54 = tpu.sem_alloc : memref<!tpu.dma_semaphore, #tpu.memory_space<semaphore_mem>>
          %dma_start3A = arith.constant 0 : i32
          %dma_start3A_55 = tpu.memref_slice %arg11[%run_scoped3A_51, %dma_start3A] : memref<40x128xi32, #tpu.memory_space<vmem>> -> memref<1x128xi32, #tpu.memory_space<vmem>>
          %dma_start3A_56 = tpu.memref_squeeze %dma_start3A_55 : memref<1x128xi32, #tpu.memory_space<vmem>> -> memref<128xi32, #tpu.memory_space<vmem>>
          %dma_start3A_57 = arith.constant 0 : i32
          %dma_start3A_58 = arith.constant 0 : i32
          %dma_start3A_59 = tpu.memref_slice %arg7[%dma_start3A_57, %dma_start3A_58] : memref<10000x128xf32, #tpu.memory_space<hbm>> -> memref<10000x128xf32, #tpu.memory_space<hbm>>
          tpu.enqueue_indirect_dma source(%dma_start3A_59 : memref<10000x128xf32, #tpu.memory_space<hbm>>) target(%arg14 : memref<128x128xf32, #tpu.memory_space<vmem>>) offsets(%dma_start3A_56 : memref<128xi32, #tpu.memory_space<vmem>>) semaphore(%run_scoped3A_54 : memref<!tpu.dma_semaphore, #tpu.memory_space<semaphore_mem>>)
          %dma_wait3A = arith.constant 0 : i32
          %dma_wait3A_60 = tpu.memref_slice %arg11[%run_scoped3A_51, %dma_wait3A] : memref<40x128xi32, #tpu.memory_space<vmem>> -> memref<1x128xi32, #tpu.memory_space<vmem>>
          %dma_wait3A_61 = tpu.memref_squeeze %dma_wait3A_60 : memref<1x128xi32, #tpu.memory_space<vmem>> -> memref<128xi32, #tpu.memory_space<vmem>>
          %dma_wait3A_62 = arith.constant 0 : i32
          %dma_wait3A_63 = arith.constant 0 : i32
          %dma_wait3A_64 = tpu.memref_slice %arg7[%dma_wait3A_62, %dma_wait3A_63] : memref<10000x128xf32, #tpu.memory_space<hbm>> -> memref<10000x128xf32, #tpu.memory_space<hbm>>
          tpu.wait_indirect_dma semaphore(%run_scoped3A_54 : memref<!tpu.dma_semaphore, #tpu.memory_space<semaphore_mem>>) src(%dma_wait3A_64 : memref<10000x128xf32, #tpu.memory_space<hbm>>) dst(%arg14 : memref<128x128xf32, #tpu.memory_space<vmem>>)
          tpu.yield
        }) : () -> ()
        %mul3A_52 = arith.constant 128 : i32
        %mul3A_53 = arith.muli %add3A_29, %mul3A_52 : i32
        "tpu.region"() ({
          %run_scoped3A_54 = tpu.sem_alloc : memref<!tpu.dma_semaphore, #tpu.memory_space<semaphore_mem>>
          %dma_start3A = arith.constant 0 : i32
          %dma_start3A_55 = tpu.memref_slice %arg10[%mul3A_53, %dma_start3A] : memref<4096x128xf32, #tpu.memory_space<hbm>> -> memref<128x128xf32, #tpu.memory_space<hbm>>
          %dma_start3A_56 = arith.constant 0 : i32
          %dma_start3A_57 = tpu.memref_slice %arg10[%mul3A_53, %dma_start3A_56] : memref<4096x128xf32, #tpu.memory_space<hbm>> -> memref<128x128xf32, #tpu.memory_space<hbm>>
          tpu.enqueue_dma source(%arg14 : memref<128x128xf32, #tpu.memory_space<vmem>>) target(%dma_start3A_57 : memref<128x128xf32, #tpu.memory_space<hbm>>) target_semaphore(%run_scoped3A_54 : memref<!tpu.dma_semaphore, #tpu.memory_space<semaphore_mem>>)
          %dma_wait3A = arith.constant 0 : i32
          %dma_wait3A_58 = tpu.memref_slice %arg10[%mul3A_53, %dma_wait3A] : memref<4096x128xf32, #tpu.memory_space<hbm>> -> memref<128x128xf32, #tpu.memory_space<hbm>>
          %dma_wait3A_59 = arith.constant 0 : i32
          %dma_wait3A_60 = tpu.memref_slice %arg10[%mul3A_53, %dma_wait3A_59] : memref<4096x128xf32, #tpu.memory_space<hbm>> -> memref<128x128xf32, #tpu.memory_space<hbm>>
          tpu.wait_dma2 semaphore(%run_scoped3A_54 : memref<!tpu.dma_semaphore, #tpu.memory_space<semaphore_mem>>) src(%arg14 : memref<128x128xf32, #tpu.memory_space<vmem>>) dst(%dma_wait3A_60 : memref<128x128xf32, #tpu.memory_space<hbm>>)
          tpu.yield
        }) : () -> ()
      } else {
      }
      %mul3A_38 = arith.constant 2 : i32
      %mul3A_39 = arith.muli %arg1, %mul3A_38 : i32
      %add3A_40 = arith.constant 1 : i32
      %add3A_41 = arith.addi %mul3A_39, %add3A_40 : i32
      %run_scoped3A_42 = arith.constant 0 : i32
      "tpu.region"() ({
        %run_scoped3A_51 = tpu.sem_alloc : memref<!tpu.dma_semaphore, #tpu.memory_space<semaphore_mem>>
        %dma_start3A = arith.constant 0 : i32
        %dma_start3A_52 = tpu.memref_slice %arg11[%run_scoped3A_42, %dma_start3A] : memref<40x128xi32, #tpu.memory_space<vmem>> -> memref<1x128xi32, #tpu.memory_space<vmem>>
        %dma_start3A_53 = tpu.memref_squeeze %dma_start3A_52 : memref<1x128xi32, #tpu.memory_space<vmem>> -> memref<128xi32, #tpu.memory_space<vmem>>
        %dma_start3A_54 = arith.constant 0 : i32
        %dma_start3A_55 = tpu.memref_slice %arg6[%add3A_41, %dma_start3A_54] : memref<32x128xi32, #tpu.memory_space<hbm>> -> memref<1x128xi32, #tpu.memory_space<hbm>>
        %dma_start3A_56 = tpu.memref_squeeze %dma_start3A_55 : memref<1x128xi32, #tpu.memory_space<hbm>> -> memref<128xi32, #tpu.memory_space<hbm>>
        %dma_start3A_57 = arith.constant 0 : i32
        %dma_start3A_58 = tpu.memref_slice %arg11[%run_scoped3A_42, %dma_start3A_57] : memref<40x128xi32, #tpu.memory_space<vmem>> -> memref<1x128xi32, #tpu.memory_space<vmem>>
        %dma_start3A_59 = tpu.memref_squeeze %dma_start3A_58 : memref<1x128xi32, #tpu.memory_space<vmem>> -> memref<128xi32, #tpu.memory_space<vmem>>
        %dma_start3A_60 = arith.constant 0 : i32
        %dma_start3A_61 = tpu.memref_slice %arg6[%add3A_41, %dma_start3A_60] : memref<32x128xi32, #tpu.memory_space<hbm>> -> memref<1x128xi32, #tpu.memory_space<hbm>>
        %dma_start3A_62 = tpu.memref_squeeze %dma_start3A_61 : memref<1x128xi32, #tpu.memory_space<hbm>> -> memref<128xi32, #tpu.memory_space<hbm>>
        tpu.enqueue_dma source(%dma_start3A_62 : memref<128xi32, #tpu.memory_space<hbm>>) target(%dma_start3A_59 : memref<128xi32, #tpu.memory_space<vmem>>) target_semaphore(%run_scoped3A_51 : memref<!tpu.dma_semaphore, #tpu.memory_space<semaphore_mem>>)
        %dma_wait3A = arith.constant 0 : i32
        %dma_wait3A_63 = tpu.memref_slice %arg11[%run_scoped3A_42, %dma_wait3A] : memref<40x128xi32, #tpu.memory_space<vmem>> -> memref<1x128xi32, #tpu.memory_space<vmem>>
        %dma_wait3A_64 = tpu.memref_squeeze %dma_wait3A_63 : memref<1x128xi32, #tpu.memory_space<vmem>> -> memref<128xi32, #tpu.memory_space<vmem>>
        %dma_wait3A_65 = arith.constant 0 : i32
        %dma_wait3A_66 = tpu.memref_slice %arg6[%add3A_41, %dma_wait3A_65] : memref<32x128xi32, #tpu.memory_space<hbm>> -> memref<1x128xi32, #tpu.memory_space<hbm>>
        %dma_wait3A_67 = tpu.memref_squeeze %dma_wait3A_66 : memref<1x128xi32, #tpu.memory_space<hbm>> -> memref<128xi32, #tpu.memory_space<hbm>>
        %dma_wait3A_68 = arith.constant 0 : i32
        %dma_wait3A_69 = tpu.memref_slice %arg11[%run_scoped3A_42, %dma_wait3A_68] : memref<40x128xi32, #tpu.memory_space<vmem>> -> memref<1x128xi32, #tpu.memory_space<vmem>>
        %dma_wait3A_70 = tpu.memref_squeeze %dma_wait3A_69 : memref<1x128xi32, #tpu.memory_space<vmem>> -> memref<128xi32, #tpu.memory_space<vmem>>
        %dma_wait3A_71 = arith.constant 0 : i32
        %dma_wait3A_72 = tpu.memref_slice %arg6[%add3A_41, %dma_wait3A_71] : memref<32x128xi32, #tpu.memory_space<hbm>> -> memref<1x128xi32, #tpu.memory_space<hbm>>
        %dma_wait3A_73 = tpu.memref_squeeze %dma_wait3A_72 : memref<1x128xi32, #tpu.memory_space<hbm>> -> memref<128xi32, #tpu.memory_space<hbm>>
        tpu.wait_dma2 semaphore(%run_scoped3A_51 : memref<!tpu.dma_semaphore, #tpu.memory_space<semaphore_mem>>) src(%dma_wait3A_73 : memref<128xi32, #tpu.memory_space<hbm>>) dst(%dma_wait3A_70 : memref<128xi32, #tpu.memory_space<vmem>>)
        tpu.yield
      }) : () -> ()
      %run_scoped3A_43 = arith.constant 0 : i32
      "tpu.region"() ({
        %run_scoped3A_51 = tpu.sem_alloc : memref<!tpu.dma_semaphore, #tpu.memory_space<semaphore_mem>>
        %dma_start3A = arith.constant 0 : i32
        %dma_start3A_52 = tpu.memref_slice %arg11[%run_scoped3A_43, %dma_start3A] : memref<40x128xi32, #tpu.memory_space<vmem>> -> memref<1x128xi32, #tpu.memory_space<vmem>>
        %dma_start3A_53 = tpu.memref_squeeze %dma_start3A_52 : memref<1x128xi32, #tpu.memory_space<vmem>> -> memref<128xi32, #tpu.memory_space<vmem>>
        %dma_start3A_54 = arith.constant 0 : i32
        %dma_start3A_55 = arith.constant 0 : i32
        %dma_start3A_56 = tpu.memref_slice %arg16[%dma_start3A_54, %dma_start3A_55] : memref<10016x128xf32, #tpu.memory_space<vmem_shared>> -> memref<10016x128xf32, #tpu.memory_space<vmem_shared>>
        tpu.enqueue_indirect_dma source(%dma_start3A_56 : memref<10016x128xf32, #tpu.memory_space<vmem_shared>>) target(%arg13 : memref<128x128xf32, #tpu.memory_space<vmem>>) offsets(%dma_start3A_53 : memref<128xi32, #tpu.memory_space<vmem>>) semaphore(%run_scoped3A_51 : memref<!tpu.dma_semaphore, #tpu.memory_space<semaphore_mem>>)
        %dma_wait3A = arith.constant 0 : i32
        %dma_wait3A_57 = tpu.memref_slice %arg11[%run_scoped3A_43, %dma_wait3A] : memref<40x128xi32, #tpu.memory_space<vmem>> -> memref<1x128xi32, #tpu.memory_space<vmem>>
        %dma_wait3A_58 = tpu.memref_squeeze %dma_wait3A_57 : memref<1x128xi32, #tpu.memory_space<vmem>> -> memref<128xi32, #tpu.memory_space<vmem>>
        %dma_wait3A_59 = arith.constant 0 : i32
        %dma_wait3A_60 = arith.constant 0 : i32
        %dma_wait3A_61 = tpu.memref_slice %arg16[%dma_wait3A_59, %dma_wait3A_60] : memref<10016x128xf32, #tpu.memory_space<vmem_shared>> -> memref<10016x128xf32, #tpu.memory_space<vmem_shared>>
        tpu.wait_indirect_dma semaphore(%run_scoped3A_51 : memref<!tpu.dma_semaphore, #tpu.memory_space<semaphore_mem>>) src(%dma_wait3A_61 : memref<10016x128xf32, #tpu.memory_space<vmem_shared>>) dst(%arg13 : memref<128x128xf32, #tpu.memory_space<vmem>>)
        tpu.yield
      }) : () -> ()
      %mul3A_44 = arith.constant 128 : i32
      %mul3A_45 = arith.muli %add3A_41, %mul3A_44 : i32
      "tpu.region"() ({
        %run_scoped3A_51 = tpu.sem_alloc : memref<!tpu.dma_semaphore, #tpu.memory_space<semaphore_mem>>
        %dma_start3A = arith.constant 0 : i32
        %dma_start3A_52 = tpu.memref_slice %arg9[%mul3A_45, %dma_start3A] : memref<4096x128xf32, #tpu.memory_space<hbm>> -> memref<128x128xf32, #tpu.memory_space<hbm>>
        %dma_start3A_53 = arith.constant 0 : i32
        %dma_start3A_54 = tpu.memref_slice %arg9[%mul3A_45, %dma_start3A_53] : memref<4096x128xf32, #tpu.memory_space<hbm>> -> memref<128x128xf32, #tpu.memory_space<hbm>>
        tpu.enqueue_dma source(%arg13 : memref<128x128xf32, #tpu.memory_space<vmem>>) target(%dma_start3A_54 : memref<128x128xf32, #tpu.memory_space<hbm>>) target_semaphore(%run_scoped3A_51 : memref<!tpu.dma_semaphore, #tpu.memory_space<semaphore_mem>>)
        %dma_wait3A = arith.constant 0 : i32
        %dma_wait3A_55 = tpu.memref_slice %arg9[%mul3A_45, %dma_wait3A] : memref<4096x128xf32, #tpu.memory_space<hbm>> -> memref<128x128xf32, #tpu.memory_space<hbm>>
        %dma_wait3A_56 = arith.constant 0 : i32
        %dma_wait3A_57 = tpu.memref_slice %arg9[%mul3A_45, %dma_wait3A_56] : memref<4096x128xf32, #tpu.memory_space<hbm>> -> memref<128x128xf32, #tpu.memory_space<hbm>>
        tpu.wait_dma2 semaphore(%run_scoped3A_51 : memref<!tpu.dma_semaphore, #tpu.memory_space<semaphore_mem>>) src(%arg13 : memref<128x128xf32, #tpu.memory_space<vmem>>) dst(%dma_wait3A_57 : memref<128x128xf32, #tpu.memory_space<hbm>>)
        tpu.yield
      }) : () -> ()
      %eq3A_46 = arith.constant 0 : i32
      %eq3A_47 = arith.cmpi eq, %arg0, %eq3A_46 : i32
      %convert_element_type3A_48 = arith.extui %eq3A_47 : i1 to i32
      %cond3A_49 = arith.constant 0 : i32
      %cond3A_50 = arith.cmpi ne, %convert_element_type3A_48, %cond3A_49 : i32
      scf.if %cond3A_50 {
        %run_scoped3A_51 = arith.constant 0 : i32
        "tpu.region"() ({
          %run_scoped3A_54 = tpu.sem_alloc : memref<!tpu.dma_semaphore, #tpu.memory_space<semaphore_mem>>
          %dma_start3A = arith.constant 0 : i32
          %dma_start3A_55 = tpu.memref_slice %arg11[%run_scoped3A_51, %dma_start3A] : memref<40x128xi32, #tpu.memory_space<vmem>> -> memref<1x128xi32, #tpu.memory_space<vmem>>
          %dma_start3A_56 = tpu.memref_squeeze %dma_start3A_55 : memref<1x128xi32, #tpu.memory_space<vmem>> -> memref<128xi32, #tpu.memory_space<vmem>>
          %dma_start3A_57 = arith.constant 0 : i32
          %dma_start3A_58 = arith.constant 0 : i32
          %dma_start3A_59 = tpu.memref_slice %arg7[%dma_start3A_57, %dma_start3A_58] : memref<10000x128xf32, #tpu.memory_space<hbm>> -> memref<10000x128xf32, #tpu.memory_space<hbm>>
          tpu.enqueue_indirect_dma source(%dma_start3A_59 : memref<10000x128xf32, #tpu.memory_space<hbm>>) target(%arg14 : memref<128x128xf32, #tpu.memory_space<vmem>>) offsets(%dma_start3A_56 : memref<128xi32, #tpu.memory_space<vmem>>) semaphore(%run_scoped3A_54 : memref<!tpu.dma_semaphore, #tpu.memory_space<semaphore_mem>>)
          %dma_wait3A = arith.constant 0 : i32
          %dma_wait3A_60 = tpu.memref_slice %arg11[%run_scoped3A_51, %dma_wait3A] : memref<40x128xi32, #tpu.memory_space<vmem>> -> memref<1x128xi32, #tpu.memory_space<vmem>>
          %dma_wait3A_61 = tpu.memref_squeeze %dma_wait3A_60 : memref<1x128xi32, #tpu.memory_space<vmem>> -> memref<128xi32, #tpu.memory_space<vmem>>
          %dma_wait3A_62 = arith.constant 0 : i32
          %dma_wait3A_63 = arith.constant 0 : i32
          %dma_wait3A_64 = tpu.memref_slice %arg7[%dma_wait3A_62, %dma_wait3A_63] : memref<10000x128xf32, #tpu.memory_space<hbm>> -> memref<10000x128xf32, #tpu.memory_space<hbm>>
          tpu.wait_indirect_dma semaphore(%run_scoped3A_54 : memref<!tpu.dma_semaphore, #tpu.memory_space<semaphore_mem>>) src(%dma_wait3A_64 : memref<10000x128xf32, #tpu.memory_space<hbm>>) dst(%arg14 : memref<128x128xf32, #tpu.memory_space<vmem>>)
          tpu.yield
        }) : () -> ()
        %mul3A_52 = arith.constant 128 : i32
        %mul3A_53 = arith.muli %add3A_41, %mul3A_52 : i32
        "tpu.region"() ({
          %run_scoped3A_54 = tpu.sem_alloc : memref<!tpu.dma_semaphore, #tpu.memory_space<semaphore_mem>>
          %dma_start3A = arith.constant 0 : i32
          %dma_start3A_55 = tpu.memref_slice %arg10[%mul3A_53, %dma_start3A] : memref<4096x128xf32, #tpu.memory_space<hbm>> -> memref<128x128xf32, #tpu.memory_space<hbm>>
          %dma_start3A_56 = arith.constant 0 : i32
          %dma_start3A_57 = tpu.memref_slice %arg10[%mul3A_53, %dma_start3A_56] : memref<4096x128xf32, #tpu.memory_space<hbm>> -> memref<128x128xf32, #tpu.memory_space<hbm>>
          tpu.enqueue_dma source(%arg14 : memref<128x128xf32, #tpu.memory_space<vmem>>) target(%dma_start3A_57 : memref<128x128xf32, #tpu.memory_space<hbm>>) target_semaphore(%run_scoped3A_54 : memref<!tpu.dma_semaphore, #tpu.memory_space<semaphore_mem>>)
          %dma_wait3A = arith.constant 0 : i32
          %dma_wait3A_58 = tpu.memref_slice %arg10[%mul3A_53, %dma_wait3A] : memref<4096x128xf32, #tpu.memory_space<hbm>> -> memref<128x128xf32, #tpu.memory_space<hbm>>
          %dma_wait3A_59 = arith.constant 0 : i32
          %dma_wait3A_60 = tpu.memref_slice %arg10[%mul3A_53, %dma_wait3A_59] : memref<4096x128xf32, #tpu.memory_space<hbm>> -> memref<128x128xf32, #tpu.memory_space<hbm>>
          tpu.wait_dma2 semaphore(%run_scoped3A_54 : memref<!tpu.dma_semaphore, #tpu.memory_space<semaphore_mem>>) src(%arg14 : memref<128x128xf32, #tpu.memory_space<vmem>>) dst(%dma_wait3A_60 : memref<128x128xf32, #tpu.memory_space<hbm>>)
          tpu.yield
        }) : () -> ()
      } else {
      }
    } else {
    }
    return
  }
}

module attributes {stable_mosaic.version = 14 : i64} {
  func.func @_prep_a_body(%arg0: memref<2x625x16xf32, #tpu.memory_space<vmem>>, %arg1: memref<625x16xf32, #tpu.memory_space<vmem>>) attributes {dimension_semantics = [], scalar_prefetch = 0 : i64, scratch_operands = 0 : i64, tpu.core_type = #tpu.core_type<tc>} {
    %get3A = arith.constant 0 : index
    %get3A_0 = arith.constant 0 : index
    %get3A_1 = arith.constant 0 : index
    %get3A_2 = vector.load %arg0[%get3A, %get3A_0, %get3A_1] : memref<2x625x16xf32, #tpu.memory_space<vmem>>, vector<1x625x16xf32>
    %get3A_3 = vector.shape_cast %get3A_2 : vector<1x625x16xf32> to vector<625x16xf32>
    %add3A = arith.constant 1.000000e+00 : f32
    %add3A_4 = vector.broadcast %add3A : f32 to vector<625x16xf32>
    %add3A_5 = arith.addf %add3A_4, %get3A_3 : vector<625x16xf32>
    %get3A_6 = arith.constant 1 : index
    %get3A_7 = arith.constant 0 : index
    %get3A_8 = arith.constant 0 : index
    %get3A_9 = vector.load %arg0[%get3A_6, %get3A_7, %get3A_8] : memref<2x625x16xf32, #tpu.memory_space<vmem>>, vector<1x625x16xf32>
    %get3A_10 = vector.shape_cast %get3A_9 : vector<1x625x16xf32> to vector<625x16xf32>
    %add3A_11 = arith.addf %add3A_5, %get3A_10 : vector<625x16xf32>
    %rsqrt3A = math.rsqrt %add3A_11 : vector<625x16xf32>
    %swap3A = arith.constant 0 : index
    %swap3A_12 = arith.constant 0 : index
    %swap3A_13 = vector.load %arg1[%swap3A, %swap3A_12] : memref<625x16xf32, #tpu.memory_space<vmem>>, vector<625x16xf32>
    tpu.vector_store %arg1[%swap3A, %swap3A_12], %rsqrt3A {strides = array<i32>} : memref<625x16xf32, #tpu.memory_space<vmem>>, vector<625x16xf32>,
    return
  }
}

module attributes {stable_mosaic.version = 14 : i64} {
  func.func @_scale_split_body(%arg0: i32, %arg1: memref<2000x256xf32, #tpu.memory_space<vmem>>, %arg2: memref<2000x1xf32, #tpu.memory_space<vmem>>, %arg3: memref<2000x128xf32, #tpu.memory_space<vmem>>, %arg4: memref<2000x128xf32, #tpu.memory_space<vmem>>, %arg5: memref<2000x128xf32, #tpu.memory_space<vmem>>) attributes {dimension_semantics = [#tpu.dimension_semantics<arbitrary>], iteration_bounds = array<i64: 5>, scalar_prefetch = 0 : i64, scratch_operands = 0 : i64, tpu.core_type = #tpu.core_type<tc>, window_params = [{transform_indices = @transform_0, window_bounds = array<i64: 2000, 256>}, {transform_indices = @transform_1, window_bounds = array<i64: 2000, 1>}, {transform_indices = @transform_2, window_bounds = array<i64: 2000, 128>}, {transform_indices = @transform_3, window_bounds = array<i64: 2000, 128>}, {transform_indices = @transform_4, window_bounds = array<i64: 2000, 128>}]} {
    %get3A = arith.constant 0 : index
    %get3A_0 = arith.constant 0 : index
    %get3A_1 = vector.load %arg2[%get3A, %get3A_0] : memref<2000x1xf32, #tpu.memory_space<vmem>>, vector<2000x1xf32>
    %get3A_2 = arith.constant 0 : index
    %get3A_3 = arith.constant 0 : index
    %get3A_4 = vector.load %arg1[%get3A_2, %get3A_3] : memref<2000x256xf32, #tpu.memory_space<vmem>>, vector<2000x256xf32>
    %mul3A = vector.broadcast %get3A_1 : vector<2000x1xf32> to vector<2000x256xf32>
    %mul3A_5 = arith.mulf %get3A_4, %mul3A : vector<2000x256xf32>
    %slice3A = vector.extract_strided_slice %mul3A_5 {offsets = [0, 0], sizes = [2000, 128], strides = [1, 1]} : vector<2000x256xf32> to vector<2000x128xf32>
    %swap3A = arith.constant 0 : index
    %swap3A_6 = arith.constant 0 : index
    %swap3A_7 = vector.load %arg3[%swap3A, %swap3A_6] : memref<2000x128xf32, #tpu.memory_space<vmem>>, vector<2000x128xf32>
    tpu.vector_store %arg3[%swap3A, %swap3A_6], %slice3A {strides = array<i32>} : memref<2000x128xf32, #tpu.memory_space<vmem>>, vector<2000x128xf32>,
    %slice3A_8 = vector.extract_strided_slice %mul3A_5 {offsets = [0, 128], sizes = [2000, 128], strides = [1, 1]} : vector<2000x256xf32> to vector<2000x128xf32>
    %swap3A_9 = arith.constant 0 : index
    %swap3A_10 = arith.constant 0 : index
    %swap3A_11 = vector.load %arg4[%swap3A_9, %swap3A_10] : memref<2000x128xf32, #tpu.memory_space<vmem>>, vector<2000x128xf32>
    tpu.vector_store %arg4[%swap3A_9, %swap3A_10], %slice3A_8 {strides = array<i32>} : memref<2000x128xf32, #tpu.memory_space<vmem>>, vector<2000x128xf32>,
    %broadcast_in_dim3A = vector.shape_cast %get3A_1 : vector<2000x1xf32> to vector<2000x1xf32>
    %broadcast_in_dim3A_12 = vector.broadcast %broadcast_in_dim3A : vector<2000x1xf32> to vector<2000x128xf32>
    %swap3A_13 = arith.constant 0 : index
    %swap3A_14 = arith.constant 0 : index
    %swap3A_15 = vector.load %arg5[%swap3A_13, %swap3A_14] : memref<2000x128xf32, #tpu.memory_space<vmem>>, vector<2000x128xf32>
    tpu.vector_store %arg5[%swap3A_13, %swap3A_14], %broadcast_in_dim3A_12 {strides = array<i32>} : memref<2000x128xf32, #tpu.memory_space<vmem>>, vector<2000x128xf32>,
    return
  }
  func.func @transform_0(%arg0: i32) -> (i32, i32) {
    %c0_i32 = arith.constant 0 : i32
    %c0_i32_0 = arith.constant 0 : i32
    return %arg0, %c0_i32 : i32, i32
  }
  func.func @transform_1(%arg0: i32) -> (i32, i32) {
    %c0_i32 = arith.constant 0 : i32
    %c0_i32_0 = arith.constant 0 : i32
    return %arg0, %c0_i32 : i32, i32
  }
  func.func @transform_2(%arg0: i32) -> (i32, i32) {
    %c0_i32 = arith.constant 0 : i32
    %c0_i32_0 = arith.constant 0 : i32
    return %arg0, %c0_i32 : i32, i32
  }
  func.func @transform_3(%arg0: i32) -> (i32, i32) {
    %c0_i32 = arith.constant 0 : i32
    %c0_i32_0 = arith.constant 0 : i32
    return %arg0, %c0_i32 : i32, i32
  }
  func.func @transform_4(%arg0: i32) -> (i32, i32) {
    %c0_i32 = arith.constant 0 : i32
    %c0_i32_0 = arith.constant 0 : i32
    return %arg0, %c0_i32 : i32, i32
  }
}

module attributes {stable_mosaic.version = 14 : i64} {
  func.func @_mid_body(%arg0: i32, %arg1: memref<2000x128xf32, #tpu.memory_space<vmem>>, %arg2: memref<2000x128xf32, #tpu.memory_space<vmem>>, %arg3: memref<2000x1xf32, #tpu.memory_space<vmem>>, %arg4: memref<128x512xf32, #tpu.memory_space<vmem>>, %arg5: memref<128x512xf32, #tpu.memory_space<vmem>>, %arg6: memref<1x512xf32, #tpu.memory_space<vmem>>, %arg7: memref<512x256xf32, #tpu.memory_space<vmem>>, %arg8: memref<2000x128xf32, #tpu.memory_space<vmem>>, %arg9: memref<2000x128xf32, #tpu.memory_space<vmem>>) attributes {dimension_semantics = [#tpu.dimension_semantics<arbitrary>], iteration_bounds = array<i64: 5>, scalar_prefetch = 0 : i64, scratch_operands = 0 : i64, tpu.core_type = #tpu.core_type<tc>, window_params = [{transform_indices = @transform_0, window_bounds = array<i64: 2000, 128>}, {transform_indices = @transform_1, window_bounds = array<i64: 2000, 128>}, {transform_indices = @transform_2, window_bounds = array<i64: 2000, 1>}, {pipeline_mode = #tpu.pipeline_mode<synchronous>, transform_indices = @transform_3, window_bounds = array<i64: 128, 512>}, {pipeline_mode = #tpu.pipeline_mode<synchronous>, transform_indices = @transform_4, window_bounds = array<i64: 128, 512>}, {pipeline_mode = #tpu.pipeline_mode<synchronous>, transform_indices = @transform_5, window_bounds = array<i64: 1, 512>}, {pipeline_mode = #tpu.pipeline_mode<synchronous>, transform_indices = @transform_6, window_bounds = array<i64: 512, 256>}, {transform_indices = @transform_7, window_bounds = array<i64: 2000, 128>}, {transform_indices = @transform_8, window_bounds = array<i64: 2000, 128>}]} {
    %get3A = arith.constant 0 : index
    %get3A_0 = arith.constant 0 : index
    %get3A_1 = vector.load %arg3[%get3A, %get3A_0] : memref<2000x1xf32, #tpu.memory_space<vmem>>, vector<2000x1xf32>
    %get3A_2 = arith.constant 0 : index
    %get3A_3 = arith.constant 0 : index
    %get3A_4 = vector.load %arg1[%get3A_2, %get3A_3] : memref<2000x128xf32, #tpu.memory_space<vmem>>, vector<2000x128xf32>
    %get3A_5 = arith.constant 0 : index
    %get3A_6 = arith.constant 0 : index
    %get3A_7 = vector.load %arg4[%get3A_5, %get3A_6] : memref<128x512xf32, #tpu.memory_space<vmem>>, vector<128x512xf32>
    %dot_general3A = arith.constant dense<0.000000e+00> : vector<2000x512xf32>
    %dot_general3A_8 = tpu.matmul %get3A_4, %get3A_7, %dot_general3A {dimension_numbers = #tpu.dot_dimension_numbers<[1], [0], [0], [1], [0, 0, 1, 1], [], []>, transpose_lhs_hint = false} : vector<2000x128xf32>, vector<128x512xf32>, vector<2000x512xf32> -> vector<2000x512xf32>
    %get3A_9 = arith.constant 0 : index
    %get3A_10 = arith.constant 0 : index
    %get3A_11 = vector.load %arg2[%get3A_9, %get3A_10] : memref<2000x128xf32, #tpu.memory_space<vmem>>, vector<2000x128xf32>
    %get3A_12 = arith.constant 0 : index
    %get3A_13 = arith.constant 0 : index
    %get3A_14 = vector.load %arg5[%get3A_12, %get3A_13] : memref<128x512xf32, #tpu.memory_space<vmem>>, vector<128x512xf32>
    %dot_general3A_15 = arith.constant dense<0.000000e+00> : vector<2000x512xf32>
    %dot_general3A_16 = tpu.matmul %get3A_11, %get3A_14, %dot_general3A_15 {dimension_numbers = #tpu.dot_dimension_numbers<[1], [0], [0], [1], [0, 0, 1, 1], [], []>, transpose_lhs_hint = false} : vector<2000x128xf32>, vector<128x512xf32>, vector<2000x512xf32> -> vector<2000x512xf32>
    %add3A = arith.addf %dot_general3A_8, %dot_general3A_16 : vector<2000x512xf32>
    %mul3A = vector.broadcast %get3A_1 : vector<2000x1xf32> to vector<2000x512xf32>
    %mul3A_17 = arith.mulf %mul3A, %add3A : vector<2000x512xf32>
    %get3A_18 = arith.constant 0 : index
    %get3A_19 = arith.constant 0 : index
    %get3A_20 = vector.load %arg6[%get3A_18, %get3A_19] : memref<1x512xf32, #tpu.memory_space<vmem>>, vector<1x512xf32>
    %add3A_21 = vector.broadcast %get3A_20 : vector<1x512xf32> to vector<2000x512xf32>
    %add3A_22 = arith.addf %mul3A_17, %add3A_21 : vector<2000x512xf32>
    %max3A = arith.constant 0.000000e+00 : f32
    %max3A_23 = vector.broadcast %max3A : f32 to vector<2000x512xf32>
    %max3A_24 = arith.maximumf %add3A_22, %max3A_23 : vector<2000x512xf32>
    %get3A_25 = arith.constant 0 : index
    %get3A_26 = arith.constant 0 : index
    %get3A_27 = vector.load %arg7[%get3A_25, %get3A_26] : memref<512x256xf32, #tpu.memory_space<vmem>>, vector<512x256xf32>
    %dot_general3A_28 = arith.constant dense<0.000000e+00> : vector<2000x256xf32>
    %dot_general3A_29 = tpu.matmul %max3A_24, %get3A_27, %dot_general3A_28 {dimension_numbers = #tpu.dot_dimension_numbers<[1], [0], [0], [1], [0, 0, 1, 1], [], []>, transpose_lhs_hint = false} : vector<2000x512xf32>, vector<512x256xf32>, vector<2000x256xf32> -> vector<2000x256xf32>
    %slice3A = vector.extract_strided_slice %dot_general3A_29 {offsets = [0, 0], sizes = [2000, 128], strides = [1, 1]} : vector<2000x256xf32> to vector<2000x128xf32>
    %mul3A_30 = vector.broadcast %get3A_1 : vector<2000x1xf32> to vector<2000x128xf32>
    %mul3A_31 = arith.mulf %mul3A_30, %slice3A : vector<2000x128xf32>
    %swap3A = arith.constant 0 : index
    %swap3A_32 = arith.constant 0 : index
    %swap3A_33 = vector.load %arg8[%swap3A, %swap3A_32] : memref<2000x128xf32, #tpu.memory_space<vmem>>, vector<2000x128xf32>
    tpu.vector_store %arg8[%swap3A, %swap3A_32], %mul3A_31 {strides = array<i32>} : memref<2000x128xf32, #tpu.memory_space<vmem>>, vector<2000x128xf32>,
    %slice3A_34 = vector.extract_strided_slice %dot_general3A_29 {offsets = [0, 128], sizes = [2000, 128], strides = [1, 1]} : vector<2000x256xf32> to vector<2000x128xf32>
    %mul3A_35 = vector.broadcast %get3A_1 : vector<2000x1xf32> to vector<2000x128xf32>
    %mul3A_36 = arith.mulf %mul3A_35, %slice3A_34 : vector<2000x128xf32>
    %swap3A_37 = arith.constant 0 : index
    %swap3A_38 = arith.constant 0 : index
    %swap3A_39 = vector.load %arg9[%swap3A_37, %swap3A_38] : memref<2000x128xf32, #tpu.memory_space<vmem>>, vector<2000x128xf32>
    tpu.vector_store %arg9[%swap3A_37, %swap3A_38], %mul3A_36 {strides = array<i32>} : memref<2000x128xf32, #tpu.memory_space<vmem>>, vector<2000x128xf32>,
    return
  }
  func.func @transform_0(%arg0: i32) -> (i32, i32) {
    %c0_i32 = arith.constant 0 : i32
    %c0_i32_0 = arith.constant 0 : i32
    return %arg0, %c0_i32 : i32, i32
  }
  func.func @transform_1(%arg0: i32) -> (i32, i32) {
    %c0_i32 = arith.constant 0 : i32
    %c0_i32_0 = arith.constant 0 : i32
    return %arg0, %c0_i32 : i32, i32
  }
  func.func @transform_2(%arg0: i32) -> (i32, i32) {
    %c0_i32 = arith.constant 0 : i32
    %c0_i32_0 = arith.constant 0 : i32
    return %arg0, %c0_i32 : i32, i32
  }
  func.func @transform_3(%arg0: i32) -> (i32, i32) {
    %c0_i32 = arith.constant 0 : i32
    %c0_i32_0 = arith.constant 0 : i32
    %c0_i32_1 = arith.constant 0 : i32
    return %c0_i32, %c0_i32_0 : i32, i32
  }
  func.func @transform_4(%arg0: i32) -> (i32, i32) {
    %c0_i32 = arith.constant 0 : i32
    %c0_i32_0 = arith.constant 0 : i32
    %c0_i32_1 = arith.constant 0 : i32
    return %c0_i32, %c0_i32_0 : i32, i32
  }
  func.func @transform_5(%arg0: i32) -> (i32, i32) {
    %c0_i32 = arith.constant 0 : i32
    %c0_i32_0 = arith.constant 0 : i32
    %c0_i32_1 = arith.constant 0 : i32
    return %c0_i32, %c0_i32_0 : i32, i32
  }
  func.func @transform_6(%arg0: i32) -> (i32, i32) {
    %c0_i32 = arith.constant 0 : i32
    %c0_i32_0 = arith.constant 0 : i32
    %c0_i32_1 = arith.constant 0 : i32
    return %c0_i32, %c0_i32_0 : i32, i32
  }
  func.func @transform_7(%arg0: i32) -> (i32, i32) {
    %c0_i32 = arith.constant 0 : i32
    %c0_i32_0 = arith.constant 0 : i32
    return %arg0, %c0_i32 : i32, i32
  }
  func.func @transform_8(%arg0: i32) -> (i32, i32) {
    %c0_i32 = arith.constant 0 : i32
    %c0_i32_0 = arith.constant 0 : i32
    return %arg0, %c0_i32 : i32, i32
  }
}

module attributes {stable_mosaic.version = 14 : i64} {
  func.func @_mlp_body(%arg0: i32, %arg1: memref<1024x128xf32, #tpu.memory_space<vmem>>, %arg2: memref<1024x128xf32, #tpu.memory_space<vmem>>, %arg3: memref<1024x128xf32, #tpu.memory_space<vmem>>, %arg4: memref<1024x64xf32, #tpu.memory_space<vmem>>, %arg5: memref<1x256xf32, #tpu.memory_space<vmem>>, %arg6: memref<128x512xf32, #tpu.memory_space<vmem>>, %arg7: memref<128x512xf32, #tpu.memory_space<vmem>>, %arg8: memref<64x512xf32, #tpu.memory_space<vmem>>, %arg9: memref<1x512xf32, #tpu.memory_space<vmem>>, %arg10: memref<512x1xf32, #tpu.memory_space<vmem>>, %arg11: memref<1x1xf32, #tpu.memory_space<vmem>>, %arg12: memref<1024x1xf32, #tpu.memory_space<vmem>>) attributes {dimension_semantics = [#tpu.dimension_semantics<arbitrary>], iteration_bounds = array<i64: 4>, scalar_prefetch = 0 : i64, scratch_operands = 0 : i64, tpu.core_type = #tpu.core_type<tc>, window_params = [{transform_indices = @transform_0, window_bounds = array<i64: 1024, 128>}, {transform_indices = @transform_1, window_bounds = array<i64: 1024, 128>}, {transform_indices = @transform_2, window_bounds = array<i64: 1024, 128>}, {transform_indices = @transform_3, window_bounds = array<i64: 1024, 64>}, {pipeline_mode = #tpu.pipeline_mode<synchronous>, transform_indices = @transform_4, window_bounds = array<i64: 1, 256>}, {pipeline_mode = #tpu.pipeline_mode<synchronous>, transform_indices = @transform_5, window_bounds = array<i64: 128, 512>}, {pipeline_mode = #tpu.pipeline_mode<synchronous>, transform_indices = @transform_6, window_bounds = array<i64: 128, 512>}, {pipeline_mode = #tpu.pipeline_mode<synchronous>, transform_indices = @transform_7, window_bounds = array<i64: 64, 512>}, {pipeline_mode = #tpu.pipeline_mode<synchronous>, transform_indices = @transform_8, window_bounds = array<i64: 1, 512>}, {pipeline_mode = #tpu.pipeline_mode<synchronous>, transform_indices = @transform_9, window_bounds = array<i64: 512, 1>}, {pipeline_mode = #tpu.pipeline_mode<synchronous>, transform_indices = @transform_10, window_bounds = array<i64: 1, 1>}, {transform_indices = @transform_11, window_bounds = array<i64: 1024, 1>}]} {
    %get3A = arith.constant 0 : index
    %get3A_0 = arith.constant 0 : index
    %get3A_1 = vector.load %arg3[%get3A, %get3A_0] : memref<1024x128xf32, #tpu.memory_space<vmem>>, vector<1024x128xf32>
    %slice3A = vector.extract_strided_slice %get3A_1 {offsets = [0, 0], sizes = [1024, 1], strides = [1, 1]} : vector<1024x128xf32> to vector<1024x1xf32>
    %get3A_2 = arith.constant 0 : index
    %get3A_3 = arith.constant 0 : index
    %get3A_4 = vector.load %arg1[%get3A_2, %get3A_3] : memref<1024x128xf32, #tpu.memory_space<vmem>>, vector<1024x128xf32>
    %mul3A = vector.broadcast %slice3A : vector<1024x1xf32> to vector<1024x128xf32>
    %mul3A_5 = arith.mulf %mul3A, %get3A_4 : vector<1024x128xf32>
    %get3A_6 = arith.constant 0 : index
    %get3A_7 = arith.constant 0 : index
    %get3A_8 = vector.load %arg5[%get3A_6, %get3A_7] : memref<1x256xf32, #tpu.memory_space<vmem>>, vector<1x256xf32>
    %slice3A_9 = vector.extract_strided_slice %get3A_8 {offsets = [0, 0], sizes = [1, 128], strides = [1, 1]} : vector<1x256xf32> to vector<1x128xf32>
    %add3A = vector.broadcast %slice3A_9 : vector<1x128xf32> to vector<1024x128xf32>
    %add3A_10 = arith.addf %mul3A_5, %add3A : vector<1024x128xf32>
    %get3A_11 = arith.constant 0 : index
    %get3A_12 = arith.constant 0 : index
    %get3A_13 = vector.load %arg2[%get3A_11, %get3A_12] : memref<1024x128xf32, #tpu.memory_space<vmem>>, vector<1024x128xf32>
    %mul3A_14 = vector.broadcast %slice3A : vector<1024x1xf32> to vector<1024x128xf32>
    %mul3A_15 = arith.mulf %mul3A_14, %get3A_13 : vector<1024x128xf32>
    %get3A_16 = arith.constant 0 : index
    %get3A_17 = arith.constant 0 : index
    %get3A_18 = vector.load %arg5[%get3A_16, %get3A_17] : memref<1x256xf32, #tpu.memory_space<vmem>>, vector<1x256xf32>
    %slice3A_19 = vector.extract_strided_slice %get3A_18 {offsets = [0, 128], sizes = [1, 128], strides = [1, 1]} : vector<1x256xf32> to vector<1x128xf32>
    %add3A_20 = vector.broadcast %slice3A_19 : vector<1x128xf32> to vector<1024x128xf32>
    %add3A_21 = arith.addf %mul3A_15, %add3A_20 : vector<1024x128xf32>
    %get3A_22 = arith.constant 0 : index
    %get3A_23 = arith.constant 0 : index
    %get3A_24 = vector.load %arg6[%get3A_22, %get3A_23] : memref<128x512xf32, #tpu.memory_space<vmem>>, vector<128x512xf32>
    %dot_general3A = arith.constant dense<0.000000e+00> : vector<1024x512xf32>
    %dot_general3A_25 = tpu.matmul %add3A_10, %get3A_24, %dot_general3A {dimension_numbers = #tpu.dot_dimension_numbers<[1], [0], [0], [1], [0, 0, 1, 1], [], []>, transpose_lhs_hint = false} : vector<1024x128xf32>, vector<128x512xf32>, vector<1024x512xf32> -> vector<1024x512xf32>
    %get3A_26 = arith.constant 0 : index
    %get3A_27 = arith.constant 0 : index
    %get3A_28 = vector.load %arg7[%get3A_26, %get3A_27] : memref<128x512xf32, #tpu.memory_space<vmem>>, vector<128x512xf32>
    %dot_general3A_29 = arith.constant dense<0.000000e+00> : vector<1024x512xf32>
    %dot_general3A_30 = tpu.matmul %add3A_21, %get3A_28, %dot_general3A_29 {dimension_numbers = #tpu.dot_dimension_numbers<[1], [0], [0], [1], [0, 0, 1, 1], [], []>, transpose_lhs_hint = false} : vector<1024x128xf32>, vector<128x512xf32>, vector<1024x512xf32> -> vector<1024x512xf32>
    %add3A_31 = arith.addf %dot_general3A_25, %dot_general3A_30 : vector<1024x512xf32>
    %get3A_32 = arith.constant 0 : index
    %get3A_33 = arith.constant 0 : index
    %get3A_34 = vector.load %arg4[%get3A_32, %get3A_33] : memref<1024x64xf32, #tpu.memory_space<vmem>>, vector<1024x64xf32>
    %get3A_35 = arith.constant 0 : index
    %get3A_36 = arith.constant 0 : index
    %get3A_37 = vector.load %arg8[%get3A_35, %get3A_36] : memref<64x512xf32, #tpu.memory_space<vmem>>, vector<64x512xf32>
    %dot_general3A_38 = arith.constant dense<0.000000e+00> : vector<1024x512xf32>
    %dot_general3A_39 = tpu.matmul %get3A_34, %get3A_37, %dot_general3A_38 {dimension_numbers = #tpu.dot_dimension_numbers<[1], [0], [0], [1], [0, 0, 1, 1], [], []>, transpose_lhs_hint = false} : vector<1024x64xf32>, vector<64x512xf32>, vector<1024x512xf32> -> vector<1024x512xf32>
    %add3A_40 = arith.addf %add3A_31, %dot_general3A_39 : vector<1024x512xf32>
    %get3A_41 = arith.constant 0 : index
    %get3A_42 = arith.constant 0 : index
    %get3A_43 = vector.load %arg9[%get3A_41, %get3A_42] : memref<1x512xf32, #tpu.memory_space<vmem>>, vector<1x512xf32>
    %add3A_44 = vector.broadcast %get3A_43 : vector<1x512xf32> to vector<1024x512xf32>
    %add3A_45 = arith.addf %add3A_40, %add3A_44 : vector<1024x512xf32>
    %max3A = arith.constant 0.000000e+00 : f32
    %max3A_46 = vector.broadcast %max3A : f32 to vector<1024x512xf32>
    %max3A_47 = arith.maximumf %add3A_45, %max3A_46 : vector<1024x512xf32>
    %get3A_48 = arith.constant 0 : index
    %get3A_49 = arith.constant 0 : index
    %get3A_50 = vector.load %arg10[%get3A_48, %get3A_49] : memref<512x1xf32, #tpu.memory_space<vmem>>, vector<512x1xf32>
    %dot_general3A_51 = arith.constant dense<0.000000e+00> : vector<1024x1xf32>
    %dot_general3A_52 = tpu.matmul %max3A_47, %get3A_50, %dot_general3A_51 {dimension_numbers = #tpu.dot_dimension_numbers<[1], [0], [0], [1], [0, 0, 1, 1], [], []>, transpose_lhs_hint = false} : vector<1024x512xf32>, vector<512x1xf32>, vector<1024x1xf32> -> vector<1024x1xf32>
    %get3A_53 = arith.constant 0 : index
    %get3A_54 = arith.constant 0 : index
    %get3A_55 = vector.load %arg11[%get3A_53, %get3A_54] : memref<1x1xf32, #tpu.memory_space<vmem>>, vector<1x1xf32>
    %add3A_56 = vector.broadcast %get3A_55 : vector<1x1xf32> to vector<1024x1xf32>
    %add3A_57 = arith.addf %dot_general3A_52, %add3A_56 : vector<1024x1xf32>
    %swap3A = arith.constant 0 : index
    %swap3A_58 = arith.constant 0 : index
    %swap3A_59 = vector.load %arg12[%swap3A, %swap3A_58] : memref<1024x1xf32, #tpu.memory_space<vmem>>, vector<1024x1xf32>
    tpu.vector_store %arg12[%swap3A, %swap3A_58], %add3A_57 {strides = array<i32>} : memref<1024x1xf32, #tpu.memory_space<vmem>>, vector<1024x1xf32>,
    return
  }
  func.func @transform_0(%arg0: i32) -> (i32, i32) {
    %c0_i32 = arith.constant 0 : i32
    %c0_i32_0 = arith.constant 0 : i32
    return %arg0, %c0_i32 : i32, i32
  }
  func.func @transform_1(%arg0: i32) -> (i32, i32) {
    %c0_i32 = arith.constant 0 : i32
    %c0_i32_0 = arith.constant 0 : i32
    return %arg0, %c0_i32 : i32, i32
  }
  func.func @transform_2(%arg0: i32) -> (i32, i32) {
    %c0_i32 = arith.constant 0 : i32
    %c0_i32_0 = arith.constant 0 : i32
    return %arg0, %c0_i32 : i32, i32
  }
  func.func @transform_3(%arg0: i32) -> (i32, i32) {
    %c0_i32 = arith.constant 0 : i32
    %c0_i32_0 = arith.constant 0 : i32
    return %arg0, %c0_i32 : i32, i32
  }
  func.func @transform_4(%arg0: i32) -> (i32, i32) {
    %c0_i32 = arith.constant 0 : i32
    %c0_i32_0 = arith.constant 0 : i32
    %c0_i32_1 = arith.constant 0 : i32
    return %c0_i32, %c0_i32_0 : i32, i32
  }
  func.func @transform_5(%arg0: i32) -> (i32, i32) {
    %c0_i32 = arith.constant 0 : i32
    %c0_i32_0 = arith.constant 0 : i32
    %c0_i32_1 = arith.constant 0 : i32
    return %c0_i32, %c0_i32_0 : i32, i32
  }
  func.func @transform_6(%arg0: i32) -> (i32, i32) {
    %c0_i32 = arith.constant 0 : i32
    %c0_i32_0 = arith.constant 0 : i32
    %c0_i32_1 = arith.constant 0 : i32
    return %c0_i32, %c0_i32_0 : i32, i32
  }
  func.func @transform_7(%arg0: i32) -> (i32, i32) {
    %c0_i32 = arith.constant 0 : i32
    %c0_i32_0 = arith.constant 0 : i32
    %c0_i32_1 = arith.constant 0 : i32
    return %c0_i32, %c0_i32_0 : i32, i32
  }
  func.func @transform_8(%arg0: i32) -> (i32, i32) {
    %c0_i32 = arith.constant 0 : i32
    %c0_i32_0 = arith.constant 0 : i32
    %c0_i32_1 = arith.constant 0 : i32
    return %c0_i32, %c0_i32_0 : i32, i32
  }
  func.func @transform_9(%arg0: i32) -> (i32, i32) {
    %c0_i32 = arith.constant 0 : i32
    %c0_i32_0 = arith.constant 0 : i32
    %c0_i32_1 = arith.constant 0 : i32
    return %c0_i32, %c0_i32_0 : i32, i32
  }
  func.func @transform_10(%arg0: i32) -> (i32, i32) {
    %c0_i32 = arith.constant 0 : i32
    %c0_i32_0 = arith.constant 0 : i32
    %c0_i32_1 = arith.constant 0 : i32
    return %c0_i32, %c0_i32_0 : i32, i32
  }
  func.func @transform_11(%arg0: i32) -> (i32, i32) {
    %c0_i32 = arith.constant 0 : i32
    %c0_i32_0 = arith.constant 0 : i32
    return %arg0, %c0_i32 : i32, i32
  }
}

</mosaic_0001>

<sc_bundles>
// kernel: kernel.12.cloned.1.call-start
scs
__scs_entry_jumppad:
0x0: {  	(pc) =	sbr.rel $0x88, $3  }
0x1: {  	(tag) =	ssettag $0x0;
	lr =	simm.s32 $0x1  }
0x2: {  	[smem:$0x3F95] =	sst lr;
	_ =	strace $0xD0000000  }
0x3: {  	_ = 	snop  }
0x4: {  	_ = 	snop  }
0x5: {  	_ = 	snop  }
0x6: {  	_ = 	snop  }
0x7: {  	_ = 	snop  }
__scs_overlays_trampoline_lowered:
0x8: {  	[smem:$0x3FA4] =	sst s0  }
0x9: {  	[smem:$0x3FA5] =	sst s1  }
0xa: {  	[smem:$0x3FA6] =	sst s2  }
0xb: {  	[smem:$0x3FA7] =	sst s3  }
0xc: {  	[smem:$0x3FA8] =	sst s4  }
0xd: {  	[smem:$0x3FA9] =	sst s5  }
0xe: {  	[smem:$0x3FAA] =	sst s6  }
0xf: {  	[smem:$0x3FAB] =	sst s7  }
0x10: {  	[smem:$0x3FAC] =	sst s8  }
0x11: {  	[smem:$0x3FAD] =	sst s9;
	s0 =	simm.s32 @!p0 $0x0  }
0x12: {  	s1 =	sld [smem:$0x3F93];
	s0 =	simm.s32 @p0 $0x1  }
0x13: {  	[smem:$0x3FAE] =	sst s0;
	s0 =	simm.s32 @!p1 $0x0  }
0x14: {  	s2 =	sld [smem:$0x3F92];
	s0 =	simm.s32 @p1 $0x1  }
0x15: {  	[smem:$0x3FAF] =	sst s0;
	s0 =	simm.s32 @!p2 $0x0  }
0x16: {  	s3 =	sld [smem:$0x3FDB];
	s0 =	simm.s32 @p2 $0x1  }
0x17: {  	s4 =	simm.s32 $0x1BF5;
	[smem:$0x3FB1] =	sst s0  }
0x18: {  	s0 =	sld [smem:$0x3F94];
	_ =	swait.ge [sflag:s4], $0x0  }
0x19: {  	s7 =	sld [smem:$0x3F95]  }
0x1a: {  	s8 =	sadd.s32 $0xFFFFE003, lr  }
0x1b: {  	s9 =	sadd.s32 $0xFFFFFEF7, lr;
	s5 =	simm.s32 $0xFFFFFFFF;
	p2 =	slt.u32 s8, $0xFFFFF086  }
0x1c: {  	p1 =	slt.u32 s9, $0xF7A;
	s5 =	simm.s32 @!p2 $0x0  }
0x1d: {  	s5 =	simm.s32 @p1 $0x1;
	p0 =	seq.s32 s7, s2  }
0x1e: {  	s7 =	smul.u32 @!p0 $0xF7A, s2;
	p2 =	seq.s32 @!p0 s5, $0x0  }
0x1f: {  	s9 =	smul.u32 $0xF7A, s1;
	s8 =	simm.s32 @!p0 $0x1BF5;
	p2 =	por !p2, p0  }
0x20: {  	[sflag:s8] =	ssyncset.s32 @!p0 $0xFFFFF086;
	s6 =	sadd.s32 @!p0 s3, s7;
	s7 =	simm.s32 @!p0 $0x108  }
0x21: {  	s3 =	sadd.s32 s3, s9;
	s6 =	sadd.s32 @!p0 $0x88, s6;
	s7 =	simm.s32 @p2 $0x1082  }
0x22: {  	[simem:s7], [sflag:s8] =	dma.local @!p0 [hbm:s6], $0xF7A  }
0x23: {  	s9 =	sor.u32 $0xD0000000, s2;
	s6 =	simm.s32 $0x108;
	_ =	swait.ge @!p0 [sflag:s8], $0x0  }
0x24: {  	s3 =	sadd.s32 $0x88, s3;
	s6 =	simm.s32 @!p1 $0x1082;
	[sflag:s4] =	ssyncset.s32 $0xFFFFF086  }
0x25: {  	[simem:s6], [sflag:s4] =	dma.local [hbm:s3], $0xF7A  }
0x26: {  	[smem:$0x3F95] =	sst s1;
	(tag) =	ssettag s2;
	_ =	strace s9  }
0x27: {  	s1 =	sld [smem:$0x3FA5]  }
0x28: {  	s2 =	sld [smem:$0x3FA6]  }
0x29: {  	s4 =	sld [smem:$0x3FA8]  }
0x2a: {  	p0 =	seq.s32 s5, $0x0;
	s5 =	sld [smem:$0x3FA9]  }
0x2b: {  	s6 =	sld [smem:$0x3FAA]  }
0x2c: {  	s7 =	sld [smem:$0x3FAB]  }
0x2d: {  	s3 =	simm.s32 $0x108;
	s8 =	sld [smem:$0x3FAC]  }
0x2e: {  	s3 =	simm.s32 @!p0 $0x1082;
	s9 =	sld [smem:$0x3FAD]  }
0x2f: {  	lr =	sadd.s32 s0, s3;
	s0 =	sld [smem:$0x3FA4]  }
0x30: {  	s3 =	sld [smem:$0x3FA7]  }
0x31: {  	[smem:$0x3FB0] =	sst s10  }
0x32: {  	s10 =	sld [smem:$0x3FAE];
	_ =	sdelay $0x3  }
0x33: {  	p0 =	seq.s32 s10, $0x1;
	s10 =	sld [smem:$0x3FB0];
	_ =	sdelay $0x3  }
0x34: {  	[smem:$0x3FB0] =	sst s10  }
0x35: {  	s10 =	sld [smem:$0x3FAF];
	_ =	sdelay $0x3  }
0x36: {  	p1 =	seq.s32 s10, $0x1;
	s10 =	sld [smem:$0x3FB0];
	_ =	sdelay $0x3  }
0x37: {  	[smem:$0x3FB0] =	sst s10  }
0x38: {  	s10 =	sld [smem:$0x3FB1]  }
0x39: {  	_ = 	snop;
	(pc) =	sbr.ind lr, $3  }
0x3a: {  	_ = 	snop  }
0x3b: {  	_ = 	snop  }
0x3c: {  	p2 =	seq.s32 s10, $0x1;
	s10 =	sld [smem:$0x3FB0]  }
0x3d: {  	_ =	shalt  }
0x3e: {  	_ =	shalt  }
0x3f: {  	_ =	shalt  }
0x40: {  	_ =	shalt  }
0x41: {  	_ =	shalt  }
0x42: {  	_ =	shalt  }
0x43: {  	_ =	shalt  }
0x44: {  	_ =	shalt  }
0x45: {  	_ =	shalt  }
0x46: {  	_ =	shalt  }
0x47: {  	_ =	shalt  }
0x48: {  	_ =	shalt  }
0x49: {  	_ =	shalt  }
0x4a: {  	_ =	shalt  }
0x4b: {  	_ =	shalt  }
0x4c: {  	_ =	shalt  }
0x4d: {  	_ =	shalt  }
0x4e: {  	_ =	shalt  }
0x4f: {  	_ =	shalt  }
0x50: {  	_ =	shalt  }
0x51: {  	_ =	shalt  }
0x52: {  	_ =	shalt  }
0x53: {  	_ =	shalt  }
0x54: {  	_ =	shalt  }
0x55: {  	_ =	shalt  }
0x56: {  	_ =	shalt  }
0x57: {  	_ =	shalt  }
0x58: {  	_ =	shalt  }
0x59: {  	_ =	shalt  }
0x5a: {  	_ =	shalt  }
0x5b: {  	_ =	shalt  }
0x5c: {  	_ =	shalt  }
0x5d: {  	_ =	shalt  }
0x5e: {  	_ =	shalt  }
0x5f: {  	_ =	shalt  }
0x60: {  	_ =	shalt  }
0x61: {  	_ =	shalt  }
0x62: {  	_ =	shalt  }
0x63: {  	_ =	shalt  }
0x64: {  	_ =	shalt  }
0x65: {  	_ =	shalt  }
0x66: {  	_ =	shalt  }
0x67: {  	_ =	shalt  }
0x68: {  	_ =	shalt  }
0x69: {  	_ =	shalt  }
0x6a: {  	_ =	shalt  }
0x6b: {  	_ =	shalt  }
0x6c: {  	_ =	shalt  }
0x6d: {  	_ =	shalt  }
0x6e: {  	_ =	shalt  }
0x6f: {  	_ =	shalt  }
0x70: {  	_ =	shalt  }
0x71: {  	_ =	shalt  }
0x72: {  	_ =	shalt  }
0x73: {  	_ =	shalt  }
0x74: {  	_ =	shalt  }
0x75: {  	_ =	shalt  }
0x76: {  	_ =	shalt  }
0x77: {  	_ =	shalt  }
0x78: {  	_ =	shalt  }
0x79: {  	_ =	shalt  }
0x7a: {  	_ =	shalt  }
0x7b: {  	_ =	shalt  }
0x7c: {  	_ =	shalt  }
0x7d: {  	_ =	shalt  }
0x7e: {  	_ =	shalt  }
0x7f: {  	_ =	shalt  }
0x80: {  	_ =	shalt  }
0x81: {  	_ =	shalt  }
0x82: {  	_ =	shalt  }
0x83: {  	_ =	shalt  }
0x84: {  	_ =	shalt  }
0x85: {  	_ =	shalt  }
0x86: {  	_ =	shalt  }
0x87: {  	_ =	shalt  }
.Lfunc_end0:
.L_simem_size_0:
called_computation.1_lowered:
.L_overlay_start_0:
0x88: {  	s2 =	sld [smem:$0x3FD9]  }
0x89: {  	s3 =	sld [smem:$0x3FFE];
	_ =	sdelay $0x1  }
0x8a: {  	s1 =	srdreg.scid  }
0x8b: {  	s0 =	sand.u32 $0x1, s1  }
0x8c: {  	s16 =	sshll.u32 s0, $0xA;
	s2 =	sadd.s32 s3, s2  }
0x8d: {  	s2 =	sadd.s32 s2, s16  }
0x8e: {  	[smem:$0x3FBC] =	sst s2  }
0x8f: {  	_ = 	snop  }
0x90: {  	(tm) =	ssettm $0x1  }
0x91: {  	s17 =	sld [smem:$0x3FFB];
	_ =	sdelay $0x3  }
0x92: {  	_ =	strace s17  }
0x93: {  	s2 =	sld [smem:$0x3FFC];
	_ =	sdelay $0x3  }
0x94: {  	_ =	strace s2  }
0x95: {  	s2 =	sld [smem:$0x3FFD];
	_ =	sdelay $0x3  }
0x96: {  	_ =	strace s2  }
0x97: {  	_ =	strace $0x8FFFFFFF  }
0x98: {  	s18 =	sld [smem:$0x3FDB];
	_ =	sdelay $0x1  }
0x99: {  	s19 =	simm.s32 $_scs_section_size  }
0x9a: {  	s4 =	simm.s32 $_size__tile_overlayer_lowered;
	s5 =	simm.s32 $_tile_overlayer_lowered  }
0x9b: {  	s22 =	simm.s32 $0x1BFF;
	s21 =	sshll.u32 s5, $0x1;
	s2 =	sadd.s32 s19, s18  }
0x9c: {  	s6 =	simm.s32 $0x0;
	s20 =	sshll.u32 s4, $0x1;
	s4 =	sadd.s32 s21, s2  }
0x9d: {  	[timem:s6], [sflag:s22] =	dma.local [hbm:s4], s20  }
0x9e: {  	_ =	swait.ge [sflag:s22], s20  }
0x9f: {  	s3 =	ssub.s32 $0x0, s20;
	[sflag:s22] =	ssyncset.done $0x0  }
0xa0: {  	[sflag:s22] =	ssyncadd.s32 s3;
	_ =	sdelay $0x1  }
0xa1: {  	s23 =	simm.s32 $0x1B8B  }
0xa2: {  	_ =	swait.ge [sflag:s23], $0x1  }
0xa3: {  	[sflag:s23] =	ssyncset.done $0x0  }
0xa4: {  	s25 =	simm.s32 $0x1B8E;
	s24 =	sld [smem:$0x3FFE];
	[sflag:s23] =	ssyncadd.s32 $0xFFFFFFFF  }
0xa5: {  	s26 =	simm.s32 $execute0_lowered;
	[smem:$0x3FD2] =	sst s25  }
0xa6: {  	s4 =	sshll.u32 s26, $0x1;
	_ =	strace $0x80000049;
	[dreg:$0x1] =	wrdreg $0xFFFFFFFF  }
0xa7: {  	s28 =	simm.s32 $_size_execute0_lowered;
	s2 =	sadd.s32 s2, s4;
	[dreg:$0x0] =	wrdreg $0x0  }
0xa8: {  	s4 =	sshll.u32 s28, $0x1;
	[dreg:$0x2] =	wrdreg s2  }
0xa9: {  	[dreg:$0x3] =	wrdreg s4  }
0xaa: {  	[dreg:$0x4] =	wrdreg $0xC0  }
0xab: {  	_ =	task [dreg:s6], $0x5FFFF  }
0xac: {  	[dreg:$0x1] =	wrdreg $0xFFFFFFFF  }
0xad: {  	[dreg:$0x0] =	wrdreg $0x60  }
0xae: {  	[dreg:$0x2] =	wrdreg s24  }
0xaf: {  	[dreg:$0x3] =	wrdreg $0xA8000  }
0xb0: {  	[dreg:$0x4] =	wrdreg $0x9  }
0xb1: {  	_ =	task.clear_ibuf [dreg:s6], $0x5FFFF;
	_ =	strace $0x90000049  }
0xb2: {  	s29 =	simm.s32 $0x9;
	_ =	strace $0x8000004B  }
0xb3: {  	_ =	swait.ge [sflag:s29], $0x1  }
0xb4: {  	[sflag:s29] =	ssyncadd.s32 $0xFFFFFFFF  }
0xb5: {  	_ =	strace $0x9000004B  }
0xb6: {  	_ =	sfence  }
0xb7: {  	s30 =	sld [smem:$0x0];
	_ =	sdelay $0x2  }
0xb8: {  	s31 =	sshll.u32 s1, $0xD;
	s1 =	sshrl.u32 s1, $0x2  }
0xb9: {  	s3 =	sand.u32 $0x4000, s31;
	s1 =	sadd.s32 s1, s30  }
0xba: {  	s0 =	sor.u32 s3, s0;
	s1 =	sshll.u32 s1, $0x11  }
0xbb: {  	s0 =	sor.u32 s1, s0  }
0xbc: {  	s0 =	sadd.s32 $0x8F2B, s0  }
0xbd: {  	[sflag:s0] =	ssyncadd.remote.s32 $0x1  }
0xbe: {  	_ =	sfence.sel $0xFFFF  }
0xbf: {  	[dreg:$0x0] =	wrdreg $0xFFFFFFFF;
	(pc) =	sbr.abs _section_cstart, $3  }
0xc0: {  	[dreg:$0x1] =	wrdreg $0xFFFFFFFF  }
0xc1: {  	_ =	task.clear_ibuf [dreg:s6], $0x2FFFF;
	_ =	strace $0x9FFFFFFF  }
0xc2: {  	(tm) =	ssettm $0x7FFFFFFF  }
0xc3: {  	_ =	shalt  }
tec
execute0_lowered:
.L_overlay_start_1:
0x0: {  	(tag) =	ssettag $0x1  }
0x1: {  	s0 =	rddreg [dreg:$0x0]  }
0x2: {  	s1 =	rddreg [dreg:$0x1]  }
0x3: {  	s3 =	simm.s32 $0x0;
	s2 =	stileid.u32;
	s6 =	srdreg.scid  }
0x4: {  	s21 =	simm.s32 $0x3;
	s22 =	simm.s32 $0x1400;
	s28 =	simm.s32 $0x1  }
0x5: {  	s29 =	simm.s32 $0x2;
	s30 =	simm.s32 $0x0;
	[smem:$0x7FF] =	sst s3  }
0x6: {  	s4 =	sadd.s32 $0x34E00, s0;
	s7 =	smul.u32 $0x2800, s2;
	s5 =	sadd.s32 $0x5C000, s0  }
0x7: {  	s9 =	sand.u32 $0x1, s6;
	s23 =	smul.u32 $0x50000, s2;
	s12 =	sadd.s32 $0x8C00, s0  }
0x8: {  	s13 =	sadd.s32 $0x3C00, s0;
	s11 =	smul.u32 $0x500, s2;
	s25 =	sadd.s32 $0x81800, s0  }
0x9: {  	s31 =	sadd.s32 $0xF6E00, s0;
	s17 =	sadd.s32 $0x5A600, s0;
	s19 =	sadd.s32 $0xCFC00, s0  }
0xa: {  	p1 =	seq.s32 s2, $0xF;
	_ =	strace $0x8000004A;
	[dreg:$0x4] =	wrdreg s25  }
0xb: {  	s8 =	ssub.s32 $0x2, s9;
	[dreg:$0x6] =	wrdreg s31;
	p0 =	sne.s32 s9, $0x0  }
0xc: {  	s25 =	simm.s32 $0x6800;
	s14 =	sadd.s32 s7, s0;
	s10 =	sshrl.u32 s8, $0x1  }
0xd: {  	s6 =	sshrl.u32 s23, $0x2;
	s24 =	sadd.s32 s5, s7;
	s15 =	sshrl.u32 s7, $0x3  }
0xe: {  	s16 =	sadd.s32 s4, s7;
	s23 =	simm.s32 $0x80;
	s20 =	ssub.s32 s8, s10  }
.Ltmp0:
0xf: {  	s6 =	sadd.s32 s6, s1;
	[dreg:$0x3] =	wrdreg s24;
	(pc) =	sbr.rel .LBB2_1-.Ltmp0, $4  }
0x10: {  	s8 =	sadd.s32 $0x12C000, s1;
	s10 =	sadd.s32 s12, s11;
	s15 =	sadd.s32 $0x280, s15  }
0x11: {  	s11 =	sadd.s32 s13, s11;
	s26 =	sadd.s32 $0xD1600, s14;
	s18 =	sadd.s32 $0xAA400, s14  }
0x12: {  	s24 =	simm.s32 $0x2800;
	s12 =	sadd.s32 s12, s15;
	s13 =	sadd.s32 s13, s15  }
0x13: {  	[dreg:$0x5] =	wrdreg s26;
	s20 =	smax.u32 s20, $0x1;
	s26 =	simm.s32 $0x1480  }
.LBB2_11:
0x14: {  	[spmem:s1] =	stream.indirect.scatter.add.f32 [tilespmem:s25], [sflag:$0x2], $0x80, s14, s23, $0xb8;
	[tilespmem:$0x1E100] =	vst v63  }
0x15: {  	_ =	swait.ge [sflag:s28], $0x4000  }
0x16: {  	[sflag:s28] =	ssyncset.done $0x0  }
0x17: {  	[sflag:s28] =	ssyncadd.s32 $0xFFFFC000  }
0x18: {  	_ =	swait.ge [sflag:s29], $0x4000  }
0x19: {  	[sflag:s29] =	ssyncset.done $0x0  }
0x1a: {  	[sflag:s29] =	ssyncadd.s32 $0xFFFFC000  }
0x1b: {  	[bflag:$0x0] =	sbarrier.arrive $0xFFFF  }
0x1c: {  	s9 =	simm.s32 @p1 $0x1FC3;
	s14 =	rddreg [dreg:$0x6]  }
0x1d: {  	[hbm:s14], [sflag:s9] =	dma.local @p1 [spmem:s7], $0x1900  }
0x1e: {  	s7 =	simm.s32 @p1 $0x3  }
0x1f: {  	_ =	swait.ge @p1 [sflag:s7], $0x1900  }
0x20: {  	[sflag:s7] =	ssyncset.done @p1 $0x0  }
0x21: {  	[sflag:s7] =	ssyncadd.s32 @p1 $0xFFFFE700;
	s7 =	rddreg [dreg:$0x5]  }
0x22: {  	[hbm:s7], [sflag:s0] =	dma.local @!p1 [spmem:s31], $0x2800  }
0x23: {  	s0 =	simm.s32 @!p1 $0x3  }
0x24: {  	_ =	swait.ge @!p1 [sflag:s0], $0x2800  }
0x25: {  	[sflag:s0] =	ssyncset.done @!p1 $0x0  }
0x26: {  	[sflag:s0] =	ssyncadd.s32 @!p1 $0xFFFFD800  }
.LBB2_12:
0x27: {  	s30 =	sadd.s32 $0x1, s30  }
0x28: {  	p2 =	sne.s32 s30, s20  }
.Ltmp1:
0x29: {  	_ = 	snop;
	(pc) =	sbr.rel @!p2 .LBB2_13-.Ltmp1, $1  }
0x2a: {  	_ =	sdelay $0x3  }
.LBB2_1:
.Ltmp2:
0x2b: {  	(pc) =	sbr.rel @p0 .LBB2_7-.Ltmp2, $3  }
0x2c: {  	_ =	sdelay $0x1  }
0x2d: {  	s0 =	sshll.u32 @!p1 s2, $0x6  }
0x2e: {  	s7 =	sshrl.u32 @p1 s8, $0x3;
	s31 =	sshrl.u32 @!p1 s6, $0x3;
	s0 =	sor.u32 @!p1 $0x1C03, s0  }
0x2f: {  	s9 =	simm.s32 @p1 $0x1FC3  }
0x30: {  	[spmem:s7], [sflag:s9] =	dma.local @p1 [hbm:s17], $0x1900  }
0x31: {  	s9 =	simm.s32 @p1 $0x3  }
0x32: {  	_ =	swait.ge @p1 [sflag:s9], $0x1900  }
0x33: {  	[sflag:s9] =	ssyncset.done @p1 $0x0  }
0x34: {  	[sflag:s9] =	ssyncadd.s32 @p1 $0xFFFFE700;
	s9 =	simm.s32 @!p1 $0x3  }
0x35: {  	[spmem:s31], [sflag:s0] =	dma.local @!p1 [hbm:s16], $0x2800  }
0x36: {  	_ =	swait.ge @!p1 [sflag:s9], $0x2800  }
0x37: {  	[sflag:s9] =	ssyncset.done @!p1 $0x0  }
0x38: {  	[sflag:s9] =	ssyncadd.s32 @!p1 $0xFFFFD800  }
0x39: {  	[bflag:$0x0] =	sbarrier.arrive $0xFFFF  }
0x3a: {  	[tilespmem:s3], [sflag:$0x3] =	stream.linear.gather [hbm4b:s10+s3], $0x1400, $0x38;
	[tilespmem:$0x1E100] =	vst v63  }
0x3b: {  	_ =	swait.ge [sflag:s21], $0x1400  }
0x3c: {  	[sflag:s21] =	ssyncset.done $0x0  }
0x3d: {  	[sflag:s21] =	ssyncadd.s32 $0xFFFFEC00  }
0x3e: {  	[tilespmem:s22], [sflag:$0x3] =	stream.linear.gather [hbm4b:s11+s3], $0x1400, $0x38;
	[tilespmem:$0x1E100] =	vst v63  }
0x3f: {  	_ =	swait.ge [sflag:s21], $0x1400  }
0x40: {  	[sflag:s21] =	ssyncset.done $0x0  }
0x41: {  	[sflag:s21] =	ssyncadd.s32 $0xFFFFEC00  }
0x42: {  	[tilespmem:s24], [sflag:$0x3] =	stream.indirect.gather [hbm4b:s4+s23], $0x80, s3, s23, $0xb8;
	[tilespmem:$0x1E100] =	vst v63  }
0x43: {  	_ =	swait.ge [sflag:s21], $0x4000  }
0x44: {  	[sflag:s21] =	ssyncset.done $0x0  }
0x45: {  	[sflag:s21] =	ssyncadd.s32 $0xFFFFC000  }
0x46: {  	[spmem:s1] =	stream.indirect.scatter.add.f32 [tilespmem:s24], [sflag:$0x1], $0x80, s22, s23, $0xb8;
	[tilespmem:$0x1E100] =	vst v63  }
0x47: {  	_ = 	snop  }
0x48: {  	[tilespmem:s25], [sflag:$0x3] =	stream.indirect.gather [hbm4b:s4+s23], $0x80, s23, s23, $0xb8;
	[tilespmem:$0x1E100] =	vst v63  }
0x49: {  	_ =	swait.ge [sflag:s21], $0x4000  }
0x4a: {  	[sflag:s21] =	ssyncset.done $0x0  }
0x4b: {  	[sflag:s21] =	ssyncadd.s32 $0xFFFFC000  }
0x4c: {  	[spmem:s1] =	stream.indirect.scatter.add.f32 [tilespmem:s25], [sflag:$0x2], $0x80, s26, s23, $0xb8;
	[tilespmem:$0x1E100] =	vst v63  }
0x4d: {  	_ =	swait.ge [sflag:s28], $0x4000  }
0x4e: {  	[sflag:s28] =	ssyncset.done $0x0  }
0x4f: {  	s15 =	simm.s32 $0x100;
	[sflag:s28] =	ssyncadd.s32 $0xFFFFC000  }
0x50: {  	[tilespmem:s24], [sflag:$0x3] =	stream.indirect.gather [hbm4b:s4+s23], $0x80, s15, s23, $0xb8;
	[tilespmem:$0x1E100] =	vst v63  }
0x51: {  	_ =	swait.ge [sflag:s21], $0x4000  }
0x52: {  	[sflag:s21] =	ssyncset.done $0x0  }
0x53: {  	s14 =	simm.s32 $0x1500;
	[sflag:s21] =	ssyncadd.s32 $0xFFFFC000  }
0x54: {  	[spmem:s1] =	stream.indirect.scatter.add.f32 [tilespmem:s24], [sflag:$0x1], $0x80, s14, s23, $0xb8;
	[tilespmem:$0x1E100] =	vst v63  }
0x55: {  	_ =	swait.ge [sflag:s29], $0x4000  }
0x56: {  	[sflag:s29] =	ssyncset.done $0x0  }
0x57: {  	s15 =	simm.s32 $0x180;
	[sflag:s29] =	ssyncadd.s32 $0xFFFFC000  }
0x58: {  	[tilespmem:s25], [sflag:$0x3] =	stream.indirect.gather [hbm4b:s4+s23], $0x80, s15, s23, $0xb8;
	[tilespmem:$0x1E100] =	vst v63  }
0x59: {  	_ =	swait.ge [sflag:s21], $0x4000  }
0x5a: {  	[sflag:s21] =	ssyncset.done $0x0  }
0x5b: {  	s9 =	simm.s32 $0xFFFFB800;
	s14 =	simm.s32 $0x1580;
	[sflag:s21] =	ssyncadd.s32 $0xFFFFC000  }
.LBB2_3:
0x5c: {  	[spmem:s1] =	stream.indirect.scatter.add.f32 [tilespmem:s25], [sflag:$0x2], $0x80, s14, s23, $0xb8;
	[tilespmem:$0x1E100] =	vst v63  }
0x5d: {  	s14 =	smov.u32 s9  }
0x5e: {  	p2 =	sne.s32 s9, $0xFFFFFC00;
	s9 =	sadd.s32 $0x400, s9;
	_ =	swait.ge [sflag:s28], $0x4000  }
0x5f: {  	s14 =	sshra.s32 s14, $0x2;
	[sflag:s28] =	ssyncset.done $0x0  }
0x60: {  	s15 =	sadd.s32 $0x1400, s14;
	[sflag:s28] =	ssyncadd.s32 $0xFFFFC000  }
0x61: {  	[tilespmem:s24], [sflag:$0x3] =	stream.indirect.gather [hbm4b:s4+s23], $0x80, s15, s23, $0xb8;
	[tilespmem:$0x1E100] =	vst v63  }
0x62: {  	_ =	swait.ge [sflag:s21], $0x4000  }
0x63: {  	[sflag:s21] =	ssyncset.done $0x0  }
0x64: {  	s15 =	sadd.s32 $0x2800, s14;
	[sflag:s21] =	ssyncadd.s32 $0xFFFFC000  }
0x65: {  	[spmem:s1] =	stream.indirect.scatter.add.f32 [tilespmem:s24], [sflag:$0x1], $0x80, s15, s23, $0xb8;
	[tilespmem:$0x1E100] =	vst v63  }
0x66: {  	_ =	swait.ge [sflag:s29], $0x4000  }
0x67: {  	[sflag:s29] =	ssyncset.done $0x0  }
.Ltmp3:
0x68: {  	s15 =	sadd.s32 $0x1480, s14;
	[sflag:s29] =	ssyncadd.s32 $0xFFFFC000;
	(pc) =	sbr.rel @p2 .LBB2_3-.Ltmp3, $4  }
0x69: {  	[tilespmem:s25], [sflag:$0x3] =	stream.indirect.gather [hbm4b:s4+s23], $0x80, s15, s23, $0xb8;
	[tilespmem:$0x1E100] =	vst v63  }
0x6a: {  	_ =	swait.ge [sflag:s21], $0x4000  }
0x6b: {  	[sflag:s21] =	ssyncset.done $0x0  }
0x6c: {  	s14 =	sadd.s32 $0x2880, s14;
	[sflag:s21] =	ssyncadd.s32 $0xFFFFC000  }
0x6d: {  	[spmem:s1] =	stream.indirect.scatter.add.f32 [tilespmem:s25], [sflag:$0x2], $0x80, s14, s23, $0xb8;
	[tilespmem:$0x1E100] =	vst v63  }
0x6e: {  	_ =	swait.ge [sflag:s28], $0x4000  }
0x6f: {  	[sflag:s28] =	ssyncset.done $0x0  }
0x70: {  	[sflag:s28] =	ssyncadd.s32 $0xFFFFC000  }
0x71: {  	_ =	swait.ge [sflag:s29], $0x4000  }
0x72: {  	[sflag:s29] =	ssyncset.done $0x0  }
0x73: {  	[sflag:s29] =	ssyncadd.s32 $0xFFFFC000  }
0x74: {  	[tilespmem:s3], [sflag:$0x3] =	stream.linear.gather [hbm4b:s12+s3], $0x1400, $0x38;
	[tilespmem:$0x1E100] =	vst v63  }
0x75: {  	_ =	swait.ge [sflag:s21], $0x1400  }
0x76: {  	[sflag:s21] =	ssyncset.done $0x0  }
0x77: {  	[sflag:s21] =	ssyncadd.s32 $0xFFFFEC00  }
0x78: {  	[tilespmem:s22], [sflag:$0x3] =	stream.linear.gather [hbm4b:s13+s3], $0x1400, $0x38;
	[tilespmem:$0x1E100] =	vst v63  }
0x79: {  	_ =	swait.ge [sflag:s21], $0x1400  }
0x7a: {  	[sflag:s21] =	ssyncset.done $0x0  }
0x7b: {  	[sflag:s21] =	ssyncadd.s32 $0xFFFFEC00  }
0x7c: {  	[tilespmem:s24], [sflag:$0x3] =	stream.indirect.gather [hbm4b:s4+s23], $0x80, s3, s23, $0xb8;
	[tilespmem:$0x1E100] =	vst v63  }
0x7d: {  	_ =	swait.ge [sflag:s21], $0x4000  }
0x7e: {  	[sflag:s21] =	ssyncset.done $0x0  }
0x7f: {  	[sflag:s21] =	ssyncadd.s32 $0xFFFFC000  }
0x80: {  	[spmem:s1] =	stream.indirect.scatter.add.f32 [tilespmem:s24], [sflag:$0x1], $0x80, s22, s23, $0xb8;
	[tilespmem:$0x1E100] =	vst v63  }
0x81: {  	_ = 	snop  }
0x82: {  	[tilespmem:s25], [sflag:$0x3] =	stream.indirect.gather [hbm4b:s4+s23], $0x80, s23, s23, $0xb8;
	[tilespmem:$0x1E100] =	vst v63  }
0x83: {  	_ =	swait.ge [sflag:s21], $0x4000  }
0x84: {  	[sflag:s21] =	ssyncset.done $0x0  }
0x85: {  	[sflag:s21] =	ssyncadd.s32 $0xFFFFC000  }
0x86: {  	[spmem:s1] =	stream.indirect.scatter.add.f32 [tilespmem:s25], [sflag:$0x2], $0x80, s26, s23, $0xb8;
	[tilespmem:$0x1E100] =	vst v63  }
0x87: {  	_ =	swait.ge [sflag:s28], $0x4000  }
0x88: {  	[sflag:s28] =	ssyncset.done $0x0  }
0x89: {  	s9 =	simm.s32 $0x100;
	[sflag:s28] =	ssyncadd.s32 $0xFFFFC000  }
0x8a: {  	[tilespmem:s24], [sflag:$0x3] =	stream.indirect.gather [hbm4b:s4+s23], $0x80, s9, s23, $0xb8;
	[tilespmem:$0x1E100] =	vst v63  }
0x8b: {  	_ =	swait.ge [sflag:s21], $0x4000  }
0x8c: {  	[sflag:s21] =	ssyncset.done $0x0  }
0x8d: {  	s14 =	simm.s32 $0x1500;
	[sflag:s21] =	ssyncadd.s32 $0xFFFFC000  }
0x8e: {  	[spmem:s1] =	stream.indirect.scatter.add.f32 [tilespmem:s24], [sflag:$0x1], $0x80, s14, s23, $0xb8;
	[tilespmem:$0x1E100] =	vst v63  }
0x8f: {  	_ =	swait.ge [sflag:s29], $0x4000  }
0x90: {  	[sflag:s29] =	ssyncset.done $0x0  }
0x91: {  	s15 =	simm.s32 $0x180;
	[sflag:s29] =	ssyncadd.s32 $0xFFFFC000  }
0x92: {  	[tilespmem:s25], [sflag:$0x3] =	stream.indirect.gather [hbm4b:s4+s23], $0x80, s15, s23, $0xb8;
	[tilespmem:$0x1E100] =	vst v63  }
0x93: {  	_ =	swait.ge [sflag:s21], $0x4000  }
0x94: {  	[sflag:s21] =	ssyncset.done $0x0  }
0x95: {  	s9 =	simm.s32 $0xFFFFB800;
	s14 =	simm.s32 $0x1580;
	[sflag:s21] =	ssyncadd.s32 $0xFFFFC000  }
.LBB2_5:
0x96: {  	[spmem:s1] =	stream.indirect.scatter.add.f32 [tilespmem:s25], [sflag:$0x2], $0x80, s14, s23, $0xb8;
	[tilespmem:$0x1E100] =	vst v63  }
0x97: {  	s14 =	smov.u32 s9  }
0x98: {  	p2 =	sne.s32 s9, $0xFFFFFC00;
	s9 =	sadd.s32 $0x400, s9;
	_ =	swait.ge [sflag:s28], $0x4000  }
0x99: {  	s14 =	sshra.s32 s14, $0x2;
	[sflag:s28] =	ssyncset.done $0x0  }
0x9a: {  	s15 =	sadd.s32 $0x1400, s14;
	[sflag:s28] =	ssyncadd.s32 $0xFFFFC000  }
0x9b: {  	[tilespmem:s24], [sflag:$0x3] =	stream.indirect.gather [hbm4b:s4+s23], $0x80, s15, s23, $0xb8;
	[tilespmem:$0x1E100] =	vst v63  }
0x9c: {  	_ =	swait.ge [sflag:s21], $0x4000  }
0x9d: {  	[sflag:s21] =	ssyncset.done $0x0  }
0x9e: {  	s15 =	sadd.s32 $0x2800, s14;
	[sflag:s21] =	ssyncadd.s32 $0xFFFFC000  }
0x9f: {  	[spmem:s1] =	stream.indirect.scatter.add.f32 [tilespmem:s24], [sflag:$0x1], $0x80, s15, s23, $0xb8;
	[tilespmem:$0x1E100] =	vst v63  }
0xa0: {  	_ =	swait.ge [sflag:s29], $0x4000  }
0xa1: {  	[sflag:s29] =	ssyncset.done $0x0  }
.Ltmp4:
0xa2: {  	s15 =	sadd.s32 $0x1480, s14;
	[sflag:s29] =	ssyncadd.s32 $0xFFFFC000;
	(pc) =	sbr.rel @p2 .LBB2_5-.Ltmp4, $4  }
0xa3: {  	[tilespmem:s25], [sflag:$0x3] =	stream.indirect.gather [hbm4b:s4+s23], $0x80, s15, s23, $0xb8;
	[tilespmem:$0x1E100] =	vst v63  }
0xa4: {  	_ =	swait.ge [sflag:s21], $0x4000  }
0xa5: {  	[sflag:s21] =	ssyncset.done $0x0  }
0xa6: {  	s14 =	sadd.s32 $0x2880, s14;
	[sflag:s21] =	ssyncadd.s32 $0xFFFFC000  }
0xa7: {  	[spmem:s1] =	stream.indirect.scatter.add.f32 [tilespmem:s25], [sflag:$0x2], $0x80, s14, s23, $0xb8;
	[tilespmem:$0x1E100] =	vst v63  }
0xa8: {  	_ =	swait.ge [sflag:s28], $0x4000  }
0xa9: {  	[sflag:s28] =	ssyncset.done $0x0  }
0xaa: {  	[sflag:s28] =	ssyncadd.s32 $0xFFFFC000  }
0xab: {  	_ =	swait.ge [sflag:s29], $0x4000  }
0xac: {  	[sflag:s29] =	ssyncset.done $0x0  }
0xad: {  	[sflag:s29] =	ssyncadd.s32 $0xFFFFC000  }
0xae: {  	s9 =	simm.s32 @p1 $0x1FC3;
	[bflag:$0x0] =	sbarrier.arrive $0xFFFF  }
0xaf: {  	[hbm:s19], [sflag:s9] =	dma.local @p1 [spmem:s7], $0x1900  }
0xb0: {  	s7 =	simm.s32 @p1 $0x3  }
0xb1: {  	_ =	swait.ge @p1 [sflag:s7], $0x1900  }
0xb2: {  	[sflag:s7] =	ssyncset.done @p1 $0x0  }
0xb3: {  	[sflag:s7] =	ssyncadd.s32 @p1 $0xFFFFE700  }
0xb4: {  	[hbm:s18], [sflag:s0] =	dma.local @!p1 [spmem:s31], $0x2800  }
.Ltmp5:
0xb5: {  	_ = 	snop;
	(pc) =	sbr.rel .LBB2_12-.Ltmp5, $4  }
0xb6: {  	s0 =	simm.s32 @!p1 $0x3  }
0xb7: {  	_ =	swait.ge @!p1 [sflag:s0], $0x2800  }
0xb8: {  	[sflag:s0] =	ssyncset.done @!p1 $0x0  }
0xb9: {  	[sflag:s0] =	ssyncadd.s32 @!p1 $0xFFFFD800  }
.LBB2_7:
0xba: {  	s9 =	simm.s32 @p1 $0x1FC3;
	s14 =	rddreg [dreg:$0x4]  }
0xbb: {  	[spmem:s7], [sflag:s9] =	dma.local @p1 [hbm:s14], $0x1900  }
0xbc: {  	s9 =	simm.s32 @p1 $0x3  }
0xbd: {  	_ =	swait.ge @p1 [sflag:s9], $0x1900  }
0xbe: {  	[sflag:s9] =	ssyncset.done @p1 $0x0  }
0xbf: {  	[sflag:s9] =	ssyncadd.s32 @p1 $0xFFFFE700;
	s9 =	rddreg [dreg:$0x3]  }
0xc0: {  	[spmem:s31], [sflag:s0] =	dma.local @!p1 [hbm:s9], $0x2800  }
0xc1: {  	s9 =	simm.s32 @!p1 $0x3  }
0xc2: {  	_ =	swait.ge @!p1 [sflag:s9], $0x2800  }
0xc3: {  	[sflag:s9] =	ssyncset.done @!p1 $0x0  }
0xc4: {  	[sflag:s9] =	ssyncadd.s32 @!p1 $0xFFFFD800  }
0xc5: {  	[bflag:$0x0] =	sbarrier.arrive $0xFFFF  }
0xc6: {  	[tilespmem:s3], [sflag:$0x3] =	stream.linear.gather [hbm4b:s10+s3], $0x1400, $0x38;
	[tilespmem:$0x1E100] =	vst v63  }
0xc7: {  	_ =	swait.ge [sflag:s21], $0x1400  }
0xc8: {  	[sflag:s21] =	ssyncset.done $0x0  }
0xc9: {  	[sflag:s21] =	ssyncadd.s32 $0xFFFFEC00  }
0xca: {  	[tilespmem:s22], [sflag:$0x3] =	stream.linear.gather [hbm4b:s11+s3], $0x1400, $0x38;
	[tilespmem:$0x1E100] =	vst v63  }
0xcb: {  	_ =	swait.ge [sflag:s21], $0x1400  }
0xcc: {  	[sflag:s21] =	ssyncset.done $0x0  }
0xcd: {  	[sflag:s21] =	ssyncadd.s32 $0xFFFFEC00  }
0xce: {  	[tilespmem:s24], [sflag:$0x3] =	stream.indirect.gather [hbm4b:s5+s23], $0x80, s3, s23, $0xb8;
	[tilespmem:$0x1E100] =	vst v63  }
0xcf: {  	_ =	swait.ge [sflag:s21], $0x4000  }
0xd0: {  	[sflag:s21] =	ssyncset.done $0x0  }
0xd1: {  	[sflag:s21] =	ssyncadd.s32 $0xFFFFC000  }
0xd2: {  	[spmem:s1] =	stream.indirect.scatter.add.f32 [tilespmem:s24], [sflag:$0x1], $0x80, s22, s23, $0xb8;
	[tilespmem:$0x1E100] =	vst v63  }
0xd3: {  	_ = 	snop  }
0xd4: {  	[tilespmem:s25], [sflag:$0x3] =	stream.indirect.gather [hbm4b:s5+s23], $0x80, s23, s23, $0xb8;
	[tilespmem:$0x1E100] =	vst v63  }
0xd5: {  	_ =	swait.ge [sflag:s21], $0x4000  }
0xd6: {  	[sflag:s21] =	ssyncset.done $0x0  }
0xd7: {  	[sflag:s21] =	ssyncadd.s32 $0xFFFFC000  }
0xd8: {  	[spmem:s1] =	stream.indirect.scatter.add.f32 [tilespmem:s25], [sflag:$0x2], $0x80, s26, s23, $0xb8;
	[tilespmem:$0x1E100] =	vst v63  }
0xd9: {  	_ =	swait.ge [sflag:s28], $0x4000  }
0xda: {  	[sflag:s28] =	ssyncset.done $0x0  }
0xdb: {  	s15 =	simm.s32 $0x100;
	[sflag:s28] =	ssyncadd.s32 $0xFFFFC000  }
0xdc: {  	[tilespmem:s24], [sflag:$0x3] =	stream.indirect.gather [hbm4b:s5+s23], $0x80, s15, s23, $0xb8;
	[tilespmem:$0x1E100] =	vst v63  }
0xdd: {  	_ =	swait.ge [sflag:s21], $0x4000  }
0xde: {  	[sflag:s21] =	ssyncset.done $0x0  }
0xdf: {  	s14 =	simm.s32 $0x1500;
	[sflag:s21] =	ssyncadd.s32 $0xFFFFC000  }
0xe0: {  	[spmem:s1] =	stream.indirect.scatter.add.f32 [tilespmem:s24], [sflag:$0x1], $0x80, s14, s23, $0xb8;
	[tilespmem:$0x1E100] =	vst v63  }
0xe1: {  	_ =	swait.ge [sflag:s29], $0x4000  }
0xe2: {  	[sflag:s29] =	ssyncset.done $0x0  }
0xe3: {  	s15 =	simm.s32 $0x180;
	[sflag:s29] =	ssyncadd.s32 $0xFFFFC000  }
0xe4: {  	[tilespmem:s25], [sflag:$0x3] =	stream.indirect.gather [hbm4b:s5+s23], $0x80, s15, s23, $0xb8;
	[tilespmem:$0x1E100] =	vst v63  }
0xe5: {  	_ =	swait.ge [sflag:s21], $0x4000  }
0xe6: {  	[sflag:s21] =	ssyncset.done $0x0  }
0xe7: {  	s9 =	simm.s32 $0xFFFFB800;
	s14 =	simm.s32 $0x1580;
	[sflag:s21] =	ssyncadd.s32 $0xFFFFC000  }
.LBB2_8:
0xe8: {  	[spmem:s1] =	stream.indirect.scatter.add.f32 [tilespmem:s25], [sflag:$0x2], $0x80, s14, s23, $0xb8;
	[tilespmem:$0x1E100] =	vst v63  }
0xe9: {  	s14 =	smov.u32 s9  }
0xea: {  	p2 =	sne.s32 s9, $0xFFFFFC00;
	s9 =	sadd.s32 $0x400, s9;
	_ =	swait.ge [sflag:s28], $0x4000  }
0xeb: {  	s14 =	sshra.s32 s14, $0x2;
	[sflag:s28] =	ssyncset.done $0x0  }
0xec: {  	s15 =	sadd.s32 $0x1400, s14;
	[sflag:s28] =	ssyncadd.s32 $0xFFFFC000  }
0xed: {  	[tilespmem:s24], [sflag:$0x3] =	stream.indirect.gather [hbm4b:s5+s23], $0x80, s15, s23, $0xb8;
	[tilespmem:$0x1E100] =	vst v63  }
0xee: {  	_ =	swait.ge [sflag:s21], $0x4000  }
0xef: {  	[sflag:s21] =	ssyncset.done $0x0  }
0xf0: {  	s15 =	sadd.s32 $0x2800, s14;
	[sflag:s21] =	ssyncadd.s32 $0xFFFFC000  }
0xf1: {  	[spmem:s1] =	stream.indirect.scatter.add.f32 [tilespmem:s24], [sflag:$0x1], $0x80, s15, s23, $0xb8;
	[tilespmem:$0x1E100] =	vst v63  }
0xf2: {  	_ =	swait.ge [sflag:s29], $0x4000  }
0xf3: {  	[sflag:s29] =	ssyncset.done $0x0  }
.Ltmp6:
0xf4: {  	s15 =	sadd.s32 $0x1480, s14;
	[sflag:s29] =	ssyncadd.s32 $0xFFFFC000;
	(pc) =	sbr.rel @p2 .LBB2_8-.Ltmp6, $4  }
0xf5: {  	[tilespmem:s25], [sflag:$0x3] =	stream.indirect.gather [hbm4b:s5+s23], $0x80, s15, s23, $0xb8;
	[tilespmem:$0x1E100] =	vst v63  }
0xf6: {  	_ =	swait.ge [sflag:s21], $0x4000  }
0xf7: {  	[sflag:s21] =	ssyncset.done $0x0  }
0xf8: {  	s14 =	sadd.s32 $0x2880, s14;
	[sflag:s21] =	ssyncadd.s32 $0xFFFFC000  }
0xf9: {  	[spmem:s1] =	stream.indirect.scatter.add.f32 [tilespmem:s25], [sflag:$0x2], $0x80, s14, s23, $0xb8;
	[tilespmem:$0x1E100] =	vst v63  }
0xfa: {  	_ =	swait.ge [sflag:s28], $0x4000  }
0xfb: {  	[sflag:s28] =	ssyncset.done $0x0  }
0xfc: {  	[sflag:s28] =	ssyncadd.s32 $0xFFFFC000  }
0xfd: {  	_ =	swait.ge [sflag:s29], $0x4000  }
0xfe: {  	[sflag:s29] =	ssyncset.done $0x0  }
0xff: {  	[sflag:s29] =	ssyncadd.s32 $0xFFFFC000  }
0x100: {  	[tilespmem:s3], [sflag:$0x3] =	stream.linear.gather [hbm4b:s12+s3], $0x1400, $0x38;
	[tilespmem:$0x1E100] =	vst v63  }
0x101: {  	_ =	swait.ge [sflag:s21], $0x1400  }
0x102: {  	[sflag:s21] =	ssyncset.done $0x0  }
0x103: {  	[sflag:s21] =	ssyncadd.s32 $0xFFFFEC00  }
0x104: {  	[tilespmem:s22], [sflag:$0x3] =	stream.linear.gather [hbm4b:s13+s3], $0x1400, $0x38;
	[tilespmem:$0x1E100] =	vst v63  }
0x105: {  	_ =	swait.ge [sflag:s21], $0x1400  }
0x106: {  	[sflag:s21] =	ssyncset.done $0x0  }
0x107: {  	[sflag:s21] =	ssyncadd.s32 $0xFFFFEC00  }
0x108: {  	[tilespmem:s24], [sflag:$0x3] =	stream.indirect.gather [hbm4b:s5+s23], $0x80, s3, s23, $0xb8;
	[tilespmem:$0x1E100] =	vst v63  }
0x109: {  	_ =	swait.ge [sflag:s21], $0x4000  }
0x10a: {  	[sflag:s21] =	ssyncset.done $0x0  }
0x10b: {  	[sflag:s21] =	ssyncadd.s32 $0xFFFFC000  }
0x10c: {  	[spmem:s1] =	stream.indirect.scatter.add.f32 [tilespmem:s24], [sflag:$0x1], $0x80, s22, s23, $0xb8;
	[tilespmem:$0x1E100] =	vst v63  }
0x10d: {  	_ = 	snop  }
0x10e: {  	[tilespmem:s25], [sflag:$0x3] =	stream.indirect.gather [hbm4b:s5+s23], $0x80, s23, s23, $0xb8;
	[tilespmem:$0x1E100] =	vst v63  }
0x10f: {  	_ =	swait.ge [sflag:s21], $0x4000  }
0x110: {  	[sflag:s21] =	ssyncset.done $0x0  }
0x111: {  	[sflag:s21] =	ssyncadd.s32 $0xFFFFC000  }
0x112: {  	[spmem:s1] =	stream.indirect.scatter.add.f32 [tilespmem:s25], [sflag:$0x2], $0x80, s26, s23, $0xb8;
	[tilespmem:$0x1E100] =	vst v63  }
0x113: {  	_ =	swait.ge [sflag:s28], $0x4000  }
0x114: {  	[sflag:s28] =	ssyncset.done $0x0  }
0x115: {  	s9 =	simm.s32 $0x100;
	[sflag:s28] =	ssyncadd.s32 $0xFFFFC000  }
0x116: {  	[tilespmem:s24], [sflag:$0x3] =	stream.indirect.gather [hbm4b:s5+s23], $0x80, s9, s23, $0xb8;
	[tilespmem:$0x1E100] =	vst v63  }
0x117: {  	_ =	swait.ge [sflag:s21], $0x4000  }
0x118: {  	[sflag:s21] =	ssyncset.done $0x0  }
0x119: {  	s14 =	simm.s32 $0x1500;
	[sflag:s21] =	ssyncadd.s32 $0xFFFFC000  }
0x11a: {  	[spmem:s1] =	stream.indirect.scatter.add.f32 [tilespmem:s24], [sflag:$0x1], $0x80, s14, s23, $0xb8;
	[tilespmem:$0x1E100] =	vst v63  }
0x11b: {  	_ =	swait.ge [sflag:s29], $0x4000  }
0x11c: {  	[sflag:s29] =	ssyncset.done $0x0  }
0x11d: {  	s15 =	simm.s32 $0x180;
	[sflag:s29] =	ssyncadd.s32 $0xFFFFC000  }
0x11e: {  	[tilespmem:s25], [sflag:$0x3] =	stream.indirect.gather [hbm4b:s5+s23], $0x80, s15, s23, $0xb8;
	[tilespmem:$0x1E100] =	vst v63  }
0x11f: {  	_ =	swait.ge [sflag:s21], $0x4000  }
0x120: {  	[sflag:s21] =	ssyncset.done $0x0  }
0x121: {  	s9 =	simm.s32 $0xFFFFB800;
	s14 =	simm.s32 $0x1580;
	[sflag:s21] =	ssyncadd.s32 $0xFFFFC000  }
.LBB2_10:
0x122: {  	[spmem:s1] =	stream.indirect.scatter.add.f32 [tilespmem:s25], [sflag:$0x2], $0x80, s14, s23, $0xb8;
	[tilespmem:$0x1E100] =	vst v63  }
0x123: {  	s14 =	smov.u32 s9  }
0x124: {  	p2 =	sne.s32 s9, $0xFFFFFC00;
	s9 =	sadd.s32 $0x400, s9;
	_ =	swait.ge [sflag:s28], $0x4000  }
0x125: {  	s14 =	sshra.s32 s14, $0x2;
	[sflag:s28] =	ssyncset.done $0x0  }
0x126: {  	s15 =	sadd.s32 $0x1400, s14;
	[sflag:s28] =	ssyncadd.s32 $0xFFFFC000  }
0x127: {  	[tilespmem:s24], [sflag:$0x3] =	stream.indirect.gather [hbm4b:s5+s23], $0x80, s15, s23, $0xb8;
	[tilespmem:$0x1E100] =	vst v63  }
0x128: {  	_ =	swait.ge [sflag:s21], $0x4000  }
0x129: {  	[sflag:s21] =	ssyncset.done $0x0  }
0x12a: {  	s15 =	sadd.s32 $0x2800, s14;
	[sflag:s21] =	ssyncadd.s32 $0xFFFFC000  }
0x12b: {  	[spmem:s1] =	stream.indirect.scatter.add.f32 [tilespmem:s24], [sflag:$0x1], $0x80, s15, s23, $0xb8;
	[tilespmem:$0x1E100] =	vst v63  }
0x12c: {  	_ =	swait.ge [sflag:s29], $0x4000  }
0x12d: {  	[sflag:s29] =	ssyncset.done $0x0  }
.Ltmp7:
0x12e: {  	s15 =	sadd.s32 $0x1480, s14;
	[sflag:s29] =	ssyncadd.s32 $0xFFFFC000;
	(pc) =	sbr.rel @p2 .LBB2_10-.Ltmp7, $4  }
0x12f: {  	[tilespmem:s25], [sflag:$0x3] =	stream.indirect.gather [hbm4b:s5+s23], $0x80, s15, s23, $0xb8;
	[tilespmem:$0x1E100] =	vst v63  }
0x130: {  	_ =	swait.ge [sflag:s21], $0x4000  }
0x131: {  	[sflag:s21] =	ssyncset.done $0x0  }
0x132: {  	s14 =	sadd.s32 $0x2880, s14;
	[sflag:s21] =	ssyncadd.s32 $0xFFFFC000  }
.Ltmp8:
0x133: {  	_ = 	snop;
	(pc) =	sbr.rel .LBB2_11-.Ltmp8, $1  }
0x134: {  	_ =	sdelay $0x3  }
.LBB2_13:
0x135: {  	_ =	sfence.sel $0x180000  }
0x136: {  	[bflag:$0x0] =	sbarrier.arrive $0xFFFF  }
0x137: {  	_ =	strace $0x9000004A  }
0x138: {  	[bflag:$0x2] =	sbarrier.arrive $0xFFFF  }
0x139: {  	p0 =	sne.s32 s2, $0x0;
	s0 =	rddreg [dreg:$0x2]  }
0x13a: {  	s0 =	sadd.s32 @!p0 $0x100000, s0  }
0x13b: {  	[sflag:s0] =	ssyncadd.tile.s32 @!p0 $0x1;
	_ =	shalt  }
.Lfunc_end2:
_tile_overlayer_lowered:
.L_overlay_start_2:
0x13c: {  	(tag) =	ssettag $0x2  }
0x13d: {  	s0 =	rddreg [dreg:$0x0];
	s2 =	stileid.u32  }
0x13e: {  	s1 =	rddreg [dreg:$0x1];
	p0 =	sne.s32 s2, $0x0  }
0x13f: {  	s3 =	rddreg [dreg:$0x2];
	[bflag:$0x3] =	sbarrier.arrive $0xFFFF;
	s2 =	simm.s32 @!p0 $0x1C03  }
0x140: {  	[timem:s3], [sflag:s2] =	dma.local @!p0 [hbm:s0], s1  }
0x141: {  	s0 =	simm.s32 @!p0 $0x3  }
0x142: {  	_ =	swait.ge @!p0 [sflag:s0], s1  }
0x143: {  	s1 =	ssub.s32 @!p0 $0x0, s1;
	[sflag:s0] =	ssyncset.done @!p0 $0x0  }
0x144: {  	[sflag:s0] =	ssyncadd.s32 @!p0 s1  }
0x145: {  	[bflag:$0x3] =	sbarrier.arrive $0xFFFF  }
0x146: {  	_ =	shalt  }

// kernel: kernel.15.cloned.1.call-start
scs
__scs_entry_jumppad:
0x0: {  	(pc) =	sbr.rel $0x88, $3  }
0x1: {  	(tag) =	ssettag $0x0;
	lr =	simm.s32 $0x1  }
0x2: {  	[smem:$0x3F95] =	sst lr;
	_ =	strace $0xD0000000  }
0x3: {  	_ = 	snop  }
0x4: {  	_ = 	snop  }
0x5: {  	_ = 	snop  }
0x6: {  	_ = 	snop  }
0x7: {  	_ = 	snop  }
__scs_overlays_trampoline_lowered:
0x8: {  	[smem:$0x3FA4] =	sst s0  }
0x9: {  	[smem:$0x3FA5] =	sst s1  }
0xa: {  	[smem:$0x3FA6] =	sst s2  }
0xb: {  	[smem:$0x3FA7] =	sst s3  }
0xc: {  	[smem:$0x3FA8] =	sst s4  }
0xd: {  	[smem:$0x3FA9] =	sst s5  }
0xe: {  	[smem:$0x3FAA] =	sst s6  }
0xf: {  	[smem:$0x3FAB] =	sst s7  }
0x10: {  	[smem:$0x3FAC] =	sst s8  }
0x11: {  	[smem:$0x3FAD] =	sst s9;
	s0 =	simm.s32 @!p0 $0x0  }
0x12: {  	s1 =	sld [smem:$0x3F93];
	s0 =	simm.s32 @p0 $0x1  }
0x13: {  	[smem:$0x3FAE] =	sst s0;
	s0 =	simm.s32 @!p1 $0x0  }
0x14: {  	s2 =	sld [smem:$0x3F92];
	s0 =	simm.s32 @p1 $0x1  }
0x15: {  	[smem:$0x3FAF] =	sst s0;
	s0 =	simm.s32 @!p2 $0x0  }
0x16: {  	s3 =	sld [smem:$0x3FDB];
	s0 =	simm.s32 @p2 $0x1  }
0x17: {  	s4 =	simm.s32 $0x1BF5;
	[smem:$0x3FB1] =	sst s0  }
0x18: {  	s0 =	sld [smem:$0x3F94];
	_ =	swait.ge [sflag:s4], $0x0  }
0x19: {  	s7 =	sld [smem:$0x3F95]  }
0x1a: {  	s8 =	sadd.s32 $0xFFFFE003, lr  }
0x1b: {  	s9 =	sadd.s32 $0xFFFFFEF7, lr;
	s5 =	simm.s32 $0xFFFFFFFF;
	p2 =	slt.u32 s8, $0xFFFFF086  }
0x1c: {  	p1 =	slt.u32 s9, $0xF7A;
	s5 =	simm.s32 @!p2 $0x0  }
0x1d: {  	s5 =	simm.s32 @p1 $0x1;
	p0 =	seq.s32 s7, s2  }
0x1e: {  	s7 =	smul.u32 @!p0 $0xF7A, s2;
	p2 =	seq.s32 @!p0 s5, $0x0  }
0x1f: {  	s9 =	smul.u32 $0xF7A, s1;
	s8 =	simm.s32 @!p0 $0x1BF5;
	p2 =	por !p2, p0  }
0x20: {  	[sflag:s8] =	ssyncset.s32 @!p0 $0xFFFFF086;
	s6 =	sadd.s32 @!p0 s3, s7;
	s7 =	simm.s32 @!p0 $0x108  }
0x21: {  	s3 =	sadd.s32 s3, s9;
	s6 =	sadd.s32 @!p0 $0x88, s6;
	s7 =	simm.s32 @p2 $0x1082  }
0x22: {  	[simem:s7], [sflag:s8] =	dma.local @!p0 [hbm:s6], $0xF7A  }
0x23: {  	s9 =	sor.u32 $0xD0000000, s2;
	s6 =	simm.s32 $0x108;
	_ =	swait.ge @!p0 [sflag:s8], $0x0  }
0x24: {  	s3 =	sadd.s32 $0x88, s3;
	s6 =	simm.s32 @!p1 $0x1082;
	[sflag:s4] =	ssyncset.s32 $0xFFFFF086  }
0x25: {  	[simem:s6], [sflag:s4] =	dma.local [hbm:s3], $0xF7A  }
0x26: {  	[smem:$0x3F95] =	sst s1;
	(tag) =	ssettag s2;
	_ =	strace s9  }
0x27: {  	s1 =	sld [smem:$0x3FA5]  }
0x28: {  	s2 =	sld [smem:$0x3FA6]  }
0x29: {  	s4 =	sld [smem:$0x3FA8]  }
0x2a: {  	p0 =	seq.s32 s5, $0x0;
	s5 =	sld [smem:$0x3FA9]  }
0x2b: {  	s6 =	sld [smem:$0x3FAA]  }
0x2c: {  	s7 =	sld [smem:$0x3FAB]  }
0x2d: {  	s3 =	simm.s32 $0x108;
	s8 =	sld [smem:$0x3FAC]  }
0x2e: {  	s3 =	simm.s32 @!p0 $0x1082;
	s9 =	sld [smem:$0x3FAD]  }
0x2f: {  	lr =	sadd.s32 s0, s3;
	s0 =	sld [smem:$0x3FA4]  }
0x30: {  	s3 =	sld [smem:$0x3FA7]  }
0x31: {  	[smem:$0x3FB0] =	sst s10  }
0x32: {  	s10 =	sld [smem:$0x3FAE];
	_ =	sdelay $0x3  }
0x33: {  	p0 =	seq.s32 s10, $0x1;
	s10 =	sld [smem:$0x3FB0];
	_ =	sdelay $0x3  }
0x34: {  	[smem:$0x3FB0] =	sst s10  }
0x35: {  	s10 =	sld [smem:$0x3FAF];
	_ =	sdelay $0x3  }
0x36: {  	p1 =	seq.s32 s10, $0x1;
	s10 =	sld [smem:$0x3FB0];
	_ =	sdelay $0x3  }
0x37: {  	[smem:$0x3FB0] =	sst s10  }
0x38: {  	s10 =	sld [smem:$0x3FB1]  }
0x39: {  	_ = 	snop;
	(pc) =	sbr.ind lr, $3  }
0x3a: {  	_ = 	snop  }
0x3b: {  	_ = 	snop  }
0x3c: {  	p2 =	seq.s32 s10, $0x1;
	s10 =	sld [smem:$0x3FB0]  }
0x3d: {  	_ =	shalt  }
0x3e: {  	_ =	shalt  }
0x3f: {  	_ =	shalt  }
0x40: {  	_ =	shalt  }
0x41: {  	_ =	shalt  }
0x42: {  	_ =	shalt  }
0x43: {  	_ =	shalt  }
0x44: {  	_ =	shalt  }
0x45: {  	_ =	shalt  }
0x46: {  	_ =	shalt  }
0x47: {  	_ =	shalt  }
0x48: {  	_ =	shalt  }
0x49: {  	_ =	shalt  }
0x4a: {  	_ =	shalt  }
0x4b: {  	_ =	shalt  }
0x4c: {  	_ =	shalt  }
0x4d: {  	_ =	shalt  }
0x4e: {  	_ =	shalt  }
0x4f: {  	_ =	shalt  }
0x50: {  	_ =	shalt  }
0x51: {  	_ =	shalt  }
0x52: {  	_ =	shalt  }
0x53: {  	_ =	shalt  }
0x54: {  	_ =	shalt  }
0x55: {  	_ =	shalt  }
0x56: {  	_ =	shalt  }
0x57: {  	_ =	shalt  }
0x58: {  	_ =	shalt  }
0x59: {  	_ =	shalt  }
0x5a: {  	_ =	shalt  }
0x5b: {  	_ =	shalt  }
0x5c: {  	_ =	shalt  }
0x5d: {  	_ =	shalt  }
0x5e: {  	_ =	shalt  }
0x5f: {  	_ =	shalt  }
0x60: {  	_ =	shalt  }
0x61: {  	_ =	shalt  }
0x62: {  	_ =	shalt  }
0x63: {  	_ =	shalt  }
0x64: {  	_ =	shalt  }
0x65: {  	_ =	shalt  }
0x66: {  	_ =	shalt  }
0x67: {  	_ =	shalt  }
0x68: {  	_ =	shalt  }
0x69: {  	_ =	shalt  }
0x6a: {  	_ =	shalt  }
0x6b: {  	_ =	shalt  }
0x6c: {  	_ =	shalt  }
0x6d: {  	_ =	shalt  }
0x6e: {  	_ =	shalt  }
0x6f: {  	_ =	shalt  }
0x70: {  	_ =	shalt  }
0x71: {  	_ =	shalt  }
0x72: {  	_ =	shalt  }
0x73: {  	_ =	shalt  }
0x74: {  	_ =	shalt  }
0x75: {  	_ =	shalt  }
0x76: {  	_ =	shalt  }
0x77: {  	_ =	shalt  }
0x78: {  	_ =	shalt  }
0x79: {  	_ =	shalt  }
0x7a: {  	_ =	shalt  }
0x7b: {  	_ =	shalt  }
0x7c: {  	_ =	shalt  }
0x7d: {  	_ =	shalt  }
0x7e: {  	_ =	shalt  }
0x7f: {  	_ =	shalt  }
0x80: {  	_ =	shalt  }
0x81: {  	_ =	shalt  }
0x82: {  	_ =	shalt  }
0x83: {  	_ =	shalt  }
0x84: {  	_ =	shalt  }
0x85: {  	_ =	shalt  }
0x86: {  	_ =	shalt  }
0x87: {  	_ =	shalt  }
.Lfunc_end0:
.L_simem_size_0:
called_computation.2_lowered:
.L_overlay_start_0:
0x88: {  	s2 =	sld [smem:$0x3FD9]  }
0x89: {  	s3 =	sld [smem:$0x3FFE];
	_ =	sdelay $0x1  }
0x8a: {  	s1 =	srdreg.scid  }
0x8b: {  	s0 =	sand.u32 $0x1, s1  }
0x8c: {  	s17 =	sshll.u32 s0, $0xA;
	s2 =	sadd.s32 s3, s2  }
0x8d: {  	s2 =	sadd.s32 s2, s17  }
0x8e: {  	[smem:$0x3FBC] =	sst s2  }
0x8f: {  	_ = 	snop  }
0x90: {  	s2 =	sld [smem:$0x3FC6];
	(tm) =	ssettm $0x1  }
0x91: {  	s18 =	sld [smem:$0x3FFB];
	_ =	sdelay $0x3  }
0x92: {  	_ =	strace s18  }
0x93: {  	s3 =	sld [smem:$0x3FFC];
	_ =	sdelay $0x3  }
0x94: {  	_ =	strace s3  }
0x95: {  	s3 =	sld [smem:$0x3FFD];
	_ =	sdelay $0x3  }
0x96: {  	_ =	strace s3  }
0x97: {  	_ =	strace $0x8FFFFFFF  }
0x98: {  	s19 =	sld [smem:$0x3FDB];
	_ =	sdelay $0x1  }
0x99: {  	s4 =	simm.s32 $_scs_section_size  }
0x9a: {  	s5 =	simm.s32 $_size__tile_overlayer_lowered;
	s6 =	simm.s32 $_tile_overlayer_lowered  }
0x9b: {  	s22 =	simm.s32 $0x1BFF;
	s21 =	sshll.u32 s6, $0x1;
	s3 =	sadd.s32 s4, s19  }
0x9c: {  	s7 =	simm.s32 $0x0;
	s20 =	sshll.u32 s5, $0x1;
	s5 =	sadd.s32 s21, s3  }
0x9d: {  	[timem:s7], [sflag:s22] =	dma.local [hbm:s5], s20  }
0x9e: {  	_ =	swait.ge [sflag:s22], s20  }
0x9f: {  	s4 =	ssub.s32 $0x0, s20;
	[sflag:s22] =	ssyncset.done $0x0  }
0xa0: {  	[sflag:s22] =	ssyncadd.s32 s4;
	_ =	sdelay $0x1  }
0xa1: {  	s23 =	simm.s32 $0x1B8B  }
0xa2: {  	_ =	swait.ge [sflag:s23], $0x1  }
0xa3: {  	[sflag:s23] =	ssyncset.done $0x0  }
0xa4: {  	s25 =	simm.s32 $0x1B8E;
	s24 =	sld [smem:$0x3FFE];
	[sflag:s23] =	ssyncadd.s32 $0xFFFFFFFF  }
0xa5: {  	s26 =	simm.s32 $execute0_lowered;
	[smem:$0x3FD2] =	sst s25  }
0xa6: {  	s5 =	sshll.u32 s26, $0x1;
	_ =	strace $0x8000004C;
	[dreg:$0x1] =	wrdreg $0xFFFFFFFF  }
0xa7: {  	s28 =	simm.s32 $_size_execute0_lowered;
	s3 =	sadd.s32 s3, s5;
	[dreg:$0x0] =	wrdreg $0x0  }
0xa8: {  	s5 =	sshll.u32 s28, $0x1;
	[dreg:$0x2] =	wrdreg s3  }
0xa9: {  	[dreg:$0x3] =	wrdreg s5  }
0xaa: {  	[dreg:$0x4] =	wrdreg $0xC0  }
0xab: {  	_ =	task [dreg:s7], $0x5FFFF  }
0xac: {  	[dreg:$0x1] =	wrdreg $0xFFFFFFFF  }
0xad: {  	[dreg:$0x0] =	wrdreg $0x60  }
0xae: {  	[dreg:$0x2] =	wrdreg s24  }
0xaf: {  	[dreg:$0x3] =	wrdreg s2  }
0xb0: {  	[dreg:$0x4] =	wrdreg $0xA8000  }
0xb1: {  	[dreg:$0x5] =	wrdreg $0x9  }
0xb2: {  	_ =	task.clear_ibuf [dreg:s7], $0x6FFFF;
	_ =	strace $0x9000004C  }
0xb3: {  	s29 =	simm.s32 $0x9;
	_ =	strace $0x8000004E  }
0xb4: {  	_ =	swait.ge [sflag:s29], $0x1  }
0xb5: {  	[sflag:s29] =	ssyncadd.s32 $0xFFFFFFFF  }
0xb6: {  	_ =	strace $0x9000004E  }
0xb7: {  	_ =	sfence  }
0xb8: {  	s30 =	sld [smem:$0x0];
	_ =	sdelay $0x2  }
0xb9: {  	s31 =	sshll.u32 s1, $0xD;
	s1 =	sshrl.u32 s1, $0x2  }
0xba: {  	s3 =	sand.u32 $0x4000, s31;
	s1 =	sadd.s32 s1, s30  }
0xbb: {  	s0 =	sor.u32 s3, s0;
	s1 =	sshll.u32 s1, $0x11  }
0xbc: {  	s0 =	sor.u32 s1, s0  }
0xbd: {  	s0 =	sadd.s32 $0x8F2B, s0  }
0xbe: {  	[sflag:s0] =	ssyncadd.remote.s32 $0x1  }
0xbf: {  	_ =	sfence.sel $0xFFFF  }
0xc0: {  	[dreg:$0x0] =	wrdreg $0xFFFFFFFF;
	(pc) =	sbr.abs _section_cstart, $3  }
0xc1: {  	[dreg:$0x1] =	wrdreg $0xFFFFFFFF  }
0xc2: {  	_ =	task.clear_ibuf [dreg:s7], $0x2FFFF;
	_ =	strace $0x9FFFFFFF  }
0xc3: {  	(tm) =	ssettm $0x7FFFFFFF  }
tec
execute0_lowered:
.L_overlay_start_1:
0x0: {  	(tag) =	ssettag $0x1  }
0x1: {  	s0 =	rddreg [dreg:$0x0]  }
0x2: {  	s8 =	rddreg [dreg:$0x1]  }
0x3: {  	s1 =	rddreg [dreg:$0x2]  }
0x4: {  	s2 =	simm.s32 $0x0;
	s6 =	srdreg.scid;
	s4 =	stileid.u32  }
0x5: {  	s28 =	simm.s32 $0x1400;
	s29 =	simm.s32 $0x80;
	s30 =	simm.s32 $0x2800  }
0x6: {  	s31 =	simm.s32 $0x6800;
	[smem:$0x7FF] =	sst s2;
	s3 =	sadd.s32 $0xDC00, s0  }
0x7: {  	s5 =	sadd.s32 $0x34E00, s0;
	s11 =	sadd.s32 $0x8C00, s0;
	s12 =	sadd.s32 $0x3C00, s0  }
0x8: {  	s14 =	sand.u32 $0x1, s6;
	s6 =	sadd.s32 $0x83200, s0;
	s9 =	smul.u32 $0x50000, s4  }
0x9: {  	s16 =	sadd.s32 $0x5C000, s0;
	s17 =	smul.u32 $0x2800, s4;
	s18 =	sadd.s32 $0x6C000, s0  }
0xa: {  	s19 =	sadd.s32 $0xAA400, s0;
	s21 =	smul.u32 $0x500, s4;
	s24 =	sshll.u32 s4, $0x5  }
0xb: {  	p1 =	seq.s32 s4, $0xF;
	_ =	strace $0x8000004D;
	s7 =	ssub.s32 $0x2, s14  }
0xc: {  	s15 =	sand.u32 $0x180, s24;
	p0 =	sne.s32 s14, $0x0;
	s14 =	simm.s32 $0x2  }
0xd: {  	s10 =	sshrl.u32 s7, $0x1;
	s20 =	sshrl.u32 s9, $0x2;
	s22 =	sshrl.u32 s17, $0x3  }
0xe: {  	s13 =	sadd.s32 s5, s17;
	s9 =	sadd.s32 s11, s21;
	s25 =	ssub.s32 s7, s10  }
0xf: {  	s7 =	sadd.s32 s20, s1;
	[dreg:$0x4] =	wrdreg s13;
	s23 =	sadd.s32 $0x280, s22  }
0x10: {  	s10 =	sadd.s32 s12, s21;
	s20 =	sshllo.u32 s4, $0x1;
	s13 =	sadd.s32 s8, s24  }
0x11: {  	s22 =	sshll.u32 s4, $0xC;
	s8 =	sadd.s32 s8, s15;
	s11 =	sadd.s32 s11, s23  }
0x12: {  	s12 =	sadd.s32 s12, s23;
	s21 =	sshll.u32 s20, $0x4;
	s26 =	sadd.s32 s18, s22  }
0x13: {  	s23 =	sshll.u32 s20, $0xB;
	s24 =	sadd.s32 s16, s22;
	s25 =	smax.u32 s25, $0x1  }
0x14: {  	s21 =	sand.u32 $0x70, s21;
	[dreg:$0x5] =	wrdreg s26;
	s18 =	sadd.s32 s18, s23  }
0x15: {  	[dreg:$0x7] =	wrdreg s24;
	s26 =	sadd.s32 s19, s22;
	s16 =	sadd.s32 s16, s23  }
.Ltmp0:
0x16: {  	s22 =	sadd.s32 $0x5A600, s0;
	[dreg:$0x6] =	wrdreg s18;
	(pc) =	sbr.rel .LBB2_1-.Ltmp0, $4  }
0x17: {  	s24 =	sadd.s32 $0x33400, s0;
	s0 =	simm.s32 $0x1480;
	[dreg:$0x8] =	wrdreg s26  }
0x18: {  	s15 =	sadd.s32 s21, s8;
	[dreg:$0x9] =	wrdreg s16;
	s8 =	sadd.s32 s19, s23  }
0x19: {  	s21 =	sadd.s32 $0x12C000, s1;
	s23 =	sadd.s32 s3, s17;
	s26 =	simm.s32 $0x3  }
0x1a: {  	s16 =	simm.s32 $0x0;
	[dreg:$0xa] =	wrdreg s8;
	s8 =	simm.s32 $0x1  }
.LBB2_11:
0x1b: {  	[spmem:s1] =	stream.indirect.scatter.add.f32 [tilespmem:s31], [sflag:$0x2], $0x80, s18, s29, $0xb8;
	[tilespmem:$0x1E100] =	vst v63  }
0x1c: {  	_ =	swait.ge [sflag:s8], $0x4000  }
0x1d: {  	[sflag:s8] =	ssyncset.done $0x0  }
0x1e: {  	[sflag:s8] =	ssyncadd.s32 $0xFFFFC000  }
0x1f: {  	_ =	swait.ge [sflag:s14], $0x4000  }
0x20: {  	[sflag:s14] =	ssyncset.done $0x0  }
0x21: {  	[sflag:s14] =	ssyncadd.s32 $0xFFFFC000  }
0x22: {  	[bflag:$0x0] =	sbarrier.arrive $0xFFFF  }
0x23: {  	[tilespmem:s2], [sflag:$0x3] =	stream.linear.gather [hbm4b:s13+s2], $0x80, $0x38;
	[tilespmem:$0x1E100] =	vst v63  }
0x24: {  	_ =	swait.ge [sflag:s26], $0x80  }
0x25: {  	[sflag:s26] =	ssyncset.done $0x0  }
0x26: {  	[sflag:s26] =	ssyncadd.s32 $0xFFFFFF80  }
0x27: {  	[tilespmem:s30], [sflag:$0x3] =	stream.indirect.gather [spmem:s1], $0x80, s2, s29, $0xb8;
	[tilespmem:$0x1E100] =	vst v63  }
0x28: {  	_ =	swait.ge [sflag:s26], $0x4000  }
0x29: {  	[sflag:s26] =	ssyncset.done $0x0  }
0x2a: {  	s17 =	rddreg [dreg:$0x5];
	[sflag:s26] =	ssyncadd.s32 $0xFFFFC000  }
0x2b: {  	[hbm4b:s17+s2] =	stream.linear.scatter [tilespmem:s30], [sflag:$0x3], $0x4000, $0x38;
	[tilespmem:$0x1E100] =	vst v63  }
0x2c: {  	_ =	swait.ge [sflag:s26], $0x4000  }
0x2d: {  	[sflag:s26] =	ssyncset.done $0x0  }
0x2e: {  	[sflag:s26] =	ssyncadd.s32 $0xFFFFC000  }
0x2f: {  	[tilespmem:s2], [sflag:$0x3] =	stream.linear.gather [hbm4b:s15+s2], $0x80, $0x38;
	[tilespmem:$0x1E100] =	vst v63  }
0x30: {  	_ =	swait.ge [sflag:s26], $0x80  }
0x31: {  	[sflag:s26] =	ssyncset.done $0x0  }
0x32: {  	[sflag:s26] =	ssyncadd.s32 $0xFFFFFF80  }
0x33: {  	[tilespmem:s30], [sflag:$0x3] =	stream.indirect.gather [spmem:s1], $0x80, s2, s29, $0xb8;
	[tilespmem:$0x1E100] =	vst v63  }
0x34: {  	_ =	swait.ge [sflag:s26], $0x4000  }
0x35: {  	[sflag:s26] =	ssyncset.done $0x0  }
0x36: {  	s20 =	rddreg [dreg:$0x6];
	[sflag:s26] =	ssyncadd.s32 $0xFFFFC000  }
0x37: {  	[hbm4b:s20+s2] =	stream.linear.scatter [tilespmem:s30], [sflag:$0x3], $0x4000, $0x38;
	[tilespmem:$0x1E100] =	vst v63  }
.LBB2_12:
0x38: {  	s16 =	sadd.s32 $0x1, s16  }
0x39: {  	p2 =	sne.s32 s16, s25  }
.Ltmp1:
0x3a: {  	_ = 	snop;
	(pc) =	sbr.rel @!p2 .LBB2_13-.Ltmp1, $4  }
0x3b: {  	_ = 	snop  }
0x3c: {  	_ =	swait.ge [sflag:s26], $0x4000  }
0x3d: {  	[sflag:s26] =	ssyncset.done $0x0  }
0x3e: {  	[sflag:s26] =	ssyncadd.s32 $0xFFFFC000  }
.LBB2_1:
.Ltmp2:
0x3f: {  	(pc) =	sbr.rel @p0 .LBB2_7-.Ltmp2, $3  }
0x40: {  	_ =	sdelay $0x1  }
0x41: {  	s18 =	sshll.u32 @!p1 s4, $0x6  }
0x42: {  	s19 =	sshrl.u32 @p1 s21, $0x3;
	s17 =	sshrl.u32 @!p1 s7, $0x3;
	s18 =	sor.u32 @!p1 $0x1C03, s18  }
0x43: {  	s20 =	simm.s32 @p1 $0x1FC3  }
0x44: {  	[spmem:s19], [sflag:s20] =	dma.local @p1 [hbm:s24], $0x1900  }
0x45: {  	s19 =	simm.s32 @p1 $0x3  }
0x46: {  	_ =	swait.ge @p1 [sflag:s19], $0x1900  }
0x47: {  	[sflag:s19] =	ssyncset.done @p1 $0x0  }
0x48: {  	[sflag:s19] =	ssyncadd.s32 @p1 $0xFFFFE700  }
0x49: {  	[spmem:s17], [sflag:s18] =	dma.local @!p1 [hbm:s23], $0x2800  }
0x4a: {  	s17 =	simm.s32 @!p1 $0x3  }
0x4b: {  	_ =	swait.ge @!p1 [sflag:s17], $0x2800  }
0x4c: {  	[sflag:s17] =	ssyncset.done @!p1 $0x0  }
0x4d: {  	[sflag:s17] =	ssyncadd.s32 @!p1 $0xFFFFD800  }
0x4e: {  	[bflag:$0x0] =	sbarrier.arrive $0xFFFF  }
0x4f: {  	[tilespmem:s2], [sflag:$0x3] =	stream.linear.gather [hbm4b:s9+s2], $0x1400, $0x38;
	[tilespmem:$0x1E100] =	vst v63  }
0x50: {  	_ =	swait.ge [sflag:s26], $0x1400  }
0x51: {  	[sflag:s26] =	ssyncset.done $0x0  }
0x52: {  	[sflag:s26] =	ssyncadd.s32 $0xFFFFEC00  }
0x53: {  	[tilespmem:s28], [sflag:$0x3] =	stream.linear.gather [hbm4b:s10+s2], $0x1400, $0x38;
	[tilespmem:$0x1E100] =	vst v63  }
0x54: {  	_ =	swait.ge [sflag:s26], $0x1400  }
0x55: {  	[sflag:s26] =	ssyncset.done $0x0  }
0x56: {  	[sflag:s26] =	ssyncadd.s32 $0xFFFFEC00  }
0x57: {  	[tilespmem:s30], [sflag:$0x3] =	stream.indirect.gather [hbm4b:s3+s29], $0x80, s2, s29, $0xb8;
	[tilespmem:$0x1E100] =	vst v63  }
0x58: {  	_ =	swait.ge [sflag:s26], $0x4000  }
0x59: {  	[sflag:s26] =	ssyncset.done $0x0  }
0x5a: {  	[sflag:s26] =	ssyncadd.s32 $0xFFFFC000  }
0x5b: {  	[spmem:s1] =	stream.indirect.scatter.add.f32 [tilespmem:s30], [sflag:$0x1], $0x80, s28, s29, $0xb8;
	[tilespmem:$0x1E100] =	vst v63  }
0x5c: {  	_ = 	snop  }
0x5d: {  	[tilespmem:s31], [sflag:$0x3] =	stream.indirect.gather [hbm4b:s3+s29], $0x80, s29, s29, $0xb8;
	[tilespmem:$0x1E100] =	vst v63  }
0x5e: {  	_ =	swait.ge [sflag:s26], $0x4000  }
0x5f: {  	[sflag:s26] =	ssyncset.done $0x0  }
0x60: {  	[sflag:s26] =	ssyncadd.s32 $0xFFFFC000  }
0x61: {  	[spmem:s1] =	stream.indirect.scatter.add.f32 [tilespmem:s31], [sflag:$0x2], $0x80, s0, s29, $0xb8;
	[tilespmem:$0x1E100] =	vst v63  }
0x62: {  	_ =	swait.ge [sflag:s8], $0x4000  }
0x63: {  	[sflag:s8] =	ssyncset.done $0x0  }
0x64: {  	s18 =	simm.s32 $0x100;
	[sflag:s8] =	ssyncadd.s32 $0xFFFFC000  }
0x65: {  	[tilespmem:s30], [sflag:$0x3] =	stream.indirect.gather [hbm4b:s3+s29], $0x80, s18, s29, $0xb8;
	[tilespmem:$0x1E100] =	vst v63  }
0x66: {  	_ =	swait.ge [sflag:s26], $0x4000  }
0x67: {  	[sflag:s26] =	ssyncset.done $0x0  }
0x68: {  	s19 =	simm.s32 $0x1500;
	[sflag:s26] =	ssyncadd.s32 $0xFFFFC000  }
0x69: {  	[spmem:s1] =	stream.indirect.scatter.add.f32 [tilespmem:s30], [sflag:$0x1], $0x80, s19, s29, $0xb8;
	[tilespmem:$0x1E100] =	vst v63  }
0x6a: {  	_ =	swait.ge [sflag:s14], $0x4000  }
0x6b: {  	[sflag:s14] =	ssyncset.done $0x0  }
0x6c: {  	s20 =	simm.s32 $0x180;
	[sflag:s14] =	ssyncadd.s32 $0xFFFFC000  }
0x6d: {  	[tilespmem:s31], [sflag:$0x3] =	stream.indirect.gather [hbm4b:s3+s29], $0x80, s20, s29, $0xb8;
	[tilespmem:$0x1E100] =	vst v63  }
0x6e: {  	_ =	swait.ge [sflag:s26], $0x4000  }
0x6f: {  	[sflag:s26] =	ssyncset.done $0x0  }
0x70: {  	s17 =	simm.s32 $0xFFFFB800;
	s18 =	simm.s32 $0x1580;
	[sflag:s26] =	ssyncadd.s32 $0xFFFFC000  }
.LBB2_3:
0x71: {  	[spmem:s1] =	stream.indirect.scatter.add.f32 [tilespmem:s31], [sflag:$0x2], $0x80, s18, s29, $0xb8;
	[tilespmem:$0x1E100] =	vst v63  }
0x72: {  	s18 =	smov.u32 s17  }
0x73: {  	p2 =	sne.s32 s17, $0xFFFFFC00;
	s17 =	sadd.s32 $0x400, s17;
	_ =	swait.ge [sflag:s8], $0x4000  }
0x74: {  	s18 =	sshra.s32 s18, $0x2;
	[sflag:s8] =	ssyncset.done $0x0  }
0x75: {  	s19 =	sadd.s32 $0x1400, s18;
	[sflag:s8] =	ssyncadd.s32 $0xFFFFC000  }
0x76: {  	[tilespmem:s30], [sflag:$0x3] =	stream.indirect.gather [hbm4b:s3+s29], $0x80, s19, s29, $0xb8;
	[tilespmem:$0x1E100] =	vst v63  }
0x77: {  	_ =	swait.ge [sflag:s26], $0x4000  }
0x78: {  	[sflag:s26] =	ssyncset.done $0x0  }
0x79: {  	s19 =	sadd.s32 $0x2800, s18;
	[sflag:s26] =	ssyncadd.s32 $0xFFFFC000  }
0x7a: {  	[spmem:s1] =	stream.indirect.scatter.add.f32 [tilespmem:s30], [sflag:$0x1], $0x80, s19, s29, $0xb8;
	[tilespmem:$0x1E100] =	vst v63  }
0x7b: {  	_ =	swait.ge [sflag:s14], $0x4000  }
0x7c: {  	[sflag:s14] =	ssyncset.done $0x0  }
.Ltmp3:
0x7d: {  	s19 =	sadd.s32 $0x1480, s18;
	[sflag:s14] =	ssyncadd.s32 $0xFFFFC000;
	(pc) =	sbr.rel @p2 .LBB2_3-.Ltmp3, $4  }
0x7e: {  	[tilespmem:s31], [sflag:$0x3] =	stream.indirect.gather [hbm4b:s3+s29], $0x80, s19, s29, $0xb8;
	[tilespmem:$0x1E100] =	vst v63  }
0x7f: {  	_ =	swait.ge [sflag:s26], $0x4000  }
0x80: {  	[sflag:s26] =	ssyncset.done $0x0  }
0x81: {  	s18 =	sadd.s32 $0x2880, s18;
	[sflag:s26] =	ssyncadd.s32 $0xFFFFC000  }
0x82: {  	[spmem:s1] =	stream.indirect.scatter.add.f32 [tilespmem:s31], [sflag:$0x2], $0x80, s18, s29, $0xb8;
	[tilespmem:$0x1E100] =	vst v63  }
0x83: {  	_ =	swait.ge [sflag:s8], $0x4000  }
0x84: {  	[sflag:s8] =	ssyncset.done $0x0  }
0x85: {  	[sflag:s8] =	ssyncadd.s32 $0xFFFFC000  }
0x86: {  	_ =	swait.ge [sflag:s14], $0x4000  }
0x87: {  	[sflag:s14] =	ssyncset.done $0x0  }
0x88: {  	[sflag:s14] =	ssyncadd.s32 $0xFFFFC000  }
0x89: {  	[tilespmem:s2], [sflag:$0x3] =	stream.linear.gather [hbm4b:s11+s2], $0x1400, $0x38;
	[tilespmem:$0x1E100] =	vst v63  }
0x8a: {  	_ =	swait.ge [sflag:s26], $0x1400  }
0x8b: {  	[sflag:s26] =	ssyncset.done $0x0  }
0x8c: {  	[sflag:s26] =	ssyncadd.s32 $0xFFFFEC00  }
0x8d: {  	[tilespmem:s28], [sflag:$0x3] =	stream.linear.gather [hbm4b:s12+s2], $0x1400, $0x38;
	[tilespmem:$0x1E100] =	vst v63  }
0x8e: {  	_ =	swait.ge [sflag:s26], $0x1400  }
0x8f: {  	[sflag:s26] =	ssyncset.done $0x0  }
0x90: {  	[sflag:s26] =	ssyncadd.s32 $0xFFFFEC00  }
0x91: {  	[tilespmem:s30], [sflag:$0x3] =	stream.indirect.gather [hbm4b:s3+s29], $0x80, s2, s29, $0xb8;
	[tilespmem:$0x1E100] =	vst v63  }
0x92: {  	_ =	swait.ge [sflag:s26], $0x4000  }
0x93: {  	[sflag:s26] =	ssyncset.done $0x0  }
0x94: {  	[sflag:s26] =	ssyncadd.s32 $0xFFFFC000  }
0x95: {  	[spmem:s1] =	stream.indirect.scatter.add.f32 [tilespmem:s30], [sflag:$0x1], $0x80, s28, s29, $0xb8;
	[tilespmem:$0x1E100] =	vst v63  }
0x96: {  	_ = 	snop  }
0x97: {  	[tilespmem:s31], [sflag:$0x3] =	stream.indirect.gather [hbm4b:s3+s29], $0x80, s29, s29, $0xb8;
	[tilespmem:$0x1E100] =	vst v63  }
0x98: {  	_ =	swait.ge [sflag:s26], $0x4000  }
0x99: {  	[sflag:s26] =	ssyncset.done $0x0  }
0x9a: {  	[sflag:s26] =	ssyncadd.s32 $0xFFFFC000  }
0x9b: {  	[spmem:s1] =	stream.indirect.scatter.add.f32 [tilespmem:s31], [sflag:$0x2], $0x80, s0, s29, $0xb8;
	[tilespmem:$0x1E100] =	vst v63  }
0x9c: {  	_ =	swait.ge [sflag:s8], $0x4000  }
0x9d: {  	[sflag:s8] =	ssyncset.done $0x0  }
0x9e: {  	s17 =	simm.s32 $0x100;
	[sflag:s8] =	ssyncadd.s32 $0xFFFFC000  }
0x9f: {  	[tilespmem:s30], [sflag:$0x3] =	stream.indirect.gather [hbm4b:s3+s29], $0x80, s17, s29, $0xb8;
	[tilespmem:$0x1E100] =	vst v63  }
0xa0: {  	_ =	swait.ge [sflag:s26], $0x4000  }
0xa1: {  	[sflag:s26] =	ssyncset.done $0x0  }
0xa2: {  	s19 =	simm.s32 $0x1500;
	[sflag:s26] =	ssyncadd.s32 $0xFFFFC000  }
0xa3: {  	[spmem:s1] =	stream.indirect.scatter.add.f32 [tilespmem:s30], [sflag:$0x1], $0x80, s19, s29, $0xb8;
	[tilespmem:$0x1E100] =	vst v63  }
0xa4: {  	_ =	swait.ge [sflag:s14], $0x4000  }
0xa5: {  	[sflag:s14] =	ssyncset.done $0x0  }
0xa6: {  	s20 =	simm.s32 $0x180;
	[sflag:s14] =	ssyncadd.s32 $0xFFFFC000  }
0xa7: {  	[tilespmem:s31], [sflag:$0x3] =	stream.indirect.gather [hbm4b:s3+s29], $0x80, s20, s29, $0xb8;
	[tilespmem:$0x1E100] =	vst v63  }
0xa8: {  	_ =	swait.ge [sflag:s26], $0x4000  }
0xa9: {  	[sflag:s26] =	ssyncset.done $0x0  }
0xaa: {  	s18 =	simm.s32 $0x1580;
	s17 =	simm.s32 $0xFFFFB800;
	[sflag:s26] =	ssyncadd.s32 $0xFFFFC000  }
.LBB2_5:
0xab: {  	[spmem:s1] =	stream.indirect.scatter.add.f32 [tilespmem:s31], [sflag:$0x2], $0x80, s18, s29, $0xb8;
	[tilespmem:$0x1E100] =	vst v63  }
0xac: {  	s18 =	smov.u32 s17  }
0xad: {  	p2 =	sne.s32 s17, $0xFFFFFC00;
	s17 =	sadd.s32 $0x400, s17;
	_ =	swait.ge [sflag:s8], $0x4000  }
0xae: {  	s18 =	sshra.s32 s18, $0x2;
	[sflag:s8] =	ssyncset.done $0x0  }
0xaf: {  	s19 =	sadd.s32 $0x1400, s18;
	[sflag:s8] =	ssyncadd.s32 $0xFFFFC000  }
0xb0: {  	[tilespmem:s30], [sflag:$0x3] =	stream.indirect.gather [hbm4b:s3+s29], $0x80, s19, s29, $0xb8;
	[tilespmem:$0x1E100] =	vst v63  }
0xb1: {  	_ =	swait.ge [sflag:s26], $0x4000  }
0xb2: {  	[sflag:s26] =	ssyncset.done $0x0  }
0xb3: {  	s19 =	sadd.s32 $0x2800, s18;
	[sflag:s26] =	ssyncadd.s32 $0xFFFFC000  }
0xb4: {  	[spmem:s1] =	stream.indirect.scatter.add.f32 [tilespmem:s30], [sflag:$0x1], $0x80, s19, s29, $0xb8;
	[tilespmem:$0x1E100] =	vst v63  }
0xb5: {  	_ =	swait.ge [sflag:s14], $0x4000  }
0xb6: {  	[sflag:s14] =	ssyncset.done $0x0  }
.Ltmp4:
0xb7: {  	s19 =	sadd.s32 $0x1480, s18;
	[sflag:s14] =	ssyncadd.s32 $0xFFFFC000;
	(pc) =	sbr.rel @p2 .LBB2_5-.Ltmp4, $4  }
0xb8: {  	[tilespmem:s31], [sflag:$0x3] =	stream.indirect.gather [hbm4b:s3+s29], $0x80, s19, s29, $0xb8;
	[tilespmem:$0x1E100] =	vst v63  }
0xb9: {  	_ =	swait.ge [sflag:s26], $0x4000  }
0xba: {  	[sflag:s26] =	ssyncset.done $0x0  }
0xbb: {  	s18 =	sadd.s32 $0x2880, s18;
	[sflag:s26] =	ssyncadd.s32 $0xFFFFC000  }
0xbc: {  	[spmem:s1] =	stream.indirect.scatter.add.f32 [tilespmem:s31], [sflag:$0x2], $0x80, s18, s29, $0xb8;
	[tilespmem:$0x1E100] =	vst v63  }
0xbd: {  	_ =	swait.ge [sflag:s8], $0x4000  }
0xbe: {  	[sflag:s8] =	ssyncset.done $0x0  }
0xbf: {  	[sflag:s8] =	ssyncadd.s32 $0xFFFFC000  }
0xc0: {  	_ =	swait.ge [sflag:s14], $0x4000  }
0xc1: {  	[sflag:s14] =	ssyncset.done $0x0  }
0xc2: {  	[sflag:s14] =	ssyncadd.s32 $0xFFFFC000  }
0xc3: {  	[bflag:$0x0] =	sbarrier.arrive $0xFFFF  }
0xc4: {  	[tilespmem:s2], [sflag:$0x3] =	stream.linear.gather [hbm4b:s13+s2], $0x80, $0x38;
	[tilespmem:$0x1E100] =	vst v63  }
0xc5: {  	_ =	swait.ge [sflag:s26], $0x80  }
0xc6: {  	[sflag:s26] =	ssyncset.done $0x0  }
0xc7: {  	[sflag:s26] =	ssyncadd.s32 $0xFFFFFF80  }
0xc8: {  	[tilespmem:s30], [sflag:$0x3] =	stream.indirect.gather [spmem:s1], $0x80, s2, s29, $0xb8;
	[tilespmem:$0x1E100] =	vst v63  }
0xc9: {  	_ =	swait.ge [sflag:s26], $0x4000  }
0xca: {  	[sflag:s26] =	ssyncset.done $0x0  }
0xcb: {  	s17 =	rddreg [dreg:$0x7];
	[sflag:s26] =	ssyncadd.s32 $0xFFFFC000  }
0xcc: {  	[hbm4b:s17+s2] =	stream.linear.scatter [tilespmem:s30], [sflag:$0x3], $0x4000, $0x38;
	[tilespmem:$0x1E100] =	vst v63  }
0xcd: {  	_ =	swait.ge [sflag:s26], $0x4000  }
0xce: {  	[sflag:s26] =	ssyncset.done $0x0  }
0xcf: {  	[sflag:s26] =	ssyncadd.s32 $0xFFFFC000  }
0xd0: {  	[tilespmem:s31], [sflag:$0x3] =	stream.indirect.gather [hbm4b:s6+s29], $0x80, s2, s29, $0xb8;
	[tilespmem:$0x1E100] =	vst v63  }
0xd1: {  	_ =	swait.ge [sflag:s26], $0x4000  }
0xd2: {  	[sflag:s26] =	ssyncset.done $0x0  }
0xd3: {  	s18 =	rddreg [dreg:$0x8];
	[sflag:s26] =	ssyncadd.s32 $0xFFFFC000  }
0xd4: {  	[hbm4b:s18+s2] =	stream.linear.scatter [tilespmem:s31], [sflag:$0x3], $0x4000, $0x38;
	[tilespmem:$0x1E100] =	vst v63  }
0xd5: {  	_ =	swait.ge [sflag:s26], $0x4000  }
0xd6: {  	[sflag:s26] =	ssyncset.done $0x0  }
0xd7: {  	[sflag:s26] =	ssyncadd.s32 $0xFFFFC000  }
0xd8: {  	[tilespmem:s2], [sflag:$0x3] =	stream.linear.gather [hbm4b:s15+s2], $0x80, $0x38;
	[tilespmem:$0x1E100] =	vst v63  }
0xd9: {  	_ =	swait.ge [sflag:s26], $0x80  }
0xda: {  	[sflag:s26] =	ssyncset.done $0x0  }
0xdb: {  	[sflag:s26] =	ssyncadd.s32 $0xFFFFFF80  }
0xdc: {  	[tilespmem:s30], [sflag:$0x3] =	stream.indirect.gather [spmem:s1], $0x80, s2, s29, $0xb8;
	[tilespmem:$0x1E100] =	vst v63  }
0xdd: {  	_ =	swait.ge [sflag:s26], $0x4000  }
0xde: {  	[sflag:s26] =	ssyncset.done $0x0  }
0xdf: {  	s19 =	rddreg [dreg:$0x9];
	[sflag:s26] =	ssyncadd.s32 $0xFFFFC000  }
0xe0: {  	[hbm4b:s19+s2] =	stream.linear.scatter [tilespmem:s30], [sflag:$0x3], $0x4000, $0x38;
	[tilespmem:$0x1E100] =	vst v63  }
0xe1: {  	_ =	swait.ge [sflag:s26], $0x4000  }
0xe2: {  	[sflag:s26] =	ssyncset.done $0x0  }
0xe3: {  	[sflag:s26] =	ssyncadd.s32 $0xFFFFC000  }
0xe4: {  	[tilespmem:s31], [sflag:$0x3] =	stream.indirect.gather [hbm4b:s6+s29], $0x80, s2, s29, $0xb8;
	[tilespmem:$0x1E100] =	vst v63  }
.Ltmp5:
0xe5: {  	_ = 	snop;
	(pc) =	sbr.rel .LBB2_12-.Ltmp5, $4  }
0xe6: {  	_ =	swait.ge [sflag:s26], $0x4000  }
0xe7: {  	[sflag:s26] =	ssyncset.done $0x0  }
0xe8: {  	s20 =	rddreg [dreg:$0xa];
	[sflag:s26] =	ssyncadd.s32 $0xFFFFC000  }
0xe9: {  	[hbm4b:s20+s2] =	stream.linear.scatter [tilespmem:s31], [sflag:$0x3], $0x4000, $0x38;
	[tilespmem:$0x1E100] =	vst v63  }
.LBB2_7:
0xea: {  	s20 =	simm.s32 @p1 $0x1FC3  }
0xeb: {  	[spmem:s19], [sflag:s20] =	dma.local @p1 [hbm:s22], $0x1900  }
0xec: {  	s19 =	simm.s32 @p1 $0x3  }
0xed: {  	_ =	swait.ge @p1 [sflag:s19], $0x1900  }
0xee: {  	[sflag:s19] =	ssyncset.done @p1 $0x0  }
0xef: {  	[sflag:s19] =	ssyncadd.s32 @p1 $0xFFFFE700;
	s19 =	rddreg [dreg:$0x4]  }
0xf0: {  	[spmem:s17], [sflag:s18] =	dma.local @!p1 [hbm:s19], $0x2800  }
0xf1: {  	s17 =	simm.s32 @!p1 $0x3  }
0xf2: {  	_ =	swait.ge @!p1 [sflag:s17], $0x2800  }
0xf3: {  	[sflag:s17] =	ssyncset.done @!p1 $0x0  }
0xf4: {  	[sflag:s17] =	ssyncadd.s32 @!p1 $0xFFFFD800  }
0xf5: {  	[bflag:$0x0] =	sbarrier.arrive $0xFFFF  }
0xf6: {  	[tilespmem:s2], [sflag:$0x3] =	stream.linear.gather [hbm4b:s9+s2], $0x1400, $0x38;
	[tilespmem:$0x1E100] =	vst v63  }
0xf7: {  	_ =	swait.ge [sflag:s26], $0x1400  }
0xf8: {  	[sflag:s26] =	ssyncset.done $0x0  }
0xf9: {  	[sflag:s26] =	ssyncadd.s32 $0xFFFFEC00  }
0xfa: {  	[tilespmem:s28], [sflag:$0x3] =	stream.linear.gather [hbm4b:s10+s2], $0x1400, $0x38;
	[tilespmem:$0x1E100] =	vst v63  }
0xfb: {  	_ =	swait.ge [sflag:s26], $0x1400  }
0xfc: {  	[sflag:s26] =	ssyncset.done $0x0  }
0xfd: {  	[sflag:s26] =	ssyncadd.s32 $0xFFFFEC00  }
0xfe: {  	[tilespmem:s30], [sflag:$0x3] =	stream.indirect.gather [hbm4b:s5+s29], $0x80, s2, s29, $0xb8;
	[tilespmem:$0x1E100] =	vst v63  }
0xff: {  	_ =	swait.ge [sflag:s26], $0x4000  }
0x100: {  	[sflag:s26] =	ssyncset.done $0x0  }
0x101: {  	[sflag:s26] =	ssyncadd.s32 $0xFFFFC000  }
0x102: {  	[spmem:s1] =	stream.indirect.scatter.add.f32 [tilespmem:s30], [sflag:$0x1], $0x80, s28, s29, $0xb8;
	[tilespmem:$0x1E100] =	vst v63  }
0x103: {  	_ = 	snop  }
0x104: {  	[tilespmem:s31], [sflag:$0x3] =	stream.indirect.gather [hbm4b:s5+s29], $0x80, s29, s29, $0xb8;
	[tilespmem:$0x1E100] =	vst v63  }
0x105: {  	_ =	swait.ge [sflag:s26], $0x4000  }
0x106: {  	[sflag:s26] =	ssyncset.done $0x0  }
0x107: {  	[sflag:s26] =	ssyncadd.s32 $0xFFFFC000  }
0x108: {  	[spmem:s1] =	stream.indirect.scatter.add.f32 [tilespmem:s31], [sflag:$0x2], $0x80, s0, s29, $0xb8;
	[tilespmem:$0x1E100] =	vst v63  }
0x109: {  	_ =	swait.ge [sflag:s8], $0x4000  }
0x10a: {  	[sflag:s8] =	ssyncset.done $0x0  }
0x10b: {  	s18 =	simm.s32 $0x100;
	[sflag:s8] =	ssyncadd.s32 $0xFFFFC000  }
0x10c: {  	[tilespmem:s30], [sflag:$0x3] =	stream.indirect.gather [hbm4b:s5+s29], $0x80, s18, s29, $0xb8;
	[tilespmem:$0x1E100] =	vst v63  }
0x10d: {  	_ =	swait.ge [sflag:s26], $0x4000  }
0x10e: {  	[sflag:s26] =	ssyncset.done $0x0  }
0x10f: {  	s19 =	simm.s32 $0x1500;
	[sflag:s26] =	ssyncadd.s32 $0xFFFFC000  }
0x110: {  	[spmem:s1] =	stream.indirect.scatter.add.f32 [tilespmem:s30], [sflag:$0x1], $0x80, s19, s29, $0xb8;
	[tilespmem:$0x1E100] =	vst v63  }
0x111: {  	_ =	swait.ge [sflag:s14], $0x4000  }
0x112: {  	[sflag:s14] =	ssyncset.done $0x0  }
0x113: {  	s20 =	simm.s32 $0x180;
	[sflag:s14] =	ssyncadd.s32 $0xFFFFC000  }
0x114: {  	[tilespmem:s31], [sflag:$0x3] =	stream.indirect.gather [hbm4b:s5+s29], $0x80, s20, s29, $0xb8;
	[tilespmem:$0x1E100] =	vst v63  }
0x115: {  	_ =	swait.ge [sflag:s26], $0x4000  }
0x116: {  	[sflag:s26] =	ssyncset.done $0x0  }
0x117: {  	s17 =	simm.s32 $0xFFFFB800;
	s18 =	simm.s32 $0x1580;
	[sflag:s26] =	ssyncadd.s32 $0xFFFFC000  }
.LBB2_8:
0x118: {  	[spmem:s1] =	stream.indirect.scatter.add.f32 [tilespmem:s31], [sflag:$0x2], $0x80, s18, s29, $0xb8;
	[tilespmem:$0x1E100] =	vst v63  }
0x119: {  	s18 =	smov.u32 s17  }
0x11a: {  	p2 =	sne.s32 s17, $0xFFFFFC00;
	s17 =	sadd.s32 $0x400, s17;
	_ =	swait.ge [sflag:s8], $0x4000  }
0x11b: {  	s18 =	sshra.s32 s18, $0x2;
	[sflag:s8] =	ssyncset.done $0x0  }
0x11c: {  	s19 =	sadd.s32 $0x1400, s18;
	[sflag:s8] =	ssyncadd.s32 $0xFFFFC000  }
0x11d: {  	[tilespmem:s30], [sflag:$0x3] =	stream.indirect.gather [hbm4b:s5+s29], $0x80, s19, s29, $0xb8;
	[tilespmem:$0x1E100] =	vst v63  }
0x11e: {  	_ =	swait.ge [sflag:s26], $0x4000  }
0x11f: {  	[sflag:s26] =	ssyncset.done $0x0  }
0x120: {  	s19 =	sadd.s32 $0x2800, s18;
	[sflag:s26] =	ssyncadd.s32 $0xFFFFC000  }
0x121: {  	[spmem:s1] =	stream.indirect.scatter.add.f32 [tilespmem:s30], [sflag:$0x1], $0x80, s19, s29, $0xb8;
	[tilespmem:$0x1E100] =	vst v63  }
0x122: {  	_ =	swait.ge [sflag:s14], $0x4000  }
0x123: {  	[sflag:s14] =	ssyncset.done $0x0  }
.Ltmp6:
0x124: {  	s19 =	sadd.s32 $0x1480, s18;
	[sflag:s14] =	ssyncadd.s32 $0xFFFFC000;
	(pc) =	sbr.rel @p2 .LBB2_8-.Ltmp6, $4  }
0x125: {  	[tilespmem:s31], [sflag:$0x3] =	stream.indirect.gather [hbm4b:s5+s29], $0x80, s19, s29, $0xb8;
	[tilespmem:$0x1E100] =	vst v63  }
0x126: {  	_ =	swait.ge [sflag:s26], $0x4000  }
0x127: {  	[sflag:s26] =	ssyncset.done $0x0  }
0x128: {  	s18 =	sadd.s32 $0x2880, s18;
	[sflag:s26] =	ssyncadd.s32 $0xFFFFC000  }
0x129: {  	[spmem:s1] =	stream.indirect.scatter.add.f32 [tilespmem:s31], [sflag:$0x2], $0x80, s18, s29, $0xb8;
	[tilespmem:$0x1E100] =	vst v63  }
0x12a: {  	_ =	swait.ge [sflag:s8], $0x4000  }
0x12b: {  	[sflag:s8] =	ssyncset.done $0x0  }
0x12c: {  	[sflag:s8] =	ssyncadd.s32 $0xFFFFC000  }
0x12d: {  	_ =	swait.ge [sflag:s14], $0x4000  }
0x12e: {  	[sflag:s14] =	ssyncset.done $0x0  }
0x12f: {  	[sflag:s14] =	ssyncadd.s32 $0xFFFFC000  }
0x130: {  	[tilespmem:s2], [sflag:$0x3] =	stream.linear.gather [hbm4b:s11+s2], $0x1400, $0x38;
	[tilespmem:$0x1E100] =	vst v63  }
0x131: {  	_ =	swait.ge [sflag:s26], $0x1400  }
0x132: {  	[sflag:s26] =	ssyncset.done $0x0  }
0x133: {  	[sflag:s26] =	ssyncadd.s32 $0xFFFFEC00  }
0x134: {  	[tilespmem:s28], [sflag:$0x3] =	stream.linear.gather [hbm4b:s12+s2], $0x1400, $0x38;
	[tilespmem:$0x1E100] =	vst v63  }
0x135: {  	_ =	swait.ge [sflag:s26], $0x1400  }
0x136: {  	[sflag:s26] =	ssyncset.done $0x0  }
0x137: {  	[sflag:s26] =	ssyncadd.s32 $0xFFFFEC00  }
0x138: {  	[tilespmem:s30], [sflag:$0x3] =	stream.indirect.gather [hbm4b:s5+s29], $0x80, s2, s29, $0xb8;
	[tilespmem:$0x1E100] =	vst v63  }
0x139: {  	_ =	swait.ge [sflag:s26], $0x4000  }
0x13a: {  	[sflag:s26] =	ssyncset.done $0x0  }
0x13b: {  	[sflag:s26] =	ssyncadd.s32 $0xFFFFC000  }
0x13c: {  	[spmem:s1] =	stream.indirect.scatter.add.f32 [tilespmem:s30], [sflag:$0x1], $0x80, s28, s29, $0xb8;
	[tilespmem:$0x1E100] =	vst v63  }
0x13d: {  	_ = 	snop  }
0x13e: {  	[tilespmem:s31], [sflag:$0x3] =	stream.indirect.gather [hbm4b:s5+s29], $0x80, s29, s29, $0xb8;
	[tilespmem:$0x1E100] =	vst v63  }
0x13f: {  	_ =	swait.ge [sflag:s26], $0x4000  }
0x140: {  	[sflag:s26] =	ssyncset.done $0x0  }
0x141: {  	[sflag:s26] =	ssyncadd.s32 $0xFFFFC000  }
0x142: {  	[spmem:s1] =	stream.indirect.scatter.add.f32 [tilespmem:s31], [sflag:$0x2], $0x80, s0, s29, $0xb8;
	[tilespmem:$0x1E100] =	vst v63  }
0x143: {  	_ =	swait.ge [sflag:s8], $0x4000  }
0x144: {  	[sflag:s8] =	ssyncset.done $0x0  }
0x145: {  	s17 =	simm.s32 $0x100;
	[sflag:s8] =	ssyncadd.s32 $0xFFFFC000  }
0x146: {  	[tilespmem:s30], [sflag:$0x3] =	stream.indirect.gather [hbm4b:s5+s29], $0x80, s17, s29, $0xb8;
	[tilespmem:$0x1E100] =	vst v63  }
0x147: {  	_ =	swait.ge [sflag:s26], $0x4000  }
0x148: {  	[sflag:s26] =	ssyncset.done $0x0  }
0x149: {  	s19 =	simm.s32 $0x1500;
	[sflag:s26] =	ssyncadd.s32 $0xFFFFC000  }
0x14a: {  	[spmem:s1] =	stream.indirect.scatter.add.f32 [tilespmem:s30], [sflag:$0x1], $0x80, s19, s29, $0xb8;
	[tilespmem:$0x1E100] =	vst v63  }
0x14b: {  	_ =	swait.ge [sflag:s14], $0x4000  }
0x14c: {  	[sflag:s14] =	ssyncset.done $0x0  }
0x14d: {  	s20 =	simm.s32 $0x180;
	[sflag:s14] =	ssyncadd.s32 $0xFFFFC000  }
0x14e: {  	[tilespmem:s31], [sflag:$0x3] =	stream.indirect.gather [hbm4b:s5+s29], $0x80, s20, s29, $0xb8;
	[tilespmem:$0x1E100] =	vst v63  }
0x14f: {  	_ =	swait.ge [sflag:s26], $0x4000  }
0x150: {  	[sflag:s26] =	ssyncset.done $0x0  }
0x151: {  	s18 =	simm.s32 $0x1580;
	s17 =	simm.s32 $0xFFFFB800;
	[sflag:s26] =	ssyncadd.s32 $0xFFFFC000  }
.LBB2_10:
0x152: {  	[spmem:s1] =	stream.indirect.scatter.add.f32 [tilespmem:s31], [sflag:$0x2], $0x80, s18, s29, $0xb8;
	[tilespmem:$0x1E100] =	vst v63  }
0x153: {  	s18 =	smov.u32 s17  }
0x154: {  	p2 =	sne.s32 s17, $0xFFFFFC00;
	s17 =	sadd.s32 $0x400, s17;
	_ =	swait.ge [sflag:s8], $0x4000  }
0x155: {  	s18 =	sshra.s32 s18, $0x2;
	[sflag:s8] =	ssyncset.done $0x0  }
0x156: {  	s19 =	sadd.s32 $0x1400, s18;
	[sflag:s8] =	ssyncadd.s32 $0xFFFFC000  }
0x157: {  	[tilespmem:s30], [sflag:$0x3] =	stream.indirect.gather [hbm4b:s5+s29], $0x80, s19, s29, $0xb8;
	[tilespmem:$0x1E100] =	vst v63  }
0x158: {  	_ =	swait.ge [sflag:s26], $0x4000  }
0x159: {  	[sflag:s26] =	ssyncset.done $0x0  }
0x15a: {  	s19 =	sadd.s32 $0x2800, s18;
	[sflag:s26] =	ssyncadd.s32 $0xFFFFC000  }
0x15b: {  	[spmem:s1] =	stream.indirect.scatter.add.f32 [tilespmem:s30], [sflag:$0x1], $0x80, s19, s29, $0xb8;
	[tilespmem:$0x1E100] =	vst v63  }
0x15c: {  	_ =	swait.ge [sflag:s14], $0x4000  }
0x15d: {  	[sflag:s14] =	ssyncset.done $0x0  }
.Ltmp7:
0x15e: {  	s19 =	sadd.s32 $0x1480, s18;
	[sflag:s14] =	ssyncadd.s32 $0xFFFFC000;
	(pc) =	sbr.rel @p2 .LBB2_10-.Ltmp7, $4  }
0x15f: {  	[tilespmem:s31], [sflag:$0x3] =	stream.indirect.gather [hbm4b:s5+s29], $0x80, s19, s29, $0xb8;
	[tilespmem:$0x1E100] =	vst v63  }
0x160: {  	_ =	swait.ge [sflag:s26], $0x4000  }
0x161: {  	[sflag:s26] =	ssyncset.done $0x0  }
0x162: {  	s18 =	sadd.s32 $0x2880, s18;
	[sflag:s26] =	ssyncadd.s32 $0xFFFFC000  }
.Ltmp8:
0x163: {  	_ = 	snop;
	(pc) =	sbr.rel .LBB2_11-.Ltmp8, $1  }
0x164: {  	_ =	sdelay $0x3  }
.LBB2_13:
0x165: {  	_ =	sfence.sel $0x180000  }
0x166: {  	[bflag:$0x0] =	sbarrier.arrive $0xFFFF  }
0x167: {  	_ =	strace $0x9000004D  }
0x168: {  	[bflag:$0x2] =	sbarrier.arrive $0xFFFF  }
0x169: {  	p0 =	sne.s32 s4, $0x0;
	s0 =	rddreg [dreg:$0x3]  }
0x16a: {  	s0 =	sadd.s32 @!p0 $0x100000, s0  }
0x16b: {  	[sflag:s0] =	ssyncadd.tile.s32 @!p0 $0x1;
	_ =	shalt  }
.Lfunc_end2:
_tile_overlayer_lowered:
.L_overlay_start_2:
0x16c: {  	(tag) =	ssettag $0x2  }
0x16d: {  	s0 =	rddreg [dreg:$0x0];
	s2 =	stileid.u32  }
0x16e: {  	s1 =	rddreg [dreg:$0x1];
	p0 =	sne.s32 s2, $0x0  }
0x16f: {  	s3 =	rddreg [dreg:$0x2];
	[bflag:$0x3] =	sbarrier.arrive $0xFFFF;
	s2 =	simm.s32 @!p0 $0x1C03  }
0x170: {  	[timem:s3], [sflag:s2] =	dma.local @!p0 [hbm:s0], s1  }
0x171: {  	s0 =	simm.s32 @!p0 $0x3  }
0x172: {  	_ =	swait.ge @!p0 [sflag:s0], s1  }
0x173: {  	s1 =	ssub.s32 @!p0 $0x0, s1;
	[sflag:s0] =	ssyncset.done @!p0 $0x0  }
0x174: {  	[sflag:s0] =	ssyncadd.s32 @!p0 s1  }
0x175: {  	[bflag:$0x3] =	sbarrier.arrive $0xFFFF  }
0x176: {  	_ =	shalt  }

// kernel: kernel.9.cloned.1.call-start
scs
__scs_entry_jumppad:
0x0: {  	(pc) =	sbr.rel $0x88, $3  }
0x1: {  	(tag) =	ssettag $0x0;
	lr =	simm.s32 $0x1  }
0x2: {  	[smem:$0x3F95] =	sst lr;
	_ =	strace $0xD0000000  }
0x3: {  	_ = 	snop  }
0x4: {  	_ = 	snop  }
0x5: {  	_ = 	snop  }
0x6: {  	_ = 	snop  }
0x7: {  	_ = 	snop  }
__scs_overlays_trampoline_lowered:
0x8: {  	[smem:$0x3FA4] =	sst s0  }
0x9: {  	[smem:$0x3FA5] =	sst s1  }
0xa: {  	[smem:$0x3FA6] =	sst s2  }
0xb: {  	[smem:$0x3FA7] =	sst s3  }
0xc: {  	[smem:$0x3FA8] =	sst s4  }
0xd: {  	[smem:$0x3FA9] =	sst s5  }
0xe: {  	[smem:$0x3FAA] =	sst s6  }
0xf: {  	[smem:$0x3FAB] =	sst s7  }
0x10: {  	[smem:$0x3FAC] =	sst s8  }
0x11: {  	[smem:$0x3FAD] =	sst s9;
	s0 =	simm.s32 @!p0 $0x0  }
0x12: {  	s1 =	sld [smem:$0x3F93];
	s0 =	simm.s32 @p0 $0x1  }
0x13: {  	[smem:$0x3FAE] =	sst s0;
	s0 =	simm.s32 @!p1 $0x0  }
0x14: {  	s2 =	sld [smem:$0x3F92];
	s0 =	simm.s32 @p1 $0x1  }
0x15: {  	[smem:$0x3FAF] =	sst s0;
	s0 =	simm.s32 @!p2 $0x0  }
0x16: {  	s3 =	sld [smem:$0x3FDB];
	s0 =	simm.s32 @p2 $0x1  }
0x17: {  	s4 =	simm.s32 $0x1BF5;
	[smem:$0x3FB1] =	sst s0  }
0x18: {  	s0 =	sld [smem:$0x3F94];
	_ =	swait.ge [sflag:s4], $0x0  }
0x19: {  	s7 =	sld [smem:$0x3F95]  }
0x1a: {  	s8 =	sadd.s32 $0xFFFFE003, lr  }
0x1b: {  	s9 =	sadd.s32 $0xFFFFFEF7, lr;
	s5 =	simm.s32 $0xFFFFFFFF;
	p2 =	slt.u32 s8, $0xFFFFF086  }
0x1c: {  	p1 =	slt.u32 s9, $0xF7A;
	s5 =	simm.s32 @!p2 $0x0  }
0x1d: {  	s5 =	simm.s32 @p1 $0x1;
	p0 =	seq.s32 s7, s2  }
0x1e: {  	s7 =	smul.u32 @!p0 $0xF7A, s2;
	p2 =	seq.s32 @!p0 s5, $0x0  }
0x1f: {  	s9 =	smul.u32 $0xF7A, s1;
	s8 =	simm.s32 @!p0 $0x1BF5;
	p2 =	por !p2, p0  }
0x20: {  	[sflag:s8] =	ssyncset.s32 @!p0 $0xFFFFF086;
	s6 =	sadd.s32 @!p0 s3, s7;
	s7 =	simm.s32 @!p0 $0x108  }
0x21: {  	s3 =	sadd.s32 s3, s9;
	s6 =	sadd.s32 @!p0 $0x88, s6;
	s7 =	simm.s32 @p2 $0x1082  }
0x22: {  	[simem:s7], [sflag:s8] =	dma.local @!p0 [hbm:s6], $0xF7A  }
0x23: {  	s9 =	sor.u32 $0xD0000000, s2;
	s6 =	simm.s32 $0x108;
	_ =	swait.ge @!p0 [sflag:s8], $0x0  }
0x24: {  	s3 =	sadd.s32 $0x88, s3;
	s6 =	simm.s32 @!p1 $0x1082;
	[sflag:s4] =	ssyncset.s32 $0xFFFFF086  }
0x25: {  	[simem:s6], [sflag:s4] =	dma.local [hbm:s3], $0xF7A  }
0x26: {  	[smem:$0x3F95] =	sst s1;
	(tag) =	ssettag s2;
	_ =	strace s9  }
0x27: {  	s1 =	sld [smem:$0x3FA5]  }
0x28: {  	s2 =	sld [smem:$0x3FA6]  }
0x29: {  	s4 =	sld [smem:$0x3FA8]  }
0x2a: {  	p0 =	seq.s32 s5, $0x0;
	s5 =	sld [smem:$0x3FA9]  }
0x2b: {  	s6 =	sld [smem:$0x3FAA]  }
0x2c: {  	s7 =	sld [smem:$0x3FAB]  }
0x2d: {  	s3 =	simm.s32 $0x108;
	s8 =	sld [smem:$0x3FAC]  }
0x2e: {  	s3 =	simm.s32 @!p0 $0x1082;
	s9 =	sld [smem:$0x3FAD]  }
0x2f: {  	lr =	sadd.s32 s0, s3;
	s0 =	sld [smem:$0x3FA4]  }
0x30: {  	s3 =	sld [smem:$0x3FA7]  }
0x31: {  	[smem:$0x3FB0] =	sst s10  }
0x32: {  	s10 =	sld [smem:$0x3FAE];
	_ =	sdelay $0x3  }
0x33: {  	p0 =	seq.s32 s10, $0x1;
	s10 =	sld [smem:$0x3FB0];
	_ =	sdelay $0x3  }
0x34: {  	[smem:$0x3FB0] =	sst s10  }
0x35: {  	s10 =	sld [smem:$0x3FAF];
	_ =	sdelay $0x3  }
0x36: {  	p1 =	seq.s32 s10, $0x1;
	s10 =	sld [smem:$0x3FB0];
	_ =	sdelay $0x3  }
0x37: {  	[smem:$0x3FB0] =	sst s10  }
0x38: {  	s10 =	sld [smem:$0x3FB1]  }
0x39: {  	_ = 	snop;
	(pc) =	sbr.ind lr, $3  }
0x3a: {  	_ = 	snop  }
0x3b: {  	_ = 	snop  }
0x3c: {  	p2 =	seq.s32 s10, $0x1;
	s10 =	sld [smem:$0x3FB0]  }
0x3d: {  	_ =	shalt  }
0x3e: {  	_ =	shalt  }
0x3f: {  	_ =	shalt  }
0x40: {  	_ =	shalt  }
0x41: {  	_ =	shalt  }
0x42: {  	_ =	shalt  }
0x43: {  	_ =	shalt  }
0x44: {  	_ =	shalt  }
0x45: {  	_ =	shalt  }
0x46: {  	_ =	shalt  }
0x47: {  	_ =	shalt  }
0x48: {  	_ =	shalt  }
0x49: {  	_ =	shalt  }
0x4a: {  	_ =	shalt  }
0x4b: {  	_ =	shalt  }
0x4c: {  	_ =	shalt  }
0x4d: {  	_ =	shalt  }
0x4e: {  	_ =	shalt  }
0x4f: {  	_ =	shalt  }
0x50: {  	_ =	shalt  }
0x51: {  	_ =	shalt  }
0x52: {  	_ =	shalt  }
0x53: {  	_ =	shalt  }
0x54: {  	_ =	shalt  }
0x55: {  	_ =	shalt  }
0x56: {  	_ =	shalt  }
0x57: {  	_ =	shalt  }
0x58: {  	_ =	shalt  }
0x59: {  	_ =	shalt  }
0x5a: {  	_ =	shalt  }
0x5b: {  	_ =	shalt  }
0x5c: {  	_ =	shalt  }
0x5d: {  	_ =	shalt  }
0x5e: {  	_ =	shalt  }
0x5f: {  	_ =	shalt  }
0x60: {  	_ =	shalt  }
0x61: {  	_ =	shalt  }
0x62: {  	_ =	shalt  }
0x63: {  	_ =	shalt  }
0x64: {  	_ =	shalt  }
0x65: {  	_ =	shalt  }
0x66: {  	_ =	shalt  }
0x67: {  	_ =	shalt  }
0x68: {  	_ =	shalt  }
0x69: {  	_ =	shalt  }
0x6a: {  	_ =	shalt  }
0x6b: {  	_ =	shalt  }
0x6c: {  	_ =	shalt  }
0x6d: {  	_ =	shalt  }
0x6e: {  	_ =	shalt  }
0x6f: {  	_ =	shalt  }
0x70: {  	_ =	shalt  }
0x71: {  	_ =	shalt  }
0x72: {  	_ =	shalt  }
0x73: {  	_ =	shalt  }
0x74: {  	_ =	shalt  }
0x75: {  	_ =	shalt  }
0x76: {  	_ =	shalt  }
0x77: {  	_ =	shalt  }
0x78: {  	_ =	shalt  }
0x79: {  	_ =	shalt  }
0x7a: {  	_ =	shalt  }
0x7b: {  	_ =	shalt  }
0x7c: {  	_ =	shalt  }
0x7d: {  	_ =	shalt  }
0x7e: {  	_ =	shalt  }
0x7f: {  	_ =	shalt  }
0x80: {  	_ =	shalt  }
0x81: {  	_ =	shalt  }
0x82: {  	_ =	shalt  }
0x83: {  	_ =	shalt  }
0x84: {  	_ =	shalt  }
0x85: {  	_ =	shalt  }
0x86: {  	_ =	shalt  }
0x87: {  	_ =	shalt  }
.Lfunc_end0:
.L_simem_size_0:
called_computation_lowered:
.L_overlay_start_0:
0x88: {  	s2 =	sld [smem:$0x3FD9]  }
0x89: {  	s3 =	sld [smem:$0x3FFE];
	_ =	sdelay $0x1  }
0x8a: {  	s1 =	srdreg.scid  }
0x8b: {  	s0 =	sand.u32 $0x1, s1  }
0x8c: {  	s16 =	sshll.u32 s0, $0xA;
	s2 =	sadd.s32 s3, s2  }
0x8d: {  	s2 =	sadd.s32 s2, s16  }
0x8e: {  	[smem:$0x3FBC] =	sst s2  }
0x8f: {  	_ = 	snop  }
0x90: {  	(tm) =	ssettm $0x1  }
0x91: {  	s17 =	sld [smem:$0x3FFB];
	_ =	sdelay $0x3  }
0x92: {  	_ =	strace s17  }
0x93: {  	s2 =	sld [smem:$0x3FFC];
	_ =	sdelay $0x3  }
0x94: {  	_ =	strace s2  }
0x95: {  	s2 =	sld [smem:$0x3FFD];
	_ =	sdelay $0x3  }
0x96: {  	_ =	strace s2  }
0x97: {  	_ =	strace $0x8FFFFFFF  }
0x98: {  	s18 =	sld [smem:$0x3FDB];
	_ =	sdelay $0x1  }
0x99: {  	s19 =	simm.s32 $_scs_section_size  }
0x9a: {  	s4 =	simm.s32 $_size__tile_overlayer_lowered;
	s5 =	simm.s32 $_tile_overlayer_lowered  }
0x9b: {  	s22 =	simm.s32 $0x1BFF;
	s21 =	sshll.u32 s5, $0x1;
	s2 =	sadd.s32 s19, s18  }
0x9c: {  	s6 =	simm.s32 $0x0;
	s20 =	sshll.u32 s4, $0x1;
	s4 =	sadd.s32 s21, s2  }
0x9d: {  	[timem:s6], [sflag:s22] =	dma.local [hbm:s4], s20  }
0x9e: {  	_ =	swait.ge [sflag:s22], s20  }
0x9f: {  	s3 =	ssub.s32 $0x0, s20;
	[sflag:s22] =	ssyncset.done $0x0  }
0xa0: {  	[sflag:s22] =	ssyncadd.s32 s3;
	_ =	sdelay $0x1  }
0xa1: {  	s23 =	simm.s32 $0x1B8B  }
0xa2: {  	_ =	swait.ge [sflag:s23], $0x1  }
0xa3: {  	[sflag:s23] =	ssyncset.done $0x0  }
0xa4: {  	s25 =	simm.s32 $0x1B8E;
	s24 =	sld [smem:$0x3FFE];
	[sflag:s23] =	ssyncadd.s32 $0xFFFFFFFF  }
0xa5: {  	s26 =	simm.s32 $execute0_lowered;
	[smem:$0x3FD2] =	sst s25  }
0xa6: {  	s4 =	sshll.u32 s26, $0x1;
	_ =	strace $0x80000046;
	[dreg:$0x1] =	wrdreg $0xFFFFFFFF  }
0xa7: {  	s28 =	simm.s32 $_size_execute0_lowered;
	s2 =	sadd.s32 s2, s4;
	[dreg:$0x0] =	wrdreg $0x0  }
0xa8: {  	s4 =	sshll.u32 s28, $0x1;
	[dreg:$0x2] =	wrdreg s2  }
0xa9: {  	[dreg:$0x3] =	wrdreg s4  }
0xaa: {  	[dreg:$0x4] =	wrdreg $0xC0  }
0xab: {  	_ =	task [dreg:s6], $0x5FFFF  }
0xac: {  	[dreg:$0x1] =	wrdreg $0xFFFFFFFF  }
0xad: {  	[dreg:$0x0] =	wrdreg $0x60  }
0xae: {  	[dreg:$0x2] =	wrdreg s24  }
0xaf: {  	[dreg:$0x3] =	wrdreg $0x3C000  }
0xb0: {  	[dreg:$0x4] =	wrdreg $0x9  }
0xb1: {  	_ =	task.clear_ibuf [dreg:s6], $0x5FFFF;
	_ =	strace $0x90000046  }
0xb2: {  	s29 =	simm.s32 $0x9;
	_ =	strace $0x80000048  }
0xb3: {  	_ =	swait.ge [sflag:s29], $0x1  }
0xb4: {  	[sflag:s29] =	ssyncadd.s32 $0xFFFFFFFF  }
0xb5: {  	_ =	strace $0x90000048  }
0xb6: {  	_ =	sfence  }
0xb7: {  	s30 =	sld [smem:$0x0];
	_ =	sdelay $0x2  }
0xb8: {  	s31 =	sshll.u32 s1, $0xD;
	s1 =	sshrl.u32 s1, $0x2  }
0xb9: {  	s3 =	sand.u32 $0x4000, s31;
	s1 =	sadd.s32 s1, s30  }
0xba: {  	s0 =	sor.u32 s3, s0;
	s1 =	sshll.u32 s1, $0x11  }
0xbb: {  	s0 =	sor.u32 s1, s0  }
0xbc: {  	s0 =	sadd.s32 $0x8F2B, s0  }
0xbd: {  	[sflag:s0] =	ssyncadd.remote.s32 $0x1  }
0xbe: {  	_ =	sfence.sel $0xFFFF  }
0xbf: {  	[dreg:$0x0] =	wrdreg $0xFFFFFFFF;
	(pc) =	sbr.abs _section_cstart, $3  }
0xc0: {  	[dreg:$0x1] =	wrdreg $0xFFFFFFFF  }
0xc1: {  	_ =	task.clear_ibuf [dreg:s6], $0x2FFFF;
	_ =	strace $0x9FFFFFFF  }
0xc2: {  	(tm) =	ssettm $0x7FFFFFFF  }
0xc3: {  	_ =	shalt  }
tec
execute0_lowered:
.L_overlay_start_1:
0x0: {  	(tag) =	ssettag $0x1  }
0x1: {  	s3 =	rddreg [dreg:$0x0]  }
0x2: {  	s0 =	srdreg.scid;
	s6 =	stileid.u32  }
0x3: {  	s1 =	rddreg [dreg:$0x1];
	s2 =	simm.s32 $0x0;
	s9 =	simm.s32 $0x1400  }
0x4: {  	s4 =	sand.u32 $0x1, s0;
	s5 =	sshll.u32 s6, $0x1;
	s0 =	rddreg [dreg:$0x2]  }
0x5: {  	[smem:$0x7FF] =	sst s2;
	p0 =	sne.s32 s6, $0x0;
	s6 =	simm.s32 $0x1480  }
0x6: {  	s5 =	sor.u32 s4, s5;
	s7 =	ssub.s32 $0x2, s4;
	_ =	strace $0x80000047  }
0x7: {  	s4 =	sshll.u32 s4, $0x4;
	s5 =	smul.u32 $0x280, s5;
	s8 =	sshrl.u32 s7, $0x1  }
0x8: {  	s10 =	sshrl.u32 @!p0 s1, $0x3;
	s4 =	sadd.s32 s4, s3;
	s7 =	ssub.s32 s7, s8  }
0x9: {  	s4 =	sadd.s32 $0xDC00, s4;
	s8 =	simm.s32 $0x80;
	s5 =	sadd.s32 s5, s3  }
0xa: {  	v0 =	vimm.f32 $0.0e+00;
	v1 =	vimm.f32 $1.000000000e+00;
	s3 =	sadd.s32 $0x3C00, s5;
	s5 =	smax.u32 s7, $0x1;
	s7 =	simm.s32 $0x1  }
.LBB2_1:
.Ltmp0:
0xb: {  	(pc) =	sbr.rel @p0 .LBB2_5-.Ltmp0, $1  }
0xc: {  	_ =	sdelay $0x3  }
0xd: {  	s11 =	simm.s32 $0x40;
	s12 =	simm.s32 $0x0  }
.LBB2_3:
0xe: {  	p1 =	sne.s32 s11, $0x9C40;
	[tilespmem:s12+$0x1480] =	vst v0;
	s12 =	smov.u32 s11;
	s11 =	sadd.s32 $0x40, s11  }
.Ltmp1:
0xf: {  	(pc) =	sbr.rel @p1 .LBB2_3-.Ltmp1, $2  }
0x10: {  	_ =	sdelay $0x2  }
0x11: {  	s12 =	sshra.s32 s12, $0x2  }
0x12: {  	[tilespmem:s12+$0x1480] =	vst v0  }
0x13: {  	[spmem:s1] =	stream.linear.scatter [tilespmem:s6], [sflag:$0x1], $0x2780, $0x38;
	[tilespmem:$0x3E78] =	vst v63  }
0x14: {  	_ =	swait.ge [sflag:s7], $0x2780  }
0x15: {  	[sflag:s7] =	ssyncset.done $0x0  }
0x16: {  	[sflag:s7] =	ssyncadd.s32 $0xFFFFD880  }
.LBB2_5:
0x17: {  	[tilespmem:$0x1400] =	vst v1  }
0x18: {  	[tilespmem:$0x1410] =	vst v1  }
0x19: {  	[tilespmem:$0x1420] =	vst v1  }
0x1a: {  	[tilespmem:$0x1430] =	vst v1  }
0x1b: {  	[tilespmem:$0x1440] =	vst v1  }
0x1c: {  	[tilespmem:$0x1450] =	vst v1  }
0x1d: {  	[tilespmem:$0x1460] =	vst v1  }
0x1e: {  	[tilespmem:$0x1470] =	vst v1;
	s11 =	simm.s32 $0x0  }
0x1f: {  	[tilespmem:s11], [sflag:$0x1] =	stream.linear.gather [hbm4b:s3+s11], $0x1400, $0x38;
	[tilespmem:$0x3E78] =	vst v63  }
0x20: {  	_ =	swait.ge [sflag:s7], $0x1400  }
0x21: {  	[sflag:s7] =	ssyncset.done $0x0  }
0x22: {  	[sflag:s7] =	ssyncadd.s32 $0xFFFFEC00  }
0x23: {  	s31 =	simm.s32 $0x0;
	[bflag:$0x0] =	sbarrier.arrive $0xFFFF  }
0x24: {  	[spmem:s1] =	stream.indirect.scatter.add.f32 [tilespmem:s9], [sflag:$0x1], $0x1, s31, s8, $0xb8;
	[tilespmem:$0x3E78] =	vst v63  }
0x25: {  	_ =	swait.ge [sflag:s7], $0x80  }
0x26: {  	s11 =	simm.s32 $0x200;
	[sflag:s7] =	ssyncset.done $0x0  }
.LBB2_6:
0x27: {  	s12 =	sshra.s32 s11, $0x2;
	[sflag:s7] =	ssyncadd.s32 $0xFFFFFF80;
	p1 =	sne.s32 s11, $0x4E00  }
0x28: {  	[spmem:s1] =	stream.indirect.scatter.add.f32 [tilespmem:s9], [sflag:$0x1], $0x1, s12, s8, $0xb8;
	[tilespmem:$0x3E78] =	vst v63  }
.Ltmp2:
0x29: {  	_ = 	snop;
	(pc) =	sbr.rel @p1 .LBB2_6-.Ltmp2, $4  }
0x2a: {  	_ = 	snop  }
0x2b: {  	s11 =	sadd.s32 $0x200, s11  }
0x2c: {  	_ =	swait.ge [sflag:s7], $0x80  }
0x2d: {  	[sflag:s7] =	ssyncset.done $0x0  }
0x2e: {  	[sflag:s7] =	ssyncadd.s32 $0xFFFFFF80;
	s11 =	simm.s32 @!p0 $0x1;
	s2 =	sadd.s32 $0x1, s2  }
0x2f: {  	s12 =	simm.s32 @!p0 $0x20;
	s13 =	simm.s32 @!p0 $0x10;
	p1 =	sne.s32 s2, s5  }
.Ltmp3:
0x30: {  	s14 =	simm.s32 @!p0 $0x1C01;
	[bflag:$0x0] =	sbarrier.arrive $0xFFFF;
	(pc) =	sbr.rel @p1 .LBB2_1-.Ltmp3, $4  }
0x31: {  	[hbm:s4@s12], [sflag:s14] =	dma.strided @!p0 [spmem:s10@s13], $0x4F0, s11, $0x10   }
0x32: {  	_ =	swait.ge @!p0 [sflag:s11], $0x4F0  }
0x33: {  	[sflag:s11] =	ssyncset.done @!p0 $0x0  }
0x34: {  	[sflag:s11] =	ssyncadd.s32 @!p0 $0xFFFFFB10  }
0x35: {  	_ =	sfence.sel $0x180000  }
0x36: {  	[bflag:$0x0] =	sbarrier.arrive $0xFFFF  }
0x37: {  	_ =	strace $0x90000047  }
0x38: {  	s0 =	sadd.s32 @!p0 $0x100000, s0;
	[bflag:$0x2] =	sbarrier.arrive $0xFFFF  }
0x39: {  	[sflag:s0] =	ssyncadd.tile.s32 @!p0 $0x1;
	_ =	shalt  }
.Lfunc_end2:
_tile_overlayer_lowered:
.L_overlay_start_2:
0x3a: {  	(tag) =	ssettag $0x2  }
0x3b: {  	s0 =	rddreg [dreg:$0x0];
	s2 =	stileid.u32  }
0x3c: {  	s1 =	rddreg [dreg:$0x1];
	p0 =	sne.s32 s2, $0x0  }
0x3d: {  	s3 =	rddreg [dreg:$0x2];
	[bflag:$0x3] =	sbarrier.arrive $0xFFFF;
	s2 =	simm.s32 @!p0 $0x1C01  }
0x3e: {  	[timem:s3], [sflag:s2] =	dma.local @!p0 [hbm:s0], s1  }
0x3f: {  	s0 =	simm.s32 @!p0 $0x1  }
0x40: {  	_ =	swait.ge @!p0 [sflag:s0], s1  }
0x41: {  	s1 =	ssub.s32 @!p0 $0x0, s1;
	[sflag:s0] =	ssyncset.done @!p0 $0x0  }
0x42: {  	[sflag:s0] =	ssyncadd.s32 @!p0 s1  }
0x43: {  	[bflag:$0x3] =	sbarrier.arrive $0xFFFF  }
0x44: {  	_ =	shalt  }

</sc_bundles>
